<compile_context>
chip_gen: v7x
topology: tpu7x:2x2x1
jax: 0.10.2.dev20260603
libtpu: 0.0.44.dev20260713+nightly
codegen_flags: <defaults>
</compile_context>

<pallas_src>
import functools

import jax
import jax.numpy as jnp
from jax import lax
from jax.experimental import pallas as pl
from jax.experimental.pallas import tpu as pltpu
from jax.experimental.pallas import tpu_sc as plsc

N = 10000
E = 320000
B = 10
G = 1000
D_IN = 128
D1 = 64
D2 = 64
D3 = 32
NCLASS = 2
K1 = 100
N1 = B * K1
K2 = 10
NC = 2
NS = 16
NW = NC * NS
CH = 128
NCHUNK = E // CH
ROWS_PER = N // NS
A1ZCH = (N1 * N1) // 8

F32 = jnp.float32
I32 = jnp.int32
HIGHEST = lax.Precision.HIGHEST


def _leaky(x):
    return jnp.where(x > 0, x, x * F32(0.2))



def _seg_scatter_add(keys, channels, b16i, b16a, b16b):
    iota = lax.iota(I32, 16)
    sk, perm = plsc.sort_key_val(keys, iota)
    b16i[...] = sk
    nxt = plsc.load_gather(b16i, [jnp.minimum(iota + 1, 15)])
    prv = plsc.load_gather(b16i, [jnp.maximum(iota - 1, 0)])
    is_last = (sk != nxt) | (iota == 15)
    is_first = (sk != prv) | (iota == 0)
    m = plsc.cummax(jnp.where(is_first, iota, -1))
    mb = jnp.maximum(m - 1, 0)
    haveb = m > 0
    for acc_ref, val in channels:
        b16a[...] = val
        vp = plsc.load_gather(b16a, [perm])
        cum = plsc.cumsum(vp)
        b16b[...] = cum
        base = plsc.load_gather(b16b, [mb])
        seg = cum - jnp.where(haveb, base, F32(0.0))
        plsc.addupdate_scatter(acc_ref, [sk], seg, mask=is_last)


def _worker_chunks(wid):
    nfull = NCHUNK // NW
    rem = NCHUNK - nfull * NW
    return nfull + jnp.where(wid < rem, 1, 0).astype(I32)



def _sc_conv(src, dst, ew, es, ed, cc, h, z2, z1):
    mesh = plsc.VectorSubcoreMesh(core_axis_name="c", subcore_axis_name="s")
    out_type = (
        jax.ShapeDtypeStruct((NC * N, D1), F32),
        jax.ShapeDtypeStruct((NW * N,), F32),
    )
    scratch = [
        pltpu.VMEM((N,), F32),
        pltpu.VMEM((N,), F32),
        pltpu.VMEM((N,), F32),
        pltpu.VMEM((N,), F32),
        pltpu.VMEM((CH,), I32),
        pltpu.VMEM((CH,), I32),
        pltpu.VMEM((CH,), F32),
        pltpu.VMEM((CH, D1), F32),
        pltpu.VMEM((CH, D1), F32),
        pltpu.VMEM((16,), I32),
        pltpu.VMEM((16,), F32),
        pltpu.VMEM((16,), F32),
        pltpu.VMEM_SHARED((N, D1), F32),
    ]

    @functools.partial(pl.kernel, out_type=out_type, mesh=mesh,
                       scratch_types=scratch,
                       compiler_params=pltpu.CompilerParams(
                           needs_layout_passes=False,
                           use_tc_tiling_on_sc=False))
    def body(src_h, dst_h, ew_h, es_h, ed_h, c_h, h_h, z2_h, z1_h,
             num_o, den_o,
             es_v, ed_v, c_v, den_v, src_v, dst_v, ew_v, rows_v, srows_v,
             b16i, b16a, b16b, num_sh):
        ci = lax.axis_index("c")
        si = lax.axis_index("s")
        wid = si * NC + ci
        pltpu.sync_copy(es_h, es_v)
        pltpu.sync_copy(ed_h, ed_v)
        pltpu.sync_copy(c_h, c_v)
        pltpu.sync_copy(z1_h, den_v)

        @pl.when(si < 2)
        def _():
            pltpu.sync_copy(z2_h, num_sh.at[pl.ds(si * (N // 2), N // 2)])

        plsc.subcore_barrier()
        iota = lax.iota(I32, 16)

        def chunk(k, carry):
            base = (wid + k * NW) * CH
            pltpu.sync_copy(src_h.at[pl.ds(base, CH)], src_v)
            pltpu.sync_copy(dst_h.at[pl.ds(base, CH)], dst_v)
            pltpu.sync_copy(ew_h.at[pl.ds(base, CH)], ew_v)
            pltpu.sync_copy(h_h.at[src_v], rows_v)

            def step(j, c2):
                sl = pl.ds(j * 16, 16)
                sv = src_v[sl]
                dv = dst_v[sl]
                ewv = ew_v[sl]
                qes = plsc.load_gather(es_v, [sv])
                qed = plsc.load_gather(ed_v, [dv])
                qc = plsc.load_gather(c_v, [dv])
                z = qes + qed
                w = jnp.exp(jnp.where(z > 0, z, z * F32(0.2)) - qc)
                _seg_scatter_add(dv, [(den_v, w)], b16i, b16a, b16b)
                wew = w * ewv
                ri = iota + j * 16
                for f in range(D1):
                    fi = jnp.full((16,), f, I32)
                    col = plsc.load_gather(rows_v, [ri, fi])
                    plsc.store_scatter(srows_v, [ri, fi], col * wew)
                return c2

            lax.fori_loop(0, CH // 16, step, 0)
            pltpu.sync_copy(srows_v, num_sh.at[dst_v], add=True)
            return carry

        lax.fori_loop(0, _worker_chunks(wid), chunk, 0)
        plsc.subcore_barrier()

        @pl.when(si < 2)
        def _():
            sl = pl.ds(si * (N // 2), N // 2)
            pltpu.sync_copy(num_sh.at[sl],
                            num_o.at[pl.ds(ci * N + si * (N // 2), N // 2)])

        pltpu.sync_copy(den_v, den_o.at[pl.ds(wid * N, N)])

    return body(src, dst, ew, es, ed, cc, h, z2, z1)



def _sc_pool(src, dst, ew, esp, edp, cp, hp, z1):
    mesh = plsc.VectorSubcoreMesh(core_axis_name="c", subcore_axis_name="s")
    out_type = (
        jax.ShapeDtypeStruct((NW * N,), F32),
        jax.ShapeDtypeStruct((NW * N,), F32),
    )
    scratch = [
        pltpu.VMEM((N,), F32),
        pltpu.VMEM((N,), F32),
        pltpu.VMEM((N,), F32),
        pltpu.VMEM((N,), F32),
        pltpu.VMEM((N,), F32),
        pltpu.VMEM((N,), F32),
        pltpu.VMEM((CH,), I32),
        pltpu.VMEM((CH,), I32),
        pltpu.VMEM((CH,), F32),
        pltpu.VMEM((16,), I32),
        pltpu.VMEM((16,), F32),
        pltpu.VMEM((16,), F32),
    ]

    @functools.partial(pl.kernel, out_type=out_type, mesh=mesh,
                       scratch_types=scratch,
                       compiler_params=pltpu.CompilerParams(
                           needs_layout_passes=False,
                           use_tc_tiling_on_sc=False))
    def body(src_h, dst_h, ew_h, esp_h, edp_h, cp_h, hp_h, z1_h,
             den_o, num_o,
             esp_v, edp_v, cp_v, hp_v, den_v, num_v,
             src_v, dst_v, ew_v, b16i, b16a, b16b):
        ci = lax.axis_index("c")
        si = lax.axis_index("s")
        wid = si * NC + ci
        pltpu.sync_copy(esp_h, esp_v)
        pltpu.sync_copy(edp_h, edp_v)
        pltpu.sync_copy(cp_h, cp_v)
        pltpu.sync_copy(hp_h, hp_v)
        pltpu.sync_copy(z1_h, den_v)
        pltpu.sync_copy(z1_h, num_v)

        def chunk(k, carry):
            base = (wid + k * NW) * CH
            pltpu.sync_copy(src_h.at[pl.ds(base, CH)], src_v)
            pltpu.sync_copy(dst_h.at[pl.ds(base, CH)], dst_v)
            pltpu.sync_copy(ew_h.at[pl.ds(base, CH)], ew_v)

            def step(j, c2):
                sl = pl.ds(j * 16, 16)
                sv = src_v[sl]
                dv = dst_v[sl]
                ewv = ew_v[sl]
                qes = plsc.load_gather(esp_v, [sv])
                qed = plsc.load_gather(edp_v, [dv])
                qc = plsc.load_gather(cp_v, [dv])
                qhp = plsc.load_gather(hp_v, [sv])
                z = qes + qed
                w = jnp.exp(jnp.where(z > 0, z, z * F32(0.2)) - qc)
                v2 = qhp * w * ewv
                _seg_scatter_add(dv, [(den_v, w), (num_v, v2)],
                                 b16i, b16a, b16b)
                return c2

            lax.fori_loop(0, CH // 16, step, 0)
            return carry

        lax.fori_loop(0, _worker_chunks(wid), chunk, 0)
        pltpu.sync_copy(den_v, den_o.at[pl.ds(wid * N, N)])
        pltpu.sync_copy(num_v, num_o.at[pl.ds(wid * N, N)])

    return body(src, dst, ew, esp, edp, cp, hp, z1)



def _sc_a1(src, dst, ew, nid, za):
    mesh = plsc.VectorSubcoreMesh(core_axis_name="c", subcore_axis_name="s")
    out_type = jax.ShapeDtypeStruct((NC * N1 * N1,), F32)
    scratch = [
        pltpu.VMEM((N,), I32),
        pltpu.VMEM((CH,), I32),
        pltpu.VMEM((CH,), I32),
        pltpu.VMEM((CH,), F32),
        pltpu.VMEM((CH,), I32),
        pltpu.VMEM((CH,), F32),
        pltpu.VMEM_SHARED((N1 * N1,), F32),
    ]

    @functools.partial(pl.kernel, out_type=out_type, mesh=mesh,
                       scratch_types=scratch,
                       compiler_params=pltpu.CompilerParams(
                           needs_layout_passes=False,
                           use_tc_tiling_on_sc=False))
    def body(src_h, dst_h, ew_h, nid_h, za_h, a1_o,
             nid_v, src_v, dst_v, ew_v, aidx_v, aval_v, a1_sh):
        ci = lax.axis_index("c")
        si = lax.axis_index("s")
        wid = si * NC + ci
        pltpu.sync_copy(nid_h, nid_v)

        @pl.when(si < 8)
        def _():
            pltpu.sync_copy(za_h, a1_sh.at[pl.ds(si * A1ZCH, A1ZCH)])

        plsc.subcore_barrier()
        iota = lax.iota(I32, 16)

        def chunk(k, carry):
            base = (wid + k * NW) * CH
            pltpu.sync_copy(src_h.at[pl.ds(base, CH)], src_v)
            pltpu.sync_copy(dst_h.at[pl.ds(base, CH)], dst_v)
            pltpu.sync_copy(ew_h.at[pl.ds(base, CH)], ew_v)

            def step(j, c2):
                sl = pl.ds(j * 16, 16)
                sv = src_v[sl]
                dv = dst_v[sl]
                ewv = ew_v[sl]
                qsn = plsc.load_gather(nid_v, [sv])
                qdn = plsc.load_gather(nid_v, [dv])
                valid = (qsn >= 0) & (qdn >= 0)
                flat = qsn * N1 + qdn
                pad = wid * 16384 + iota * 64
                aidx_v[sl] = jnp.where(valid, flat, pad)
                aval_v[sl] = jnp.where(valid, ewv, F32(0.0))
                return c2

            lax.fori_loop(0, CH // 16, step, 0)
            pltpu.sync_copy(aval_v, a1_sh.at[aidx_v], add=True)
            return carry

        lax.fori_loop(0, _worker_chunks(wid), chunk, 0)
        plsc.subcore_barrier()

        @pl.when(si < 8)
        def _():
            sl = pl.ds(si * A1ZCH, A1ZCH)
            pltpu.sync_copy(a1_sh.at[sl],
                            a1_o.at[pl.ds(ci * N1 * N1 + si * A1ZCH, A1ZCH)])

    return body(src, dst, ew, nid, za)



def _tc1(x, w1, a1s, a1d):
    def body(x_r, w_r, as_r, ad_r, h_r, es_r, ed_r, c_r):
        h = jnp.dot(x_r[...], w_r[...], preferred_element_type=F32)
        h_r[...] = h
        es = jnp.dot(h, as_r[...], preferred_element_type=F32)
        ed = jnp.dot(h, ad_r[...], preferred_element_type=F32)
        es_r[...] = es
        ed_r[...] = ed
        c_r[...] = _leaky(jnp.max(es) + ed)

    return pl.pallas_call(body, out_shape=(
        jax.ShapeDtypeStruct((N, D1), F32),
        jax.ShapeDtypeStruct((N, 1), F32),
        jax.ShapeDtypeStruct((N, 1), F32),
        jax.ShapeDtypeStruct((N, 1), F32),
    ))(x, w1, a1s, a1d)


def _tc2(num_p, den_p, b1, wp1, ap1s, ap1d):
    CHN = 1000

    def body_a(np_r, dp_r, b1_r, wp_r, h1_r, hp_r):
        num = np_r[0] + np_r[1]
        drow = jnp.sum(dp_r[:, 0, 0, :], axis=0, keepdims=True)
        eye = (lax.broadcasted_iota(I32, (CHN, CHN), 0)
               == lax.broadcasted_iota(I32, (CHN, CHN), 1)).astype(F32)
        den = jnp.sum(eye * jnp.broadcast_to(drow, (CHN, CHN)), axis=1,
                      keepdims=True)
        h1 = num / (den + F32(1e-16)) + b1_r[...]
        h1_r[...] = h1
        hp_r[...] = jnp.dot(h1, wp_r[...], preferred_element_type=F32)

    h1, hp = pl.pallas_call(
        body_a, grid=(N // CHN,),
        in_specs=[
            pl.BlockSpec((NC, CHN, D1), lambda g: (0, g, 0)),
            pl.BlockSpec((NW, 1, 1, G), lambda g: (0, g, 0, 0)),
            pl.BlockSpec((1, D1), lambda g: (0, 0)),
            pl.BlockSpec((D1, 1), lambda g: (0, 0)),
        ],
        out_specs=[
            pl.BlockSpec((CHN, D1), lambda g: (g, 0)),
            pl.BlockSpec((CHN, 1), lambda g: (g, 0)),
        ],
        out_shape=(
            jax.ShapeDtypeStruct((N, D1), F32),
            jax.ShapeDtypeStruct((N, 1), F32),
        ))(num_p, den_p, b1, wp1)

    def body_b(hp_r, aps_r, apd_r, esp_r, edp_r, cp_r):
        hp = hp_r[...]
        esp = hp * aps_r[...]
        edp = hp * apd_r[...]
        esp_r[...] = esp
        edp_r[...] = edp
        cp_r[...] = _leaky(jnp.max(esp) + edp)

    esp, edp, cp = pl.pallas_call(body_b, out_shape=(
        jax.ShapeDtypeStruct((N, 1), F32),
        jax.ShapeDtypeStruct((N, 1), F32),
        jax.ShapeDtypeStruct((N, 1), F32),
    ))(hp, ap1s, ap1d)
    return h1, hp, esp, edp, cp


def _tc3a(nump_p, denp_p, bp1):
    CHN = 1000

    def body(np_r, dp_r, bp_r, s_r):
        nrow = jnp.sum(np_r[:, 0, 0, :], axis=0, keepdims=True)
        drow = jnp.sum(dp_r[:, 0, 0, :], axis=0, keepdims=True)
        eye = (lax.broadcasted_iota(I32, (CHN, CHN), 0)
               == lax.broadcasted_iota(I32, (CHN, CHN), 1)).astype(F32)
        nsum = jnp.sum(eye * jnp.broadcast_to(nrow, (CHN, CHN)), axis=1,
                       keepdims=True)
        dsum = jnp.sum(eye * jnp.broadcast_to(drow, (CHN, CHN)), axis=1,
                       keepdims=True)
        s_r[...] = nsum / (dsum + F32(1e-16)) + bp_r[...]

    return pl.pallas_call(
        body, grid=(N // CHN,),
        in_specs=[
            pl.BlockSpec((NW, 1, 1, G), lambda g: (0, g, 0, 0)),
            pl.BlockSpec((NW, 1, 1, G), lambda g: (0, g, 0, 0)),
            pl.BlockSpec((1, 1), lambda g: (0, 0)),
        ],
        out_specs=pl.BlockSpec((CHN, 1), lambda g: (g, 0)),
        out_shape=jax.ShapeDtypeStruct((N, 1), F32))(nump_p, denp_p, bp1)


def _tc3(s1, h1):
    def body(s_r, h1_r, sc_r, xp_r, x1_r, nid_r):
        g = pl.program_id(0)
        s = s_r[...]
        eye = (lax.broadcasted_iota(I32, (G, G), 0)
               == lax.broadcasted_iota(I32, (G, G), 1)).astype(F32)
        srow = jnp.sum(eye * jnp.broadcast_to(s, (G, G)), axis=0,
                       keepdims=True)
        scol_b = jnp.broadcast_to(s, (G, G))
        srow_b = jnp.broadcast_to(srow, (G, G))
        ii = lax.broadcasted_iota(I32, (G, G), 0)
        jj = lax.broadcasted_iota(I32, (G, G), 1)
        mgt = scol_b > srow_b
        meq = (scol_b == srow_b) & (ii < jj)
        rank = jnp.sum((mgt | meq).astype(F32), axis=0, keepdims=True)
        rank_i = rank.astype(I32)
        p = (jnp.broadcast_to(rank_i, (K1, G))
             == lax.broadcasted_iota(I32, (K1, G), 0)).astype(F32)
        ssel = lax.dot_general(p, s, (((1,), (0,)), ((), ())),
                               precision=HIGHEST, preferred_element_type=F32)
        sig = F32(1.0) / (F32(1.0) + jnp.exp(-ssel))
        xp = jnp.dot(p, h1_r[...], precision=HIGHEST,
                     preferred_element_type=F32) * sig
        sc_r[...] = sig.reshape(1, K1, 1)
        xp_r[...] = xp.reshape(1, K1, D1)
        x1 = jnp.concatenate([jnp.max(xp, axis=0, keepdims=True),
                              jnp.sum(xp, axis=0, keepdims=True) / F32(K1)],
                             axis=1)
        x1_r[...] = x1.reshape(1, 1, 2 * D1)
        nid_r[...] = jnp.where(rank_i < K1, g * K1 + rank_i,
                               -1).reshape(1, 1, G)

    grid = (B,)
    return pl.pallas_call(
        body, grid=grid,
        in_specs=[
            pl.BlockSpec((G, 1), lambda g: (g, 0)),
            pl.BlockSpec((G, D1), lambda g: (g, 0)),
        ],
        out_specs=[
            pl.BlockSpec((1, K1, 1), lambda g: (g, 0, 0)),
            pl.BlockSpec((1, K1, D1), lambda g: (g, 0, 0)),
            pl.BlockSpec((1, 1, 2 * D1), lambda g: (g, 0, 0)),
            pl.BlockSpec((1, 1, G), lambda g: (g, 0, 0)),
        ],
        out_shape=(
            jax.ShapeDtypeStruct((B, K1, 1), F32),
            jax.ShapeDtypeStruct((B, K1, D1), F32),
            jax.ShapeDtypeStruct((B, 1, 2 * D1), F32),
            jax.ShapeDtypeStruct((B, 1, G), I32),
        ))(s1, h1)


def _tc4a(a1p, xp, w2, a2s, a2d, b2, wp2, ap2s, ap2d, bp2):
    def body(a_r, xp_r, w2_r, a2s_r, a2d_r, b2_r, wp2_r, aps_r, apd_r, bp2_r,
             h2_r, s2_r):
        a1 = a_r[0] + a_r[1]
        eye = (lax.broadcasted_iota(I32, (N1, N1), 0)
               == lax.broadcasted_iota(I32, (N1, N1), 1)).astype(F32)
        a1s = a1 + eye
        a2 = jnp.dot(a1s, a1s, preferred_element_type=F32) * (F32(1.0) - eye)
        mask = a2 != F32(0.0)

        def gat(h, a_s, a_d, bb):
            ehs = jnp.dot(h, a_s, preferred_element_type=F32)
            ehd = jnp.dot(h, a_d, preferred_element_type=F32)
            ehd_row = jnp.sum(eye * jnp.broadcast_to(ehd, (N1, N1)),
                              axis=0, keepdims=True)
            e = _leaky(jnp.broadcast_to(ehs, (N1, N1))
                       + jnp.broadcast_to(ehd_row, (N1, N1)))
            em = jnp.where(mask, e, F32(-1e9))
            mx = jnp.max(em, axis=0, keepdims=True)
            ex = jnp.exp(em - mx)
            att = ex / jnp.sum(ex, axis=0, keepdims=True)
            att = jnp.where(mask, att, F32(0.0))
            mm = att * a2
            return lax.dot_general(mm, h, (((0,), (0,)), ((), ())),
                                   preferred_element_type=F32) + bb

        hh = jnp.dot(xp_r[...], w2_r[...], preferred_element_type=F32)
        h2 = gat(hh, a2s_r[...], a2d_r[...], b2_r[...])
        h2_r[...] = h2
        hp2 = jnp.dot(h2, wp2_r[...], preferred_element_type=F32)
        s2 = gat(hp2, aps_r[...], apd_r[...], bp2_r[...])
        s2_r[...] = s2

    return pl.pallas_call(body, out_shape=(
        jax.ShapeDtypeStruct((N1, D2), F32),
        jax.ShapeDtypeStruct((N1, 1), F32),
    ))(a1p, xp, w2, a2s, a2d, b2, wp2, ap2s, ap2d, bp2)


def _tc4b(s2r, h2):
    def body(s_r, h2_r, sc_r, x2_r):
        scol = s_r[0]
        eye = (lax.broadcasted_iota(I32, (K1, K1), 0)
               == lax.broadcasted_iota(I32, (K1, K1), 1)).astype(F32)
        srow = jnp.sum(eye * jnp.broadcast_to(scol, (K1, K1)), axis=0,
                       keepdims=True)
        scol_b = jnp.broadcast_to(scol, (K1, K1))
        srow_b = jnp.broadcast_to(srow, (K1, K1))
        ii = lax.broadcasted_iota(I32, (K1, K1), 0)
        jj = lax.broadcasted_iota(I32, (K1, K1), 1)
        rank = jnp.sum(((scol_b > srow_b)
                        | ((scol_b == srow_b) & (ii < jj))).astype(F32),
                       axis=0, keepdims=True)
        p = (jnp.broadcast_to(rank.astype(I32), (K2, K1))
             == lax.broadcasted_iota(I32, (K2, K1), 0)).astype(F32)
        ssel = lax.dot_general(p, scol, (((1,), (0,)), ((), ())),
                               precision=HIGHEST, preferred_element_type=F32)
        sig = F32(1.0) / (F32(1.0) + jnp.exp(-ssel))
        xpp = jnp.dot(p, h2_r[0], precision=HIGHEST,
                      preferred_element_type=F32) * sig
        sc_r[...] = sig.reshape(1, K2, 1)
        x2 = jnp.concatenate([jnp.max(xpp, axis=0, keepdims=True),
                              jnp.sum(xpp, axis=0, keepdims=True) / F32(K2)],
                             axis=1)
        x2_r[...] = x2.reshape(1, 1, 2 * D2)

    return pl.pallas_call(
        body, grid=(B,),
        in_specs=[
            pl.BlockSpec((1, K1, 1), lambda g: (g, 0, 0)),
            pl.BlockSpec((1, K1, D2), lambda g: (g, 0, 0)),
        ],
        out_specs=[
            pl.BlockSpec((1, K2, 1), lambda g: (g, 0, 0)),
            pl.BlockSpec((1, 1, 2 * D2), lambda g: (g, 0, 0)),
        ],
        out_shape=(
            jax.ShapeDtypeStruct((B, K2, 1), F32),
            jax.ShapeDtypeStruct((B, 1, 2 * D2), F32),
        ))(s2r, h2)


def _tc4c(feat, wf1, bf1, g1, be1, wf2, bf2, g2, be2, wf3, bf3):
    def body(f_r, w1_r, b1_r, g1_r, e1_r, w2_r, b2_r, g2_r, e2_r, w3_r, b3_r,
             o_r):
        def bn(z, gg, bb):
            mu = jnp.sum(z, axis=0, keepdims=True) / F32(B)
            va = jnp.sum((z - mu) ** 2, axis=0, keepdims=True) / F32(B)
            return (z - mu) / jnp.sqrt(va + F32(1e-5)) * gg + bb

        z = jnp.maximum(jnp.dot(f_r[...], w1_r[...],
                                preferred_element_type=F32) + b1_r[...], 0.0)
        z = bn(z, g1_r[...], e1_r[...])
        z = jnp.maximum(jnp.dot(z, w2_r[...],
                                preferred_element_type=F32) + b2_r[...], 0.0)
        z = bn(z, g2_r[...], e2_r[...])
        lg = jnp.dot(z, w3_r[...], preferred_element_type=F32) + b3_r[...]
        mx = jnp.max(lg, axis=1, keepdims=True)
        sh = lg - mx
        o_r[...] = sh - jnp.log(jnp.sum(jnp.exp(sh), axis=1, keepdims=True))

    return pl.pallas_call(body, out_shape=jax.ShapeDtypeStruct((B, NCLASS), F32))(
        feat, wf1, bf1, g1, be1, wf2, bf2, g2, be2, wf3, bf3)






def kernel(x, edge_index, batch, edge_attr, pos, pen, params):
    p = params
    src = edge_index[0]
    dst = edge_index[1]
    ew = edge_attr.reshape(E)

    h, es, ed, cc = _tc1(x, p['W1'], p['a1s'].reshape(D1, 1),
                         p['a1d'].reshape(D1, 1))

    z1 = jnp.zeros((N,), F32)
    z2 = jnp.zeros((N // 2, D1), F32)
    num_p, den_p = _sc_conv(src, dst, ew, es.reshape(N), ed.reshape(N),
                            cc.reshape(N), h, z2, z1)

    h1, hp, esp, edp, cp = _tc2(num_p.reshape(NC, N, D1),
                                den_p.reshape(NW, B, 1, G),
                                p['b1'].reshape(1, D1), p['Wp1'],
                                p['ap1s'].reshape(1, 1),
                                p['ap1d'].reshape(1, 1))

    denp_p, nump_p = _sc_pool(src, dst, ew, esp.reshape(N), edp.reshape(N),
                              cp.reshape(N), hp.reshape(N), z1)

    s1 = _tc3a(nump_p.reshape(NW, B, 1, G), denp_p.reshape(NW, B, 1, G),
               p['bp1'].reshape(1, 1))
    score1_o, xp_o, x1_o, nid_o = _tc3(s1, h1)

    za = jnp.zeros((A1ZCH,), F32)
    a1_p = _sc_a1(src, dst, ew, nid_o.reshape(N), za)

    h2, s2 = _tc4a(a1_p.reshape(NC, N1, N1), xp_o.reshape(N1, D1),
                   p['W2'], p['a2s'].reshape(D2, 1), p['a2d'].reshape(D2, 1),
                   p['b2'].reshape(1, D2), p['Wp2'],
                   p['ap2s'].reshape(1, 1), p['ap2d'].reshape(1, 1),
                   p['bp2'].reshape(1, 1))

    score2_o, x2_o = _tc4b(s2.reshape(B, K1, 1), h2.reshape(B, K1, D2))

    feat = jnp.concatenate([x1_o.reshape(B, 2 * D1), x2_o.reshape(B, 2 * D2),
                            pen], axis=1)
    out = _tc4c(feat, p['Wf1'], p['bf1'].reshape(1, D2), p['g1'].reshape(1, D2),
                p['be1'].reshape(1, D2), p['Wf2'], p['bf2'].reshape(1, D3),
                p['g2'].reshape(1, D3), p['be2'].reshape(1, D3), p['Wf3'],
                p['bf3'].reshape(1, NCLASS))

    return out, score1_o.reshape(N1), score2_o.reshape(B * K2)

# --- scband reference (transcript-rebuilt; emitter-appended) ---
"""Pipeline reference for scband-network-53017076301825 (READ-ONLY COPY).

The authoritative reference and input builder live on the scoring server;
editing this copy changes nothing except your own understanding.
"""

import jax, jax.numpy as jnp
import numpy as np

N = 10000; E = 320000; B = 10; G = 1000
D_IN = 128; D1 = 64; D2 = 64; D3 = 32; NCLASS = 2; RATIO = 0.1
K1 = int(np.ceil(RATIO * G)); N1 = B * K1
K2 = int(np.ceil(RATIO * K1)); N2 = B * K2

def _glorot(key, shape):
    fan = (shape[0] + shape[1]) if len(shape) > 1 else (shape[0] + 1)
    lim = float(np.sqrt(6.0 / fan))
    return jax.random.uniform(key, shape, jnp.float32, -lim, lim)

def _make_params(key):
    ks = jax.random.split(key, 16)
    p = {}
    p['W1'] = _glorot(ks[0], (D_IN, D1)); p['a1s'] = _glorot(ks[1], (D1,)); p['a1d'] = _glorot(ks[2], (D1,)); p['b1'] = jnp.zeros((D1,), jnp.float32)
    p['Wp1'] = _glorot(ks[3], (D1, 1)); p['ap1s'] = _glorot(ks[4], (1,)); p['ap1d'] = _glorot(ks[5], (1,)); p['bp1'] = jnp.zeros((1,), jnp.float32)
    p['W2'] = _glorot(ks[6], (D1, D2)); p['a2s'] = _glorot(ks[7], (D2,)); p['a2d'] = _glorot(ks[8], (D2,)); p['b2'] = jnp.zeros((D2,), jnp.float32)
    p['Wp2'] = _glorot(ks[9], (D2, 1)); p['ap2s'] = _glorot(ks[10], (1,)); p['ap2d'] = _glorot(ks[11], (1,)); p['bp2'] = jnp.zeros((1,), jnp.float32)
    p['Wf1'] = _glorot(ks[12], ((D1 + D2) * 2 + 12, D2)); p['bf1'] = jnp.zeros((D2,), jnp.float32)
    p['g1'] = jnp.ones((D2,), jnp.float32); p['be1'] = jnp.zeros((D2,), jnp.float32)
    p['Wf2'] = _glorot(ks[13], (D2, D3)); p['bf2'] = jnp.zeros((D3,), jnp.float32)
    p['g2'] = jnp.ones((D3,), jnp.float32); p['be2'] = jnp.zeros((D3,), jnp.float32)
    p['Wf3'] = _glorot(ks[14], (D3, NCLASS)); p['bf3'] = jnp.zeros((NCLASS,), jnp.float32)
    return p

def setup_inputs(seed: int = 0):
    key = jax.random.key(seed)
    ks = jax.random.split(key, 8)
    x = jax.random.normal(ks[0], (N, D_IN), jnp.float32)
    edge_index = jax.random.randint(ks[1], (2, E), 0, N, jnp.int32)
    batch = (jnp.arange(N, dtype=jnp.int32) // G)
    edge_attr = jax.random.uniform(ks[2], (E, 1), jnp.float32)
    pos = jax.random.normal(ks[3], (N, 3), jnp.float32)
    pen = jax.random.normal(ks[4], (B, 12), jnp.float32)
    params = _make_params(ks[5])
    return {'x': x, 'edge_index': edge_index, 'batch': batch, 'edge_attr': edge_attr, 'pos': pos, 'pen': pen, 'params': params}

def _gat_sparse(x, src, dst, ew, W, a_s, a_d, b, n):
    h = x @ W
    e = jax.nn.leaky_relu(h[src] @ a_s + h[dst] @ a_d, 0.2)
    m = jax.lax.stop_gradient(jax.ops.segment_max(e, dst, num_segments=n))
    m = jnp.where(jnp.isfinite(m), m, 0.0)
    ex = jnp.exp(e - m[dst])
    den = jax.ops.segment_sum(ex, dst, num_segments=n)
    att = ex / (den[dst] + 1e-16)
    out = jax.ops.segment_sum(h[src] * (att * ew)[:, None], dst, num_segments=n)
    return out + b

def _gat_dense(x, adj, W, a_s, a_d, b):
    h = x @ W
    e = jax.nn.leaky_relu((h @ a_s)[:, None] + (h @ a_d)[None, :], 0.2)
    mask = adj != 0.0
    e = jnp.where(mask, e, -1e9)
    att = jax.nn.softmax(e, axis=0)
    att = jnp.where(mask, att, 0.0)
    out = (att * adj).T @ h
    return out + b

def _topk_perm(score, k):
    s = score.reshape(B, -1)
    g = s.shape[1]
    _, idx = jax.lax.top_k(s, k)
    return (idx + (jnp.arange(B, dtype=idx.dtype) * g)[:, None]).reshape(-1)

def _batchnorm(z, gamma, beta):
    mu = z.mean(0); var = z.var(0)
    return (z - mu) / jnp.sqrt(var + 1e-5) * gamma + beta

def _forward(x, edge_index, batch, edge_attr, pos, pen, p):
    src = edge_index[0]; dst = edge_index[1]
    ew = edge_attr.reshape(-1)
    h1 = _gat_sparse(x, src, dst, ew, p['W1'], p['a1s'], p['a1d'], p['b1'], N)
    s1 = _gat_sparse(h1, src, dst, ew, p['Wp1'], p['ap1s'], p['ap1d'], p['bp1'], N).reshape(-1)
    perm1 = _topk_perm(s1, K1)
    score1 = jax.nn.sigmoid(s1[perm1])
    xp = h1[perm1] * score1[:, None]
    _pos1 = pos[perm1]
    xr = xp.reshape(B, K1, D1)
    x1 = jnp.concatenate([xr.max(axis=1), xr.mean(axis=1)], axis=1)
    new_id = jnp.full((N,), -1, jnp.int32).at[perm1].set(jnp.arange(N1, dtype=jnp.int32))
    sn = new_id[src]; dn = new_id[dst]
    valid = (sn >= 0) & (dn >= 0)
    A1 = jnp.zeros((N1, N1), jnp.float32).at[jnp.where(valid, sn, 0), jnp.where(valid, dn, 0)].add(jnp.where(valid, ew, 0.0))
    I = jnp.eye(N1, dtype=jnp.float32)
    A1s = A1 + I
    A2 = (A1s @ A1s) * (1.0 - I)
    h2 = _gat_dense(xp, A2, p['W2'], p['a2s'], p['a2d'], p['b2'])
    s2 = _gat_dense(h2, A2, p['Wp2'], p['ap2s'], p['ap2d'], p['bp2']).reshape(-1)
    perm2 = _topk_perm(s2, K2)
    score2 = jax.nn.sigmoid(s2[perm2])
    xpp = h2[perm2] * score2[:, None]
    xr2 = xpp.reshape(B, K2, D2)
    x2 = jnp.concatenate([xr2.max(axis=1), xr2.mean(axis=1)], axis=1)
    feat = jnp.concatenate([x1, x2, pen], axis=1)
    z = _batchnorm(jax.nn.relu(feat @ p['Wf1'] + p['bf1']), p['g1'], p['be1'])
    z = _batchnorm(jax.nn.relu(z @ p['Wf2'] + p['bf2']), p['g2'], p['be2'])
    logits = z @ p['Wf3'] + p['bf3']
    out = jax.nn.log_softmax(logits, axis=-1)
    return out, score1, score2

def reference(x, edge_index, batch, edge_attr, pos, pen, params):
    return _forward(x, edge_index, batch, edge_attr, pos, pen, params)

if __name__ == "__main__":
    import jax
    _d = setup_inputs()
    print(jax.jit(kernel)(*tuple(_d.values())))

</pallas_src>

<mosaic_0001>
#map = affine_map<(d0, d1) -> (0)>
module attributes {stable_mosaic.version = 14 : i64} {
  func.func @body(%arg0: i32, %arg1: i32, %arg2: memref<320000xi32, #tpu.memory_space<hbm>>, %arg3: memref<320000xi32, #tpu.memory_space<hbm>>, %arg4: memref<320000xf32, #tpu.memory_space<hbm>>, %arg5: memref<10000xf32, #tpu.memory_space<hbm>>, %arg6: memref<10000xf32, #tpu.memory_space<hbm>>, %arg7: memref<10000xf32, #tpu.memory_space<hbm>>, %arg8: memref<10000xf32, #tpu.memory_space<hbm>>, %arg9: memref<10000xf32, #tpu.memory_space<hbm>>, %arg10: memref<320000xf32, #tpu.memory_space<hbm>>, %arg11: memref<320000xf32, #tpu.memory_space<hbm>>, %arg12: memref<10000xf32, #tpu.memory_space<vmem>>, %arg13: memref<10000xf32, #tpu.memory_space<vmem>>, %arg14: memref<10000xf32, #tpu.memory_space<vmem>>, %arg15: memref<10000xf32, #tpu.memory_space<vmem>>, %arg16: memref<10000xf32, #tpu.memory_space<vmem>>, %arg17: memref<10000xf32, #tpu.memory_space<vmem>>, %arg18: memref<128xi32, #tpu.memory_space<vmem>>, %arg19: memref<128xi32, #tpu.memory_space<vmem>>, %arg20: memref<128xf32, #tpu.memory_space<vmem>>, %arg21: memref<16xi32, #tpu.memory_space<vmem>>, %arg22: memref<16xf32, #tpu.memory_space<vmem>>, %arg23: memref<16xf32, #tpu.memory_space<vmem>>) attributes {dimension_semantics = [#tpu.dimension_semantics<core_parallel>, #tpu.dimension_semantics<subcore_parallel>], iteration_bounds = array<i64: 2, 16>, scalar_prefetch = 0 : i64, scratch_operands = 12 : i64, tpu.core_type = #tpu.core_type<sc_vector_subcore>, window_params = [{transform_indices = #map}, {transform_indices = #map}, {transform_indices = #map}, {transform_indices = #map}, {transform_indices = #map}, {transform_indices = #map}, {transform_indices = #map}, {transform_indices = #map}, {transform_indices = #map}, {transform_indices = #map}]} {
    %mul3A = arith.constant 2 : i32
    %mul3A_0 = arith.muli %arg1, %mul3A : i32
    %add3A = arith.addi %mul3A_0, %arg0 : i32
    "tpu.region"() ({
      %run_scoped3A = tpu.sem_alloc : memref<!tpu.dma_semaphore, #tpu.memory_space<semaphore_mem>>
      tpu.enqueue_dma source(%arg5 : memref<10000xf32, #tpu.memory_space<hbm>>) target(%arg12 : memref<10000xf32, #tpu.memory_space<vmem>>) target_semaphore(%run_scoped3A : memref<!tpu.dma_semaphore, #tpu.memory_space<semaphore_mem>>)
      tpu.wait_dma2 semaphore(%run_scoped3A : memref<!tpu.dma_semaphore, #tpu.memory_space<semaphore_mem>>) src(%arg5 : memref<10000xf32, #tpu.memory_space<hbm>>) dst(%arg12 : memref<10000xf32, #tpu.memory_space<vmem>>)
      tpu.yield
    }) : () -> ()
    "tpu.region"() ({
      %run_scoped3A = tpu.sem_alloc : memref<!tpu.dma_semaphore, #tpu.memory_space<semaphore_mem>>
      tpu.enqueue_dma source(%arg6 : memref<10000xf32, #tpu.memory_space<hbm>>) target(%arg13 : memref<10000xf32, #tpu.memory_space<vmem>>) target_semaphore(%run_scoped3A : memref<!tpu.dma_semaphore, #tpu.memory_space<semaphore_mem>>)
      tpu.wait_dma2 semaphore(%run_scoped3A : memref<!tpu.dma_semaphore, #tpu.memory_space<semaphore_mem>>) src(%arg6 : memref<10000xf32, #tpu.memory_space<hbm>>) dst(%arg13 : memref<10000xf32, #tpu.memory_space<vmem>>)
      tpu.yield
    }) : () -> ()
    "tpu.region"() ({
      %run_scoped3A = tpu.sem_alloc : memref<!tpu.dma_semaphore, #tpu.memory_space<semaphore_mem>>
      tpu.enqueue_dma source(%arg7 : memref<10000xf32, #tpu.memory_space<hbm>>) target(%arg14 : memref<10000xf32, #tpu.memory_space<vmem>>) target_semaphore(%run_scoped3A : memref<!tpu.dma_semaphore, #tpu.memory_space<semaphore_mem>>)
      tpu.wait_dma2 semaphore(%run_scoped3A : memref<!tpu.dma_semaphore, #tpu.memory_space<semaphore_mem>>) src(%arg7 : memref<10000xf32, #tpu.memory_space<hbm>>) dst(%arg14 : memref<10000xf32, #tpu.memory_space<vmem>>)
      tpu.yield
    }) : () -> ()
    "tpu.region"() ({
      %run_scoped3A = tpu.sem_alloc : memref<!tpu.dma_semaphore, #tpu.memory_space<semaphore_mem>>
      tpu.enqueue_dma source(%arg8 : memref<10000xf32, #tpu.memory_space<hbm>>) target(%arg15 : memref<10000xf32, #tpu.memory_space<vmem>>) target_semaphore(%run_scoped3A : memref<!tpu.dma_semaphore, #tpu.memory_space<semaphore_mem>>)
      tpu.wait_dma2 semaphore(%run_scoped3A : memref<!tpu.dma_semaphore, #tpu.memory_space<semaphore_mem>>) src(%arg8 : memref<10000xf32, #tpu.memory_space<hbm>>) dst(%arg15 : memref<10000xf32, #tpu.memory_space<vmem>>)
      tpu.yield
    }) : () -> ()
    "tpu.region"() ({
      %run_scoped3A = tpu.sem_alloc : memref<!tpu.dma_semaphore, #tpu.memory_space<semaphore_mem>>
      tpu.enqueue_dma source(%arg9 : memref<10000xf32, #tpu.memory_space<hbm>>) target(%arg16 : memref<10000xf32, #tpu.memory_space<vmem>>) target_semaphore(%run_scoped3A : memref<!tpu.dma_semaphore, #tpu.memory_space<semaphore_mem>>)
      tpu.wait_dma2 semaphore(%run_scoped3A : memref<!tpu.dma_semaphore, #tpu.memory_space<semaphore_mem>>) src(%arg9 : memref<10000xf32, #tpu.memory_space<hbm>>) dst(%arg16 : memref<10000xf32, #tpu.memory_space<vmem>>)
      tpu.yield
    }) : () -> ()
    "tpu.region"() ({
      %run_scoped3A = tpu.sem_alloc : memref<!tpu.dma_semaphore, #tpu.memory_space<semaphore_mem>>
      tpu.enqueue_dma source(%arg9 : memref<10000xf32, #tpu.memory_space<hbm>>) target(%arg17 : memref<10000xf32, #tpu.memory_space<vmem>>) target_semaphore(%run_scoped3A : memref<!tpu.dma_semaphore, #tpu.memory_space<semaphore_mem>>)
      tpu.wait_dma2 semaphore(%run_scoped3A : memref<!tpu.dma_semaphore, #tpu.memory_space<semaphore_mem>>) src(%arg9 : memref<10000xf32, #tpu.memory_space<hbm>>) dst(%arg17 : memref<10000xf32, #tpu.memory_space<vmem>>)
      tpu.yield
    }) : () -> ()
    %lt3A = arith.constant 4 : i32
    %lt3A_1 = arith.cmpi slt, %add3A, %lt3A : i32
    %jit3A = arith.constant 1 : i32
    %jit3A_2 = arith.constant 0 : i32
    %select_n3A = arith.select %lt3A_1, %jit3A, %jit3A_2 : i32
    %add3A_3 = arith.constant 78 : i32
    %add3A_4 = arith.addi %add3A_3, %select_n3A : i32
    %while3A = arith.constant 0 : i32
    %while3A_5 = arith.constant 0 : i32
    %while3A_6 = arith.subi %add3A_4, %while3A_5 : i32
    %while3A_7 = arith.addi %while3A_5, %while3A_6 : i32
    %while3A_8 = arith.constant 1 : i32
    %while3A_9 = arith.divsi %while3A_6, %while3A_8 : i32
    %while3A_10 = arith.muli %while3A_9, %while3A_8 : i32
    %while3A_11 = arith.addi %while3A_5, %while3A_10 : i32
    %while3A_12 = arith.constant 1 : i32
    scf.for %while3A_18 = %while3A_5 to %while3A_11 step %while3A_12  : i32 {
      %mul3A_19 = arith.constant 32 : i32
      %mul3A_20 = arith.muli %while3A_18, %mul3A_19 : i32
      %add3A_21 = arith.addi %add3A, %mul3A_20 : i32
      %mul3A_22 = arith.constant 128 : i32
      %mul3A_23 = arith.muli %add3A_21, %mul3A_22 : i32
      "tpu.region"() ({
        %run_scoped3A = tpu.sem_alloc : memref<!tpu.dma_semaphore, #tpu.memory_space<semaphore_mem>>
        %dma_start3A = tpu.memref_slice %arg2[%mul3A_23] : memref<320000xi32, #tpu.memory_space<hbm>> -> memref<128xi32, #tpu.memory_space<hbm>>
        %dma_start3A_29 = tpu.memref_slice %arg2[%mul3A_23] : memref<320000xi32, #tpu.memory_space<hbm>> -> memref<128xi32, #tpu.memory_space<hbm>>
        tpu.enqueue_dma source(%dma_start3A_29 : memref<128xi32, #tpu.memory_space<hbm>>) target(%arg18 : memref<128xi32, #tpu.memory_space<vmem>>) target_semaphore(%run_scoped3A : memref<!tpu.dma_semaphore, #tpu.memory_space<semaphore_mem>>)
        %dma_wait3A = tpu.memref_slice %arg2[%mul3A_23] : memref<320000xi32, #tpu.memory_space<hbm>> -> memref<128xi32, #tpu.memory_space<hbm>>
        %dma_wait3A_30 = tpu.memref_slice %arg2[%mul3A_23] : memref<320000xi32, #tpu.memory_space<hbm>> -> memref<128xi32, #tpu.memory_space<hbm>>
        tpu.wait_dma2 semaphore(%run_scoped3A : memref<!tpu.dma_semaphore, #tpu.memory_space<semaphore_mem>>) src(%dma_wait3A_30 : memref<128xi32, #tpu.memory_space<hbm>>) dst(%arg18 : memref<128xi32, #tpu.memory_space<vmem>>)
        tpu.yield
      }) : () -> ()
      "tpu.region"() ({
        %run_scoped3A = tpu.sem_alloc : memref<!tpu.dma_semaphore, #tpu.memory_space<semaphore_mem>>
        %dma_start3A = tpu.memref_slice %arg3[%mul3A_23] : memref<320000xi32, #tpu.memory_space<hbm>> -> memref<128xi32, #tpu.memory_space<hbm>>
        %dma_start3A_29 = tpu.memref_slice %arg3[%mul3A_23] : memref<320000xi32, #tpu.memory_space<hbm>> -> memref<128xi32, #tpu.memory_space<hbm>>
        tpu.enqueue_dma source(%dma_start3A_29 : memref<128xi32, #tpu.memory_space<hbm>>) target(%arg19 : memref<128xi32, #tpu.memory_space<vmem>>) target_semaphore(%run_scoped3A : memref<!tpu.dma_semaphore, #tpu.memory_space<semaphore_mem>>)
        %dma_wait3A = tpu.memref_slice %arg3[%mul3A_23] : memref<320000xi32, #tpu.memory_space<hbm>> -> memref<128xi32, #tpu.memory_space<hbm>>
        %dma_wait3A_30 = tpu.memref_slice %arg3[%mul3A_23] : memref<320000xi32, #tpu.memory_space<hbm>> -> memref<128xi32, #tpu.memory_space<hbm>>
        tpu.wait_dma2 semaphore(%run_scoped3A : memref<!tpu.dma_semaphore, #tpu.memory_space<semaphore_mem>>) src(%dma_wait3A_30 : memref<128xi32, #tpu.memory_space<hbm>>) dst(%arg19 : memref<128xi32, #tpu.memory_space<vmem>>)
        tpu.yield
      }) : () -> ()
      "tpu.region"() ({
        %run_scoped3A = tpu.sem_alloc : memref<!tpu.dma_semaphore, #tpu.memory_space<semaphore_mem>>
        %dma_start3A = tpu.memref_slice %arg4[%mul3A_23] : memref<320000xf32, #tpu.memory_space<hbm>> -> memref<128xf32, #tpu.memory_space<hbm>>
        %dma_start3A_29 = tpu.memref_slice %arg4[%mul3A_23] : memref<320000xf32, #tpu.memory_space<hbm>> -> memref<128xf32, #tpu.memory_space<hbm>>
        tpu.enqueue_dma source(%dma_start3A_29 : memref<128xf32, #tpu.memory_space<hbm>>) target(%arg20 : memref<128xf32, #tpu.memory_space<vmem>>) target_semaphore(%run_scoped3A : memref<!tpu.dma_semaphore, #tpu.memory_space<semaphore_mem>>)
        %dma_wait3A = tpu.memref_slice %arg4[%mul3A_23] : memref<320000xf32, #tpu.memory_space<hbm>> -> memref<128xf32, #tpu.memory_space<hbm>>
        %dma_wait3A_30 = tpu.memref_slice %arg4[%mul3A_23] : memref<320000xf32, #tpu.memory_space<hbm>> -> memref<128xf32, #tpu.memory_space<hbm>>
        tpu.wait_dma2 semaphore(%run_scoped3A : memref<!tpu.dma_semaphore, #tpu.memory_space<semaphore_mem>>) src(%dma_wait3A_30 : memref<128xf32, #tpu.memory_space<hbm>>) dst(%arg20 : memref<128xf32, #tpu.memory_space<vmem>>)
        tpu.yield
      }) : () -> ()
      %scan3A = arith.constant 0 : i32
      %scan3A_24 = arith.constant 0 : i32
      %scan3A_25 = arith.constant 8 : i32
      %scan3A_26 = arith.addi %scan3A_24, %scan3A_25 : i32
      %scan3A_27 = arith.constant 1 : i32
      scf.for %scan3A_29 = %scan3A_24 to %scan3A_26 step %scan3A_27  : i32 {
        %mul3A_30 = arith.constant 16 : i32
        %mul3A_31 = arith.muli %scan3A_29, %mul3A_30 : i32
        %get3A = arith.index_cast %mul3A_31 : i32 to index
        %get3A_32 = tpu.vector_load %arg18[%get3A] {strides = array<i32>} : memref<128xi32, #tpu.memory_space<vmem>>, vector<16xi32>,
        %get3A_33 = arith.index_cast %mul3A_31 : i32 to index
        %get3A_34 = tpu.vector_load %arg19[%get3A_33] {strides = array<i32>} : memref<128xi32, #tpu.memory_space<vmem>>, vector<16xi32>,
        %get3A_35 = arith.index_cast %mul3A_31 : i32 to index
        %get3A_36 = tpu.vector_load %arg20[%get3A_35] {strides = array<i32>} : memref<128xf32, #tpu.memory_space<vmem>>, vector<16xf32>,
        %gather3A = tpu.vector_load_idx %arg12[%get3A_32] : memref<10000xf32, #tpu.memory_space<vmem>>[vector<16xi32>], vector<16xf32>,
        %gather3A_37 = tpu.vector_load_idx %arg13[%get3A_34] : memref<10000xf32, #tpu.memory_space<vmem>>[vector<16xi32>], vector<16xf32>,
        %gather3A_38 = tpu.vector_load_idx %arg14[%get3A_34] : memref<10000xf32, #tpu.memory_space<vmem>>[vector<16xi32>], vector<16xf32>,
        %gather3A_39 = tpu.vector_load_idx %arg15[%get3A_32] : memref<10000xf32, #tpu.memory_space<vmem>>[vector<16xi32>], vector<16xf32>,
        %add3A_40 = arith.addf %gather3A, %gather3A_37 : vector<16xf32>
        %gt3A = arith.constant 0.000000e+00 : f32
        %gt3A_41 = vector.broadcast %gt3A : f32 to vector<16xf32>
        %gt3A_42 = arith.cmpf ogt, %add3A_40, %gt3A_41 : vector<16xf32>
        %mul3A_43 = arith.constant 2.000000e-01 : f32
        %mul3A_44 = vector.broadcast %mul3A_43 : f32 to vector<16xf32>
        %mul3A_45 = arith.mulf %add3A_40, %mul3A_44 : vector<16xf32>
        %select_n3A_46 = arith.select %gt3A_42, %add3A_40, %mul3A_45 : vector<16xi1>, vector<16xf32>
        %sub3A = arith.subf %select_n3A_46, %gather3A_38 : vector<16xf32>
        %exp3A = math.exp %sub3A : vector<16xf32>
        %mul3A_47 = arith.mulf %gather3A_39, %exp3A : vector<16xf32>
        %mul3A_48 = arith.mulf %mul3A_47, %get3A_36 : vector<16xf32>
        %iota3A = tpu.iota {dimensions = array<i32: 0>} : vector<16xi32>
        %masked_sort3A = arith.constant dense<true> : vector<16xi1>
        %masked_sort3A_49 = arith.constant -2147483648 : i32
        %masked_sort3A_50 = vector.broadcast %masked_sort3A_49 : i32 to vector<16xi32>
        %masked_sort3A_51 = arith.xori %get3A_34, %masked_sort3A_50 : vector<16xi32>
        %masked_sort3A_52, %masked_sort3A_53, %masked_sort3A_54 = tpu.sort %masked_sort3A_51, %iota3A masked %masked_sort3A : (vector<16xi32>, vector<16xi32>, vector<16xi1>) -> (vector<16xi1>, vector<16xi32>, vector<16xi32>)
        %masked_sort3A_55 = arith.xori %masked_sort3A_53, %masked_sort3A_50 : vector<16xi32>
        %swap3A = arith.constant 0 : index
        %swap3A_56 = tpu.vector_load %arg21[%swap3A] {strides = array<i32>} : memref<16xi32, #tpu.memory_space<vmem>>, vector<16xi32>,
        tpu.vector_store %arg21[%swap3A], %masked_sort3A_55 {strides = array<i32>} : memref<16xi32, #tpu.memory_space<vmem>>, vector<16xi32>,
        %add3A_57 = arith.constant 1 : i32
        %add3A_58 = vector.broadcast %add3A_57 : i32 to vector<16xi32>
        %add3A_59 = arith.addi %iota3A, %add3A_58 : vector<16xi32>
        %min3A = arith.constant 15 : i32
        %min3A_60 = vector.broadcast %min3A : i32 to vector<16xi32>
        %min3A_61 = arith.minsi %add3A_59, %min3A_60 : vector<16xi32>
        %gather3A_62 = tpu.vector_load_idx %arg21[%min3A_61] : memref<16xi32, #tpu.memory_space<vmem>>[vector<16xi32>], vector<16xi32>,
        %sub3A_63 = arith.constant 1 : i32
        %sub3A_64 = vector.broadcast %sub3A_63 : i32 to vector<16xi32>
        %sub3A_65 = arith.subi %iota3A, %sub3A_64 : vector<16xi32>
        %max3A = arith.constant 0 : i32
        %max3A_66 = vector.broadcast %max3A : i32 to vector<16xi32>
        %max3A_67 = arith.maxsi %sub3A_65, %max3A_66 : vector<16xi32>
        %gather3A_68 = tpu.vector_load_idx %arg21[%max3A_67] : memref<16xi32, #tpu.memory_space<vmem>>[vector<16xi32>], vector<16xi32>,
        %ne3A = arith.cmpi ne, %masked_sort3A_55, %gather3A_62 : vector<16xi32>
        %eq3A = arith.constant 15 : i32
        %eq3A_69 = vector.broadcast %eq3A : i32 to vector<16xi32>
        %eq3A_70 = arith.cmpi eq, %iota3A, %eq3A_69 : vector<16xi32>
        %or3A = arith.ori %ne3A, %eq3A_70 : vector<16xi1>
        %ne3A_71 = arith.cmpi ne, %masked_sort3A_55, %gather3A_68 : vector<16xi32>
        %eq3A_72 = arith.constant 0 : i32
        %eq3A_73 = vector.broadcast %eq3A_72 : i32 to vector<16xi32>
        %eq3A_74 = arith.cmpi eq, %iota3A, %eq3A_73 : vector<16xi32>
        %or3A_75 = arith.ori %ne3A_71, %eq3A_74 : vector<16xi1>
        %jit3A_76 = arith.constant -1 : i32
        %broadcast_in_dim3A = vector.broadcast %jit3A_76 : i32 to vector<16xi32>
        %select_n3A_77 = arith.select %or3A_75, %iota3A, %broadcast_in_dim3A : vector<16xi1>, vector<16xi32>
        %broadcast_in_dim3A_78 = arith.constant true
        %broadcast_in_dim3A_79 = vector.broadcast %broadcast_in_dim3A_78 : i1 to vector<16xi1>
        %masked_cummax3A = arith.constant -2147483648 : i32
        %masked_cummax3A_80 = vector.broadcast %masked_cummax3A : i32 to vector<16xi32>
        %masked_cummax3A_81 = arith.xori %select_n3A_77, %masked_cummax3A_80 : vector<16xi32>
        %masked_cummax3A_82 = tpu.scan <max>, %masked_cummax3A_81 masked %broadcast_in_dim3A_79 : vector<16xi32>, vector<16xi1> -> vector<16xi32>
        %masked_cummax3A_83 = arith.xori %masked_cummax3A_82, %masked_cummax3A_80 : vector<16xi32>
        %sub3A_84 = arith.constant 1 : i32
        %sub3A_85 = vector.broadcast %sub3A_84 : i32 to vector<16xi32>
        %sub3A_86 = arith.subi %masked_cummax3A_83, %sub3A_85 : vector<16xi32>
        %max3A_87 = arith.constant 0 : i32
        %max3A_88 = vector.broadcast %max3A_87 : i32 to vector<16xi32>
        %max3A_89 = arith.maxsi %sub3A_86, %max3A_88 : vector<16xi32>
        %gt3A_90 = arith.constant 0 : i32
        %gt3A_91 = vector.broadcast %gt3A_90 : i32 to vector<16xi32>
        %gt3A_92 = arith.cmpi sgt, %masked_cummax3A_83, %gt3A_91 : vector<16xi32>
        %swap3A_93 = arith.constant 0 : index
        %swap3A_94 = tpu.vector_load %arg22[%swap3A_93] {strides = array<i32>} : memref<16xf32, #tpu.memory_space<vmem>>, vector<16xf32>,
        tpu.vector_store %arg22[%swap3A_93], %exp3A {strides = array<i32>} : memref<16xf32, #tpu.memory_space<vmem>>, vector<16xf32>,
        %gather3A_95 = tpu.vector_load_idx %arg22[%masked_sort3A_54] : memref<16xf32, #tpu.memory_space<vmem>>[vector<16xi32>], vector<16xf32>,
        %broadcast_in_dim3A_96 = arith.constant true
        %broadcast_in_dim3A_97 = vector.broadcast %broadcast_in_dim3A_96 : i1 to vector<16xi1>
        %masked_cumsum3A = tpu.scan <sum>, %gather3A_95 masked %broadcast_in_dim3A_97 : vector<16xf32>, vector<16xi1> -> vector<16xf32>
        %swap3A_98 = arith.constant 0 : index
        %swap3A_99 = tpu.vector_load %arg23[%swap3A_98] {strides = array<i32>} : memref<16xf32, #tpu.memory_space<vmem>>, vector<16xf32>,
        tpu.vector_store %arg23[%swap3A_98], %masked_cumsum3A {strides = array<i32>} : memref<16xf32, #tpu.memory_space<vmem>>, vector<16xf32>,
        %gather3A_100 = tpu.vector_load_idx %arg23[%max3A_89] : memref<16xf32, #tpu.memory_space<vmem>>[vector<16xi32>], vector<16xf32>,
        %jit3A_101 = arith.constant 0.000000e+00 : f32
        %broadcast_in_dim3A_102 = vector.broadcast %jit3A_101 : f32 to vector<16xf32>
        %select_n3A_103 = arith.select %gt3A_92, %gather3A_100, %broadcast_in_dim3A_102 : vector<16xi1>, vector<16xf32>
        %sub3A_104 = arith.subf %masked_cumsum3A, %select_n3A_103 : vector<16xf32>
        tpu.vector_store_idx %arg16[%masked_sort3A_55], %sub3A_104 masked %or3A {add = true} : memref<10000xf32, #tpu.memory_space<vmem>>[vector<16xi32>], vector<16xf32>, vector<16xi1>
        %swap3A_105 = arith.constant 0 : index
        %swap3A_106 = tpu.vector_load %arg22[%swap3A_105] {strides = array<i32>} : memref<16xf32, #tpu.memory_space<vmem>>, vector<16xf32>,
        tpu.vector_store %arg22[%swap3A_105], %mul3A_48 {strides = array<i32>} : memref<16xf32, #tpu.memory_space<vmem>>, vector<16xf32>,
        %gather3A_107 = tpu.vector_load_idx %arg22[%masked_sort3A_54] : memref<16xf32, #tpu.memory_space<vmem>>[vector<16xi32>], vector<16xf32>,
        %broadcast_in_dim3A_108 = arith.constant true
        %broadcast_in_dim3A_109 = vector.broadcast %broadcast_in_dim3A_108 : i1 to vector<16xi1>
        %masked_cumsum3A_110 = tpu.scan <sum>, %gather3A_107 masked %broadcast_in_dim3A_109 : vector<16xf32>, vector<16xi1> -> vector<16xf32>
        %swap3A_111 = arith.constant 0 : index
        %swap3A_112 = tpu.vector_load %arg23[%swap3A_111] {strides = array<i32>} : memref<16xf32, #tpu.memory_space<vmem>>, vector<16xf32>,
        tpu.vector_store %arg23[%swap3A_111], %masked_cumsum3A_110 {strides = array<i32>} : memref<16xf32, #tpu.memory_space<vmem>>, vector<16xf32>,
        %gather3A_113 = tpu.vector_load_idx %arg23[%max3A_89] : memref<16xf32, #tpu.memory_space<vmem>>[vector<16xi32>], vector<16xf32>,
        %jit3A_114 = arith.constant 0.000000e+00 : f32
        %broadcast_in_dim3A_115 = vector.broadcast %jit3A_114 : f32 to vector<16xf32>
        %select_n3A_116 = arith.select %gt3A_92, %gather3A_113, %broadcast_in_dim3A_115 : vector<16xi1>, vector<16xf32>
        %sub3A_117 = arith.subf %masked_cumsum3A_110, %select_n3A_116 : vector<16xf32>
        tpu.vector_store_idx %arg17[%masked_sort3A_55], %sub3A_117 masked %or3A {add = true} : memref<10000xf32, #tpu.memory_space<vmem>>[vector<16xi32>], vector<16xf32>, vector<16xi1>
      }
      %scan3A_28 = arith.constant 8 : i32
    }
    %while3A_13 = arith.constant 1 : i32
    scf.for %while3A_18 = %while3A_11 to %while3A_7 step %while3A_13  : i32 {
      %mul3A_19 = arith.constant 32 : i32
      %mul3A_20 = arith.muli %while3A_18, %mul3A_19 : i32
      %add3A_21 = arith.addi %add3A, %mul3A_20 : i32
      %mul3A_22 = arith.constant 128 : i32
      %mul3A_23 = arith.muli %add3A_21, %mul3A_22 : i32
      "tpu.region"() ({
        %run_scoped3A = tpu.sem_alloc : memref<!tpu.dma_semaphore, #tpu.memory_space<semaphore_mem>>
        %dma_start3A = tpu.memref_slice %arg2[%mul3A_23] : memref<320000xi32, #tpu.memory_space<hbm>> -> memref<128xi32, #tpu.memory_space<hbm>>
        %dma_start3A_29 = tpu.memref_slice %arg2[%mul3A_23] : memref<320000xi32, #tpu.memory_space<hbm>> -> memref<128xi32, #tpu.memory_space<hbm>>
        tpu.enqueue_dma source(%dma_start3A_29 : memref<128xi32, #tpu.memory_space<hbm>>) target(%arg18 : memref<128xi32, #tpu.memory_space<vmem>>) target_semaphore(%run_scoped3A : memref<!tpu.dma_semaphore, #tpu.memory_space<semaphore_mem>>)
        %dma_wait3A = tpu.memref_slice %arg2[%mul3A_23] : memref<320000xi32, #tpu.memory_space<hbm>> -> memref<128xi32, #tpu.memory_space<hbm>>
        %dma_wait3A_30 = tpu.memref_slice %arg2[%mul3A_23] : memref<320000xi32, #tpu.memory_space<hbm>> -> memref<128xi32, #tpu.memory_space<hbm>>
        tpu.wait_dma2 semaphore(%run_scoped3A : memref<!tpu.dma_semaphore, #tpu.memory_space<semaphore_mem>>) src(%dma_wait3A_30 : memref<128xi32, #tpu.memory_space<hbm>>) dst(%arg18 : memref<128xi32, #tpu.memory_space<vmem>>)
        tpu.yield
      }) : () -> ()
      "tpu.region"() ({
        %run_scoped3A = tpu.sem_alloc : memref<!tpu.dma_semaphore, #tpu.memory_space<semaphore_mem>>
        %dma_start3A = tpu.memref_slice %arg3[%mul3A_23] : memref<320000xi32, #tpu.memory_space<hbm>> -> memref<128xi32, #tpu.memory_space<hbm>>
        %dma_start3A_29 = tpu.memref_slice %arg3[%mul3A_23] : memref<320000xi32, #tpu.memory_space<hbm>> -> memref<128xi32, #tpu.memory_space<hbm>>
        tpu.enqueue_dma source(%dma_start3A_29 : memref<128xi32, #tpu.memory_space<hbm>>) target(%arg19 : memref<128xi32, #tpu.memory_space<vmem>>) target_semaphore(%run_scoped3A : memref<!tpu.dma_semaphore, #tpu.memory_space<semaphore_mem>>)
        %dma_wait3A = tpu.memref_slice %arg3[%mul3A_23] : memref<320000xi32, #tpu.memory_space<hbm>> -> memref<128xi32, #tpu.memory_space<hbm>>
        %dma_wait3A_30 = tpu.memref_slice %arg3[%mul3A_23] : memref<320000xi32, #tpu.memory_space<hbm>> -> memref<128xi32, #tpu.memory_space<hbm>>
        tpu.wait_dma2 semaphore(%run_scoped3A : memref<!tpu.dma_semaphore, #tpu.memory_space<semaphore_mem>>) src(%dma_wait3A_30 : memref<128xi32, #tpu.memory_space<hbm>>) dst(%arg19 : memref<128xi32, #tpu.memory_space<vmem>>)
        tpu.yield
      }) : () -> ()
      "tpu.region"() ({
        %run_scoped3A = tpu.sem_alloc : memref<!tpu.dma_semaphore, #tpu.memory_space<semaphore_mem>>
        %dma_start3A = tpu.memref_slice %arg4[%mul3A_23] : memref<320000xf32, #tpu.memory_space<hbm>> -> memref<128xf32, #tpu.memory_space<hbm>>
        %dma_start3A_29 = tpu.memref_slice %arg4[%mul3A_23] : memref<320000xf32, #tpu.memory_space<hbm>> -> memref<128xf32, #tpu.memory_space<hbm>>
        tpu.enqueue_dma source(%dma_start3A_29 : memref<128xf32, #tpu.memory_space<hbm>>) target(%arg20 : memref<128xf32, #tpu.memory_space<vmem>>) target_semaphore(%run_scoped3A : memref<!tpu.dma_semaphore, #tpu.memory_space<semaphore_mem>>)
        %dma_wait3A = tpu.memref_slice %arg4[%mul3A_23] : memref<320000xf32, #tpu.memory_space<hbm>> -> memref<128xf32, #tpu.memory_space<hbm>>
        %dma_wait3A_30 = tpu.memref_slice %arg4[%mul3A_23] : memref<320000xf32, #tpu.memory_space<hbm>> -> memref<128xf32, #tpu.memory_space<hbm>>
        tpu.wait_dma2 semaphore(%run_scoped3A : memref<!tpu.dma_semaphore, #tpu.memory_space<semaphore_mem>>) src(%dma_wait3A_30 : memref<128xf32, #tpu.memory_space<hbm>>) dst(%arg20 : memref<128xf32, #tpu.memory_space<vmem>>)
        tpu.yield
      }) : () -> ()
      %scan3A = arith.constant 0 : i32
      %scan3A_24 = arith.constant 0 : i32
      %scan3A_25 = arith.constant 8 : i32
      %scan3A_26 = arith.addi %scan3A_24, %scan3A_25 : i32
      %scan3A_27 = arith.constant 1 : i32
      scf.for %scan3A_29 = %scan3A_24 to %scan3A_26 step %scan3A_27  : i32 {
        %mul3A_30 = arith.constant 16 : i32
        %mul3A_31 = arith.muli %scan3A_29, %mul3A_30 : i32
        %get3A = arith.index_cast %mul3A_31 : i32 to index
        %get3A_32 = tpu.vector_load %arg18[%get3A] {strides = array<i32>} : memref<128xi32, #tpu.memory_space<vmem>>, vector<16xi32>,
        %get3A_33 = arith.index_cast %mul3A_31 : i32 to index
        %get3A_34 = tpu.vector_load %arg19[%get3A_33] {strides = array<i32>} : memref<128xi32, #tpu.memory_space<vmem>>, vector<16xi32>,
        %get3A_35 = arith.index_cast %mul3A_31 : i32 to index
        %get3A_36 = tpu.vector_load %arg20[%get3A_35] {strides = array<i32>} : memref<128xf32, #tpu.memory_space<vmem>>, vector<16xf32>,
        %gather3A = tpu.vector_load_idx %arg12[%get3A_32] : memref<10000xf32, #tpu.memory_space<vmem>>[vector<16xi32>], vector<16xf32>,
        %gather3A_37 = tpu.vector_load_idx %arg13[%get3A_34] : memref<10000xf32, #tpu.memory_space<vmem>>[vector<16xi32>], vector<16xf32>,
        %gather3A_38 = tpu.vector_load_idx %arg14[%get3A_34] : memref<10000xf32, #tpu.memory_space<vmem>>[vector<16xi32>], vector<16xf32>,
        %gather3A_39 = tpu.vector_load_idx %arg15[%get3A_32] : memref<10000xf32, #tpu.memory_space<vmem>>[vector<16xi32>], vector<16xf32>,
        %add3A_40 = arith.addf %gather3A, %gather3A_37 : vector<16xf32>
        %gt3A = arith.constant 0.000000e+00 : f32
        %gt3A_41 = vector.broadcast %gt3A : f32 to vector<16xf32>
        %gt3A_42 = arith.cmpf ogt, %add3A_40, %gt3A_41 : vector<16xf32>
        %mul3A_43 = arith.constant 2.000000e-01 : f32
        %mul3A_44 = vector.broadcast %mul3A_43 : f32 to vector<16xf32>
        %mul3A_45 = arith.mulf %add3A_40, %mul3A_44 : vector<16xf32>
        %select_n3A_46 = arith.select %gt3A_42, %add3A_40, %mul3A_45 : vector<16xi1>, vector<16xf32>
        %sub3A = arith.subf %select_n3A_46, %gather3A_38 : vector<16xf32>
        %exp3A = math.exp %sub3A : vector<16xf32>
        %mul3A_47 = arith.mulf %gather3A_39, %exp3A : vector<16xf32>
        %mul3A_48 = arith.mulf %mul3A_47, %get3A_36 : vector<16xf32>
        %iota3A = tpu.iota {dimensions = array<i32: 0>} : vector<16xi32>
        %masked_sort3A = arith.constant dense<true> : vector<16xi1>
        %masked_sort3A_49 = arith.constant -2147483648 : i32
        %masked_sort3A_50 = vector.broadcast %masked_sort3A_49 : i32 to vector<16xi32>
        %masked_sort3A_51 = arith.xori %get3A_34, %masked_sort3A_50 : vector<16xi32>
        %masked_sort3A_52, %masked_sort3A_53, %masked_sort3A_54 = tpu.sort %masked_sort3A_51, %iota3A masked %masked_sort3A : (vector<16xi32>, vector<16xi32>, vector<16xi1>) -> (vector<16xi1>, vector<16xi32>, vector<16xi32>)
        %masked_sort3A_55 = arith.xori %masked_sort3A_53, %masked_sort3A_50 : vector<16xi32>
        %swap3A = arith.constant 0 : index
        %swap3A_56 = tpu.vector_load %arg21[%swap3A] {strides = array<i32>} : memref<16xi32, #tpu.memory_space<vmem>>, vector<16xi32>,
        tpu.vector_store %arg21[%swap3A], %masked_sort3A_55 {strides = array<i32>} : memref<16xi32, #tpu.memory_space<vmem>>, vector<16xi32>,
        %add3A_57 = arith.constant 1 : i32
        %add3A_58 = vector.broadcast %add3A_57 : i32 to vector<16xi32>
        %add3A_59 = arith.addi %iota3A, %add3A_58 : vector<16xi32>
        %min3A = arith.constant 15 : i32
        %min3A_60 = vector.broadcast %min3A : i32 to vector<16xi32>
        %min3A_61 = arith.minsi %add3A_59, %min3A_60 : vector<16xi32>
        %gather3A_62 = tpu.vector_load_idx %arg21[%min3A_61] : memref<16xi32, #tpu.memory_space<vmem>>[vector<16xi32>], vector<16xi32>,
        %sub3A_63 = arith.constant 1 : i32
        %sub3A_64 = vector.broadcast %sub3A_63 : i32 to vector<16xi32>
        %sub3A_65 = arith.subi %iota3A, %sub3A_64 : vector<16xi32>
        %max3A = arith.constant 0 : i32
        %max3A_66 = vector.broadcast %max3A : i32 to vector<16xi32>
        %max3A_67 = arith.maxsi %sub3A_65, %max3A_66 : vector<16xi32>
        %gather3A_68 = tpu.vector_load_idx %arg21[%max3A_67] : memref<16xi32, #tpu.memory_space<vmem>>[vector<16xi32>], vector<16xi32>,
        %ne3A = arith.cmpi ne, %masked_sort3A_55, %gather3A_62 : vector<16xi32>
        %eq3A = arith.constant 15 : i32
        %eq3A_69 = vector.broadcast %eq3A : i32 to vector<16xi32>
        %eq3A_70 = arith.cmpi eq, %iota3A, %eq3A_69 : vector<16xi32>
        %or3A = arith.ori %ne3A, %eq3A_70 : vector<16xi1>
        %ne3A_71 = arith.cmpi ne, %masked_sort3A_55, %gather3A_68 : vector<16xi32>
        %eq3A_72 = arith.constant 0 : i32
        %eq3A_73 = vector.broadcast %eq3A_72 : i32 to vector<16xi32>
        %eq3A_74 = arith.cmpi eq, %iota3A, %eq3A_73 : vector<16xi32>
        %or3A_75 = arith.ori %ne3A_71, %eq3A_74 : vector<16xi1>
        %jit3A_76 = arith.constant -1 : i32
        %broadcast_in_dim3A = vector.broadcast %jit3A_76 : i32 to vector<16xi32>
        %select_n3A_77 = arith.select %or3A_75, %iota3A, %broadcast_in_dim3A : vector<16xi1>, vector<16xi32>
        %broadcast_in_dim3A_78 = arith.constant true
        %broadcast_in_dim3A_79 = vector.broadcast %broadcast_in_dim3A_78 : i1 to vector<16xi1>
        %masked_cummax3A = arith.constant -2147483648 : i32
        %masked_cummax3A_80 = vector.broadcast %masked_cummax3A : i32 to vector<16xi32>
        %masked_cummax3A_81 = arith.xori %select_n3A_77, %masked_cummax3A_80 : vector<16xi32>
        %masked_cummax3A_82 = tpu.scan <max>, %masked_cummax3A_81 masked %broadcast_in_dim3A_79 : vector<16xi32>, vector<16xi1> -> vector<16xi32>
        %masked_cummax3A_83 = arith.xori %masked_cummax3A_82, %masked_cummax3A_80 : vector<16xi32>
        %sub3A_84 = arith.constant 1 : i32
        %sub3A_85 = vector.broadcast %sub3A_84 : i32 to vector<16xi32>
        %sub3A_86 = arith.subi %masked_cummax3A_83, %sub3A_85 : vector<16xi32>
        %max3A_87 = arith.constant 0 : i32
        %max3A_88 = vector.broadcast %max3A_87 : i32 to vector<16xi32>
        %max3A_89 = arith.maxsi %sub3A_86, %max3A_88 : vector<16xi32>
        %gt3A_90 = arith.constant 0 : i32
        %gt3A_91 = vector.broadcast %gt3A_90 : i32 to vector<16xi32>
        %gt3A_92 = arith.cmpi sgt, %masked_cummax3A_83, %gt3A_91 : vector<16xi32>
        %swap3A_93 = arith.constant 0 : index
        %swap3A_94 = tpu.vector_load %arg22[%swap3A_93] {strides = array<i32>} : memref<16xf32, #tpu.memory_space<vmem>>, vector<16xf32>,
        tpu.vector_store %arg22[%swap3A_93], %exp3A {strides = array<i32>} : memref<16xf32, #tpu.memory_space<vmem>>, vector<16xf32>,
        %gather3A_95 = tpu.vector_load_idx %arg22[%masked_sort3A_54] : memref<16xf32, #tpu.memory_space<vmem>>[vector<16xi32>], vector<16xf32>,
        %broadcast_in_dim3A_96 = arith.constant true
        %broadcast_in_dim3A_97 = vector.broadcast %broadcast_in_dim3A_96 : i1 to vector<16xi1>
        %masked_cumsum3A = tpu.scan <sum>, %gather3A_95 masked %broadcast_in_dim3A_97 : vector<16xf32>, vector<16xi1> -> vector<16xf32>
        %swap3A_98 = arith.constant 0 : index
        %swap3A_99 = tpu.vector_load %arg23[%swap3A_98] {strides = array<i32>} : memref<16xf32, #tpu.memory_space<vmem>>, vector<16xf32>,
        tpu.vector_store %arg23[%swap3A_98], %masked_cumsum3A {strides = array<i32>} : memref<16xf32, #tpu.memory_space<vmem>>, vector<16xf32>,
        %gather3A_100 = tpu.vector_load_idx %arg23[%max3A_89] : memref<16xf32, #tpu.memory_space<vmem>>[vector<16xi32>], vector<16xf32>,
        %jit3A_101 = arith.constant 0.000000e+00 : f32
        %broadcast_in_dim3A_102 = vector.broadcast %jit3A_101 : f32 to vector<16xf32>
        %select_n3A_103 = arith.select %gt3A_92, %gather3A_100, %broadcast_in_dim3A_102 : vector<16xi1>, vector<16xf32>
        %sub3A_104 = arith.subf %masked_cumsum3A, %select_n3A_103 : vector<16xf32>
        tpu.vector_store_idx %arg16[%masked_sort3A_55], %sub3A_104 masked %or3A {add = true} : memref<10000xf32, #tpu.memory_space<vmem>>[vector<16xi32>], vector<16xf32>, vector<16xi1>
        %swap3A_105 = arith.constant 0 : index
        %swap3A_106 = tpu.vector_load %arg22[%swap3A_105] {strides = array<i32>} : memref<16xf32, #tpu.memory_space<vmem>>, vector<16xf32>,
        tpu.vector_store %arg22[%swap3A_105], %mul3A_48 {strides = array<i32>} : memref<16xf32, #tpu.memory_space<vmem>>, vector<16xf32>,
        %gather3A_107 = tpu.vector_load_idx %arg22[%masked_sort3A_54] : memref<16xf32, #tpu.memory_space<vmem>>[vector<16xi32>], vector<16xf32>,
        %broadcast_in_dim3A_108 = arith.constant true
        %broadcast_in_dim3A_109 = vector.broadcast %broadcast_in_dim3A_108 : i1 to vector<16xi1>
        %masked_cumsum3A_110 = tpu.scan <sum>, %gather3A_107 masked %broadcast_in_dim3A_109 : vector<16xf32>, vector<16xi1> -> vector<16xf32>
        %swap3A_111 = arith.constant 0 : index
        %swap3A_112 = tpu.vector_load %arg23[%swap3A_111] {strides = array<i32>} : memref<16xf32, #tpu.memory_space<vmem>>, vector<16xf32>,
        tpu.vector_store %arg23[%swap3A_111], %masked_cumsum3A_110 {strides = array<i32>} : memref<16xf32, #tpu.memory_space<vmem>>, vector<16xf32>,
        %gather3A_113 = tpu.vector_load_idx %arg23[%max3A_89] : memref<16xf32, #tpu.memory_space<vmem>>[vector<16xi32>], vector<16xf32>,
        %jit3A_114 = arith.constant 0.000000e+00 : f32
        %broadcast_in_dim3A_115 = vector.broadcast %jit3A_114 : f32 to vector<16xf32>
        %select_n3A_116 = arith.select %gt3A_92, %gather3A_113, %broadcast_in_dim3A_115 : vector<16xi1>, vector<16xf32>
        %sub3A_117 = arith.subf %masked_cumsum3A_110, %select_n3A_116 : vector<16xf32>
        tpu.vector_store_idx %arg17[%masked_sort3A_55], %sub3A_117 masked %or3A {add = true} : memref<10000xf32, #tpu.memory_space<vmem>>[vector<16xi32>], vector<16xf32>, vector<16xi1>
      }
      %scan3A_28 = arith.constant 8 : i32
    }
    %mul3A_14 = arith.constant 10000 : i32
    %mul3A_15 = arith.muli %add3A, %mul3A_14 : i32
    "tpu.region"() ({
      %run_scoped3A = tpu.sem_alloc : memref<!tpu.dma_semaphore, #tpu.memory_space<semaphore_mem>>
      %dma_start3A = tpu.memref_slice %arg10[%mul3A_15] : memref<320000xf32, #tpu.memory_space<hbm>> -> memref<10000xf32, #tpu.memory_space<hbm>>
      %dma_start3A_18 = tpu.memref_slice %arg10[%mul3A_15] : memref<320000xf32, #tpu.memory_space<hbm>> -> memref<10000xf32, #tpu.memory_space<hbm>>
      tpu.enqueue_dma source(%arg16 : memref<10000xf32, #tpu.memory_space<vmem>>) target(%dma_start3A_18 : memref<10000xf32, #tpu.memory_space<hbm>>) target_semaphore(%run_scoped3A : memref<!tpu.dma_semaphore, #tpu.memory_space<semaphore_mem>>)
      %dma_wait3A = tpu.memref_slice %arg10[%mul3A_15] : memref<320000xf32, #tpu.memory_space<hbm>> -> memref<10000xf32, #tpu.memory_space<hbm>>
      %dma_wait3A_19 = tpu.memref_slice %arg10[%mul3A_15] : memref<320000xf32, #tpu.memory_space<hbm>> -> memref<10000xf32, #tpu.memory_space<hbm>>
      tpu.wait_dma2 semaphore(%run_scoped3A : memref<!tpu.dma_semaphore, #tpu.memory_space<semaphore_mem>>) src(%arg16 : memref<10000xf32, #tpu.memory_space<vmem>>) dst(%dma_wait3A_19 : memref<10000xf32, #tpu.memory_space<hbm>>)
      tpu.yield
    }) : () -> ()
    %mul3A_16 = arith.constant 10000 : i32
    %mul3A_17 = arith.muli %add3A, %mul3A_16 : i32
    "tpu.region"() ({
      %run_scoped3A = tpu.sem_alloc : memref<!tpu.dma_semaphore, #tpu.memory_space<semaphore_mem>>
      %dma_start3A = tpu.memref_slice %arg11[%mul3A_17] : memref<320000xf32, #tpu.memory_space<hbm>> -> memref<10000xf32, #tpu.memory_space<hbm>>
      %dma_start3A_18 = tpu.memref_slice %arg11[%mul3A_17] : memref<320000xf32, #tpu.memory_space<hbm>> -> memref<10000xf32, #tpu.memory_space<hbm>>
      tpu.enqueue_dma source(%arg17 : memref<10000xf32, #tpu.memory_space<vmem>>) target(%dma_start3A_18 : memref<10000xf32, #tpu.memory_space<hbm>>) target_semaphore(%run_scoped3A : memref<!tpu.dma_semaphore, #tpu.memory_space<semaphore_mem>>)
      %dma_wait3A = tpu.memref_slice %arg11[%mul3A_17] : memref<320000xf32, #tpu.memory_space<hbm>> -> memref<10000xf32, #tpu.memory_space<hbm>>
      %dma_wait3A_19 = tpu.memref_slice %arg11[%mul3A_17] : memref<320000xf32, #tpu.memory_space<hbm>> -> memref<10000xf32, #tpu.memory_space<hbm>>
      tpu.wait_dma2 semaphore(%run_scoped3A : memref<!tpu.dma_semaphore, #tpu.memory_space<semaphore_mem>>) src(%arg17 : memref<10000xf32, #tpu.memory_space<vmem>>) dst(%dma_wait3A_19 : memref<10000xf32, #tpu.memory_space<hbm>>)
      tpu.yield
    }) : () -> ()
    return
  }
}

#map = affine_map<(d0, d1) -> (0)>
#map1 = affine_map<(d0, d1) -> (0, 0)>
module attributes {stable_mosaic.version = 14 : i64} {
  func.func @body(%arg0: i32, %arg1: i32, %arg2: memref<320000xi32, #tpu.memory_space<hbm>>, %arg3: memref<320000xi32, #tpu.memory_space<hbm>>, %arg4: memref<320000xf32, #tpu.memory_space<hbm>>, %arg5: memref<10000xf32, #tpu.memory_space<hbm>>, %arg6: memref<10000xf32, #tpu.memory_space<hbm>>, %arg7: memref<10000xf32, #tpu.memory_space<hbm>>, %arg8: memref<10000x64xf32, #tpu.memory_space<hbm>>, %arg9: memref<5000x64xf32, #tpu.memory_space<hbm>>, %arg10: memref<10000xf32, #tpu.memory_space<hbm>>, %arg11: memref<20000x64xf32, #tpu.memory_space<hbm>>, %arg12: memref<320000xf32, #tpu.memory_space<hbm>>, %arg13: memref<10000xf32, #tpu.memory_space<vmem>>, %arg14: memref<10000xf32, #tpu.memory_space<vmem>>, %arg15: memref<10000xf32, #tpu.memory_space<vmem>>, %arg16: memref<10000xf32, #tpu.memory_space<vmem>>, %arg17: memref<128xi32, #tpu.memory_space<vmem>>, %arg18: memref<128xi32, #tpu.memory_space<vmem>>, %arg19: memref<128xf32, #tpu.memory_space<vmem>>, %arg20: memref<128x64xf32, #tpu.memory_space<vmem>>, %arg21: memref<128x64xf32, #tpu.memory_space<vmem>>, %arg22: memref<16xi32, #tpu.memory_space<vmem>>, %arg23: memref<16xf32, #tpu.memory_space<vmem>>, %arg24: memref<16xf32, #tpu.memory_space<vmem>>, %arg25: memref<10000x64xf32, #tpu.memory_space<vmem_shared>>) attributes {dimension_semantics = [#tpu.dimension_semantics<core_parallel>, #tpu.dimension_semantics<subcore_parallel>], iteration_bounds = array<i64: 2, 16>, scalar_prefetch = 0 : i64, scratch_operands = 13 : i64, tpu.core_type = #tpu.core_type<sc_vector_subcore>, window_params = [{transform_indices = #map}, {transform_indices = #map}, {transform_indices = #map}, {transform_indices = #map}, {transform_indices = #map}, {transform_indices = #map}, {transform_indices = #map1}, {transform_indices = #map1}, {transform_indices = #map}, {transform_indices = #map1}, {transform_indices = #map}]} {
    %mul3A = arith.constant 2 : i32
    %mul3A_0 = arith.muli %arg1, %mul3A : i32
    %add3A = arith.addi %mul3A_0, %arg0 : i32
    "tpu.region"() ({
      %run_scoped3A = tpu.sem_alloc : memref<!tpu.dma_semaphore, #tpu.memory_space<semaphore_mem>>
      tpu.enqueue_dma source(%arg5 : memref<10000xf32, #tpu.memory_space<hbm>>) target(%arg13 : memref<10000xf32, #tpu.memory_space<vmem>>) target_semaphore(%run_scoped3A : memref<!tpu.dma_semaphore, #tpu.memory_space<semaphore_mem>>)
      tpu.wait_dma2 semaphore(%run_scoped3A : memref<!tpu.dma_semaphore, #tpu.memory_space<semaphore_mem>>) src(%arg5 : memref<10000xf32, #tpu.memory_space<hbm>>) dst(%arg13 : memref<10000xf32, #tpu.memory_space<vmem>>)
      tpu.yield
    }) : () -> ()
    "tpu.region"() ({
      %run_scoped3A = tpu.sem_alloc : memref<!tpu.dma_semaphore, #tpu.memory_space<semaphore_mem>>
      tpu.enqueue_dma source(%arg6 : memref<10000xf32, #tpu.memory_space<hbm>>) target(%arg14 : memref<10000xf32, #tpu.memory_space<vmem>>) target_semaphore(%run_scoped3A : memref<!tpu.dma_semaphore, #tpu.memory_space<semaphore_mem>>)
      tpu.wait_dma2 semaphore(%run_scoped3A : memref<!tpu.dma_semaphore, #tpu.memory_space<semaphore_mem>>) src(%arg6 : memref<10000xf32, #tpu.memory_space<hbm>>) dst(%arg14 : memref<10000xf32, #tpu.memory_space<vmem>>)
      tpu.yield
    }) : () -> ()
    "tpu.region"() ({
      %run_scoped3A = tpu.sem_alloc : memref<!tpu.dma_semaphore, #tpu.memory_space<semaphore_mem>>
      tpu.enqueue_dma source(%arg7 : memref<10000xf32, #tpu.memory_space<hbm>>) target(%arg15 : memref<10000xf32, #tpu.memory_space<vmem>>) target_semaphore(%run_scoped3A : memref<!tpu.dma_semaphore, #tpu.memory_space<semaphore_mem>>)
      tpu.wait_dma2 semaphore(%run_scoped3A : memref<!tpu.dma_semaphore, #tpu.memory_space<semaphore_mem>>) src(%arg7 : memref<10000xf32, #tpu.memory_space<hbm>>) dst(%arg15 : memref<10000xf32, #tpu.memory_space<vmem>>)
      tpu.yield
    }) : () -> ()
    "tpu.region"() ({
      %run_scoped3A = tpu.sem_alloc : memref<!tpu.dma_semaphore, #tpu.memory_space<semaphore_mem>>
      tpu.enqueue_dma source(%arg10 : memref<10000xf32, #tpu.memory_space<hbm>>) target(%arg16 : memref<10000xf32, #tpu.memory_space<vmem>>) target_semaphore(%run_scoped3A : memref<!tpu.dma_semaphore, #tpu.memory_space<semaphore_mem>>)
      tpu.wait_dma2 semaphore(%run_scoped3A : memref<!tpu.dma_semaphore, #tpu.memory_space<semaphore_mem>>) src(%arg10 : memref<10000xf32, #tpu.memory_space<hbm>>) dst(%arg16 : memref<10000xf32, #tpu.memory_space<vmem>>)
      tpu.yield
    }) : () -> ()
    %lt3A = arith.constant 2 : i32
    %lt3A_1 = arith.cmpi slt, %arg1, %lt3A : i32
    %convert_element_type3A = arith.extui %lt3A_1 : i1 to i32
    %cond3A = arith.constant 0 : i32
    %cond3A_2 = arith.cmpi ne, %convert_element_type3A, %cond3A : i32
    scf.if %cond3A_2 {
      %mul3A_25 = arith.constant 5000 : i32
      %mul3A_26 = arith.muli %arg1, %mul3A_25 : i32
      "tpu.region"() ({
        %run_scoped3A = tpu.sem_alloc : memref<!tpu.dma_semaphore, #tpu.memory_space<semaphore_mem>>
        %dma_start3A = arith.constant 0 : i32
        %dma_start3A_27 = tpu.memref_slice %arg25[%mul3A_26, %dma_start3A] : memref<10000x64xf32, #tpu.memory_space<vmem_shared>> -> memref<5000x64xf32, #tpu.memory_space<vmem_shared>>
        tpu.enqueue_dma source(%arg9 : memref<5000x64xf32, #tpu.memory_space<hbm>>) target(%dma_start3A_27 : memref<5000x64xf32, #tpu.memory_space<vmem_shared>>) target_semaphore(%run_scoped3A : memref<!tpu.dma_semaphore, #tpu.memory_space<semaphore_mem>>)
        %dma_wait3A = arith.constant 0 : i32
        %dma_wait3A_28 = tpu.memref_slice %arg25[%mul3A_26, %dma_wait3A] : memref<10000x64xf32, #tpu.memory_space<vmem_shared>> -> memref<5000x64xf32, #tpu.memory_space<vmem_shared>>
        tpu.wait_dma2 semaphore(%run_scoped3A : memref<!tpu.dma_semaphore, #tpu.memory_space<semaphore_mem>>) src(%arg9 : memref<5000x64xf32, #tpu.memory_space<hbm>>) dst(%dma_wait3A_28 : memref<5000x64xf32, #tpu.memory_space<vmem_shared>>)
        tpu.yield
      }) : () -> ()
    } else {
    }
    %barrier3A = arith.constant 0 : index
    tpu.barrier barrier_id(%barrier3A)
    %iota3A = tpu.iota {dimensions = array<i32: 0>} : vector<16xi32>
    %lt3A_3 = arith.constant 4 : i32
    %lt3A_4 = arith.cmpi slt, %add3A, %lt3A_3 : i32
    %jit3A = arith.constant 1 : i32
    %jit3A_5 = arith.constant 0 : i32
    %select_n3A = arith.select %lt3A_4, %jit3A, %jit3A_5 : i32
    %add3A_6 = arith.constant 78 : i32
    %add3A_7 = arith.addi %add3A_6, %select_n3A : i32
    %while3A = arith.constant 0 : i32
    %while3A_8 = arith.constant 0 : i32
    %while3A_9 = arith.subi %add3A_7, %while3A_8 : i32
    %while3A_10 = arith.addi %while3A_8, %while3A_9 : i32
    %while3A_11 = arith.constant 1 : i32
    %while3A_12 = arith.divsi %while3A_9, %while3A_11 : i32
    %while3A_13 = arith.muli %while3A_12, %while3A_11 : i32
    %while3A_14 = arith.addi %while3A_8, %while3A_13 : i32
    %while3A_15 = arith.constant 1 : i32
    scf.for %while3A_25 = %while3A_8 to %while3A_14 step %while3A_15  : i32 {
      %mul3A_26 = arith.constant 32 : i32
      %mul3A_27 = arith.muli %while3A_25, %mul3A_26 : i32
      %add3A_28 = arith.addi %add3A, %mul3A_27 : i32
      %mul3A_29 = arith.constant 128 : i32
      %mul3A_30 = arith.muli %add3A_28, %mul3A_29 : i32
      "tpu.region"() ({
        %run_scoped3A = tpu.sem_alloc : memref<!tpu.dma_semaphore, #tpu.memory_space<semaphore_mem>>
        %dma_start3A = tpu.memref_slice %arg2[%mul3A_30] : memref<320000xi32, #tpu.memory_space<hbm>> -> memref<128xi32, #tpu.memory_space<hbm>>
        %dma_start3A_36 = tpu.memref_slice %arg2[%mul3A_30] : memref<320000xi32, #tpu.memory_space<hbm>> -> memref<128xi32, #tpu.memory_space<hbm>>
        tpu.enqueue_dma source(%dma_start3A_36 : memref<128xi32, #tpu.memory_space<hbm>>) target(%arg17 : memref<128xi32, #tpu.memory_space<vmem>>) target_semaphore(%run_scoped3A : memref<!tpu.dma_semaphore, #tpu.memory_space<semaphore_mem>>)
        %dma_wait3A = tpu.memref_slice %arg2[%mul3A_30] : memref<320000xi32, #tpu.memory_space<hbm>> -> memref<128xi32, #tpu.memory_space<hbm>>
        %dma_wait3A_37 = tpu.memref_slice %arg2[%mul3A_30] : memref<320000xi32, #tpu.memory_space<hbm>> -> memref<128xi32, #tpu.memory_space<hbm>>
        tpu.wait_dma2 semaphore(%run_scoped3A : memref<!tpu.dma_semaphore, #tpu.memory_space<semaphore_mem>>) src(%dma_wait3A_37 : memref<128xi32, #tpu.memory_space<hbm>>) dst(%arg17 : memref<128xi32, #tpu.memory_space<vmem>>)
        tpu.yield
      }) : () -> ()
      "tpu.region"() ({
        %run_scoped3A = tpu.sem_alloc : memref<!tpu.dma_semaphore, #tpu.memory_space<semaphore_mem>>
        %dma_start3A = tpu.memref_slice %arg3[%mul3A_30] : memref<320000xi32, #tpu.memory_space<hbm>> -> memref<128xi32, #tpu.memory_space<hbm>>
        %dma_start3A_36 = tpu.memref_slice %arg3[%mul3A_30] : memref<320000xi32, #tpu.memory_space<hbm>> -> memref<128xi32, #tpu.memory_space<hbm>>
        tpu.enqueue_dma source(%dma_start3A_36 : memref<128xi32, #tpu.memory_space<hbm>>) target(%arg18 : memref<128xi32, #tpu.memory_space<vmem>>) target_semaphore(%run_scoped3A : memref<!tpu.dma_semaphore, #tpu.memory_space<semaphore_mem>>)
        %dma_wait3A = tpu.memref_slice %arg3[%mul3A_30] : memref<320000xi32, #tpu.memory_space<hbm>> -> memref<128xi32, #tpu.memory_space<hbm>>
        %dma_wait3A_37 = tpu.memref_slice %arg3[%mul3A_30] : memref<320000xi32, #tpu.memory_space<hbm>> -> memref<128xi32, #tpu.memory_space<hbm>>
        tpu.wait_dma2 semaphore(%run_scoped3A : memref<!tpu.dma_semaphore, #tpu.memory_space<semaphore_mem>>) src(%dma_wait3A_37 : memref<128xi32, #tpu.memory_space<hbm>>) dst(%arg18 : memref<128xi32, #tpu.memory_space<vmem>>)
        tpu.yield
      }) : () -> ()
      "tpu.region"() ({
        %run_scoped3A = tpu.sem_alloc : memref<!tpu.dma_semaphore, #tpu.memory_space<semaphore_mem>>
        %dma_start3A = tpu.memref_slice %arg4[%mul3A_30] : memref<320000xf32, #tpu.memory_space<hbm>> -> memref<128xf32, #tpu.memory_space<hbm>>
        %dma_start3A_36 = tpu.memref_slice %arg4[%mul3A_30] : memref<320000xf32, #tpu.memory_space<hbm>> -> memref<128xf32, #tpu.memory_space<hbm>>
        tpu.enqueue_dma source(%dma_start3A_36 : memref<128xf32, #tpu.memory_space<hbm>>) target(%arg19 : memref<128xf32, #tpu.memory_space<vmem>>) target_semaphore(%run_scoped3A : memref<!tpu.dma_semaphore, #tpu.memory_space<semaphore_mem>>)
        %dma_wait3A = tpu.memref_slice %arg4[%mul3A_30] : memref<320000xf32, #tpu.memory_space<hbm>> -> memref<128xf32, #tpu.memory_space<hbm>>
        %dma_wait3A_37 = tpu.memref_slice %arg4[%mul3A_30] : memref<320000xf32, #tpu.memory_space<hbm>> -> memref<128xf32, #tpu.memory_space<hbm>>
        tpu.wait_dma2 semaphore(%run_scoped3A : memref<!tpu.dma_semaphore, #tpu.memory_space<semaphore_mem>>) src(%dma_wait3A_37 : memref<128xf32, #tpu.memory_space<hbm>>) dst(%arg19 : memref<128xf32, #tpu.memory_space<vmem>>)
        tpu.yield
      }) : () -> ()
      "tpu.region"() ({
        %run_scoped3A = tpu.sem_alloc : memref<!tpu.dma_semaphore, #tpu.memory_space<semaphore_mem>>
        %dma_start3A = arith.constant 0 : i32
        %dma_start3A_36 = arith.constant 0 : i32
        %dma_start3A_37 = tpu.memref_slice %arg8[%dma_start3A, %dma_start3A_36] : memref<10000x64xf32, #tpu.memory_space<hbm>> -> memref<10000x64xf32, #tpu.memory_space<hbm>>
        tpu.enqueue_indirect_dma source(%dma_start3A_37 : memref<10000x64xf32, #tpu.memory_space<hbm>>) target(%arg20 : memref<128x64xf32, #tpu.memory_space<vmem>>) offsets(%arg17 : memref<128xi32, #tpu.memory_space<vmem>>) semaphore(%run_scoped3A : memref<!tpu.dma_semaphore, #tpu.memory_space<semaphore_mem>>)
        %dma_wait3A = arith.constant 0 : i32
        %dma_wait3A_38 = arith.constant 0 : i32
        %dma_wait3A_39 = tpu.memref_slice %arg8[%dma_wait3A, %dma_wait3A_38] : memref<10000x64xf32, #tpu.memory_space<hbm>> -> memref<10000x64xf32, #tpu.memory_space<hbm>>
        tpu.wait_indirect_dma semaphore(%run_scoped3A : memref<!tpu.dma_semaphore, #tpu.memory_space<semaphore_mem>>) src(%dma_wait3A_39 : memref<10000x64xf32, #tpu.memory_space<hbm>>) dst(%arg20 : memref<128x64xf32, #tpu.memory_space<vmem>>)
        tpu.yield
      }) : () -> ()
      %scan3A = arith.constant 0 : i32
      %scan3A_31 = arith.constant 0 : i32
      %scan3A_32 = arith.constant 8 : i32
      %scan3A_33 = arith.addi %scan3A_31, %scan3A_32 : i32
      %scan3A_34 = arith.constant 1 : i32
      scf.for %scan3A_36 = %scan3A_31 to %scan3A_33 step %scan3A_34  : i32 {
        %mul3A_37 = arith.constant 16 : i32
        %mul3A_38 = arith.muli %scan3A_36, %mul3A_37 : i32
        %get3A = arith.index_cast %mul3A_38 : i32 to index
        %get3A_39 = tpu.vector_load %arg17[%get3A] {strides = array<i32>} : memref<128xi32, #tpu.memory_space<vmem>>, vector<16xi32>,
        %get3A_40 = arith.index_cast %mul3A_38 : i32 to index
        %get3A_41 = tpu.vector_load %arg18[%get3A_40] {strides = array<i32>} : memref<128xi32, #tpu.memory_space<vmem>>, vector<16xi32>,
        %get3A_42 = arith.index_cast %mul3A_38 : i32 to index
        %get3A_43 = tpu.vector_load %arg19[%get3A_42] {strides = array<i32>} : memref<128xf32, #tpu.memory_space<vmem>>, vector<16xf32>,
        %gather3A = tpu.vector_load_idx %arg13[%get3A_39] : memref<10000xf32, #tpu.memory_space<vmem>>[vector<16xi32>], vector<16xf32>,
        %gather3A_44 = tpu.vector_load_idx %arg14[%get3A_41] : memref<10000xf32, #tpu.memory_space<vmem>>[vector<16xi32>], vector<16xf32>,
        %gather3A_45 = tpu.vector_load_idx %arg15[%get3A_41] : memref<10000xf32, #tpu.memory_space<vmem>>[vector<16xi32>], vector<16xf32>,
        %add3A_46 = arith.addf %gather3A, %gather3A_44 : vector<16xf32>
        %gt3A = arith.constant 0.000000e+00 : f32
        %gt3A_47 = vector.broadcast %gt3A : f32 to vector<16xf32>
        %gt3A_48 = arith.cmpf ogt, %add3A_46, %gt3A_47 : vector<16xf32>
        %mul3A_49 = arith.constant 2.000000e-01 : f32
        %mul3A_50 = vector.broadcast %mul3A_49 : f32 to vector<16xf32>
        %mul3A_51 = arith.mulf %add3A_46, %mul3A_50 : vector<16xf32>
        %select_n3A_52 = arith.select %gt3A_48, %add3A_46, %mul3A_51 : vector<16xi1>, vector<16xf32>
        %sub3A = arith.subf %select_n3A_52, %gather3A_45 : vector<16xf32>
        %exp3A = math.exp %sub3A : vector<16xf32>
        %iota3A_53 = tpu.iota {dimensions = array<i32: 0>} : vector<16xi32>
        %masked_sort3A = arith.constant dense<true> : vector<16xi1>
        %masked_sort3A_54 = arith.constant -2147483648 : i32
        %masked_sort3A_55 = vector.broadcast %masked_sort3A_54 : i32 to vector<16xi32>
        %masked_sort3A_56 = arith.xori %get3A_41, %masked_sort3A_55 : vector<16xi32>
        %masked_sort3A_57, %masked_sort3A_58, %masked_sort3A_59 = tpu.sort %masked_sort3A_56, %iota3A_53 masked %masked_sort3A : (vector<16xi32>, vector<16xi32>, vector<16xi1>) -> (vector<16xi1>, vector<16xi32>, vector<16xi32>)
        %masked_sort3A_60 = arith.xori %masked_sort3A_58, %masked_sort3A_55 : vector<16xi32>
        %swap3A = arith.constant 0 : index
        %swap3A_61 = tpu.vector_load %arg22[%swap3A] {strides = array<i32>} : memref<16xi32, #tpu.memory_space<vmem>>, vector<16xi32>,
        tpu.vector_store %arg22[%swap3A], %masked_sort3A_60 {strides = array<i32>} : memref<16xi32, #tpu.memory_space<vmem>>, vector<16xi32>,
        %add3A_62 = arith.constant 1 : i32
        %add3A_63 = vector.broadcast %add3A_62 : i32 to vector<16xi32>
        %add3A_64 = arith.addi %iota3A_53, %add3A_63 : vector<16xi32>
        %min3A = arith.constant 15 : i32
        %min3A_65 = vector.broadcast %min3A : i32 to vector<16xi32>
        %min3A_66 = arith.minsi %add3A_64, %min3A_65 : vector<16xi32>
        %gather3A_67 = tpu.vector_load_idx %arg22[%min3A_66] : memref<16xi32, #tpu.memory_space<vmem>>[vector<16xi32>], vector<16xi32>,
        %sub3A_68 = arith.constant 1 : i32
        %sub3A_69 = vector.broadcast %sub3A_68 : i32 to vector<16xi32>
        %sub3A_70 = arith.subi %iota3A_53, %sub3A_69 : vector<16xi32>
        %max3A = arith.constant 0 : i32
        %max3A_71 = vector.broadcast %max3A : i32 to vector<16xi32>
        %max3A_72 = arith.maxsi %sub3A_70, %max3A_71 : vector<16xi32>
        %gather3A_73 = tpu.vector_load_idx %arg22[%max3A_72] : memref<16xi32, #tpu.memory_space<vmem>>[vector<16xi32>], vector<16xi32>,
        %ne3A = arith.cmpi ne, %masked_sort3A_60, %gather3A_67 : vector<16xi32>
        %eq3A = arith.constant 15 : i32
        %eq3A_74 = vector.broadcast %eq3A : i32 to vector<16xi32>
        %eq3A_75 = arith.cmpi eq, %iota3A_53, %eq3A_74 : vector<16xi32>
        %or3A = arith.ori %ne3A, %eq3A_75 : vector<16xi1>
        %ne3A_76 = arith.cmpi ne, %masked_sort3A_60, %gather3A_73 : vector<16xi32>
        %eq3A_77 = arith.constant 0 : i32
        %eq3A_78 = vector.broadcast %eq3A_77 : i32 to vector<16xi32>
        %eq3A_79 = arith.cmpi eq, %iota3A_53, %eq3A_78 : vector<16xi32>
        %or3A_80 = arith.ori %ne3A_76, %eq3A_79 : vector<16xi1>
        %jit3A_81 = arith.constant -1 : i32
        %broadcast_in_dim3A = vector.broadcast %jit3A_81 : i32 to vector<16xi32>
        %select_n3A_82 = arith.select %or3A_80, %iota3A_53, %broadcast_in_dim3A : vector<16xi1>, vector<16xi32>
        %broadcast_in_dim3A_83 = arith.constant true
        %broadcast_in_dim3A_84 = vector.broadcast %broadcast_in_dim3A_83 : i1 to vector<16xi1>
        %masked_cummax3A = arith.constant -2147483648 : i32
        %masked_cummax3A_85 = vector.broadcast %masked_cummax3A : i32 to vector<16xi32>
        %masked_cummax3A_86 = arith.xori %select_n3A_82, %masked_cummax3A_85 : vector<16xi32>
        %masked_cummax3A_87 = tpu.scan <max>, %masked_cummax3A_86 masked %broadcast_in_dim3A_84 : vector<16xi32>, vector<16xi1> -> vector<16xi32>
        %masked_cummax3A_88 = arith.xori %masked_cummax3A_87, %masked_cummax3A_85 : vector<16xi32>
        %sub3A_89 = arith.constant 1 : i32
        %sub3A_90 = vector.broadcast %sub3A_89 : i32 to vector<16xi32>
        %sub3A_91 = arith.subi %masked_cummax3A_88, %sub3A_90 : vector<16xi32>
        %max3A_92 = arith.constant 0 : i32
        %max3A_93 = vector.broadcast %max3A_92 : i32 to vector<16xi32>
        %max3A_94 = arith.maxsi %sub3A_91, %max3A_93 : vector<16xi32>
        %gt3A_95 = arith.constant 0 : i32
        %gt3A_96 = vector.broadcast %gt3A_95 : i32 to vector<16xi32>
        %gt3A_97 = arith.cmpi sgt, %masked_cummax3A_88, %gt3A_96 : vector<16xi32>
        %swap3A_98 = arith.constant 0 : index
        %swap3A_99 = tpu.vector_load %arg23[%swap3A_98] {strides = array<i32>} : memref<16xf32, #tpu.memory_space<vmem>>, vector<16xf32>,
        tpu.vector_store %arg23[%swap3A_98], %exp3A {strides = array<i32>} : memref<16xf32, #tpu.memory_space<vmem>>, vector<16xf32>,
        %gather3A_100 = tpu.vector_load_idx %arg23[%masked_sort3A_59] : memref<16xf32, #tpu.memory_space<vmem>>[vector<16xi32>], vector<16xf32>,
        %broadcast_in_dim3A_101 = arith.constant true
        %broadcast_in_dim3A_102 = vector.broadcast %broadcast_in_dim3A_101 : i1 to vector<16xi1>
        %masked_cumsum3A = tpu.scan <sum>, %gather3A_100 masked %broadcast_in_dim3A_102 : vector<16xf32>, vector<16xi1> -> vector<16xf32>
        %swap3A_103 = arith.constant 0 : index
        %swap3A_104 = tpu.vector_load %arg24[%swap3A_103] {strides = array<i32>} : memref<16xf32, #tpu.memory_space<vmem>>, vector<16xf32>,
        tpu.vector_store %arg24[%swap3A_103], %masked_cumsum3A {strides = array<i32>} : memref<16xf32, #tpu.memory_space<vmem>>, vector<16xf32>,
        %gather3A_105 = tpu.vector_load_idx %arg24[%max3A_94] : memref<16xf32, #tpu.memory_space<vmem>>[vector<16xi32>], vector<16xf32>,
        %jit3A_106 = arith.constant 0.000000e+00 : f32
        %broadcast_in_dim3A_107 = vector.broadcast %jit3A_106 : f32 to vector<16xf32>
        %select_n3A_108 = arith.select %gt3A_97, %gather3A_105, %broadcast_in_dim3A_107 : vector<16xi1>, vector<16xf32>
        %sub3A_109 = arith.subf %masked_cumsum3A, %select_n3A_108 : vector<16xf32>
        tpu.vector_store_idx %arg16[%masked_sort3A_60], %sub3A_109 masked %or3A {add = true} : memref<10000xf32, #tpu.memory_space<vmem>>[vector<16xi32>], vector<16xf32>, vector<16xi1>
        %mul3A_110 = arith.mulf %exp3A, %get3A_43 : vector<16xf32>
        %mul3A_111 = arith.constant 16 : i32
        %mul3A_112 = arith.muli %scan3A_36, %mul3A_111 : i32
        %add3A_113 = vector.broadcast %mul3A_112 : i32 to vector<16xi32>
        %add3A_114 = arith.addi %iota3A, %add3A_113 : vector<16xi32>
        %broadcast_in_dim3A_115 = arith.constant 0 : i32
        %broadcast_in_dim3A_116 = vector.broadcast %broadcast_in_dim3A_115 : i32 to vector<16xi32>
        %gather3A_117 = tpu.vector_load_idx %arg20[%add3A_114, %broadcast_in_dim3A_116] : memref<128x64xf32, #tpu.memory_space<vmem>>[vector<16xi32>, vector<16xi32>], vector<16xf32>,
        %mul3A_118 = arith.mulf %gather3A_117, %mul3A_110 : vector<16xf32>
        tpu.vector_store_idx %arg21[%add3A_114, %broadcast_in_dim3A_116], %mul3A_118 : memref<128x64xf32, #tpu.memory_space<vmem>>[vector<16xi32>, vector<16xi32>], vector<16xf32>,
        %broadcast_in_dim3A_119 = arith.constant 1 : i32
        %broadcast_in_dim3A_120 = vector.broadcast %broadcast_in_dim3A_119 : i32 to vector<16xi32>
        %gather3A_121 = tpu.vector_load_idx %arg20[%add3A_114, %broadcast_in_dim3A_120] : memref<128x64xf32, #tpu.memory_space<vmem>>[vector<16xi32>, vector<16xi32>], vector<16xf32>,
        %mul3A_122 = arith.mulf %gather3A_121, %mul3A_110 : vector<16xf32>
        tpu.vector_store_idx %arg21[%add3A_114, %broadcast_in_dim3A_120], %mul3A_122 : memref<128x64xf32, #tpu.memory_space<vmem>>[vector<16xi32>, vector<16xi32>], vector<16xf32>,
        %broadcast_in_dim3A_123 = arith.constant 2 : i32
        %broadcast_in_dim3A_124 = vector.broadcast %broadcast_in_dim3A_123 : i32 to vector<16xi32>
        %gather3A_125 = tpu.vector_load_idx %arg20[%add3A_114, %broadcast_in_dim3A_124] : memref<128x64xf32, #tpu.memory_space<vmem>>[vector<16xi32>, vector<16xi32>], vector<16xf32>,
        %mul3A_126 = arith.mulf %gather3A_125, %mul3A_110 : vector<16xf32>
        tpu.vector_store_idx %arg21[%add3A_114, %broadcast_in_dim3A_124], %mul3A_126 : memref<128x64xf32, #tpu.memory_space<vmem>>[vector<16xi32>, vector<16xi32>], vector<16xf32>,
        %broadcast_in_dim3A_127 = arith.constant 3 : i32
        %broadcast_in_dim3A_128 = vector.broadcast %broadcast_in_dim3A_127 : i32 to vector<16xi32>
        %gather3A_129 = tpu.vector_load_idx %arg20[%add3A_114, %broadcast_in_dim3A_128] : memref<128x64xf32, #tpu.memory_space<vmem>>[vector<16xi32>, vector<16xi32>], vector<16xf32>,
        %mul3A_130 = arith.mulf %gather3A_129, %mul3A_110 : vector<16xf32>
        tpu.vector_store_idx %arg21[%add3A_114, %broadcast_in_dim3A_128], %mul3A_130 : memref<128x64xf32, #tpu.memory_space<vmem>>[vector<16xi32>, vector<16xi32>], vector<16xf32>,
        %broadcast_in_dim3A_131 = arith.constant 4 : i32
        %broadcast_in_dim3A_132 = vector.broadcast %broadcast_in_dim3A_131 : i32 to vector<16xi32>
        %gather3A_133 = tpu.vector_load_idx %arg20[%add3A_114, %broadcast_in_dim3A_132] : memref<128x64xf32, #tpu.memory_space<vmem>>[vector<16xi32>, vector<16xi32>], vector<16xf32>,
        %mul3A_134 = arith.mulf %gather3A_133, %mul3A_110 : vector<16xf32>
        tpu.vector_store_idx %arg21[%add3A_114, %broadcast_in_dim3A_132], %mul3A_134 : memref<128x64xf32, #tpu.memory_space<vmem>>[vector<16xi32>, vector<16xi32>], vector<16xf32>,
        %broadcast_in_dim3A_135 = arith.constant 5 : i32
        %broadcast_in_dim3A_136 = vector.broadcast %broadcast_in_dim3A_135 : i32 to vector<16xi32>
        %gather3A_137 = tpu.vector_load_idx %arg20[%add3A_114, %broadcast_in_dim3A_136] : memref<128x64xf32, #tpu.memory_space<vmem>>[vector<16xi32>, vector<16xi32>], vector<16xf32>,
        %mul3A_138 = arith.mulf %gather3A_137, %mul3A_110 : vector<16xf32>
        tpu.vector_store_idx %arg21[%add3A_114, %broadcast_in_dim3A_136], %mul3A_138 : memref<128x64xf32, #tpu.memory_space<vmem>>[vector<16xi32>, vector<16xi32>], vector<16xf32>,
        %broadcast_in_dim3A_139 = arith.constant 6 : i32
        %broadcast_in_dim3A_140 = vector.broadcast %broadcast_in_dim3A_139 : i32 to vector<16xi32>
        %gather3A_141 = tpu.vector_load_idx %arg20[%add3A_114, %broadcast_in_dim3A_140] : memref<128x64xf32, #tpu.memory_space<vmem>>[vector<16xi32>, vector<16xi32>], vector<16xf32>,
        %mul3A_142 = arith.mulf %gather3A_141, %mul3A_110 : vector<16xf32>
        tpu.vector_store_idx %arg21[%add3A_114, %broadcast_in_dim3A_140], %mul3A_142 : memref<128x64xf32, #tpu.memory_space<vmem>>[vector<16xi32>, vector<16xi32>], vector<16xf32>,
        %broadcast_in_dim3A_143 = arith.constant 7 : i32
        %broadcast_in_dim3A_144 = vector.broadcast %broadcast_in_dim3A_143 : i32 to vector<16xi32>
        %gather3A_145 = tpu.vector_load_idx %arg20[%add3A_114, %broadcast_in_dim3A_144] : memref<128x64xf32, #tpu.memory_space<vmem>>[vector<16xi32>, vector<16xi32>], vector<16xf32>,
        %mul3A_146 = arith.mulf %gather3A_145, %mul3A_110 : vector<16xf32>
        tpu.vector_store_idx %arg21[%add3A_114, %broadcast_in_dim3A_144], %mul3A_146 : memref<128x64xf32, #tpu.memory_space<vmem>>[vector<16xi32>, vector<16xi32>], vector<16xf32>,
        %broadcast_in_dim3A_147 = arith.constant 8 : i32
        %broadcast_in_dim3A_148 = vector.broadcast %broadcast_in_dim3A_147 : i32 to vector<16xi32>
        %gather3A_149 = tpu.vector_load_idx %arg20[%add3A_114, %broadcast_in_dim3A_148] : memref<128x64xf32, #tpu.memory_space<vmem>>[vector<16xi32>, vector<16xi32>], vector<16xf32>,
        %mul3A_150 = arith.mulf %gather3A_149, %mul3A_110 : vector<16xf32>
        tpu.vector_store_idx %arg21[%add3A_114, %broadcast_in_dim3A_148], %mul3A_150 : memref<128x64xf32, #tpu.memory_space<vmem>>[vector<16xi32>, vector<16xi32>], vector<16xf32>,
        %broadcast_in_dim3A_151 = arith.constant 9 : i32
        %broadcast_in_dim3A_152 = vector.broadcast %broadcast_in_dim3A_151 : i32 to vector<16xi32>
        %gather3A_153 = tpu.vector_load_idx %arg20[%add3A_114, %broadcast_in_dim3A_152] : memref<128x64xf32, #tpu.memory_space<vmem>>[vector<16xi32>, vector<16xi32>], vector<16xf32>,
        %mul3A_154 = arith.mulf %gather3A_153, %mul3A_110 : vector<16xf32>
        tpu.vector_store_idx %arg21[%add3A_114, %broadcast_in_dim3A_152], %mul3A_154 : memref<128x64xf32, #tpu.memory_space<vmem>>[vector<16xi32>, vector<16xi32>], vector<16xf32>,
        %broadcast_in_dim3A_155 = arith.constant 10 : i32
        %broadcast_in_dim3A_156 = vector.broadcast %broadcast_in_dim3A_155 : i32 to vector<16xi32>
        %gather3A_157 = tpu.vector_load_idx %arg20[%add3A_114, %broadcast_in_dim3A_156] : memref<128x64xf32, #tpu.memory_space<vmem>>[vector<16xi32>, vector<16xi32>], vector<16xf32>,
        %mul3A_158 = arith.mulf %gather3A_157, %mul3A_110 : vector<16xf32>
        tpu.vector_store_idx %arg21[%add3A_114, %broadcast_in_dim3A_156], %mul3A_158 : memref<128x64xf32, #tpu.memory_space<vmem>>[vector<16xi32>, vector<16xi32>], vector<16xf32>,
        %broadcast_in_dim3A_159 = arith.constant 11 : i32
        %broadcast_in_dim3A_160 = vector.broadcast %broadcast_in_dim3A_159 : i32 to vector<16xi32>
        %gather3A_161 = tpu.vector_load_idx %arg20[%add3A_114, %broadcast_in_dim3A_160] : memref<128x64xf32, #tpu.memory_space<vmem>>[vector<16xi32>, vector<16xi32>], vector<16xf32>,
        %mul3A_162 = arith.mulf %gather3A_161, %mul3A_110 : vector<16xf32>
        tpu.vector_store_idx %arg21[%add3A_114, %broadcast_in_dim3A_160], %mul3A_162 : memref<128x64xf32, #tpu.memory_space<vmem>>[vector<16xi32>, vector<16xi32>], vector<16xf32>,
        %broadcast_in_dim3A_163 = arith.constant 12 : i32
        %broadcast_in_dim3A_164 = vector.broadcast %broadcast_in_dim3A_163 : i32 to vector<16xi32>
        %gather3A_165 = tpu.vector_load_idx %arg20[%add3A_114, %broadcast_in_dim3A_164] : memref<128x64xf32, #tpu.memory_space<vmem>>[vector<16xi32>, vector<16xi32>], vector<16xf32>,
        %mul3A_166 = arith.mulf %gather3A_165, %mul3A_110 : vector<16xf32>
        tpu.vector_store_idx %arg21[%add3A_114, %broadcast_in_dim3A_164], %mul3A_166 : memref<128x64xf32, #tpu.memory_space<vmem>>[vector<16xi32>, vector<16xi32>], vector<16xf32>,
        %broadcast_in_dim3A_167 = arith.constant 13 : i32
        %broadcast_in_dim3A_168 = vector.broadcast %broadcast_in_dim3A_167 : i32 to vector<16xi32>
        %gather3A_169 = tpu.vector_load_idx %arg20[%add3A_114, %broadcast_in_dim3A_168] : memref<128x64xf32, #tpu.memory_space<vmem>>[vector<16xi32>, vector<16xi32>], vector<16xf32>,
        %mul3A_170 = arith.mulf %gather3A_169, %mul3A_110 : vector<16xf32>
        tpu.vector_store_idx %arg21[%add3A_114, %broadcast_in_dim3A_168], %mul3A_170 : memref<128x64xf32, #tpu.memory_space<vmem>>[vector<16xi32>, vector<16xi32>], vector<16xf32>,
        %broadcast_in_dim3A_171 = arith.constant 14 : i32
        %broadcast_in_dim3A_172 = vector.broadcast %broadcast_in_dim3A_171 : i32 to vector<16xi32>
        %gather3A_173 = tpu.vector_load_idx %arg20[%add3A_114, %broadcast_in_dim3A_172] : memref<128x64xf32, #tpu.memory_space<vmem>>[vector<16xi32>, vector<16xi32>], vector<16xf32>,
        %mul3A_174 = arith.mulf %gather3A_173, %mul3A_110 : vector<16xf32>
        tpu.vector_store_idx %arg21[%add3A_114, %broadcast_in_dim3A_172], %mul3A_174 : memref<128x64xf32, #tpu.memory_space<vmem>>[vector<16xi32>, vector<16xi32>], vector<16xf32>,
        %broadcast_in_dim3A_175 = arith.constant 15 : i32
        %broadcast_in_dim3A_176 = vector.broadcast %broadcast_in_dim3A_175 : i32 to vector<16xi32>
        %gather3A_177 = tpu.vector_load_idx %arg20[%add3A_114, %broadcast_in_dim3A_176] : memref<128x64xf32, #tpu.memory_space<vmem>>[vector<16xi32>, vector<16xi32>], vector<16xf32>,
        %mul3A_178 = arith.mulf %gather3A_177, %mul3A_110 : vector<16xf32>
        tpu.vector_store_idx %arg21[%add3A_114, %broadcast_in_dim3A_176], %mul3A_178 : memref<128x64xf32, #tpu.memory_space<vmem>>[vector<16xi32>, vector<16xi32>], vector<16xf32>,
        %broadcast_in_dim3A_179 = arith.constant 16 : i32
        %broadcast_in_dim3A_180 = vector.broadcast %broadcast_in_dim3A_179 : i32 to vector<16xi32>
        %gather3A_181 = tpu.vector_load_idx %arg20[%add3A_114, %broadcast_in_dim3A_180] : memref<128x64xf32, #tpu.memory_space<vmem>>[vector<16xi32>, vector<16xi32>], vector<16xf32>,
        %mul3A_182 = arith.mulf %gather3A_181, %mul3A_110 : vector<16xf32>
        tpu.vector_store_idx %arg21[%add3A_114, %broadcast_in_dim3A_180], %mul3A_182 : memref<128x64xf32, #tpu.memory_space<vmem>>[vector<16xi32>, vector<16xi32>], vector<16xf32>,
        %broadcast_in_dim3A_183 = arith.constant 17 : i32
        %broadcast_in_dim3A_184 = vector.broadcast %broadcast_in_dim3A_183 : i32 to vector<16xi32>
        %gather3A_185 = tpu.vector_load_idx %arg20[%add3A_114, %broadcast_in_dim3A_184] : memref<128x64xf32, #tpu.memory_space<vmem>>[vector<16xi32>, vector<16xi32>], vector<16xf32>,
        %mul3A_186 = arith.mulf %gather3A_185, %mul3A_110 : vector<16xf32>
        tpu.vector_store_idx %arg21[%add3A_114, %broadcast_in_dim3A_184], %mul3A_186 : memref<128x64xf32, #tpu.memory_space<vmem>>[vector<16xi32>, vector<16xi32>], vector<16xf32>,
        %broadcast_in_dim3A_187 = arith.constant 18 : i32
        %broadcast_in_dim3A_188 = vector.broadcast %broadcast_in_dim3A_187 : i32 to vector<16xi32>
        %gather3A_189 = tpu.vector_load_idx %arg20[%add3A_114, %broadcast_in_dim3A_188] : memref<128x64xf32, #tpu.memory_space<vmem>>[vector<16xi32>, vector<16xi32>], vector<16xf32>,
        %mul3A_190 = arith.mulf %gather3A_189, %mul3A_110 : vector<16xf32>
        tpu.vector_store_idx %arg21[%add3A_114, %broadcast_in_dim3A_188], %mul3A_190 : memref<128x64xf32, #tpu.memory_space<vmem>>[vector<16xi32>, vector<16xi32>], vector<16xf32>,
        %broadcast_in_dim3A_191 = arith.constant 19 : i32
        %broadcast_in_dim3A_192 = vector.broadcast %broadcast_in_dim3A_191 : i32 to vector<16xi32>
        %gather3A_193 = tpu.vector_load_idx %arg20[%add3A_114, %broadcast_in_dim3A_192] : memref<128x64xf32, #tpu.memory_space<vmem>>[vector<16xi32>, vector<16xi32>], vector<16xf32>,
        %mul3A_194 = arith.mulf %gather3A_193, %mul3A_110 : vector<16xf32>
        tpu.vector_store_idx %arg21[%add3A_114, %broadcast_in_dim3A_192], %mul3A_194 : memref<128x64xf32, #tpu.memory_space<vmem>>[vector<16xi32>, vector<16xi32>], vector<16xf32>,
        %broadcast_in_dim3A_195 = arith.constant 20 : i32
        %broadcast_in_dim3A_196 = vector.broadcast %broadcast_in_dim3A_195 : i32 to vector<16xi32>
        %gather3A_197 = tpu.vector_load_idx %arg20[%add3A_114, %broadcast_in_dim3A_196] : memref<128x64xf32, #tpu.memory_space<vmem>>[vector<16xi32>, vector<16xi32>], vector<16xf32>,
        %mul3A_198 = arith.mulf %gather3A_197, %mul3A_110 : vector<16xf32>
        tpu.vector_store_idx %arg21[%add3A_114, %broadcast_in_dim3A_196], %mul3A_198 : memref<128x64xf32, #tpu.memory_space<vmem>>[vector<16xi32>, vector<16xi32>], vector<16xf32>,
        %broadcast_in_dim3A_199 = arith.constant 21 : i32
        %broadcast_in_dim3A_200 = vector.broadcast %broadcast_in_dim3A_199 : i32 to vector<16xi32>
        %gather3A_201 = tpu.vector_load_idx %arg20[%add3A_114, %broadcast_in_dim3A_200] : memref<128x64xf32, #tpu.memory_space<vmem>>[vector<16xi32>, vector<16xi32>], vector<16xf32>,
        %mul3A_202 = arith.mulf %gather3A_201, %mul3A_110 : vector<16xf32>
        tpu.vector_store_idx %arg21[%add3A_114, %broadcast_in_dim3A_200], %mul3A_202 : memref<128x64xf32, #tpu.memory_space<vmem>>[vector<16xi32>, vector<16xi32>], vector<16xf32>,
        %broadcast_in_dim3A_203 = arith.constant 22 : i32
        %broadcast_in_dim3A_204 = vector.broadcast %broadcast_in_dim3A_203 : i32 to vector<16xi32>
        %gather3A_205 = tpu.vector_load_idx %arg20[%add3A_114, %broadcast_in_dim3A_204] : memref<128x64xf32, #tpu.memory_space<vmem>>[vector<16xi32>, vector<16xi32>], vector<16xf32>,
        %mul3A_206 = arith.mulf %gather3A_205, %mul3A_110 : vector<16xf32>
        tpu.vector_store_idx %arg21[%add3A_114, %broadcast_in_dim3A_204], %mul3A_206 : memref<128x64xf32, #tpu.memory_space<vmem>>[vector<16xi32>, vector<16xi32>], vector<16xf32>,
        %broadcast_in_dim3A_207 = arith.constant 23 : i32
        %broadcast_in_dim3A_208 = vector.broadcast %broadcast_in_dim3A_207 : i32 to vector<16xi32>
        %gather3A_209 = tpu.vector_load_idx %arg20[%add3A_114, %broadcast_in_dim3A_208] : memref<128x64xf32, #tpu.memory_space<vmem>>[vector<16xi32>, vector<16xi32>], vector<16xf32>,
        %mul3A_210 = arith.mulf %gather3A_209, %mul3A_110 : vector<16xf32>
        tpu.vector_store_idx %arg21[%add3A_114, %broadcast_in_dim3A_208], %mul3A_210 : memref<128x64xf32, #tpu.memory_space<vmem>>[vector<16xi32>, vector<16xi32>], vector<16xf32>,
        %broadcast_in_dim3A_211 = arith.constant 24 : i32
        %broadcast_in_dim3A_212 = vector.broadcast %broadcast_in_dim3A_211 : i32 to vector<16xi32>
        %gather3A_213 = tpu.vector_load_idx %arg20[%add3A_114, %broadcast_in_dim3A_212] : memref<128x64xf32, #tpu.memory_space<vmem>>[vector<16xi32>, vector<16xi32>], vector<16xf32>,
        %mul3A_214 = arith.mulf %gather3A_213, %mul3A_110 : vector<16xf32>
        tpu.vector_store_idx %arg21[%add3A_114, %broadcast_in_dim3A_212], %mul3A_214 : memref<128x64xf32, #tpu.memory_space<vmem>>[vector<16xi32>, vector<16xi32>], vector<16xf32>,
        %broadcast_in_dim3A_215 = arith.constant 25 : i32
        %broadcast_in_dim3A_216 = vector.broadcast %broadcast_in_dim3A_215 : i32 to vector<16xi32>
        %gather3A_217 = tpu.vector_load_idx %arg20[%add3A_114, %broadcast_in_dim3A_216] : memref<128x64xf32, #tpu.memory_space<vmem>>[vector<16xi32>, vector<16xi32>], vector<16xf32>,
        %mul3A_218 = arith.mulf %gather3A_217, %mul3A_110 : vector<16xf32>
        tpu.vector_store_idx %arg21[%add3A_114, %broadcast_in_dim3A_216], %mul3A_218 : memref<128x64xf32, #tpu.memory_space<vmem>>[vector<16xi32>, vector<16xi32>], vector<16xf32>,
        %broadcast_in_dim3A_219 = arith.constant 26 : i32
        %broadcast_in_dim3A_220 = vector.broadcast %broadcast_in_dim3A_219 : i32 to vector<16xi32>
        %gather3A_221 = tpu.vector_load_idx %arg20[%add3A_114, %broadcast_in_dim3A_220] : memref<128x64xf32, #tpu.memory_space<vmem>>[vector<16xi32>, vector<16xi32>], vector<16xf32>,
        %mul3A_222 = arith.mulf %gather3A_221, %mul3A_110 : vector<16xf32>
        tpu.vector_store_idx %arg21[%add3A_114, %broadcast_in_dim3A_220], %mul3A_222 : memref<128x64xf32, #tpu.memory_space<vmem>>[vector<16xi32>, vector<16xi32>], vector<16xf32>,
        %broadcast_in_dim3A_223 = arith.constant 27 : i32
        %broadcast_in_dim3A_224 = vector.broadcast %broadcast_in_dim3A_223 : i32 to vector<16xi32>
        %gather3A_225 = tpu.vector_load_idx %arg20[%add3A_114, %broadcast_in_dim3A_224] : memref<128x64xf32, #tpu.memory_space<vmem>>[vector<16xi32>, vector<16xi32>], vector<16xf32>,
        %mul3A_226 = arith.mulf %gather3A_225, %mul3A_110 : vector<16xf32>
        tpu.vector_store_idx %arg21[%add3A_114, %broadcast_in_dim3A_224], %mul3A_226 : memref<128x64xf32, #tpu.memory_space<vmem>>[vector<16xi32>, vector<16xi32>], vector<16xf32>,
        %broadcast_in_dim3A_227 = arith.constant 28 : i32
        %broadcast_in_dim3A_228 = vector.broadcast %broadcast_in_dim3A_227 : i32 to vector<16xi32>
        %gather3A_229 = tpu.vector_load_idx %arg20[%add3A_114, %broadcast_in_dim3A_228] : memref<128x64xf32, #tpu.memory_space<vmem>>[vector<16xi32>, vector<16xi32>], vector<16xf32>,
        %mul3A_230 = arith.mulf %gather3A_229, %mul3A_110 : vector<16xf32>
        tpu.vector_store_idx %arg21[%add3A_114, %broadcast_in_dim3A_228], %mul3A_230 : memref<128x64xf32, #tpu.memory_space<vmem>>[vector<16xi32>, vector<16xi32>], vector<16xf32>,
        %broadcast_in_dim3A_231 = arith.constant 29 : i32
        %broadcast_in_dim3A_232 = vector.broadcast %broadcast_in_dim3A_231 : i32 to vector<16xi32>
        %gather3A_233 = tpu.vector_load_idx %arg20[%add3A_114, %broadcast_in_dim3A_232] : memref<128x64xf32, #tpu.memory_space<vmem>>[vector<16xi32>, vector<16xi32>], vector<16xf32>,
        %mul3A_234 = arith.mulf %gather3A_233, %mul3A_110 : vector<16xf32>
        tpu.vector_store_idx %arg21[%add3A_114, %broadcast_in_dim3A_232], %mul3A_234 : memref<128x64xf32, #tpu.memory_space<vmem>>[vector<16xi32>, vector<16xi32>], vector<16xf32>,
        %broadcast_in_dim3A_235 = arith.constant 30 : i32
        %broadcast_in_dim3A_236 = vector.broadcast %broadcast_in_dim3A_235 : i32 to vector<16xi32>
        %gather3A_237 = tpu.vector_load_idx %arg20[%add3A_114, %broadcast_in_dim3A_236] : memref<128x64xf32, #tpu.memory_space<vmem>>[vector<16xi32>, vector<16xi32>], vector<16xf32>,
        %mul3A_238 = arith.mulf %gather3A_237, %mul3A_110 : vector<16xf32>
        tpu.vector_store_idx %arg21[%add3A_114, %broadcast_in_dim3A_236], %mul3A_238 : memref<128x64xf32, #tpu.memory_space<vmem>>[vector<16xi32>, vector<16xi32>], vector<16xf32>,
        %broadcast_in_dim3A_239 = arith.constant 31 : i32
        %broadcast_in_dim3A_240 = vector.broadcast %broadcast_in_dim3A_239 : i32 to vector<16xi32>
        %gather3A_241 = tpu.vector_load_idx %arg20[%add3A_114, %broadcast_in_dim3A_240] : memref<128x64xf32, #tpu.memory_space<vmem>>[vector<16xi32>, vector<16xi32>], vector<16xf32>,
        %mul3A_242 = arith.mulf %gather3A_241, %mul3A_110 : vector<16xf32>
        tpu.vector_store_idx %arg21[%add3A_114, %broadcast_in_dim3A_240], %mul3A_242 : memref<128x64xf32, #tpu.memory_space<vmem>>[vector<16xi32>, vector<16xi32>], vector<16xf32>,
        %broadcast_in_dim3A_243 = arith.constant 32 : i32
        %broadcast_in_dim3A_244 = vector.broadcast %broadcast_in_dim3A_243 : i32 to vector<16xi32>
        %gather3A_245 = tpu.vector_load_idx %arg20[%add3A_114, %broadcast_in_dim3A_244] : memref<128x64xf32, #tpu.memory_space<vmem>>[vector<16xi32>, vector<16xi32>], vector<16xf32>,
        %mul3A_246 = arith.mulf %gather3A_245, %mul3A_110 : vector<16xf32>
        tpu.vector_store_idx %arg21[%add3A_114, %broadcast_in_dim3A_244], %mul3A_246 : memref<128x64xf32, #tpu.memory_space<vmem>>[vector<16xi32>, vector<16xi32>], vector<16xf32>,
        %broadcast_in_dim3A_247 = arith.constant 33 : i32
        %broadcast_in_dim3A_248 = vector.broadcast %broadcast_in_dim3A_247 : i32 to vector<16xi32>
        %gather3A_249 = tpu.vector_load_idx %arg20[%add3A_114, %broadcast_in_dim3A_248] : memref<128x64xf32, #tpu.memory_space<vmem>>[vector<16xi32>, vector<16xi32>], vector<16xf32>,
        %mul3A_250 = arith.mulf %gather3A_249, %mul3A_110 : vector<16xf32>
        tpu.vector_store_idx %arg21[%add3A_114, %broadcast_in_dim3A_248], %mul3A_250 : memref<128x64xf32, #tpu.memory_space<vmem>>[vector<16xi32>, vector<16xi32>], vector<16xf32>,
        %broadcast_in_dim3A_251 = arith.constant 34 : i32
        %broadcast_in_dim3A_252 = vector.broadcast %broadcast_in_dim3A_251 : i32 to vector<16xi32>
        %gather3A_253 = tpu.vector_load_idx %arg20[%add3A_114, %broadcast_in_dim3A_252] : memref<128x64xf32, #tpu.memory_space<vmem>>[vector<16xi32>, vector<16xi32>], vector<16xf32>,
        %mul3A_254 = arith.mulf %gather3A_253, %mul3A_110 : vector<16xf32>
        tpu.vector_store_idx %arg21[%add3A_114, %broadcast_in_dim3A_252], %mul3A_254 : memref<128x64xf32, #tpu.memory_space<vmem>>[vector<16xi32>, vector<16xi32>], vector<16xf32>,
        %broadcast_in_dim3A_255 = arith.constant 35 : i32
        %broadcast_in_dim3A_256 = vector.broadcast %broadcast_in_dim3A_255 : i32 to vector<16xi32>
        %gather3A_257 = tpu.vector_load_idx %arg20[%add3A_114, %broadcast_in_dim3A_256] : memref<128x64xf32, #tpu.memory_space<vmem>>[vector<16xi32>, vector<16xi32>], vector<16xf32>,
        %mul3A_258 = arith.mulf %gather3A_257, %mul3A_110 : vector<16xf32>
        tpu.vector_store_idx %arg21[%add3A_114, %broadcast_in_dim3A_256], %mul3A_258 : memref<128x64xf32, #tpu.memory_space<vmem>>[vector<16xi32>, vector<16xi32>], vector<16xf32>,
        %broadcast_in_dim3A_259 = arith.constant 36 : i32
        %broadcast_in_dim3A_260 = vector.broadcast %broadcast_in_dim3A_259 : i32 to vector<16xi32>
        %gather3A_261 = tpu.vector_load_idx %arg20[%add3A_114, %broadcast_in_dim3A_260] : memref<128x64xf32, #tpu.memory_space<vmem>>[vector<16xi32>, vector<16xi32>], vector<16xf32>,
        %mul3A_262 = arith.mulf %gather3A_261, %mul3A_110 : vector<16xf32>
        tpu.vector_store_idx %arg21[%add3A_114, %broadcast_in_dim3A_260], %mul3A_262 : memref<128x64xf32, #tpu.memory_space<vmem>>[vector<16xi32>, vector<16xi32>], vector<16xf32>,
        %broadcast_in_dim3A_263 = arith.constant 37 : i32
        %broadcast_in_dim3A_264 = vector.broadcast %broadcast_in_dim3A_263 : i32 to vector<16xi32>
        %gather3A_265 = tpu.vector_load_idx %arg20[%add3A_114, %broadcast_in_dim3A_264] : memref<128x64xf32, #tpu.memory_space<vmem>>[vector<16xi32>, vector<16xi32>], vector<16xf32>,
        %mul3A_266 = arith.mulf %gather3A_265, %mul3A_110 : vector<16xf32>
        tpu.vector_store_idx %arg21[%add3A_114, %broadcast_in_dim3A_264], %mul3A_266 : memref<128x64xf32, #tpu.memory_space<vmem>>[vector<16xi32>, vector<16xi32>], vector<16xf32>,
        %broadcast_in_dim3A_267 = arith.constant 38 : i32
        %broadcast_in_dim3A_268 = vector.broadcast %broadcast_in_dim3A_267 : i32 to vector<16xi32>
        %gather3A_269 = tpu.vector_load_idx %arg20[%add3A_114, %broadcast_in_dim3A_268] : memref<128x64xf32, #tpu.memory_space<vmem>>[vector<16xi32>, vector<16xi32>], vector<16xf32>,
        %mul3A_270 = arith.mulf %gather3A_269, %mul3A_110 : vector<16xf32>
        tpu.vector_store_idx %arg21[%add3A_114, %broadcast_in_dim3A_268], %mul3A_270 : memref<128x64xf32, #tpu.memory_space<vmem>>[vector<16xi32>, vector<16xi32>], vector<16xf32>,
        %broadcast_in_dim3A_271 = arith.constant 39 : i32
        %broadcast_in_dim3A_272 = vector.broadcast %broadcast_in_dim3A_271 : i32 to vector<16xi32>
        %gather3A_273 = tpu.vector_load_idx %arg20[%add3A_114, %broadcast_in_dim3A_272] : memref<128x64xf32, #tpu.memory_space<vmem>>[vector<16xi32>, vector<16xi32>], vector<16xf32>,
        %mul3A_274 = arith.mulf %gather3A_273, %mul3A_110 : vector<16xf32>
        tpu.vector_store_idx %arg21[%add3A_114, %broadcast_in_dim3A_272], %mul3A_274 : memref<128x64xf32, #tpu.memory_space<vmem>>[vector<16xi32>, vector<16xi32>], vector<16xf32>,
        %broadcast_in_dim3A_275 = arith.constant 40 : i32
        %broadcast_in_dim3A_276 = vector.broadcast %broadcast_in_dim3A_275 : i32 to vector<16xi32>
        %gather3A_277 = tpu.vector_load_idx %arg20[%add3A_114, %broadcast_in_dim3A_276] : memref<128x64xf32, #tpu.memory_space<vmem>>[vector<16xi32>, vector<16xi32>], vector<16xf32>,
        %mul3A_278 = arith.mulf %gather3A_277, %mul3A_110 : vector<16xf32>
        tpu.vector_store_idx %arg21[%add3A_114, %broadcast_in_dim3A_276], %mul3A_278 : memref<128x64xf32, #tpu.memory_space<vmem>>[vector<16xi32>, vector<16xi32>], vector<16xf32>,
        %broadcast_in_dim3A_279 = arith.constant 41 : i32
        %broadcast_in_dim3A_280 = vector.broadcast %broadcast_in_dim3A_279 : i32 to vector<16xi32>
        %gather3A_281 = tpu.vector_load_idx %arg20[%add3A_114, %broadcast_in_dim3A_280] : memref<128x64xf32, #tpu.memory_space<vmem>>[vector<16xi32>, vector<16xi32>], vector<16xf32>,
        %mul3A_282 = arith.mulf %gather3A_281, %mul3A_110 : vector<16xf32>
        tpu.vector_store_idx %arg21[%add3A_114, %broadcast_in_dim3A_280], %mul3A_282 : memref<128x64xf32, #tpu.memory_space<vmem>>[vector<16xi32>, vector<16xi32>], vector<16xf32>,
        %broadcast_in_dim3A_283 = arith.constant 42 : i32
        %broadcast_in_dim3A_284 = vector.broadcast %broadcast_in_dim3A_283 : i32 to vector<16xi32>
        %gather3A_285 = tpu.vector_load_idx %arg20[%add3A_114, %broadcast_in_dim3A_284] : memref<128x64xf32, #tpu.memory_space<vmem>>[vector<16xi32>, vector<16xi32>], vector<16xf32>,
        %mul3A_286 = arith.mulf %gather3A_285, %mul3A_110 : vector<16xf32>
        tpu.vector_store_idx %arg21[%add3A_114, %broadcast_in_dim3A_284], %mul3A_286 : memref<128x64xf32, #tpu.memory_space<vmem>>[vector<16xi32>, vector<16xi32>], vector<16xf32>,
        %broadcast_in_dim3A_287 = arith.constant 43 : i32
        %broadcast_in_dim3A_288 = vector.broadcast %broadcast_in_dim3A_287 : i32 to vector<16xi32>
        %gather3A_289 = tpu.vector_load_idx %arg20[%add3A_114, %broadcast_in_dim3A_288] : memref<128x64xf32, #tpu.memory_space<vmem>>[vector<16xi32>, vector<16xi32>], vector<16xf32>,
        %mul3A_290 = arith.mulf %gather3A_289, %mul3A_110 : vector<16xf32>
        tpu.vector_store_idx %arg21[%add3A_114, %broadcast_in_dim3A_288], %mul3A_290 : memref<128x64xf32, #tpu.memory_space<vmem>>[vector<16xi32>, vector<16xi32>], vector<16xf32>,
        %broadcast_in_dim3A_291 = arith.constant 44 : i32
        %broadcast_in_dim3A_292 = vector.broadcast %broadcast_in_dim3A_291 : i32 to vector<16xi32>
        %gather3A_293 = tpu.vector_load_idx %arg20[%add3A_114, %broadcast_in_dim3A_292] : memref<128x64xf32, #tpu.memory_space<vmem>>[vector<16xi32>, vector<16xi32>], vector<16xf32>,
        %mul3A_294 = arith.mulf %gather3A_293, %mul3A_110 : vector<16xf32>
        tpu.vector_store_idx %arg21[%add3A_114, %broadcast_in_dim3A_292], %mul3A_294 : memref<128x64xf32, #tpu.memory_space<vmem>>[vector<16xi32>, vector<16xi32>], vector<16xf32>,
        %broadcast_in_dim3A_295 = arith.constant 45 : i32
        %broadcast_in_dim3A_296 = vector.broadcast %broadcast_in_dim3A_295 : i32 to vector<16xi32>
        %gather3A_297 = tpu.vector_load_idx %arg20[%add3A_114, %broadcast_in_dim3A_296] : memref<128x64xf32, #tpu.memory_space<vmem>>[vector<16xi32>, vector<16xi32>], vector<16xf32>,
        %mul3A_298 = arith.mulf %gather3A_297, %mul3A_110 : vector<16xf32>
        tpu.vector_store_idx %arg21[%add3A_114, %broadcast_in_dim3A_296], %mul3A_298 : memref<128x64xf32, #tpu.memory_space<vmem>>[vector<16xi32>, vector<16xi32>], vector<16xf32>,
        %broadcast_in_dim3A_299 = arith.constant 46 : i32
        %broadcast_in_dim3A_300 = vector.broadcast %broadcast_in_dim3A_299 : i32 to vector<16xi32>
        %gather3A_301 = tpu.vector_load_idx %arg20[%add3A_114, %broadcast_in_dim3A_300] : memref<128x64xf32, #tpu.memory_space<vmem>>[vector<16xi32>, vector<16xi32>], vector<16xf32>,
        %mul3A_302 = arith.mulf %gather3A_301, %mul3A_110 : vector<16xf32>
        tpu.vector_store_idx %arg21[%add3A_114, %broadcast_in_dim3A_300], %mul3A_302 : memref<128x64xf32, #tpu.memory_space<vmem>>[vector<16xi32>, vector<16xi32>], vector<16xf32>,
        %broadcast_in_dim3A_303 = arith.constant 47 : i32
        %broadcast_in_dim3A_304 = vector.broadcast %broadcast_in_dim3A_303 : i32 to vector<16xi32>
        %gather3A_305 = tpu.vector_load_idx %arg20[%add3A_114, %broadcast_in_dim3A_304] : memref<128x64xf32, #tpu.memory_space<vmem>>[vector<16xi32>, vector<16xi32>], vector<16xf32>,
        %mul3A_306 = arith.mulf %gather3A_305, %mul3A_110 : vector<16xf32>
        tpu.vector_store_idx %arg21[%add3A_114, %broadcast_in_dim3A_304], %mul3A_306 : memref<128x64xf32, #tpu.memory_space<vmem>>[vector<16xi32>, vector<16xi32>], vector<16xf32>,
        %broadcast_in_dim3A_307 = arith.constant 48 : i32
        %broadcast_in_dim3A_308 = vector.broadcast %broadcast_in_dim3A_307 : i32 to vector<16xi32>
        %gather3A_309 = tpu.vector_load_idx %arg20[%add3A_114, %broadcast_in_dim3A_308] : memref<128x64xf32, #tpu.memory_space<vmem>>[vector<16xi32>, vector<16xi32>], vector<16xf32>,
        %mul3A_310 = arith.mulf %gather3A_309, %mul3A_110 : vector<16xf32>
        tpu.vector_store_idx %arg21[%add3A_114, %broadcast_in_dim3A_308], %mul3A_310 : memref<128x64xf32, #tpu.memory_space<vmem>>[vector<16xi32>, vector<16xi32>], vector<16xf32>,
        %broadcast_in_dim3A_311 = arith.constant 49 : i32
        %broadcast_in_dim3A_312 = vector.broadcast %broadcast_in_dim3A_311 : i32 to vector<16xi32>
        %gather3A_313 = tpu.vector_load_idx %arg20[%add3A_114, %broadcast_in_dim3A_312] : memref<128x64xf32, #tpu.memory_space<vmem>>[vector<16xi32>, vector<16xi32>], vector<16xf32>,
        %mul3A_314 = arith.mulf %gather3A_313, %mul3A_110 : vector<16xf32>
        tpu.vector_store_idx %arg21[%add3A_114, %broadcast_in_dim3A_312], %mul3A_314 : memref<128x64xf32, #tpu.memory_space<vmem>>[vector<16xi32>, vector<16xi32>], vector<16xf32>,
        %broadcast_in_dim3A_315 = arith.constant 50 : i32
        %broadcast_in_dim3A_316 = vector.broadcast %broadcast_in_dim3A_315 : i32 to vector<16xi32>
        %gather3A_317 = tpu.vector_load_idx %arg20[%add3A_114, %broadcast_in_dim3A_316] : memref<128x64xf32, #tpu.memory_space<vmem>>[vector<16xi32>, vector<16xi32>], vector<16xf32>,
        %mul3A_318 = arith.mulf %gather3A_317, %mul3A_110 : vector<16xf32>
        tpu.vector_store_idx %arg21[%add3A_114, %broadcast_in_dim3A_316], %mul3A_318 : memref<128x64xf32, #tpu.memory_space<vmem>>[vector<16xi32>, vector<16xi32>], vector<16xf32>,
        %broadcast_in_dim3A_319 = arith.constant 51 : i32
        %broadcast_in_dim3A_320 = vector.broadcast %broadcast_in_dim3A_319 : i32 to vector<16xi32>
        %gather3A_321 = tpu.vector_load_idx %arg20[%add3A_114, %broadcast_in_dim3A_320] : memref<128x64xf32, #tpu.memory_space<vmem>>[vector<16xi32>, vector<16xi32>], vector<16xf32>,
        %mul3A_322 = arith.mulf %gather3A_321, %mul3A_110 : vector<16xf32>
        tpu.vector_store_idx %arg21[%add3A_114, %broadcast_in_dim3A_320], %mul3A_322 : memref<128x64xf32, #tpu.memory_space<vmem>>[vector<16xi32>, vector<16xi32>], vector<16xf32>,
        %broadcast_in_dim3A_323 = arith.constant 52 : i32
        %broadcast_in_dim3A_324 = vector.broadcast %broadcast_in_dim3A_323 : i32 to vector<16xi32>
        %gather3A_325 = tpu.vector_load_idx %arg20[%add3A_114, %broadcast_in_dim3A_324] : memref<128x64xf32, #tpu.memory_space<vmem>>[vector<16xi32>, vector<16xi32>], vector<16xf32>,
        %mul3A_326 = arith.mulf %gather3A_325, %mul3A_110 : vector<16xf32>
        tpu.vector_store_idx %arg21[%add3A_114, %broadcast_in_dim3A_324], %mul3A_326 : memref<128x64xf32, #tpu.memory_space<vmem>>[vector<16xi32>, vector<16xi32>], vector<16xf32>,
        %broadcast_in_dim3A_327 = arith.constant 53 : i32
        %broadcast_in_dim3A_328 = vector.broadcast %broadcast_in_dim3A_327 : i32 to vector<16xi32>
        %gather3A_329 = tpu.vector_load_idx %arg20[%add3A_114, %broadcast_in_dim3A_328] : memref<128x64xf32, #tpu.memory_space<vmem>>[vector<16xi32>, vector<16xi32>], vector<16xf32>,
        %mul3A_330 = arith.mulf %gather3A_329, %mul3A_110 : vector<16xf32>
        tpu.vector_store_idx %arg21[%add3A_114, %broadcast_in_dim3A_328], %mul3A_330 : memref<128x64xf32, #tpu.memory_space<vmem>>[vector<16xi32>, vector<16xi32>], vector<16xf32>,
        %broadcast_in_dim3A_331 = arith.constant 54 : i32
        %broadcast_in_dim3A_332 = vector.broadcast %broadcast_in_dim3A_331 : i32 to vector<16xi32>
        %gather3A_333 = tpu.vector_load_idx %arg20[%add3A_114, %broadcast_in_dim3A_332] : memref<128x64xf32, #tpu.memory_space<vmem>>[vector<16xi32>, vector<16xi32>], vector<16xf32>,
        %mul3A_334 = arith.mulf %gather3A_333, %mul3A_110 : vector<16xf32>
        tpu.vector_store_idx %arg21[%add3A_114, %broadcast_in_dim3A_332], %mul3A_334 : memref<128x64xf32, #tpu.memory_space<vmem>>[vector<16xi32>, vector<16xi32>], vector<16xf32>,
        %broadcast_in_dim3A_335 = arith.constant 55 : i32
        %broadcast_in_dim3A_336 = vector.broadcast %broadcast_in_dim3A_335 : i32 to vector<16xi32>
        %gather3A_337 = tpu.vector_load_idx %arg20[%add3A_114, %broadcast_in_dim3A_336] : memref<128x64xf32, #tpu.memory_space<vmem>>[vector<16xi32>, vector<16xi32>], vector<16xf32>,
        %mul3A_338 = arith.mulf %gather3A_337, %mul3A_110 : vector<16xf32>
        tpu.vector_store_idx %arg21[%add3A_114, %broadcast_in_dim3A_336], %mul3A_338 : memref<128x64xf32, #tpu.memory_space<vmem>>[vector<16xi32>, vector<16xi32>], vector<16xf32>,
        %broadcast_in_dim3A_339 = arith.constant 56 : i32
        %broadcast_in_dim3A_340 = vector.broadcast %broadcast_in_dim3A_339 : i32 to vector<16xi32>
        %gather3A_341 = tpu.vector_load_idx %arg20[%add3A_114, %broadcast_in_dim3A_340] : memref<128x64xf32, #tpu.memory_space<vmem>>[vector<16xi32>, vector<16xi32>], vector<16xf32>,
        %mul3A_342 = arith.mulf %gather3A_341, %mul3A_110 : vector<16xf32>
        tpu.vector_store_idx %arg21[%add3A_114, %broadcast_in_dim3A_340], %mul3A_342 : memref<128x64xf32, #tpu.memory_space<vmem>>[vector<16xi32>, vector<16xi32>], vector<16xf32>,
        %broadcast_in_dim3A_343 = arith.constant 57 : i32
        %broadcast_in_dim3A_344 = vector.broadcast %broadcast_in_dim3A_343 : i32 to vector<16xi32>
        %gather3A_345 = tpu.vector_load_idx %arg20[%add3A_114, %broadcast_in_dim3A_344] : memref<128x64xf32, #tpu.memory_space<vmem>>[vector<16xi32>, vector<16xi32>], vector<16xf32>,
        %mul3A_346 = arith.mulf %gather3A_345, %mul3A_110 : vector<16xf32>
        tpu.vector_store_idx %arg21[%add3A_114, %broadcast_in_dim3A_344], %mul3A_346 : memref<128x64xf32, #tpu.memory_space<vmem>>[vector<16xi32>, vector<16xi32>], vector<16xf32>,
        %broadcast_in_dim3A_347 = arith.constant 58 : i32
        %broadcast_in_dim3A_348 = vector.broadcast %broadcast_in_dim3A_347 : i32 to vector<16xi32>
        %gather3A_349 = tpu.vector_load_idx %arg20[%add3A_114, %broadcast_in_dim3A_348] : memref<128x64xf32, #tpu.memory_space<vmem>>[vector<16xi32>, vector<16xi32>], vector<16xf32>,
        %mul3A_350 = arith.mulf %gather3A_349, %mul3A_110 : vector<16xf32>
        tpu.vector_store_idx %arg21[%add3A_114, %broadcast_in_dim3A_348], %mul3A_350 : memref<128x64xf32, #tpu.memory_space<vmem>>[vector<16xi32>, vector<16xi32>], vector<16xf32>,
        %broadcast_in_dim3A_351 = arith.constant 59 : i32
        %broadcast_in_dim3A_352 = vector.broadcast %broadcast_in_dim3A_351 : i32 to vector<16xi32>
        %gather3A_353 = tpu.vector_load_idx %arg20[%add3A_114, %broadcast_in_dim3A_352] : memref<128x64xf32, #tpu.memory_space<vmem>>[vector<16xi32>, vector<16xi32>], vector<16xf32>,
        %mul3A_354 = arith.mulf %gather3A_353, %mul3A_110 : vector<16xf32>
        tpu.vector_store_idx %arg21[%add3A_114, %broadcast_in_dim3A_352], %mul3A_354 : memref<128x64xf32, #tpu.memory_space<vmem>>[vector<16xi32>, vector<16xi32>], vector<16xf32>,
        %broadcast_in_dim3A_355 = arith.constant 60 : i32
        %broadcast_in_dim3A_356 = vector.broadcast %broadcast_in_dim3A_355 : i32 to vector<16xi32>
        %gather3A_357 = tpu.vector_load_idx %arg20[%add3A_114, %broadcast_in_dim3A_356] : memref<128x64xf32, #tpu.memory_space<vmem>>[vector<16xi32>, vector<16xi32>], vector<16xf32>,
        %mul3A_358 = arith.mulf %gather3A_357, %mul3A_110 : vector<16xf32>
        tpu.vector_store_idx %arg21[%add3A_114, %broadcast_in_dim3A_356], %mul3A_358 : memref<128x64xf32, #tpu.memory_space<vmem>>[vector<16xi32>, vector<16xi32>], vector<16xf32>,
        %broadcast_in_dim3A_359 = arith.constant 61 : i32
        %broadcast_in_dim3A_360 = vector.broadcast %broadcast_in_dim3A_359 : i32 to vector<16xi32>
        %gather3A_361 = tpu.vector_load_idx %arg20[%add3A_114, %broadcast_in_dim3A_360] : memref<128x64xf32, #tpu.memory_space<vmem>>[vector<16xi32>, vector<16xi32>], vector<16xf32>,
        %mul3A_362 = arith.mulf %gather3A_361, %mul3A_110 : vector<16xf32>
        tpu.vector_store_idx %arg21[%add3A_114, %broadcast_in_dim3A_360], %mul3A_362 : memref<128x64xf32, #tpu.memory_space<vmem>>[vector<16xi32>, vector<16xi32>], vector<16xf32>,
        %broadcast_in_dim3A_363 = arith.constant 62 : i32
        %broadcast_in_dim3A_364 = vector.broadcast %broadcast_in_dim3A_363 : i32 to vector<16xi32>
        %gather3A_365 = tpu.vector_load_idx %arg20[%add3A_114, %broadcast_in_dim3A_364] : memref<128x64xf32, #tpu.memory_space<vmem>>[vector<16xi32>, vector<16xi32>], vector<16xf32>,
        %mul3A_366 = arith.mulf %gather3A_365, %mul3A_110 : vector<16xf32>
        tpu.vector_store_idx %arg21[%add3A_114, %broadcast_in_dim3A_364], %mul3A_366 : memref<128x64xf32, #tpu.memory_space<vmem>>[vector<16xi32>, vector<16xi32>], vector<16xf32>,
        %broadcast_in_dim3A_367 = arith.constant 63 : i32
        %broadcast_in_dim3A_368 = vector.broadcast %broadcast_in_dim3A_367 : i32 to vector<16xi32>
        %gather3A_369 = tpu.vector_load_idx %arg20[%add3A_114, %broadcast_in_dim3A_368] : memref<128x64xf32, #tpu.memory_space<vmem>>[vector<16xi32>, vector<16xi32>], vector<16xf32>,
        %mul3A_370 = arith.mulf %gather3A_369, %mul3A_110 : vector<16xf32>
        tpu.vector_store_idx %arg21[%add3A_114, %broadcast_in_dim3A_368], %mul3A_370 : memref<128x64xf32, #tpu.memory_space<vmem>>[vector<16xi32>, vector<16xi32>], vector<16xf32>,
      }
      %scan3A_35 = arith.constant 8 : i32
      "tpu.region"() ({
        %run_scoped3A = tpu.sem_alloc : memref<!tpu.dma_semaphore, #tpu.memory_space<semaphore_mem>>
        %dma_start3A = arith.constant 0 : i32
        %dma_start3A_36 = arith.constant 0 : i32
        %dma_start3A_37 = tpu.memref_slice %arg25[%dma_start3A, %dma_start3A_36] : memref<10000x64xf32, #tpu.memory_space<vmem_shared>> -> memref<10000x64xf32, #tpu.memory_space<vmem_shared>>
        tpu.enqueue_indirect_dma source(%arg21 : memref<128x64xf32, #tpu.memory_space<vmem>>) target(%dma_start3A_37 : memref<10000x64xf32, #tpu.memory_space<vmem_shared>>) offsets(%arg18 : memref<128xi32, #tpu.memory_space<vmem>>) semaphore(%run_scoped3A : memref<!tpu.dma_semaphore, #tpu.memory_space<semaphore_mem>>) {add = true}
        %dma_wait3A = arith.constant 0 : i32
        %dma_wait3A_38 = arith.constant 0 : i32
        %dma_wait3A_39 = tpu.memref_slice %arg25[%dma_wait3A, %dma_wait3A_38] : memref<10000x64xf32, #tpu.memory_space<vmem_shared>> -> memref<10000x64xf32, #tpu.memory_space<vmem_shared>>
        tpu.wait_indirect_dma semaphore(%run_scoped3A : memref<!tpu.dma_semaphore, #tpu.memory_space<semaphore_mem>>) src(%arg21 : memref<128x64xf32, #tpu.memory_space<vmem>>) dst(%dma_wait3A_39 : memref<10000x64xf32, #tpu.memory_space<vmem_shared>>)
        tpu.yield
      }) : () -> ()
    }
    %while3A_16 = arith.constant 1 : i32
    scf.for %while3A_25 = %while3A_14 to %while3A_10 step %while3A_16  : i32 {
      %mul3A_26 = arith.constant 32 : i32
      %mul3A_27 = arith.muli %while3A_25, %mul3A_26 : i32
      %add3A_28 = arith.addi %add3A, %mul3A_27 : i32
      %mul3A_29 = arith.constant 128 : i32
      %mul3A_30 = arith.muli %add3A_28, %mul3A_29 : i32
      "tpu.region"() ({
        %run_scoped3A = tpu.sem_alloc : memref<!tpu.dma_semaphore, #tpu.memory_space<semaphore_mem>>
        %dma_start3A = tpu.memref_slice %arg2[%mul3A_30] : memref<320000xi32, #tpu.memory_space<hbm>> -> memref<128xi32, #tpu.memory_space<hbm>>
        %dma_start3A_36 = tpu.memref_slice %arg2[%mul3A_30] : memref<320000xi32, #tpu.memory_space<hbm>> -> memref<128xi32, #tpu.memory_space<hbm>>
        tpu.enqueue_dma source(%dma_start3A_36 : memref<128xi32, #tpu.memory_space<hbm>>) target(%arg17 : memref<128xi32, #tpu.memory_space<vmem>>) target_semaphore(%run_scoped3A : memref<!tpu.dma_semaphore, #tpu.memory_space<semaphore_mem>>)
        %dma_wait3A = tpu.memref_slice %arg2[%mul3A_30] : memref<320000xi32, #tpu.memory_space<hbm>> -> memref<128xi32, #tpu.memory_space<hbm>>
        %dma_wait3A_37 = tpu.memref_slice %arg2[%mul3A_30] : memref<320000xi32, #tpu.memory_space<hbm>> -> memref<128xi32, #tpu.memory_space<hbm>>
        tpu.wait_dma2 semaphore(%run_scoped3A : memref<!tpu.dma_semaphore, #tpu.memory_space<semaphore_mem>>) src(%dma_wait3A_37 : memref<128xi32, #tpu.memory_space<hbm>>) dst(%arg17 : memref<128xi32, #tpu.memory_space<vmem>>)
        tpu.yield
      }) : () -> ()
      "tpu.region"() ({
        %run_scoped3A = tpu.sem_alloc : memref<!tpu.dma_semaphore, #tpu.memory_space<semaphore_mem>>
        %dma_start3A = tpu.memref_slice %arg3[%mul3A_30] : memref<320000xi32, #tpu.memory_space<hbm>> -> memref<128xi32, #tpu.memory_space<hbm>>
        %dma_start3A_36 = tpu.memref_slice %arg3[%mul3A_30] : memref<320000xi32, #tpu.memory_space<hbm>> -> memref<128xi32, #tpu.memory_space<hbm>>
        tpu.enqueue_dma source(%dma_start3A_36 : memref<128xi32, #tpu.memory_space<hbm>>) target(%arg18 : memref<128xi32, #tpu.memory_space<vmem>>) target_semaphore(%run_scoped3A : memref<!tpu.dma_semaphore, #tpu.memory_space<semaphore_mem>>)
        %dma_wait3A = tpu.memref_slice %arg3[%mul3A_30] : memref<320000xi32, #tpu.memory_space<hbm>> -> memref<128xi32, #tpu.memory_space<hbm>>
        %dma_wait3A_37 = tpu.memref_slice %arg3[%mul3A_30] : memref<320000xi32, #tpu.memory_space<hbm>> -> memref<128xi32, #tpu.memory_space<hbm>>
        tpu.wait_dma2 semaphore(%run_scoped3A : memref<!tpu.dma_semaphore, #tpu.memory_space<semaphore_mem>>) src(%dma_wait3A_37 : memref<128xi32, #tpu.memory_space<hbm>>) dst(%arg18 : memref<128xi32, #tpu.memory_space<vmem>>)
        tpu.yield
      }) : () -> ()
      "tpu.region"() ({
        %run_scoped3A = tpu.sem_alloc : memref<!tpu.dma_semaphore, #tpu.memory_space<semaphore_mem>>
        %dma_start3A = tpu.memref_slice %arg4[%mul3A_30] : memref<320000xf32, #tpu.memory_space<hbm>> -> memref<128xf32, #tpu.memory_space<hbm>>
        %dma_start3A_36 = tpu.memref_slice %arg4[%mul3A_30] : memref<320000xf32, #tpu.memory_space<hbm>> -> memref<128xf32, #tpu.memory_space<hbm>>
        tpu.enqueue_dma source(%dma_start3A_36 : memref<128xf32, #tpu.memory_space<hbm>>) target(%arg19 : memref<128xf32, #tpu.memory_space<vmem>>) target_semaphore(%run_scoped3A : memref<!tpu.dma_semaphore, #tpu.memory_space<semaphore_mem>>)
        %dma_wait3A = tpu.memref_slice %arg4[%mul3A_30] : memref<320000xf32, #tpu.memory_space<hbm>> -> memref<128xf32, #tpu.memory_space<hbm>>
        %dma_wait3A_37 = tpu.memref_slice %arg4[%mul3A_30] : memref<320000xf32, #tpu.memory_space<hbm>> -> memref<128xf32, #tpu.memory_space<hbm>>
        tpu.wait_dma2 semaphore(%run_scoped3A : memref<!tpu.dma_semaphore, #tpu.memory_space<semaphore_mem>>) src(%dma_wait3A_37 : memref<128xf32, #tpu.memory_space<hbm>>) dst(%arg19 : memref<128xf32, #tpu.memory_space<vmem>>)
        tpu.yield
      }) : () -> ()
      "tpu.region"() ({
        %run_scoped3A = tpu.sem_alloc : memref<!tpu.dma_semaphore, #tpu.memory_space<semaphore_mem>>
        %dma_start3A = arith.constant 0 : i32
        %dma_start3A_36 = arith.constant 0 : i32
        %dma_start3A_37 = tpu.memref_slice %arg8[%dma_start3A, %dma_start3A_36] : memref<10000x64xf32, #tpu.memory_space<hbm>> -> memref<10000x64xf32, #tpu.memory_space<hbm>>
        tpu.enqueue_indirect_dma source(%dma_start3A_37 : memref<10000x64xf32, #tpu.memory_space<hbm>>) target(%arg20 : memref<128x64xf32, #tpu.memory_space<vmem>>) offsets(%arg17 : memref<128xi32, #tpu.memory_space<vmem>>) semaphore(%run_scoped3A : memref<!tpu.dma_semaphore, #tpu.memory_space<semaphore_mem>>)
        %dma_wait3A = arith.constant 0 : i32
        %dma_wait3A_38 = arith.constant 0 : i32
        %dma_wait3A_39 = tpu.memref_slice %arg8[%dma_wait3A, %dma_wait3A_38] : memref<10000x64xf32, #tpu.memory_space<hbm>> -> memref<10000x64xf32, #tpu.memory_space<hbm>>
        tpu.wait_indirect_dma semaphore(%run_scoped3A : memref<!tpu.dma_semaphore, #tpu.memory_space<semaphore_mem>>) src(%dma_wait3A_39 : memref<10000x64xf32, #tpu.memory_space<hbm>>) dst(%arg20 : memref<128x64xf32, #tpu.memory_space<vmem>>)
        tpu.yield
      }) : () -> ()
      %scan3A = arith.constant 0 : i32
      %scan3A_31 = arith.constant 0 : i32
      %scan3A_32 = arith.constant 8 : i32
      %scan3A_33 = arith.addi %scan3A_31, %scan3A_32 : i32
      %scan3A_34 = arith.constant 1 : i32
      scf.for %scan3A_36 = %scan3A_31 to %scan3A_33 step %scan3A_34  : i32 {
        %mul3A_37 = arith.constant 16 : i32
        %mul3A_38 = arith.muli %scan3A_36, %mul3A_37 : i32
        %get3A = arith.index_cast %mul3A_38 : i32 to index
        %get3A_39 = tpu.vector_load %arg17[%get3A] {strides = array<i32>} : memref<128xi32, #tpu.memory_space<vmem>>, vector<16xi32>,
        %get3A_40 = arith.index_cast %mul3A_38 : i32 to index
        %get3A_41 = tpu.vector_load %arg18[%get3A_40] {strides = array<i32>} : memref<128xi32, #tpu.memory_space<vmem>>, vector<16xi32>,
        %get3A_42 = arith.index_cast %mul3A_38 : i32 to index
        %get3A_43 = tpu.vector_load %arg19[%get3A_42] {strides = array<i32>} : memref<128xf32, #tpu.memory_space<vmem>>, vector<16xf32>,
        %gather3A = tpu.vector_load_idx %arg13[%get3A_39] : memref<10000xf32, #tpu.memory_space<vmem>>[vector<16xi32>], vector<16xf32>,
        %gather3A_44 = tpu.vector_load_idx %arg14[%get3A_41] : memref<10000xf32, #tpu.memory_space<vmem>>[vector<16xi32>], vector<16xf32>,
        %gather3A_45 = tpu.vector_load_idx %arg15[%get3A_41] : memref<10000xf32, #tpu.memory_space<vmem>>[vector<16xi32>], vector<16xf32>,
        %add3A_46 = arith.addf %gather3A, %gather3A_44 : vector<16xf32>
        %gt3A = arith.constant 0.000000e+00 : f32
        %gt3A_47 = vector.broadcast %gt3A : f32 to vector<16xf32>
        %gt3A_48 = arith.cmpf ogt, %add3A_46, %gt3A_47 : vector<16xf32>
        %mul3A_49 = arith.constant 2.000000e-01 : f32
        %mul3A_50 = vector.broadcast %mul3A_49 : f32 to vector<16xf32>
        %mul3A_51 = arith.mulf %add3A_46, %mul3A_50 : vector<16xf32>
        %select_n3A_52 = arith.select %gt3A_48, %add3A_46, %mul3A_51 : vector<16xi1>, vector<16xf32>
        %sub3A = arith.subf %select_n3A_52, %gather3A_45 : vector<16xf32>
        %exp3A = math.exp %sub3A : vector<16xf32>
        %iota3A_53 = tpu.iota {dimensions = array<i32: 0>} : vector<16xi32>
        %masked_sort3A = arith.constant dense<true> : vector<16xi1>
        %masked_sort3A_54 = arith.constant -2147483648 : i32
        %masked_sort3A_55 = vector.broadcast %masked_sort3A_54 : i32 to vector<16xi32>
        %masked_sort3A_56 = arith.xori %get3A_41, %masked_sort3A_55 : vector<16xi32>
        %masked_sort3A_57, %masked_sort3A_58, %masked_sort3A_59 = tpu.sort %masked_sort3A_56, %iota3A_53 masked %masked_sort3A : (vector<16xi32>, vector<16xi32>, vector<16xi1>) -> (vector<16xi1>, vector<16xi32>, vector<16xi32>)
        %masked_sort3A_60 = arith.xori %masked_sort3A_58, %masked_sort3A_55 : vector<16xi32>
        %swap3A = arith.constant 0 : index
        %swap3A_61 = tpu.vector_load %arg22[%swap3A] {strides = array<i32>} : memref<16xi32, #tpu.memory_space<vmem>>, vector<16xi32>,
        tpu.vector_store %arg22[%swap3A], %masked_sort3A_60 {strides = array<i32>} : memref<16xi32, #tpu.memory_space<vmem>>, vector<16xi32>,
        %add3A_62 = arith.constant 1 : i32
        %add3A_63 = vector.broadcast %add3A_62 : i32 to vector<16xi32>
        %add3A_64 = arith.addi %iota3A_53, %add3A_63 : vector<16xi32>
        %min3A = arith.constant 15 : i32
        %min3A_65 = vector.broadcast %min3A : i32 to vector<16xi32>
        %min3A_66 = arith.minsi %add3A_64, %min3A_65 : vector<16xi32>
        %gather3A_67 = tpu.vector_load_idx %arg22[%min3A_66] : memref<16xi32, #tpu.memory_space<vmem>>[vector<16xi32>], vector<16xi32>,
        %sub3A_68 = arith.constant 1 : i32
        %sub3A_69 = vector.broadcast %sub3A_68 : i32 to vector<16xi32>
        %sub3A_70 = arith.subi %iota3A_53, %sub3A_69 : vector<16xi32>
        %max3A = arith.constant 0 : i32
        %max3A_71 = vector.broadcast %max3A : i32 to vector<16xi32>
        %max3A_72 = arith.maxsi %sub3A_70, %max3A_71 : vector<16xi32>
        %gather3A_73 = tpu.vector_load_idx %arg22[%max3A_72] : memref<16xi32, #tpu.memory_space<vmem>>[vector<16xi32>], vector<16xi32>,
        %ne3A = arith.cmpi ne, %masked_sort3A_60, %gather3A_67 : vector<16xi32>
        %eq3A = arith.constant 15 : i32
        %eq3A_74 = vector.broadcast %eq3A : i32 to vector<16xi32>
        %eq3A_75 = arith.cmpi eq, %iota3A_53, %eq3A_74 : vector<16xi32>
        %or3A = arith.ori %ne3A, %eq3A_75 : vector<16xi1>
        %ne3A_76 = arith.cmpi ne, %masked_sort3A_60, %gather3A_73 : vector<16xi32>
        %eq3A_77 = arith.constant 0 : i32
        %eq3A_78 = vector.broadcast %eq3A_77 : i32 to vector<16xi32>
        %eq3A_79 = arith.cmpi eq, %iota3A_53, %eq3A_78 : vector<16xi32>
        %or3A_80 = arith.ori %ne3A_76, %eq3A_79 : vector<16xi1>
        %jit3A_81 = arith.constant -1 : i32
        %broadcast_in_dim3A = vector.broadcast %jit3A_81 : i32 to vector<16xi32>
        %select_n3A_82 = arith.select %or3A_80, %iota3A_53, %broadcast_in_dim3A : vector<16xi1>, vector<16xi32>
        %broadcast_in_dim3A_83 = arith.constant true
        %broadcast_in_dim3A_84 = vector.broadcast %broadcast_in_dim3A_83 : i1 to vector<16xi1>
        %masked_cummax3A = arith.constant -2147483648 : i32
        %masked_cummax3A_85 = vector.broadcast %masked_cummax3A : i32 to vector<16xi32>
        %masked_cummax3A_86 = arith.xori %select_n3A_82, %masked_cummax3A_85 : vector<16xi32>
        %masked_cummax3A_87 = tpu.scan <max>, %masked_cummax3A_86 masked %broadcast_in_dim3A_84 : vector<16xi32>, vector<16xi1> -> vector<16xi32>
        %masked_cummax3A_88 = arith.xori %masked_cummax3A_87, %masked_cummax3A_85 : vector<16xi32>
        %sub3A_89 = arith.constant 1 : i32
        %sub3A_90 = vector.broadcast %sub3A_89 : i32 to vector<16xi32>
        %sub3A_91 = arith.subi %masked_cummax3A_88, %sub3A_90 : vector<16xi32>
        %max3A_92 = arith.constant 0 : i32
        %max3A_93 = vector.broadcast %max3A_92 : i32 to vector<16xi32>
        %max3A_94 = arith.maxsi %sub3A_91, %max3A_93 : vector<16xi32>
        %gt3A_95 = arith.constant 0 : i32
        %gt3A_96 = vector.broadcast %gt3A_95 : i32 to vector<16xi32>
        %gt3A_97 = arith.cmpi sgt, %masked_cummax3A_88, %gt3A_96 : vector<16xi32>
        %swap3A_98 = arith.constant 0 : index
        %swap3A_99 = tpu.vector_load %arg23[%swap3A_98] {strides = array<i32>} : memref<16xf32, #tpu.memory_space<vmem>>, vector<16xf32>,
        tpu.vector_store %arg23[%swap3A_98], %exp3A {strides = array<i32>} : memref<16xf32, #tpu.memory_space<vmem>>, vector<16xf32>,
        %gather3A_100 = tpu.vector_load_idx %arg23[%masked_sort3A_59] : memref<16xf32, #tpu.memory_space<vmem>>[vector<16xi32>], vector<16xf32>,
        %broadcast_in_dim3A_101 = arith.constant true
        %broadcast_in_dim3A_102 = vector.broadcast %broadcast_in_dim3A_101 : i1 to vector<16xi1>
        %masked_cumsum3A = tpu.scan <sum>, %gather3A_100 masked %broadcast_in_dim3A_102 : vector<16xf32>, vector<16xi1> -> vector<16xf32>
        %swap3A_103 = arith.constant 0 : index
        %swap3A_104 = tpu.vector_load %arg24[%swap3A_103] {strides = array<i32>} : memref<16xf32, #tpu.memory_space<vmem>>, vector<16xf32>,
        tpu.vector_store %arg24[%swap3A_103], %masked_cumsum3A {strides = array<i32>} : memref<16xf32, #tpu.memory_space<vmem>>, vector<16xf32>,
        %gather3A_105 = tpu.vector_load_idx %arg24[%max3A_94] : memref<16xf32, #tpu.memory_space<vmem>>[vector<16xi32>], vector<16xf32>,
        %jit3A_106 = arith.constant 0.000000e+00 : f32
        %broadcast_in_dim3A_107 = vector.broadcast %jit3A_106 : f32 to vector<16xf32>
        %select_n3A_108 = arith.select %gt3A_97, %gather3A_105, %broadcast_in_dim3A_107 : vector<16xi1>, vector<16xf32>
        %sub3A_109 = arith.subf %masked_cumsum3A, %select_n3A_108 : vector<16xf32>
        tpu.vector_store_idx %arg16[%masked_sort3A_60], %sub3A_109 masked %or3A {add = true} : memref<10000xf32, #tpu.memory_space<vmem>>[vector<16xi32>], vector<16xf32>, vector<16xi1>
        %mul3A_110 = arith.mulf %exp3A, %get3A_43 : vector<16xf32>
        %mul3A_111 = arith.constant 16 : i32
        %mul3A_112 = arith.muli %scan3A_36, %mul3A_111 : i32
        %add3A_113 = vector.broadcast %mul3A_112 : i32 to vector<16xi32>
        %add3A_114 = arith.addi %iota3A, %add3A_113 : vector<16xi32>
        %broadcast_in_dim3A_115 = arith.constant 0 : i32
        %broadcast_in_dim3A_116 = vector.broadcast %broadcast_in_dim3A_115 : i32 to vector<16xi32>
        %gather3A_117 = tpu.vector_load_idx %arg20[%add3A_114, %broadcast_in_dim3A_116] : memref<128x64xf32, #tpu.memory_space<vmem>>[vector<16xi32>, vector<16xi32>], vector<16xf32>,
        %mul3A_118 = arith.mulf %gather3A_117, %mul3A_110 : vector<16xf32>
        tpu.vector_store_idx %arg21[%add3A_114, %broadcast_in_dim3A_116], %mul3A_118 : memref<128x64xf32, #tpu.memory_space<vmem>>[vector<16xi32>, vector<16xi32>], vector<16xf32>,
        %broadcast_in_dim3A_119 = arith.constant 1 : i32
        %broadcast_in_dim3A_120 = vector.broadcast %broadcast_in_dim3A_119 : i32 to vector<16xi32>
        %gather3A_121 = tpu.vector_load_idx %arg20[%add3A_114, %broadcast_in_dim3A_120] : memref<128x64xf32, #tpu.memory_space<vmem>>[vector<16xi32>, vector<16xi32>], vector<16xf32>,
        %mul3A_122 = arith.mulf %gather3A_121, %mul3A_110 : vector<16xf32>
        tpu.vector_store_idx %arg21[%add3A_114, %broadcast_in_dim3A_120], %mul3A_122 : memref<128x64xf32, #tpu.memory_space<vmem>>[vector<16xi32>, vector<16xi32>], vector<16xf32>,
        %broadcast_in_dim3A_123 = arith.constant 2 : i32
        %broadcast_in_dim3A_124 = vector.broadcast %broadcast_in_dim3A_123 : i32 to vector<16xi32>
        %gather3A_125 = tpu.vector_load_idx %arg20[%add3A_114, %broadcast_in_dim3A_124] : memref<128x64xf32, #tpu.memory_space<vmem>>[vector<16xi32>, vector<16xi32>], vector<16xf32>,
        %mul3A_126 = arith.mulf %gather3A_125, %mul3A_110 : vector<16xf32>
        tpu.vector_store_idx %arg21[%add3A_114, %broadcast_in_dim3A_124], %mul3A_126 : memref<128x64xf32, #tpu.memory_space<vmem>>[vector<16xi32>, vector<16xi32>], vector<16xf32>,
        %broadcast_in_dim3A_127 = arith.constant 3 : i32
        %broadcast_in_dim3A_128 = vector.broadcast %broadcast_in_dim3A_127 : i32 to vector<16xi32>
        %gather3A_129 = tpu.vector_load_idx %arg20[%add3A_114, %broadcast_in_dim3A_128] : memref<128x64xf32, #tpu.memory_space<vmem>>[vector<16xi32>, vector<16xi32>], vector<16xf32>,
        %mul3A_130 = arith.mulf %gather3A_129, %mul3A_110 : vector<16xf32>
        tpu.vector_store_idx %arg21[%add3A_114, %broadcast_in_dim3A_128], %mul3A_130 : memref<128x64xf32, #tpu.memory_space<vmem>>[vector<16xi32>, vector<16xi32>], vector<16xf32>,
        %broadcast_in_dim3A_131 = arith.constant 4 : i32
        %broadcast_in_dim3A_132 = vector.broadcast %broadcast_in_dim3A_131 : i32 to vector<16xi32>
        %gather3A_133 = tpu.vector_load_idx %arg20[%add3A_114, %broadcast_in_dim3A_132] : memref<128x64xf32, #tpu.memory_space<vmem>>[vector<16xi32>, vector<16xi32>], vector<16xf32>,
        %mul3A_134 = arith.mulf %gather3A_133, %mul3A_110 : vector<16xf32>
        tpu.vector_store_idx %arg21[%add3A_114, %broadcast_in_dim3A_132], %mul3A_134 : memref<128x64xf32, #tpu.memory_space<vmem>>[vector<16xi32>, vector<16xi32>], vector<16xf32>,
        %broadcast_in_dim3A_135 = arith.constant 5 : i32
        %broadcast_in_dim3A_136 = vector.broadcast %broadcast_in_dim3A_135 : i32 to vector<16xi32>
        %gather3A_137 = tpu.vector_load_idx %arg20[%add3A_114, %broadcast_in_dim3A_136] : memref<128x64xf32, #tpu.memory_space<vmem>>[vector<16xi32>, vector<16xi32>], vector<16xf32>,
        %mul3A_138 = arith.mulf %gather3A_137, %mul3A_110 : vector<16xf32>
        tpu.vector_store_idx %arg21[%add3A_114, %broadcast_in_dim3A_136], %mul3A_138 : memref<128x64xf32, #tpu.memory_space<vmem>>[vector<16xi32>, vector<16xi32>], vector<16xf32>,
        %broadcast_in_dim3A_139 = arith.constant 6 : i32
        %broadcast_in_dim3A_140 = vector.broadcast %broadcast_in_dim3A_139 : i32 to vector<16xi32>
        %gather3A_141 = tpu.vector_load_idx %arg20[%add3A_114, %broadcast_in_dim3A_140] : memref<128x64xf32, #tpu.memory_space<vmem>>[vector<16xi32>, vector<16xi32>], vector<16xf32>,
        %mul3A_142 = arith.mulf %gather3A_141, %mul3A_110 : vector<16xf32>
        tpu.vector_store_idx %arg21[%add3A_114, %broadcast_in_dim3A_140], %mul3A_142 : memref<128x64xf32, #tpu.memory_space<vmem>>[vector<16xi32>, vector<16xi32>], vector<16xf32>,
        %broadcast_in_dim3A_143 = arith.constant 7 : i32
        %broadcast_in_dim3A_144 = vector.broadcast %broadcast_in_dim3A_143 : i32 to vector<16xi32>
        %gather3A_145 = tpu.vector_load_idx %arg20[%add3A_114, %broadcast_in_dim3A_144] : memref<128x64xf32, #tpu.memory_space<vmem>>[vector<16xi32>, vector<16xi32>], vector<16xf32>,
        %mul3A_146 = arith.mulf %gather3A_145, %mul3A_110 : vector<16xf32>
        tpu.vector_store_idx %arg21[%add3A_114, %broadcast_in_dim3A_144], %mul3A_146 : memref<128x64xf32, #tpu.memory_space<vmem>>[vector<16xi32>, vector<16xi32>], vector<16xf32>,
        %broadcast_in_dim3A_147 = arith.constant 8 : i32
        %broadcast_in_dim3A_148 = vector.broadcast %broadcast_in_dim3A_147 : i32 to vector<16xi32>
        %gather3A_149 = tpu.vector_load_idx %arg20[%add3A_114, %broadcast_in_dim3A_148] : memref<128x64xf32, #tpu.memory_space<vmem>>[vector<16xi32>, vector<16xi32>], vector<16xf32>,
        %mul3A_150 = arith.mulf %gather3A_149, %mul3A_110 : vector<16xf32>
        tpu.vector_store_idx %arg21[%add3A_114, %broadcast_in_dim3A_148], %mul3A_150 : memref<128x64xf32, #tpu.memory_space<vmem>>[vector<16xi32>, vector<16xi32>], vector<16xf32>,
        %broadcast_in_dim3A_151 = arith.constant 9 : i32
        %broadcast_in_dim3A_152 = vector.broadcast %broadcast_in_dim3A_151 : i32 to vector<16xi32>
        %gather3A_153 = tpu.vector_load_idx %arg20[%add3A_114, %broadcast_in_dim3A_152] : memref<128x64xf32, #tpu.memory_space<vmem>>[vector<16xi32>, vector<16xi32>], vector<16xf32>,
        %mul3A_154 = arith.mulf %gather3A_153, %mul3A_110 : vector<16xf32>
        tpu.vector_store_idx %arg21[%add3A_114, %broadcast_in_dim3A_152], %mul3A_154 : memref<128x64xf32, #tpu.memory_space<vmem>>[vector<16xi32>, vector<16xi32>], vector<16xf32>,
        %broadcast_in_dim3A_155 = arith.constant 10 : i32
        %broadcast_in_dim3A_156 = vector.broadcast %broadcast_in_dim3A_155 : i32 to vector<16xi32>
        %gather3A_157 = tpu.vector_load_idx %arg20[%add3A_114, %broadcast_in_dim3A_156] : memref<128x64xf32, #tpu.memory_space<vmem>>[vector<16xi32>, vector<16xi32>], vector<16xf32>,
        %mul3A_158 = arith.mulf %gather3A_157, %mul3A_110 : vector<16xf32>
        tpu.vector_store_idx %arg21[%add3A_114, %broadcast_in_dim3A_156], %mul3A_158 : memref<128x64xf32, #tpu.memory_space<vmem>>[vector<16xi32>, vector<16xi32>], vector<16xf32>,
        %broadcast_in_dim3A_159 = arith.constant 11 : i32
        %broadcast_in_dim3A_160 = vector.broadcast %broadcast_in_dim3A_159 : i32 to vector<16xi32>
        %gather3A_161 = tpu.vector_load_idx %arg20[%add3A_114, %broadcast_in_dim3A_160] : memref<128x64xf32, #tpu.memory_space<vmem>>[vector<16xi32>, vector<16xi32>], vector<16xf32>,
        %mul3A_162 = arith.mulf %gather3A_161, %mul3A_110 : vector<16xf32>
        tpu.vector_store_idx %arg21[%add3A_114, %broadcast_in_dim3A_160], %mul3A_162 : memref<128x64xf32, #tpu.memory_space<vmem>>[vector<16xi32>, vector<16xi32>], vector<16xf32>,
        %broadcast_in_dim3A_163 = arith.constant 12 : i32
        %broadcast_in_dim3A_164 = vector.broadcast %broadcast_in_dim3A_163 : i32 to vector<16xi32>
        %gather3A_165 = tpu.vector_load_idx %arg20[%add3A_114, %broadcast_in_dim3A_164] : memref<128x64xf32, #tpu.memory_space<vmem>>[vector<16xi32>, vector<16xi32>], vector<16xf32>,
        %mul3A_166 = arith.mulf %gather3A_165, %mul3A_110 : vector<16xf32>
        tpu.vector_store_idx %arg21[%add3A_114, %broadcast_in_dim3A_164], %mul3A_166 : memref<128x64xf32, #tpu.memory_space<vmem>>[vector<16xi32>, vector<16xi32>], vector<16xf32>,
        %broadcast_in_dim3A_167 = arith.constant 13 : i32
        %broadcast_in_dim3A_168 = vector.broadcast %broadcast_in_dim3A_167 : i32 to vector<16xi32>
        %gather3A_169 = tpu.vector_load_idx %arg20[%add3A_114, %broadcast_in_dim3A_168] : memref<128x64xf32, #tpu.memory_space<vmem>>[vector<16xi32>, vector<16xi32>], vector<16xf32>,
        %mul3A_170 = arith.mulf %gather3A_169, %mul3A_110 : vector<16xf32>
        tpu.vector_store_idx %arg21[%add3A_114, %broadcast_in_dim3A_168], %mul3A_170 : memref<128x64xf32, #tpu.memory_space<vmem>>[vector<16xi32>, vector<16xi32>], vector<16xf32>,
        %broadcast_in_dim3A_171 = arith.constant 14 : i32
        %broadcast_in_dim3A_172 = vector.broadcast %broadcast_in_dim3A_171 : i32 to vector<16xi32>
        %gather3A_173 = tpu.vector_load_idx %arg20[%add3A_114, %broadcast_in_dim3A_172] : memref<128x64xf32, #tpu.memory_space<vmem>>[vector<16xi32>, vector<16xi32>], vector<16xf32>,
        %mul3A_174 = arith.mulf %gather3A_173, %mul3A_110 : vector<16xf32>
        tpu.vector_store_idx %arg21[%add3A_114, %broadcast_in_dim3A_172], %mul3A_174 : memref<128x64xf32, #tpu.memory_space<vmem>>[vector<16xi32>, vector<16xi32>], vector<16xf32>,
        %broadcast_in_dim3A_175 = arith.constant 15 : i32
        %broadcast_in_dim3A_176 = vector.broadcast %broadcast_in_dim3A_175 : i32 to vector<16xi32>
        %gather3A_177 = tpu.vector_load_idx %arg20[%add3A_114, %broadcast_in_dim3A_176] : memref<128x64xf32, #tpu.memory_space<vmem>>[vector<16xi32>, vector<16xi32>], vector<16xf32>,
        %mul3A_178 = arith.mulf %gather3A_177, %mul3A_110 : vector<16xf32>
        tpu.vector_store_idx %arg21[%add3A_114, %broadcast_in_dim3A_176], %mul3A_178 : memref<128x64xf32, #tpu.memory_space<vmem>>[vector<16xi32>, vector<16xi32>], vector<16xf32>,
        %broadcast_in_dim3A_179 = arith.constant 16 : i32
        %broadcast_in_dim3A_180 = vector.broadcast %broadcast_in_dim3A_179 : i32 to vector<16xi32>
        %gather3A_181 = tpu.vector_load_idx %arg20[%add3A_114, %broadcast_in_dim3A_180] : memref<128x64xf32, #tpu.memory_space<vmem>>[vector<16xi32>, vector<16xi32>], vector<16xf32>,
        %mul3A_182 = arith.mulf %gather3A_181, %mul3A_110 : vector<16xf32>
        tpu.vector_store_idx %arg21[%add3A_114, %broadcast_in_dim3A_180], %mul3A_182 : memref<128x64xf32, #tpu.memory_space<vmem>>[vector<16xi32>, vector<16xi32>], vector<16xf32>,
        %broadcast_in_dim3A_183 = arith.constant 17 : i32
        %broadcast_in_dim3A_184 = vector.broadcast %broadcast_in_dim3A_183 : i32 to vector<16xi32>
        %gather3A_185 = tpu.vector_load_idx %arg20[%add3A_114, %broadcast_in_dim3A_184] : memref<128x64xf32, #tpu.memory_space<vmem>>[vector<16xi32>, vector<16xi32>], vector<16xf32>,
        %mul3A_186 = arith.mulf %gather3A_185, %mul3A_110 : vector<16xf32>
        tpu.vector_store_idx %arg21[%add3A_114, %broadcast_in_dim3A_184], %mul3A_186 : memref<128x64xf32, #tpu.memory_space<vmem>>[vector<16xi32>, vector<16xi32>], vector<16xf32>,
        %broadcast_in_dim3A_187 = arith.constant 18 : i32
        %broadcast_in_dim3A_188 = vector.broadcast %broadcast_in_dim3A_187 : i32 to vector<16xi32>
        %gather3A_189 = tpu.vector_load_idx %arg20[%add3A_114, %broadcast_in_dim3A_188] : memref<128x64xf32, #tpu.memory_space<vmem>>[vector<16xi32>, vector<16xi32>], vector<16xf32>,
        %mul3A_190 = arith.mulf %gather3A_189, %mul3A_110 : vector<16xf32>
        tpu.vector_store_idx %arg21[%add3A_114, %broadcast_in_dim3A_188], %mul3A_190 : memref<128x64xf32, #tpu.memory_space<vmem>>[vector<16xi32>, vector<16xi32>], vector<16xf32>,
        %broadcast_in_dim3A_191 = arith.constant 19 : i32
        %broadcast_in_dim3A_192 = vector.broadcast %broadcast_in_dim3A_191 : i32 to vector<16xi32>
        %gather3A_193 = tpu.vector_load_idx %arg20[%add3A_114, %broadcast_in_dim3A_192] : memref<128x64xf32, #tpu.memory_space<vmem>>[vector<16xi32>, vector<16xi32>], vector<16xf32>,
        %mul3A_194 = arith.mulf %gather3A_193, %mul3A_110 : vector<16xf32>
        tpu.vector_store_idx %arg21[%add3A_114, %broadcast_in_dim3A_192], %mul3A_194 : memref<128x64xf32, #tpu.memory_space<vmem>>[vector<16xi32>, vector<16xi32>], vector<16xf32>,
        %broadcast_in_dim3A_195 = arith.constant 20 : i32
        %broadcast_in_dim3A_196 = vector.broadcast %broadcast_in_dim3A_195 : i32 to vector<16xi32>
        %gather3A_197 = tpu.vector_load_idx %arg20[%add3A_114, %broadcast_in_dim3A_196] : memref<128x64xf32, #tpu.memory_space<vmem>>[vector<16xi32>, vector<16xi32>], vector<16xf32>,
        %mul3A_198 = arith.mulf %gather3A_197, %mul3A_110 : vector<16xf32>
        tpu.vector_store_idx %arg21[%add3A_114, %broadcast_in_dim3A_196], %mul3A_198 : memref<128x64xf32, #tpu.memory_space<vmem>>[vector<16xi32>, vector<16xi32>], vector<16xf32>,
        %broadcast_in_dim3A_199 = arith.constant 21 : i32
        %broadcast_in_dim3A_200 = vector.broadcast %broadcast_in_dim3A_199 : i32 to vector<16xi32>
        %gather3A_201 = tpu.vector_load_idx %arg20[%add3A_114, %broadcast_in_dim3A_200] : memref<128x64xf32, #tpu.memory_space<vmem>>[vector<16xi32>, vector<16xi32>], vector<16xf32>,
        %mul3A_202 = arith.mulf %gather3A_201, %mul3A_110 : vector<16xf32>
        tpu.vector_store_idx %arg21[%add3A_114, %broadcast_in_dim3A_200], %mul3A_202 : memref<128x64xf32, #tpu.memory_space<vmem>>[vector<16xi32>, vector<16xi32>], vector<16xf32>,
        %broadcast_in_dim3A_203 = arith.constant 22 : i32
        %broadcast_in_dim3A_204 = vector.broadcast %broadcast_in_dim3A_203 : i32 to vector<16xi32>
        %gather3A_205 = tpu.vector_load_idx %arg20[%add3A_114, %broadcast_in_dim3A_204] : memref<128x64xf32, #tpu.memory_space<vmem>>[vector<16xi32>, vector<16xi32>], vector<16xf32>,
        %mul3A_206 = arith.mulf %gather3A_205, %mul3A_110 : vector<16xf32>
        tpu.vector_store_idx %arg21[%add3A_114, %broadcast_in_dim3A_204], %mul3A_206 : memref<128x64xf32, #tpu.memory_space<vmem>>[vector<16xi32>, vector<16xi32>], vector<16xf32>,
        %broadcast_in_dim3A_207 = arith.constant 23 : i32
        %broadcast_in_dim3A_208 = vector.broadcast %broadcast_in_dim3A_207 : i32 to vector<16xi32>
        %gather3A_209 = tpu.vector_load_idx %arg20[%add3A_114, %broadcast_in_dim3A_208] : memref<128x64xf32, #tpu.memory_space<vmem>>[vector<16xi32>, vector<16xi32>], vector<16xf32>,
        %mul3A_210 = arith.mulf %gather3A_209, %mul3A_110 : vector<16xf32>
        tpu.vector_store_idx %arg21[%add3A_114, %broadcast_in_dim3A_208], %mul3A_210 : memref<128x64xf32, #tpu.memory_space<vmem>>[vector<16xi32>, vector<16xi32>], vector<16xf32>,
        %broadcast_in_dim3A_211 = arith.constant 24 : i32
        %broadcast_in_dim3A_212 = vector.broadcast %broadcast_in_dim3A_211 : i32 to vector<16xi32>
        %gather3A_213 = tpu.vector_load_idx %arg20[%add3A_114, %broadcast_in_dim3A_212] : memref<128x64xf32, #tpu.memory_space<vmem>>[vector<16xi32>, vector<16xi32>], vector<16xf32>,
        %mul3A_214 = arith.mulf %gather3A_213, %mul3A_110 : vector<16xf32>
        tpu.vector_store_idx %arg21[%add3A_114, %broadcast_in_dim3A_212], %mul3A_214 : memref<128x64xf32, #tpu.memory_space<vmem>>[vector<16xi32>, vector<16xi32>], vector<16xf32>,
        %broadcast_in_dim3A_215 = arith.constant 25 : i32
        %broadcast_in_dim3A_216 = vector.broadcast %broadcast_in_dim3A_215 : i32 to vector<16xi32>
        %gather3A_217 = tpu.vector_load_idx %arg20[%add3A_114, %broadcast_in_dim3A_216] : memref<128x64xf32, #tpu.memory_space<vmem>>[vector<16xi32>, vector<16xi32>], vector<16xf32>,
        %mul3A_218 = arith.mulf %gather3A_217, %mul3A_110 : vector<16xf32>
        tpu.vector_store_idx %arg21[%add3A_114, %broadcast_in_dim3A_216], %mul3A_218 : memref<128x64xf32, #tpu.memory_space<vmem>>[vector<16xi32>, vector<16xi32>], vector<16xf32>,
        %broadcast_in_dim3A_219 = arith.constant 26 : i32
        %broadcast_in_dim3A_220 = vector.broadcast %broadcast_in_dim3A_219 : i32 to vector<16xi32>
        %gather3A_221 = tpu.vector_load_idx %arg20[%add3A_114, %broadcast_in_dim3A_220] : memref<128x64xf32, #tpu.memory_space<vmem>>[vector<16xi32>, vector<16xi32>], vector<16xf32>,
        %mul3A_222 = arith.mulf %gather3A_221, %mul3A_110 : vector<16xf32>
        tpu.vector_store_idx %arg21[%add3A_114, %broadcast_in_dim3A_220], %mul3A_222 : memref<128x64xf32, #tpu.memory_space<vmem>>[vector<16xi32>, vector<16xi32>], vector<16xf32>,
        %broadcast_in_dim3A_223 = arith.constant 27 : i32
        %broadcast_in_dim3A_224 = vector.broadcast %broadcast_in_dim3A_223 : i32 to vector<16xi32>
        %gather3A_225 = tpu.vector_load_idx %arg20[%add3A_114, %broadcast_in_dim3A_224] : memref<128x64xf32, #tpu.memory_space<vmem>>[vector<16xi32>, vector<16xi32>], vector<16xf32>,
        %mul3A_226 = arith.mulf %gather3A_225, %mul3A_110 : vector<16xf32>
        tpu.vector_store_idx %arg21[%add3A_114, %broadcast_in_dim3A_224], %mul3A_226 : memref<128x64xf32, #tpu.memory_space<vmem>>[vector<16xi32>, vector<16xi32>], vector<16xf32>,
        %broadcast_in_dim3A_227 = arith.constant 28 : i32
        %broadcast_in_dim3A_228 = vector.broadcast %broadcast_in_dim3A_227 : i32 to vector<16xi32>
        %gather3A_229 = tpu.vector_load_idx %arg20[%add3A_114, %broadcast_in_dim3A_228] : memref<128x64xf32, #tpu.memory_space<vmem>>[vector<16xi32>, vector<16xi32>], vector<16xf32>,
        %mul3A_230 = arith.mulf %gather3A_229, %mul3A_110 : vector<16xf32>
        tpu.vector_store_idx %arg21[%add3A_114, %broadcast_in_dim3A_228], %mul3A_230 : memref<128x64xf32, #tpu.memory_space<vmem>>[vector<16xi32>, vector<16xi32>], vector<16xf32>,
        %broadcast_in_dim3A_231 = arith.constant 29 : i32
        %broadcast_in_dim3A_232 = vector.broadcast %broadcast_in_dim3A_231 : i32 to vector<16xi32>
        %gather3A_233 = tpu.vector_load_idx %arg20[%add3A_114, %broadcast_in_dim3A_232] : memref<128x64xf32, #tpu.memory_space<vmem>>[vector<16xi32>, vector<16xi32>], vector<16xf32>,
        %mul3A_234 = arith.mulf %gather3A_233, %mul3A_110 : vector<16xf32>
        tpu.vector_store_idx %arg21[%add3A_114, %broadcast_in_dim3A_232], %mul3A_234 : memref<128x64xf32, #tpu.memory_space<vmem>>[vector<16xi32>, vector<16xi32>], vector<16xf32>,
        %broadcast_in_dim3A_235 = arith.constant 30 : i32
        %broadcast_in_dim3A_236 = vector.broadcast %broadcast_in_dim3A_235 : i32 to vector<16xi32>
        %gather3A_237 = tpu.vector_load_idx %arg20[%add3A_114, %broadcast_in_dim3A_236] : memref<128x64xf32, #tpu.memory_space<vmem>>[vector<16xi32>, vector<16xi32>], vector<16xf32>,
        %mul3A_238 = arith.mulf %gather3A_237, %mul3A_110 : vector<16xf32>
        tpu.vector_store_idx %arg21[%add3A_114, %broadcast_in_dim3A_236], %mul3A_238 : memref<128x64xf32, #tpu.memory_space<vmem>>[vector<16xi32>, vector<16xi32>], vector<16xf32>,
        %broadcast_in_dim3A_239 = arith.constant 31 : i32
        %broadcast_in_dim3A_240 = vector.broadcast %broadcast_in_dim3A_239 : i32 to vector<16xi32>
        %gather3A_241 = tpu.vector_load_idx %arg20[%add3A_114, %broadcast_in_dim3A_240] : memref<128x64xf32, #tpu.memory_space<vmem>>[vector<16xi32>, vector<16xi32>], vector<16xf32>,
        %mul3A_242 = arith.mulf %gather3A_241, %mul3A_110 : vector<16xf32>
        tpu.vector_store_idx %arg21[%add3A_114, %broadcast_in_dim3A_240], %mul3A_242 : memref<128x64xf32, #tpu.memory_space<vmem>>[vector<16xi32>, vector<16xi32>], vector<16xf32>,
        %broadcast_in_dim3A_243 = arith.constant 32 : i32
        %broadcast_in_dim3A_244 = vector.broadcast %broadcast_in_dim3A_243 : i32 to vector<16xi32>
        %gather3A_245 = tpu.vector_load_idx %arg20[%add3A_114, %broadcast_in_dim3A_244] : memref<128x64xf32, #tpu.memory_space<vmem>>[vector<16xi32>, vector<16xi32>], vector<16xf32>,
        %mul3A_246 = arith.mulf %gather3A_245, %mul3A_110 : vector<16xf32>
        tpu.vector_store_idx %arg21[%add3A_114, %broadcast_in_dim3A_244], %mul3A_246 : memref<128x64xf32, #tpu.memory_space<vmem>>[vector<16xi32>, vector<16xi32>], vector<16xf32>,
        %broadcast_in_dim3A_247 = arith.constant 33 : i32
        %broadcast_in_dim3A_248 = vector.broadcast %broadcast_in_dim3A_247 : i32 to vector<16xi32>
        %gather3A_249 = tpu.vector_load_idx %arg20[%add3A_114, %broadcast_in_dim3A_248] : memref<128x64xf32, #tpu.memory_space<vmem>>[vector<16xi32>, vector<16xi32>], vector<16xf32>,
        %mul3A_250 = arith.mulf %gather3A_249, %mul3A_110 : vector<16xf32>
        tpu.vector_store_idx %arg21[%add3A_114, %broadcast_in_dim3A_248], %mul3A_250 : memref<128x64xf32, #tpu.memory_space<vmem>>[vector<16xi32>, vector<16xi32>], vector<16xf32>,
        %broadcast_in_dim3A_251 = arith.constant 34 : i32
        %broadcast_in_dim3A_252 = vector.broadcast %broadcast_in_dim3A_251 : i32 to vector<16xi32>
        %gather3A_253 = tpu.vector_load_idx %arg20[%add3A_114, %broadcast_in_dim3A_252] : memref<128x64xf32, #tpu.memory_space<vmem>>[vector<16xi32>, vector<16xi32>], vector<16xf32>,
        %mul3A_254 = arith.mulf %gather3A_253, %mul3A_110 : vector<16xf32>
        tpu.vector_store_idx %arg21[%add3A_114, %broadcast_in_dim3A_252], %mul3A_254 : memref<128x64xf32, #tpu.memory_space<vmem>>[vector<16xi32>, vector<16xi32>], vector<16xf32>,
        %broadcast_in_dim3A_255 = arith.constant 35 : i32
        %broadcast_in_dim3A_256 = vector.broadcast %broadcast_in_dim3A_255 : i32 to vector<16xi32>
        %gather3A_257 = tpu.vector_load_idx %arg20[%add3A_114, %broadcast_in_dim3A_256] : memref<128x64xf32, #tpu.memory_space<vmem>>[vector<16xi32>, vector<16xi32>], vector<16xf32>,
        %mul3A_258 = arith.mulf %gather3A_257, %mul3A_110 : vector<16xf32>
        tpu.vector_store_idx %arg21[%add3A_114, %broadcast_in_dim3A_256], %mul3A_258 : memref<128x64xf32, #tpu.memory_space<vmem>>[vector<16xi32>, vector<16xi32>], vector<16xf32>,
        %broadcast_in_dim3A_259 = arith.constant 36 : i32
        %broadcast_in_dim3A_260 = vector.broadcast %broadcast_in_dim3A_259 : i32 to vector<16xi32>
        %gather3A_261 = tpu.vector_load_idx %arg20[%add3A_114, %broadcast_in_dim3A_260] : memref<128x64xf32, #tpu.memory_space<vmem>>[vector<16xi32>, vector<16xi32>], vector<16xf32>,
        %mul3A_262 = arith.mulf %gather3A_261, %mul3A_110 : vector<16xf32>
        tpu.vector_store_idx %arg21[%add3A_114, %broadcast_in_dim3A_260], %mul3A_262 : memref<128x64xf32, #tpu.memory_space<vmem>>[vector<16xi32>, vector<16xi32>], vector<16xf32>,
        %broadcast_in_dim3A_263 = arith.constant 37 : i32
        %broadcast_in_dim3A_264 = vector.broadcast %broadcast_in_dim3A_263 : i32 to vector<16xi32>
        %gather3A_265 = tpu.vector_load_idx %arg20[%add3A_114, %broadcast_in_dim3A_264] : memref<128x64xf32, #tpu.memory_space<vmem>>[vector<16xi32>, vector<16xi32>], vector<16xf32>,
        %mul3A_266 = arith.mulf %gather3A_265, %mul3A_110 : vector<16xf32>
        tpu.vector_store_idx %arg21[%add3A_114, %broadcast_in_dim3A_264], %mul3A_266 : memref<128x64xf32, #tpu.memory_space<vmem>>[vector<16xi32>, vector<16xi32>], vector<16xf32>,
        %broadcast_in_dim3A_267 = arith.constant 38 : i32
        %broadcast_in_dim3A_268 = vector.broadcast %broadcast_in_dim3A_267 : i32 to vector<16xi32>
        %gather3A_269 = tpu.vector_load_idx %arg20[%add3A_114, %broadcast_in_dim3A_268] : memref<128x64xf32, #tpu.memory_space<vmem>>[vector<16xi32>, vector<16xi32>], vector<16xf32>,
        %mul3A_270 = arith.mulf %gather3A_269, %mul3A_110 : vector<16xf32>
        tpu.vector_store_idx %arg21[%add3A_114, %broadcast_in_dim3A_268], %mul3A_270 : memref<128x64xf32, #tpu.memory_space<vmem>>[vector<16xi32>, vector<16xi32>], vector<16xf32>,
        %broadcast_in_dim3A_271 = arith.constant 39 : i32
        %broadcast_in_dim3A_272 = vector.broadcast %broadcast_in_dim3A_271 : i32 to vector<16xi32>
        %gather3A_273 = tpu.vector_load_idx %arg20[%add3A_114, %broadcast_in_dim3A_272] : memref<128x64xf32, #tpu.memory_space<vmem>>[vector<16xi32>, vector<16xi32>], vector<16xf32>,
        %mul3A_274 = arith.mulf %gather3A_273, %mul3A_110 : vector<16xf32>
        tpu.vector_store_idx %arg21[%add3A_114, %broadcast_in_dim3A_272], %mul3A_274 : memref<128x64xf32, #tpu.memory_space<vmem>>[vector<16xi32>, vector<16xi32>], vector<16xf32>,
        %broadcast_in_dim3A_275 = arith.constant 40 : i32
        %broadcast_in_dim3A_276 = vector.broadcast %broadcast_in_dim3A_275 : i32 to vector<16xi32>
        %gather3A_277 = tpu.vector_load_idx %arg20[%add3A_114, %broadcast_in_dim3A_276] : memref<128x64xf32, #tpu.memory_space<vmem>>[vector<16xi32>, vector<16xi32>], vector<16xf32>,
        %mul3A_278 = arith.mulf %gather3A_277, %mul3A_110 : vector<16xf32>
        tpu.vector_store_idx %arg21[%add3A_114, %broadcast_in_dim3A_276], %mul3A_278 : memref<128x64xf32, #tpu.memory_space<vmem>>[vector<16xi32>, vector<16xi32>], vector<16xf32>,
        %broadcast_in_dim3A_279 = arith.constant 41 : i32
        %broadcast_in_dim3A_280 = vector.broadcast %broadcast_in_dim3A_279 : i32 to vector<16xi32>
        %gather3A_281 = tpu.vector_load_idx %arg20[%add3A_114, %broadcast_in_dim3A_280] : memref<128x64xf32, #tpu.memory_space<vmem>>[vector<16xi32>, vector<16xi32>], vector<16xf32>,
        %mul3A_282 = arith.mulf %gather3A_281, %mul3A_110 : vector<16xf32>
        tpu.vector_store_idx %arg21[%add3A_114, %broadcast_in_dim3A_280], %mul3A_282 : memref<128x64xf32, #tpu.memory_space<vmem>>[vector<16xi32>, vector<16xi32>], vector<16xf32>,
        %broadcast_in_dim3A_283 = arith.constant 42 : i32
        %broadcast_in_dim3A_284 = vector.broadcast %broadcast_in_dim3A_283 : i32 to vector<16xi32>
        %gather3A_285 = tpu.vector_load_idx %arg20[%add3A_114, %broadcast_in_dim3A_284] : memref<128x64xf32, #tpu.memory_space<vmem>>[vector<16xi32>, vector<16xi32>], vector<16xf32>,
        %mul3A_286 = arith.mulf %gather3A_285, %mul3A_110 : vector<16xf32>
        tpu.vector_store_idx %arg21[%add3A_114, %broadcast_in_dim3A_284], %mul3A_286 : memref<128x64xf32, #tpu.memory_space<vmem>>[vector<16xi32>, vector<16xi32>], vector<16xf32>,
        %broadcast_in_dim3A_287 = arith.constant 43 : i32
        %broadcast_in_dim3A_288 = vector.broadcast %broadcast_in_dim3A_287 : i32 to vector<16xi32>
        %gather3A_289 = tpu.vector_load_idx %arg20[%add3A_114, %broadcast_in_dim3A_288] : memref<128x64xf32, #tpu.memory_space<vmem>>[vector<16xi32>, vector<16xi32>], vector<16xf32>,
        %mul3A_290 = arith.mulf %gather3A_289, %mul3A_110 : vector<16xf32>
        tpu.vector_store_idx %arg21[%add3A_114, %broadcast_in_dim3A_288], %mul3A_290 : memref<128x64xf32, #tpu.memory_space<vmem>>[vector<16xi32>, vector<16xi32>], vector<16xf32>,
        %broadcast_in_dim3A_291 = arith.constant 44 : i32
        %broadcast_in_dim3A_292 = vector.broadcast %broadcast_in_dim3A_291 : i32 to vector<16xi32>
        %gather3A_293 = tpu.vector_load_idx %arg20[%add3A_114, %broadcast_in_dim3A_292] : memref<128x64xf32, #tpu.memory_space<vmem>>[vector<16xi32>, vector<16xi32>], vector<16xf32>,
        %mul3A_294 = arith.mulf %gather3A_293, %mul3A_110 : vector<16xf32>
        tpu.vector_store_idx %arg21[%add3A_114, %broadcast_in_dim3A_292], %mul3A_294 : memref<128x64xf32, #tpu.memory_space<vmem>>[vector<16xi32>, vector<16xi32>], vector<16xf32>,
        %broadcast_in_dim3A_295 = arith.constant 45 : i32
        %broadcast_in_dim3A_296 = vector.broadcast %broadcast_in_dim3A_295 : i32 to vector<16xi32>
        %gather3A_297 = tpu.vector_load_idx %arg20[%add3A_114, %broadcast_in_dim3A_296] : memref<128x64xf32, #tpu.memory_space<vmem>>[vector<16xi32>, vector<16xi32>], vector<16xf32>,
        %mul3A_298 = arith.mulf %gather3A_297, %mul3A_110 : vector<16xf32>
        tpu.vector_store_idx %arg21[%add3A_114, %broadcast_in_dim3A_296], %mul3A_298 : memref<128x64xf32, #tpu.memory_space<vmem>>[vector<16xi32>, vector<16xi32>], vector<16xf32>,
        %broadcast_in_dim3A_299 = arith.constant 46 : i32
        %broadcast_in_dim3A_300 = vector.broadcast %broadcast_in_dim3A_299 : i32 to vector<16xi32>
        %gather3A_301 = tpu.vector_load_idx %arg20[%add3A_114, %broadcast_in_dim3A_300] : memref<128x64xf32, #tpu.memory_space<vmem>>[vector<16xi32>, vector<16xi32>], vector<16xf32>,
        %mul3A_302 = arith.mulf %gather3A_301, %mul3A_110 : vector<16xf32>
        tpu.vector_store_idx %arg21[%add3A_114, %broadcast_in_dim3A_300], %mul3A_302 : memref<128x64xf32, #tpu.memory_space<vmem>>[vector<16xi32>, vector<16xi32>], vector<16xf32>,
        %broadcast_in_dim3A_303 = arith.constant 47 : i32
        %broadcast_in_dim3A_304 = vector.broadcast %broadcast_in_dim3A_303 : i32 to vector<16xi32>
        %gather3A_305 = tpu.vector_load_idx %arg20[%add3A_114, %broadcast_in_dim3A_304] : memref<128x64xf32, #tpu.memory_space<vmem>>[vector<16xi32>, vector<16xi32>], vector<16xf32>,
        %mul3A_306 = arith.mulf %gather3A_305, %mul3A_110 : vector<16xf32>
        tpu.vector_store_idx %arg21[%add3A_114, %broadcast_in_dim3A_304], %mul3A_306 : memref<128x64xf32, #tpu.memory_space<vmem>>[vector<16xi32>, vector<16xi32>], vector<16xf32>,
        %broadcast_in_dim3A_307 = arith.constant 48 : i32
        %broadcast_in_dim3A_308 = vector.broadcast %broadcast_in_dim3A_307 : i32 to vector<16xi32>
        %gather3A_309 = tpu.vector_load_idx %arg20[%add3A_114, %broadcast_in_dim3A_308] : memref<128x64xf32, #tpu.memory_space<vmem>>[vector<16xi32>, vector<16xi32>], vector<16xf32>,
        %mul3A_310 = arith.mulf %gather3A_309, %mul3A_110 : vector<16xf32>
        tpu.vector_store_idx %arg21[%add3A_114, %broadcast_in_dim3A_308], %mul3A_310 : memref<128x64xf32, #tpu.memory_space<vmem>>[vector<16xi32>, vector<16xi32>], vector<16xf32>,
        %broadcast_in_dim3A_311 = arith.constant 49 : i32
        %broadcast_in_dim3A_312 = vector.broadcast %broadcast_in_dim3A_311 : i32 to vector<16xi32>
        %gather3A_313 = tpu.vector_load_idx %arg20[%add3A_114, %broadcast_in_dim3A_312] : memref<128x64xf32, #tpu.memory_space<vmem>>[vector<16xi32>, vector<16xi32>], vector<16xf32>,
        %mul3A_314 = arith.mulf %gather3A_313, %mul3A_110 : vector<16xf32>
        tpu.vector_store_idx %arg21[%add3A_114, %broadcast_in_dim3A_312], %mul3A_314 : memref<128x64xf32, #tpu.memory_space<vmem>>[vector<16xi32>, vector<16xi32>], vector<16xf32>,
        %broadcast_in_dim3A_315 = arith.constant 50 : i32
        %broadcast_in_dim3A_316 = vector.broadcast %broadcast_in_dim3A_315 : i32 to vector<16xi32>
        %gather3A_317 = tpu.vector_load_idx %arg20[%add3A_114, %broadcast_in_dim3A_316] : memref<128x64xf32, #tpu.memory_space<vmem>>[vector<16xi32>, vector<16xi32>], vector<16xf32>,
        %mul3A_318 = arith.mulf %gather3A_317, %mul3A_110 : vector<16xf32>
        tpu.vector_store_idx %arg21[%add3A_114, %broadcast_in_dim3A_316], %mul3A_318 : memref<128x64xf32, #tpu.memory_space<vmem>>[vector<16xi32>, vector<16xi32>], vector<16xf32>,
        %broadcast_in_dim3A_319 = arith.constant 51 : i32
        %broadcast_in_dim3A_320 = vector.broadcast %broadcast_in_dim3A_319 : i32 to vector<16xi32>
        %gather3A_321 = tpu.vector_load_idx %arg20[%add3A_114, %broadcast_in_dim3A_320] : memref<128x64xf32, #tpu.memory_space<vmem>>[vector<16xi32>, vector<16xi32>], vector<16xf32>,
        %mul3A_322 = arith.mulf %gather3A_321, %mul3A_110 : vector<16xf32>
        tpu.vector_store_idx %arg21[%add3A_114, %broadcast_in_dim3A_320], %mul3A_322 : memref<128x64xf32, #tpu.memory_space<vmem>>[vector<16xi32>, vector<16xi32>], vector<16xf32>,
        %broadcast_in_dim3A_323 = arith.constant 52 : i32
        %broadcast_in_dim3A_324 = vector.broadcast %broadcast_in_dim3A_323 : i32 to vector<16xi32>
        %gather3A_325 = tpu.vector_load_idx %arg20[%add3A_114, %broadcast_in_dim3A_324] : memref<128x64xf32, #tpu.memory_space<vmem>>[vector<16xi32>, vector<16xi32>], vector<16xf32>,
        %mul3A_326 = arith.mulf %gather3A_325, %mul3A_110 : vector<16xf32>
        tpu.vector_store_idx %arg21[%add3A_114, %broadcast_in_dim3A_324], %mul3A_326 : memref<128x64xf32, #tpu.memory_space<vmem>>[vector<16xi32>, vector<16xi32>], vector<16xf32>,
        %broadcast_in_dim3A_327 = arith.constant 53 : i32
        %broadcast_in_dim3A_328 = vector.broadcast %broadcast_in_dim3A_327 : i32 to vector<16xi32>
        %gather3A_329 = tpu.vector_load_idx %arg20[%add3A_114, %broadcast_in_dim3A_328] : memref<128x64xf32, #tpu.memory_space<vmem>>[vector<16xi32>, vector<16xi32>], vector<16xf32>,
        %mul3A_330 = arith.mulf %gather3A_329, %mul3A_110 : vector<16xf32>
        tpu.vector_store_idx %arg21[%add3A_114, %broadcast_in_dim3A_328], %mul3A_330 : memref<128x64xf32, #tpu.memory_space<vmem>>[vector<16xi32>, vector<16xi32>], vector<16xf32>,
        %broadcast_in_dim3A_331 = arith.constant 54 : i32
        %broadcast_in_dim3A_332 = vector.broadcast %broadcast_in_dim3A_331 : i32 to vector<16xi32>
        %gather3A_333 = tpu.vector_load_idx %arg20[%add3A_114, %broadcast_in_dim3A_332] : memref<128x64xf32, #tpu.memory_space<vmem>>[vector<16xi32>, vector<16xi32>], vector<16xf32>,
        %mul3A_334 = arith.mulf %gather3A_333, %mul3A_110 : vector<16xf32>
        tpu.vector_store_idx %arg21[%add3A_114, %broadcast_in_dim3A_332], %mul3A_334 : memref<128x64xf32, #tpu.memory_space<vmem>>[vector<16xi32>, vector<16xi32>], vector<16xf32>,
        %broadcast_in_dim3A_335 = arith.constant 55 : i32
        %broadcast_in_dim3A_336 = vector.broadcast %broadcast_in_dim3A_335 : i32 to vector<16xi32>
        %gather3A_337 = tpu.vector_load_idx %arg20[%add3A_114, %broadcast_in_dim3A_336] : memref<128x64xf32, #tpu.memory_space<vmem>>[vector<16xi32>, vector<16xi32>], vector<16xf32>,
        %mul3A_338 = arith.mulf %gather3A_337, %mul3A_110 : vector<16xf32>
        tpu.vector_store_idx %arg21[%add3A_114, %broadcast_in_dim3A_336], %mul3A_338 : memref<128x64xf32, #tpu.memory_space<vmem>>[vector<16xi32>, vector<16xi32>], vector<16xf32>,
        %broadcast_in_dim3A_339 = arith.constant 56 : i32
        %broadcast_in_dim3A_340 = vector.broadcast %broadcast_in_dim3A_339 : i32 to vector<16xi32>
        %gather3A_341 = tpu.vector_load_idx %arg20[%add3A_114, %broadcast_in_dim3A_340] : memref<128x64xf32, #tpu.memory_space<vmem>>[vector<16xi32>, vector<16xi32>], vector<16xf32>,
        %mul3A_342 = arith.mulf %gather3A_341, %mul3A_110 : vector<16xf32>
        tpu.vector_store_idx %arg21[%add3A_114, %broadcast_in_dim3A_340], %mul3A_342 : memref<128x64xf32, #tpu.memory_space<vmem>>[vector<16xi32>, vector<16xi32>], vector<16xf32>,
        %broadcast_in_dim3A_343 = arith.constant 57 : i32
        %broadcast_in_dim3A_344 = vector.broadcast %broadcast_in_dim3A_343 : i32 to vector<16xi32>
        %gather3A_345 = tpu.vector_load_idx %arg20[%add3A_114, %broadcast_in_dim3A_344] : memref<128x64xf32, #tpu.memory_space<vmem>>[vector<16xi32>, vector<16xi32>], vector<16xf32>,
        %mul3A_346 = arith.mulf %gather3A_345, %mul3A_110 : vector<16xf32>
        tpu.vector_store_idx %arg21[%add3A_114, %broadcast_in_dim3A_344], %mul3A_346 : memref<128x64xf32, #tpu.memory_space<vmem>>[vector<16xi32>, vector<16xi32>], vector<16xf32>,
        %broadcast_in_dim3A_347 = arith.constant 58 : i32
        %broadcast_in_dim3A_348 = vector.broadcast %broadcast_in_dim3A_347 : i32 to vector<16xi32>
        %gather3A_349 = tpu.vector_load_idx %arg20[%add3A_114, %broadcast_in_dim3A_348] : memref<128x64xf32, #tpu.memory_space<vmem>>[vector<16xi32>, vector<16xi32>], vector<16xf32>,
        %mul3A_350 = arith.mulf %gather3A_349, %mul3A_110 : vector<16xf32>
        tpu.vector_store_idx %arg21[%add3A_114, %broadcast_in_dim3A_348], %mul3A_350 : memref<128x64xf32, #tpu.memory_space<vmem>>[vector<16xi32>, vector<16xi32>], vector<16xf32>,
        %broadcast_in_dim3A_351 = arith.constant 59 : i32
        %broadcast_in_dim3A_352 = vector.broadcast %broadcast_in_dim3A_351 : i32 to vector<16xi32>
        %gather3A_353 = tpu.vector_load_idx %arg20[%add3A_114, %broadcast_in_dim3A_352] : memref<128x64xf32, #tpu.memory_space<vmem>>[vector<16xi32>, vector<16xi32>], vector<16xf32>,
        %mul3A_354 = arith.mulf %gather3A_353, %mul3A_110 : vector<16xf32>
        tpu.vector_store_idx %arg21[%add3A_114, %broadcast_in_dim3A_352], %mul3A_354 : memref<128x64xf32, #tpu.memory_space<vmem>>[vector<16xi32>, vector<16xi32>], vector<16xf32>,
        %broadcast_in_dim3A_355 = arith.constant 60 : i32
        %broadcast_in_dim3A_356 = vector.broadcast %broadcast_in_dim3A_355 : i32 to vector<16xi32>
        %gather3A_357 = tpu.vector_load_idx %arg20[%add3A_114, %broadcast_in_dim3A_356] : memref<128x64xf32, #tpu.memory_space<vmem>>[vector<16xi32>, vector<16xi32>], vector<16xf32>,
        %mul3A_358 = arith.mulf %gather3A_357, %mul3A_110 : vector<16xf32>
        tpu.vector_store_idx %arg21[%add3A_114, %broadcast_in_dim3A_356], %mul3A_358 : memref<128x64xf32, #tpu.memory_space<vmem>>[vector<16xi32>, vector<16xi32>], vector<16xf32>,
        %broadcast_in_dim3A_359 = arith.constant 61 : i32
        %broadcast_in_dim3A_360 = vector.broadcast %broadcast_in_dim3A_359 : i32 to vector<16xi32>
        %gather3A_361 = tpu.vector_load_idx %arg20[%add3A_114, %broadcast_in_dim3A_360] : memref<128x64xf32, #tpu.memory_space<vmem>>[vector<16xi32>, vector<16xi32>], vector<16xf32>,
        %mul3A_362 = arith.mulf %gather3A_361, %mul3A_110 : vector<16xf32>
        tpu.vector_store_idx %arg21[%add3A_114, %broadcast_in_dim3A_360], %mul3A_362 : memref<128x64xf32, #tpu.memory_space<vmem>>[vector<16xi32>, vector<16xi32>], vector<16xf32>,
        %broadcast_in_dim3A_363 = arith.constant 62 : i32
        %broadcast_in_dim3A_364 = vector.broadcast %broadcast_in_dim3A_363 : i32 to vector<16xi32>
        %gather3A_365 = tpu.vector_load_idx %arg20[%add3A_114, %broadcast_in_dim3A_364] : memref<128x64xf32, #tpu.memory_space<vmem>>[vector<16xi32>, vector<16xi32>], vector<16xf32>,
        %mul3A_366 = arith.mulf %gather3A_365, %mul3A_110 : vector<16xf32>
        tpu.vector_store_idx %arg21[%add3A_114, %broadcast_in_dim3A_364], %mul3A_366 : memref<128x64xf32, #tpu.memory_space<vmem>>[vector<16xi32>, vector<16xi32>], vector<16xf32>,
        %broadcast_in_dim3A_367 = arith.constant 63 : i32
        %broadcast_in_dim3A_368 = vector.broadcast %broadcast_in_dim3A_367 : i32 to vector<16xi32>
        %gather3A_369 = tpu.vector_load_idx %arg20[%add3A_114, %broadcast_in_dim3A_368] : memref<128x64xf32, #tpu.memory_space<vmem>>[vector<16xi32>, vector<16xi32>], vector<16xf32>,
        %mul3A_370 = arith.mulf %gather3A_369, %mul3A_110 : vector<16xf32>
        tpu.vector_store_idx %arg21[%add3A_114, %broadcast_in_dim3A_368], %mul3A_370 : memref<128x64xf32, #tpu.memory_space<vmem>>[vector<16xi32>, vector<16xi32>], vector<16xf32>,
      }
      %scan3A_35 = arith.constant 8 : i32
      "tpu.region"() ({
        %run_scoped3A = tpu.sem_alloc : memref<!tpu.dma_semaphore, #tpu.memory_space<semaphore_mem>>
        %dma_start3A = arith.constant 0 : i32
        %dma_start3A_36 = arith.constant 0 : i32
        %dma_start3A_37 = tpu.memref_slice %arg25[%dma_start3A, %dma_start3A_36] : memref<10000x64xf32, #tpu.memory_space<vmem_shared>> -> memref<10000x64xf32, #tpu.memory_space<vmem_shared>>
        tpu.enqueue_indirect_dma source(%arg21 : memref<128x64xf32, #tpu.memory_space<vmem>>) target(%dma_start3A_37 : memref<10000x64xf32, #tpu.memory_space<vmem_shared>>) offsets(%arg18 : memref<128xi32, #tpu.memory_space<vmem>>) semaphore(%run_scoped3A : memref<!tpu.dma_semaphore, #tpu.memory_space<semaphore_mem>>) {add = true}
        %dma_wait3A = arith.constant 0 : i32
        %dma_wait3A_38 = arith.constant 0 : i32
        %dma_wait3A_39 = tpu.memref_slice %arg25[%dma_wait3A, %dma_wait3A_38] : memref<10000x64xf32, #tpu.memory_space<vmem_shared>> -> memref<10000x64xf32, #tpu.memory_space<vmem_shared>>
        tpu.wait_indirect_dma semaphore(%run_scoped3A : memref<!tpu.dma_semaphore, #tpu.memory_space<semaphore_mem>>) src(%arg21 : memref<128x64xf32, #tpu.memory_space<vmem>>) dst(%dma_wait3A_39 : memref<10000x64xf32, #tpu.memory_space<vmem_shared>>)
        tpu.yield
      }) : () -> ()
    }
    %barrier3A_17 = arith.constant 0 : index
    tpu.barrier barrier_id(%barrier3A_17)
    %lt3A_18 = arith.constant 2 : i32
    %lt3A_19 = arith.cmpi slt, %arg1, %lt3A_18 : i32
    %convert_element_type3A_20 = arith.extui %lt3A_19 : i1 to i32
    %cond3A_21 = arith.constant 0 : i32
    %cond3A_22 = arith.cmpi ne, %convert_element_type3A_20, %cond3A_21 : i32
    scf.if %cond3A_22 {
      %mul3A_25 = arith.constant 5000 : i32
      %mul3A_26 = arith.muli %arg1, %mul3A_25 : i32
      %mul3A_27 = arith.constant 10000 : i32
      %mul3A_28 = arith.muli %arg0, %mul3A_27 : i32
      %mul3A_29 = arith.constant 5000 : i32
      %mul3A_30 = arith.muli %arg1, %mul3A_29 : i32
      %add3A_31 = arith.addi %mul3A_28, %mul3A_30 : i32
      "tpu.region"() ({
        %run_scoped3A = tpu.sem_alloc : memref<!tpu.dma_semaphore, #tpu.memory_space<semaphore_mem>>
        %dma_start3A = arith.constant 0 : i32
        %dma_start3A_32 = tpu.memref_slice %arg11[%add3A_31, %dma_start3A] : memref<20000x64xf32, #tpu.memory_space<hbm>> -> memref<5000x64xf32, #tpu.memory_space<hbm>>
        %dma_start3A_33 = arith.constant 0 : i32
        %dma_start3A_34 = tpu.memref_slice %arg25[%mul3A_26, %dma_start3A_33] : memref<10000x64xf32, #tpu.memory_space<vmem_shared>> -> memref<5000x64xf32, #tpu.memory_space<vmem_shared>>
        tpu.enqueue_dma source(%dma_start3A_34 : memref<5000x64xf32, #tpu.memory_space<vmem_shared>>) target(%dma_start3A_32 : memref<5000x64xf32, #tpu.memory_space<hbm>>) target_semaphore(%run_scoped3A : memref<!tpu.dma_semaphore, #tpu.memory_space<semaphore_mem>>)
        %dma_wait3A = arith.constant 0 : i32
        %dma_wait3A_35 = tpu.memref_slice %arg11[%add3A_31, %dma_wait3A] : memref<20000x64xf32, #tpu.memory_space<hbm>> -> memref<5000x64xf32, #tpu.memory_space<hbm>>
        %dma_wait3A_36 = arith.constant 0 : i32
        %dma_wait3A_37 = tpu.memref_slice %arg25[%mul3A_26, %dma_wait3A_36] : memref<10000x64xf32, #tpu.memory_space<vmem_shared>> -> memref<5000x64xf32, #tpu.memory_space<vmem_shared>>
        tpu.wait_dma2 semaphore(%run_scoped3A : memref<!tpu.dma_semaphore, #tpu.memory_space<semaphore_mem>>) src(%dma_wait3A_37 : memref<5000x64xf32, #tpu.memory_space<vmem_shared>>) dst(%dma_wait3A_35 : memref<5000x64xf32, #tpu.memory_space<hbm>>)
        tpu.yield
      }) : () -> ()
    } else {
    }
    %mul3A_23 = arith.constant 10000 : i32
    %mul3A_24 = arith.muli %add3A, %mul3A_23 : i32
    "tpu.region"() ({
      %run_scoped3A = tpu.sem_alloc : memref<!tpu.dma_semaphore, #tpu.memory_space<semaphore_mem>>
      %dma_start3A = tpu.memref_slice %arg12[%mul3A_24] : memref<320000xf32, #tpu.memory_space<hbm>> -> memref<10000xf32, #tpu.memory_space<hbm>>
      %dma_start3A_25 = tpu.memref_slice %arg12[%mul3A_24] : memref<320000xf32, #tpu.memory_space<hbm>> -> memref<10000xf32, #tpu.memory_space<hbm>>
      tpu.enqueue_dma source(%arg16 : memref<10000xf32, #tpu.memory_space<vmem>>) target(%dma_start3A_25 : memref<10000xf32, #tpu.memory_space<hbm>>) target_semaphore(%run_scoped3A : memref<!tpu.dma_semaphore, #tpu.memory_space<semaphore_mem>>)
      %dma_wait3A = tpu.memref_slice %arg12[%mul3A_24] : memref<320000xf32, #tpu.memory_space<hbm>> -> memref<10000xf32, #tpu.memory_space<hbm>>
      %dma_wait3A_26 = tpu.memref_slice %arg12[%mul3A_24] : memref<320000xf32, #tpu.memory_space<hbm>> -> memref<10000xf32, #tpu.memory_space<hbm>>
      tpu.wait_dma2 semaphore(%run_scoped3A : memref<!tpu.dma_semaphore, #tpu.memory_space<semaphore_mem>>) src(%arg16 : memref<10000xf32, #tpu.memory_space<vmem>>) dst(%dma_wait3A_26 : memref<10000xf32, #tpu.memory_space<hbm>>)
      tpu.yield
    }) : () -> ()
    return
  }
}

#map = affine_map<(d0, d1) -> (0)>
module attributes {stable_mosaic.version = 14 : i64} {
  func.func @body(%arg0: i32, %arg1: i32, %arg2: memref<320000xi32, #tpu.memory_space<hbm>>, %arg3: memref<320000xi32, #tpu.memory_space<hbm>>, %arg4: memref<320000xf32, #tpu.memory_space<hbm>>, %arg5: memref<10000xi32, #tpu.memory_space<hbm>>, %arg6: memref<125000xf32, #tpu.memory_space<hbm>>, %arg7: memref<2000000xf32, #tpu.memory_space<hbm>>, %arg8: memref<10000xi32, #tpu.memory_space<vmem>>, %arg9: memref<128xi32, #tpu.memory_space<vmem>>, %arg10: memref<128xi32, #tpu.memory_space<vmem>>, %arg11: memref<128xf32, #tpu.memory_space<vmem>>, %arg12: memref<128xi32, #tpu.memory_space<vmem>>, %arg13: memref<128xf32, #tpu.memory_space<vmem>>, %arg14: memref<1000000xf32, #tpu.memory_space<vmem_shared>>) attributes {dimension_semantics = [#tpu.dimension_semantics<core_parallel>, #tpu.dimension_semantics<subcore_parallel>], iteration_bounds = array<i64: 2, 16>, scalar_prefetch = 0 : i64, scratch_operands = 7 : i64, tpu.core_type = #tpu.core_type<sc_vector_subcore>, window_params = [{transform_indices = #map}, {transform_indices = #map}, {transform_indices = #map}, {transform_indices = #map}, {transform_indices = #map}, {transform_indices = #map}]} {
    %mul3A = arith.constant 2 : i32
    %mul3A_0 = arith.muli %arg1, %mul3A : i32
    %add3A = arith.addi %mul3A_0, %arg0 : i32
    "tpu.region"() ({
      %run_scoped3A = tpu.sem_alloc : memref<!tpu.dma_semaphore, #tpu.memory_space<semaphore_mem>>
      tpu.enqueue_dma source(%arg5 : memref<10000xi32, #tpu.memory_space<hbm>>) target(%arg8 : memref<10000xi32, #tpu.memory_space<vmem>>) target_semaphore(%run_scoped3A : memref<!tpu.dma_semaphore, #tpu.memory_space<semaphore_mem>>)
      tpu.wait_dma2 semaphore(%run_scoped3A : memref<!tpu.dma_semaphore, #tpu.memory_space<semaphore_mem>>) src(%arg5 : memref<10000xi32, #tpu.memory_space<hbm>>) dst(%arg8 : memref<10000xi32, #tpu.memory_space<vmem>>)
      tpu.yield
    }) : () -> ()
    %lt3A = arith.constant 8 : i32
    %lt3A_1 = arith.cmpi slt, %arg1, %lt3A : i32
    %convert_element_type3A = arith.extui %lt3A_1 : i1 to i32
    %cond3A = arith.constant 0 : i32
    %cond3A_2 = arith.cmpi ne, %convert_element_type3A, %cond3A : i32
    scf.if %cond3A_2 {
      %mul3A_23 = arith.constant 125000 : i32
      %mul3A_24 = arith.muli %arg1, %mul3A_23 : i32
      "tpu.region"() ({
        %run_scoped3A = tpu.sem_alloc : memref<!tpu.dma_semaphore, #tpu.memory_space<semaphore_mem>>
        %dma_start3A = tpu.memref_slice %arg14[%mul3A_24] : memref<1000000xf32, #tpu.memory_space<vmem_shared>> -> memref<125000xf32, #tpu.memory_space<vmem_shared>>
        tpu.enqueue_dma source(%arg6 : memref<125000xf32, #tpu.memory_space<hbm>>) target(%dma_start3A : memref<125000xf32, #tpu.memory_space<vmem_shared>>) target_semaphore(%run_scoped3A : memref<!tpu.dma_semaphore, #tpu.memory_space<semaphore_mem>>)
        %dma_wait3A = tpu.memref_slice %arg14[%mul3A_24] : memref<1000000xf32, #tpu.memory_space<vmem_shared>> -> memref<125000xf32, #tpu.memory_space<vmem_shared>>
        tpu.wait_dma2 semaphore(%run_scoped3A : memref<!tpu.dma_semaphore, #tpu.memory_space<semaphore_mem>>) src(%arg6 : memref<125000xf32, #tpu.memory_space<hbm>>) dst(%dma_wait3A : memref<125000xf32, #tpu.memory_space<vmem_shared>>)
        tpu.yield
      }) : () -> ()
    } else {
    }
    %barrier3A = arith.constant 0 : index
    tpu.barrier barrier_id(%barrier3A)
    %iota3A = tpu.iota {dimensions = array<i32: 0>} : vector<16xi32>
    %lt3A_3 = arith.constant 4 : i32
    %lt3A_4 = arith.cmpi slt, %add3A, %lt3A_3 : i32
    %jit3A = arith.constant 1 : i32
    %jit3A_5 = arith.constant 0 : i32
    %select_n3A = arith.select %lt3A_4, %jit3A, %jit3A_5 : i32
    %add3A_6 = arith.constant 78 : i32
    %add3A_7 = arith.addi %add3A_6, %select_n3A : i32
    %while3A = arith.constant 0 : i32
    %while3A_8 = arith.constant 0 : i32
    %while3A_9 = arith.subi %add3A_7, %while3A_8 : i32
    %while3A_10 = arith.addi %while3A_8, %while3A_9 : i32
    %while3A_11 = arith.constant 1 : i32
    %while3A_12 = arith.divsi %while3A_9, %while3A_11 : i32
    %while3A_13 = arith.muli %while3A_12, %while3A_11 : i32
    %while3A_14 = arith.addi %while3A_8, %while3A_13 : i32
    %while3A_15 = arith.constant 1 : i32
    scf.for %while3A_23 = %while3A_8 to %while3A_14 step %while3A_15  : i32 {
      %mul3A_24 = arith.constant 32 : i32
      %mul3A_25 = arith.muli %while3A_23, %mul3A_24 : i32
      %add3A_26 = arith.addi %add3A, %mul3A_25 : i32
      %mul3A_27 = arith.constant 128 : i32
      %mul3A_28 = arith.muli %add3A_26, %mul3A_27 : i32
      "tpu.region"() ({
        %run_scoped3A = tpu.sem_alloc : memref<!tpu.dma_semaphore, #tpu.memory_space<semaphore_mem>>
        %dma_start3A = tpu.memref_slice %arg2[%mul3A_28] : memref<320000xi32, #tpu.memory_space<hbm>> -> memref<128xi32, #tpu.memory_space<hbm>>
        %dma_start3A_34 = tpu.memref_slice %arg2[%mul3A_28] : memref<320000xi32, #tpu.memory_space<hbm>> -> memref<128xi32, #tpu.memory_space<hbm>>
        tpu.enqueue_dma source(%dma_start3A_34 : memref<128xi32, #tpu.memory_space<hbm>>) target(%arg9 : memref<128xi32, #tpu.memory_space<vmem>>) target_semaphore(%run_scoped3A : memref<!tpu.dma_semaphore, #tpu.memory_space<semaphore_mem>>)
        %dma_wait3A = tpu.memref_slice %arg2[%mul3A_28] : memref<320000xi32, #tpu.memory_space<hbm>> -> memref<128xi32, #tpu.memory_space<hbm>>
        %dma_wait3A_35 = tpu.memref_slice %arg2[%mul3A_28] : memref<320000xi32, #tpu.memory_space<hbm>> -> memref<128xi32, #tpu.memory_space<hbm>>
        tpu.wait_dma2 semaphore(%run_scoped3A : memref<!tpu.dma_semaphore, #tpu.memory_space<semaphore_mem>>) src(%dma_wait3A_35 : memref<128xi32, #tpu.memory_space<hbm>>) dst(%arg9 : memref<128xi32, #tpu.memory_space<vmem>>)
        tpu.yield
      }) : () -> ()
      "tpu.region"() ({
        %run_scoped3A = tpu.sem_alloc : memref<!tpu.dma_semaphore, #tpu.memory_space<semaphore_mem>>
        %dma_start3A = tpu.memref_slice %arg3[%mul3A_28] : memref<320000xi32, #tpu.memory_space<hbm>> -> memref<128xi32, #tpu.memory_space<hbm>>
        %dma_start3A_34 = tpu.memref_slice %arg3[%mul3A_28] : memref<320000xi32, #tpu.memory_space<hbm>> -> memref<128xi32, #tpu.memory_space<hbm>>
        tpu.enqueue_dma source(%dma_start3A_34 : memref<128xi32, #tpu.memory_space<hbm>>) target(%arg10 : memref<128xi32, #tpu.memory_space<vmem>>) target_semaphore(%run_scoped3A : memref<!tpu.dma_semaphore, #tpu.memory_space<semaphore_mem>>)
        %dma_wait3A = tpu.memref_slice %arg3[%mul3A_28] : memref<320000xi32, #tpu.memory_space<hbm>> -> memref<128xi32, #tpu.memory_space<hbm>>
        %dma_wait3A_35 = tpu.memref_slice %arg3[%mul3A_28] : memref<320000xi32, #tpu.memory_space<hbm>> -> memref<128xi32, #tpu.memory_space<hbm>>
        tpu.wait_dma2 semaphore(%run_scoped3A : memref<!tpu.dma_semaphore, #tpu.memory_space<semaphore_mem>>) src(%dma_wait3A_35 : memref<128xi32, #tpu.memory_space<hbm>>) dst(%arg10 : memref<128xi32, #tpu.memory_space<vmem>>)
        tpu.yield
      }) : () -> ()
      "tpu.region"() ({
        %run_scoped3A = tpu.sem_alloc : memref<!tpu.dma_semaphore, #tpu.memory_space<semaphore_mem>>
        %dma_start3A = tpu.memref_slice %arg4[%mul3A_28] : memref<320000xf32, #tpu.memory_space<hbm>> -> memref<128xf32, #tpu.memory_space<hbm>>
        %dma_start3A_34 = tpu.memref_slice %arg4[%mul3A_28] : memref<320000xf32, #tpu.memory_space<hbm>> -> memref<128xf32, #tpu.memory_space<hbm>>
        tpu.enqueue_dma source(%dma_start3A_34 : memref<128xf32, #tpu.memory_space<hbm>>) target(%arg11 : memref<128xf32, #tpu.memory_space<vmem>>) target_semaphore(%run_scoped3A : memref<!tpu.dma_semaphore, #tpu.memory_space<semaphore_mem>>)
        %dma_wait3A = tpu.memref_slice %arg4[%mul3A_28] : memref<320000xf32, #tpu.memory_space<hbm>> -> memref<128xf32, #tpu.memory_space<hbm>>
        %dma_wait3A_35 = tpu.memref_slice %arg4[%mul3A_28] : memref<320000xf32, #tpu.memory_space<hbm>> -> memref<128xf32, #tpu.memory_space<hbm>>
        tpu.wait_dma2 semaphore(%run_scoped3A : memref<!tpu.dma_semaphore, #tpu.memory_space<semaphore_mem>>) src(%dma_wait3A_35 : memref<128xf32, #tpu.memory_space<hbm>>) dst(%arg11 : memref<128xf32, #tpu.memory_space<vmem>>)
        tpu.yield
      }) : () -> ()
      %scan3A = arith.constant 0 : i32
      %scan3A_29 = arith.constant 0 : i32
      %scan3A_30 = arith.constant 8 : i32
      %scan3A_31 = arith.addi %scan3A_29, %scan3A_30 : i32
      %scan3A_32 = arith.constant 1 : i32
      scf.for %scan3A_34 = %scan3A_29 to %scan3A_31 step %scan3A_32  : i32 {
        %mul3A_35 = arith.constant 16 : i32
        %mul3A_36 = arith.muli %scan3A_34, %mul3A_35 : i32
        %get3A = arith.index_cast %mul3A_36 : i32 to index
        %get3A_37 = tpu.vector_load %arg9[%get3A] {strides = array<i32>} : memref<128xi32, #tpu.memory_space<vmem>>, vector<16xi32>,
        %get3A_38 = arith.index_cast %mul3A_36 : i32 to index
        %get3A_39 = tpu.vector_load %arg10[%get3A_38] {strides = array<i32>} : memref<128xi32, #tpu.memory_space<vmem>>, vector<16xi32>,
        %get3A_40 = arith.index_cast %mul3A_36 : i32 to index
        %get3A_41 = tpu.vector_load %arg11[%get3A_40] {strides = array<i32>} : memref<128xf32, #tpu.memory_space<vmem>>, vector<16xf32>,
        %gather3A = tpu.vector_load_idx %arg8[%get3A_37] : memref<10000xi32, #tpu.memory_space<vmem>>[vector<16xi32>], vector<16xi32>,
        %gather3A_42 = tpu.vector_load_idx %arg8[%get3A_39] : memref<10000xi32, #tpu.memory_space<vmem>>[vector<16xi32>], vector<16xi32>,
        %ge3A = arith.constant 0 : i32
        %ge3A_43 = vector.broadcast %ge3A : i32 to vector<16xi32>
        %ge3A_44 = arith.cmpi sge, %gather3A, %ge3A_43 : vector<16xi32>
        %ge3A_45 = arith.constant 0 : i32
        %ge3A_46 = vector.broadcast %ge3A_45 : i32 to vector<16xi32>
        %ge3A_47 = arith.cmpi sge, %gather3A_42, %ge3A_46 : vector<16xi32>
        %and3A = arith.andi %ge3A_44, %ge3A_47 : vector<16xi1>
        %mul3A_48 = arith.constant 1000 : i32
        %mul3A_49 = vector.broadcast %mul3A_48 : i32 to vector<16xi32>
        %mul3A_50 = arith.muli %gather3A, %mul3A_49 : vector<16xi32>
        %add3A_51 = arith.addi %mul3A_50, %gather3A_42 : vector<16xi32>
        %mul3A_52 = arith.constant 16384 : i32
        %mul3A_53 = arith.muli %add3A, %mul3A_52 : i32
        %mul3A_54 = arith.constant 64 : i32
        %mul3A_55 = vector.broadcast %mul3A_54 : i32 to vector<16xi32>
        %mul3A_56 = arith.muli %iota3A, %mul3A_55 : vector<16xi32>
        %add3A_57 = vector.broadcast %mul3A_53 : i32 to vector<16xi32>
        %add3A_58 = arith.addi %add3A_57, %mul3A_56 : vector<16xi32>
        %select_n3A_59 = arith.select %and3A, %add3A_51, %add3A_58 : vector<16xi1>, vector<16xi32>
        %swap3A = arith.index_cast %mul3A_36 : i32 to index
        %swap3A_60 = tpu.vector_load %arg12[%swap3A] {strides = array<i32>} : memref<128xi32, #tpu.memory_space<vmem>>, vector<16xi32>,
        tpu.vector_store %arg12[%swap3A], %select_n3A_59 {strides = array<i32>} : memref<128xi32, #tpu.memory_space<vmem>>, vector<16xi32>,
        %jit3A_61 = arith.constant 0.000000e+00 : f32
        %broadcast_in_dim3A = vector.broadcast %jit3A_61 : f32 to vector<16xf32>
        %select_n3A_62 = arith.select %and3A, %get3A_41, %broadcast_in_dim3A : vector<16xi1>, vector<16xf32>
        %swap3A_63 = arith.index_cast %mul3A_36 : i32 to index
        %swap3A_64 = tpu.vector_load %arg13[%swap3A_63] {strides = array<i32>} : memref<128xf32, #tpu.memory_space<vmem>>, vector<16xf32>,
        tpu.vector_store %arg13[%swap3A_63], %select_n3A_62 {strides = array<i32>} : memref<128xf32, #tpu.memory_space<vmem>>, vector<16xf32>,
      }
      %scan3A_33 = arith.constant 8 : i32
      "tpu.region"() ({
        %run_scoped3A = tpu.sem_alloc : memref<!tpu.dma_semaphore, #tpu.memory_space<semaphore_mem>>
        %dma_start3A = arith.constant 0 : i32
        %dma_start3A_34 = tpu.memref_slice %arg14[%dma_start3A] : memref<1000000xf32, #tpu.memory_space<vmem_shared>> -> memref<1000000xf32, #tpu.memory_space<vmem_shared>>
        tpu.enqueue_indirect_dma source(%arg13 : memref<128xf32, #tpu.memory_space<vmem>>) target(%dma_start3A_34 : memref<1000000xf32, #tpu.memory_space<vmem_shared>>) offsets(%arg12 : memref<128xi32, #tpu.memory_space<vmem>>) semaphore(%run_scoped3A : memref<!tpu.dma_semaphore, #tpu.memory_space<semaphore_mem>>) {add = true}
        %dma_wait3A = arith.constant 0 : i32
        %dma_wait3A_35 = tpu.memref_slice %arg14[%dma_wait3A] : memref<1000000xf32, #tpu.memory_space<vmem_shared>> -> memref<1000000xf32, #tpu.memory_space<vmem_shared>>
        tpu.wait_indirect_dma semaphore(%run_scoped3A : memref<!tpu.dma_semaphore, #tpu.memory_space<semaphore_mem>>) src(%arg13 : memref<128xf32, #tpu.memory_space<vmem>>) dst(%dma_wait3A_35 : memref<1000000xf32, #tpu.memory_space<vmem_shared>>)
        tpu.yield
      }) : () -> ()
    }
    %while3A_16 = arith.constant 1 : i32
    scf.for %while3A_23 = %while3A_14 to %while3A_10 step %while3A_16  : i32 {
      %mul3A_24 = arith.constant 32 : i32
      %mul3A_25 = arith.muli %while3A_23, %mul3A_24 : i32
      %add3A_26 = arith.addi %add3A, %mul3A_25 : i32
      %mul3A_27 = arith.constant 128 : i32
      %mul3A_28 = arith.muli %add3A_26, %mul3A_27 : i32
      "tpu.region"() ({
        %run_scoped3A = tpu.sem_alloc : memref<!tpu.dma_semaphore, #tpu.memory_space<semaphore_mem>>
        %dma_start3A = tpu.memref_slice %arg2[%mul3A_28] : memref<320000xi32, #tpu.memory_space<hbm>> -> memref<128xi32, #tpu.memory_space<hbm>>
        %dma_start3A_34 = tpu.memref_slice %arg2[%mul3A_28] : memref<320000xi32, #tpu.memory_space<hbm>> -> memref<128xi32, #tpu.memory_space<hbm>>
        tpu.enqueue_dma source(%dma_start3A_34 : memref<128xi32, #tpu.memory_space<hbm>>) target(%arg9 : memref<128xi32, #tpu.memory_space<vmem>>) target_semaphore(%run_scoped3A : memref<!tpu.dma_semaphore, #tpu.memory_space<semaphore_mem>>)
        %dma_wait3A = tpu.memref_slice %arg2[%mul3A_28] : memref<320000xi32, #tpu.memory_space<hbm>> -> memref<128xi32, #tpu.memory_space<hbm>>
        %dma_wait3A_35 = tpu.memref_slice %arg2[%mul3A_28] : memref<320000xi32, #tpu.memory_space<hbm>> -> memref<128xi32, #tpu.memory_space<hbm>>
        tpu.wait_dma2 semaphore(%run_scoped3A : memref<!tpu.dma_semaphore, #tpu.memory_space<semaphore_mem>>) src(%dma_wait3A_35 : memref<128xi32, #tpu.memory_space<hbm>>) dst(%arg9 : memref<128xi32, #tpu.memory_space<vmem>>)
        tpu.yield
      }) : () -> ()
      "tpu.region"() ({
        %run_scoped3A = tpu.sem_alloc : memref<!tpu.dma_semaphore, #tpu.memory_space<semaphore_mem>>
        %dma_start3A = tpu.memref_slice %arg3[%mul3A_28] : memref<320000xi32, #tpu.memory_space<hbm>> -> memref<128xi32, #tpu.memory_space<hbm>>
        %dma_start3A_34 = tpu.memref_slice %arg3[%mul3A_28] : memref<320000xi32, #tpu.memory_space<hbm>> -> memref<128xi32, #tpu.memory_space<hbm>>
        tpu.enqueue_dma source(%dma_start3A_34 : memref<128xi32, #tpu.memory_space<hbm>>) target(%arg10 : memref<128xi32, #tpu.memory_space<vmem>>) target_semaphore(%run_scoped3A : memref<!tpu.dma_semaphore, #tpu.memory_space<semaphore_mem>>)
        %dma_wait3A = tpu.memref_slice %arg3[%mul3A_28] : memref<320000xi32, #tpu.memory_space<hbm>> -> memref<128xi32, #tpu.memory_space<hbm>>
        %dma_wait3A_35 = tpu.memref_slice %arg3[%mul3A_28] : memref<320000xi32, #tpu.memory_space<hbm>> -> memref<128xi32, #tpu.memory_space<hbm>>
        tpu.wait_dma2 semaphore(%run_scoped3A : memref<!tpu.dma_semaphore, #tpu.memory_space<semaphore_mem>>) src(%dma_wait3A_35 : memref<128xi32, #tpu.memory_space<hbm>>) dst(%arg10 : memref<128xi32, #tpu.memory_space<vmem>>)
        tpu.yield
      }) : () -> ()
      "tpu.region"() ({
        %run_scoped3A = tpu.sem_alloc : memref<!tpu.dma_semaphore, #tpu.memory_space<semaphore_mem>>
        %dma_start3A = tpu.memref_slice %arg4[%mul3A_28] : memref<320000xf32, #tpu.memory_space<hbm>> -> memref<128xf32, #tpu.memory_space<hbm>>
        %dma_start3A_34 = tpu.memref_slice %arg4[%mul3A_28] : memref<320000xf32, #tpu.memory_space<hbm>> -> memref<128xf32, #tpu.memory_space<hbm>>
        tpu.enqueue_dma source(%dma_start3A_34 : memref<128xf32, #tpu.memory_space<hbm>>) target(%arg11 : memref<128xf32, #tpu.memory_space<vmem>>) target_semaphore(%run_scoped3A : memref<!tpu.dma_semaphore, #tpu.memory_space<semaphore_mem>>)
        %dma_wait3A = tpu.memref_slice %arg4[%mul3A_28] : memref<320000xf32, #tpu.memory_space<hbm>> -> memref<128xf32, #tpu.memory_space<hbm>>
        %dma_wait3A_35 = tpu.memref_slice %arg4[%mul3A_28] : memref<320000xf32, #tpu.memory_space<hbm>> -> memref<128xf32, #tpu.memory_space<hbm>>
        tpu.wait_dma2 semaphore(%run_scoped3A : memref<!tpu.dma_semaphore, #tpu.memory_space<semaphore_mem>>) src(%dma_wait3A_35 : memref<128xf32, #tpu.memory_space<hbm>>) dst(%arg11 : memref<128xf32, #tpu.memory_space<vmem>>)
        tpu.yield
      }) : () -> ()
      %scan3A = arith.constant 0 : i32
      %scan3A_29 = arith.constant 0 : i32
      %scan3A_30 = arith.constant 8 : i32
      %scan3A_31 = arith.addi %scan3A_29, %scan3A_30 : i32
      %scan3A_32 = arith.constant 1 : i32
      scf.for %scan3A_34 = %scan3A_29 to %scan3A_31 step %scan3A_32  : i32 {
        %mul3A_35 = arith.constant 16 : i32
        %mul3A_36 = arith.muli %scan3A_34, %mul3A_35 : i32
        %get3A = arith.index_cast %mul3A_36 : i32 to index
        %get3A_37 = tpu.vector_load %arg9[%get3A] {strides = array<i32>} : memref<128xi32, #tpu.memory_space<vmem>>, vector<16xi32>,
        %get3A_38 = arith.index_cast %mul3A_36 : i32 to index
        %get3A_39 = tpu.vector_load %arg10[%get3A_38] {strides = array<i32>} : memref<128xi32, #tpu.memory_space<vmem>>, vector<16xi32>,
        %get3A_40 = arith.index_cast %mul3A_36 : i32 to index
        %get3A_41 = tpu.vector_load %arg11[%get3A_40] {strides = array<i32>} : memref<128xf32, #tpu.memory_space<vmem>>, vector<16xf32>,
        %gather3A = tpu.vector_load_idx %arg8[%get3A_37] : memref<10000xi32, #tpu.memory_space<vmem>>[vector<16xi32>], vector<16xi32>,
        %gather3A_42 = tpu.vector_load_idx %arg8[%get3A_39] : memref<10000xi32, #tpu.memory_space<vmem>>[vector<16xi32>], vector<16xi32>,
        %ge3A = arith.constant 0 : i32
        %ge3A_43 = vector.broadcast %ge3A : i32 to vector<16xi32>
        %ge3A_44 = arith.cmpi sge, %gather3A, %ge3A_43 : vector<16xi32>
        %ge3A_45 = arith.constant 0 : i32
        %ge3A_46 = vector.broadcast %ge3A_45 : i32 to vector<16xi32>
        %ge3A_47 = arith.cmpi sge, %gather3A_42, %ge3A_46 : vector<16xi32>
        %and3A = arith.andi %ge3A_44, %ge3A_47 : vector<16xi1>
        %mul3A_48 = arith.constant 1000 : i32
        %mul3A_49 = vector.broadcast %mul3A_48 : i32 to vector<16xi32>
        %mul3A_50 = arith.muli %gather3A, %mul3A_49 : vector<16xi32>
        %add3A_51 = arith.addi %mul3A_50, %gather3A_42 : vector<16xi32>
        %mul3A_52 = arith.constant 16384 : i32
        %mul3A_53 = arith.muli %add3A, %mul3A_52 : i32
        %mul3A_54 = arith.constant 64 : i32
        %mul3A_55 = vector.broadcast %mul3A_54 : i32 to vector<16xi32>
        %mul3A_56 = arith.muli %iota3A, %mul3A_55 : vector<16xi32>
        %add3A_57 = vector.broadcast %mul3A_53 : i32 to vector<16xi32>
        %add3A_58 = arith.addi %add3A_57, %mul3A_56 : vector<16xi32>
        %select_n3A_59 = arith.select %and3A, %add3A_51, %add3A_58 : vector<16xi1>, vector<16xi32>
        %swap3A = arith.index_cast %mul3A_36 : i32 to index
        %swap3A_60 = tpu.vector_load %arg12[%swap3A] {strides = array<i32>} : memref<128xi32, #tpu.memory_space<vmem>>, vector<16xi32>,
        tpu.vector_store %arg12[%swap3A], %select_n3A_59 {strides = array<i32>} : memref<128xi32, #tpu.memory_space<vmem>>, vector<16xi32>,
        %jit3A_61 = arith.constant 0.000000e+00 : f32
        %broadcast_in_dim3A = vector.broadcast %jit3A_61 : f32 to vector<16xf32>
        %select_n3A_62 = arith.select %and3A, %get3A_41, %broadcast_in_dim3A : vector<16xi1>, vector<16xf32>
        %swap3A_63 = arith.index_cast %mul3A_36 : i32 to index
        %swap3A_64 = tpu.vector_load %arg13[%swap3A_63] {strides = array<i32>} : memref<128xf32, #tpu.memory_space<vmem>>, vector<16xf32>,
        tpu.vector_store %arg13[%swap3A_63], %select_n3A_62 {strides = array<i32>} : memref<128xf32, #tpu.memory_space<vmem>>, vector<16xf32>,
      }
      %scan3A_33 = arith.constant 8 : i32
      "tpu.region"() ({
        %run_scoped3A = tpu.sem_alloc : memref<!tpu.dma_semaphore, #tpu.memory_space<semaphore_mem>>
        %dma_start3A = arith.constant 0 : i32
        %dma_start3A_34 = tpu.memref_slice %arg14[%dma_start3A] : memref<1000000xf32, #tpu.memory_space<vmem_shared>> -> memref<1000000xf32, #tpu.memory_space<vmem_shared>>
        tpu.enqueue_indirect_dma source(%arg13 : memref<128xf32, #tpu.memory_space<vmem>>) target(%dma_start3A_34 : memref<1000000xf32, #tpu.memory_space<vmem_shared>>) offsets(%arg12 : memref<128xi32, #tpu.memory_space<vmem>>) semaphore(%run_scoped3A : memref<!tpu.dma_semaphore, #tpu.memory_space<semaphore_mem>>) {add = true}
        %dma_wait3A = arith.constant 0 : i32
        %dma_wait3A_35 = tpu.memref_slice %arg14[%dma_wait3A] : memref<1000000xf32, #tpu.memory_space<vmem_shared>> -> memref<1000000xf32, #tpu.memory_space<vmem_shared>>
        tpu.wait_indirect_dma semaphore(%run_scoped3A : memref<!tpu.dma_semaphore, #tpu.memory_space<semaphore_mem>>) src(%arg13 : memref<128xf32, #tpu.memory_space<vmem>>) dst(%dma_wait3A_35 : memref<1000000xf32, #tpu.memory_space<vmem_shared>>)
        tpu.yield
      }) : () -> ()
    }
    %barrier3A_17 = arith.constant 0 : index
    tpu.barrier barrier_id(%barrier3A_17)
    %lt3A_18 = arith.constant 8 : i32
    %lt3A_19 = arith.cmpi slt, %arg1, %lt3A_18 : i32
    %convert_element_type3A_20 = arith.extui %lt3A_19 : i1 to i32
    %cond3A_21 = arith.constant 0 : i32
    %cond3A_22 = arith.cmpi ne, %convert_element_type3A_20, %cond3A_21 : i32
    scf.if %cond3A_22 {
      %mul3A_23 = arith.constant 125000 : i32
      %mul3A_24 = arith.muli %arg1, %mul3A_23 : i32
      %mul3A_25 = arith.constant 1000 : i32
      %mul3A_26 = arith.muli %arg0, %mul3A_25 : i32
      %mul3A_27 = arith.constant 1000 : i32
      %mul3A_28 = arith.muli %mul3A_26, %mul3A_27 : i32
      %mul3A_29 = arith.constant 125000 : i32
      %mul3A_30 = arith.muli %arg1, %mul3A_29 : i32
      %add3A_31 = arith.addi %mul3A_28, %mul3A_30 : i32
      "tpu.region"() ({
        %run_scoped3A = tpu.sem_alloc : memref<!tpu.dma_semaphore, #tpu.memory_space<semaphore_mem>>
        %dma_start3A = tpu.memref_slice %arg7[%add3A_31] : memref<2000000xf32, #tpu.memory_space<hbm>> -> memref<125000xf32, #tpu.memory_space<hbm>>
        %dma_start3A_32 = tpu.memref_slice %arg14[%mul3A_24] : memref<1000000xf32, #tpu.memory_space<vmem_shared>> -> memref<125000xf32, #tpu.memory_space<vmem_shared>>
        tpu.enqueue_dma source(%dma_start3A_32 : memref<125000xf32, #tpu.memory_space<vmem_shared>>) target(%dma_start3A : memref<125000xf32, #tpu.memory_space<hbm>>) target_semaphore(%run_scoped3A : memref<!tpu.dma_semaphore, #tpu.memory_space<semaphore_mem>>)
        %dma_wait3A = tpu.memref_slice %arg7[%add3A_31] : memref<2000000xf32, #tpu.memory_space<hbm>> -> memref<125000xf32, #tpu.memory_space<hbm>>
        %dma_wait3A_33 = tpu.memref_slice %arg14[%mul3A_24] : memref<1000000xf32, #tpu.memory_space<vmem_shared>> -> memref<125000xf32, #tpu.memory_space<vmem_shared>>
        tpu.wait_dma2 semaphore(%run_scoped3A : memref<!tpu.dma_semaphore, #tpu.memory_space<semaphore_mem>>) src(%dma_wait3A_33 : memref<125000xf32, #tpu.memory_space<vmem_shared>>) dst(%dma_wait3A : memref<125000xf32, #tpu.memory_space<hbm>>)
        tpu.yield
      }) : () -> ()
    } else {
    }
    return
  }
}

module attributes {stable_mosaic.version = 14 : i64} {
  func.func @body(%arg0: memref<10000x128xf32, #tpu.memory_space<vmem>>, %arg1: memref<128x64xf32, #tpu.memory_space<vmem>>, %arg2: memref<64x1xf32, #tpu.memory_space<vmem>>, %arg3: memref<64x1xf32, #tpu.memory_space<vmem>>, %arg4: memref<10000x64xf32, #tpu.memory_space<vmem>>, %arg5: memref<10000x1xf32, #tpu.memory_space<vmem>>, %arg6: memref<10000x1xf32, #tpu.memory_space<vmem>>, %arg7: memref<10000x1xf32, #tpu.memory_space<vmem>>) attributes {dimension_semantics = [], scalar_prefetch = 0 : i64, scratch_operands = 0 : i64, tpu.core_type = #tpu.core_type<tc>} {
    %get3A = arith.constant 0 : index
    %get3A_0 = arith.constant 0 : index
    %get3A_1 = vector.load %arg0[%get3A, %get3A_0] : memref<10000x128xf32, #tpu.memory_space<vmem>>, vector<10000x128xf32>
    %get3A_2 = arith.constant 0 : index
    %get3A_3 = arith.constant 0 : index
    %get3A_4 = vector.load %arg1[%get3A_2, %get3A_3] : memref<128x64xf32, #tpu.memory_space<vmem>>, vector<128x64xf32>
    %dot_general3A = arith.constant dense<0.000000e+00> : vector<10000x64xf32>
    %dot_general3A_5 = tpu.matmul %get3A_1, %get3A_4, %dot_general3A {dimension_numbers = #tpu.dot_dimension_numbers<[1], [0], [0], [1], [0, 0, 1, 1], [], []>, transpose_lhs_hint = false} : vector<10000x128xf32>, vector<128x64xf32>, vector<10000x64xf32> -> vector<10000x64xf32>
    %swap3A = arith.constant 0 : index
    %swap3A_6 = arith.constant 0 : index
    %swap3A_7 = vector.load %arg4[%swap3A, %swap3A_6] : memref<10000x64xf32, #tpu.memory_space<vmem>>, vector<10000x64xf32>
    tpu.vector_store %arg4[%swap3A, %swap3A_6], %dot_general3A_5 {strides = array<i32>} : memref<10000x64xf32, #tpu.memory_space<vmem>>, vector<10000x64xf32>,
    %get3A_8 = arith.constant 0 : index
    %get3A_9 = arith.constant 0 : index
    %get3A_10 = vector.load %arg2[%get3A_8, %get3A_9] : memref<64x1xf32, #tpu.memory_space<vmem>>, vector<64x1xf32>
    %dot_general3A_11 = arith.constant dense<0.000000e+00> : vector<10000x1xf32>
    %dot_general3A_12 = tpu.matmul %dot_general3A_5, %get3A_10, %dot_general3A_11 {dimension_numbers = #tpu.dot_dimension_numbers<[1], [0], [0], [1], [0, 0, 1, 1], [], []>, transpose_lhs_hint = false} : vector<10000x64xf32>, vector<64x1xf32>, vector<10000x1xf32> -> vector<10000x1xf32>
    %get3A_13 = arith.constant 0 : index
    %get3A_14 = arith.constant 0 : index
    %get3A_15 = vector.load %arg3[%get3A_13, %get3A_14] : memref<64x1xf32, #tpu.memory_space<vmem>>, vector<64x1xf32>
    %dot_general3A_16 = arith.constant dense<0.000000e+00> : vector<10000x1xf32>
    %dot_general3A_17 = tpu.matmul %dot_general3A_5, %get3A_15, %dot_general3A_16 {dimension_numbers = #tpu.dot_dimension_numbers<[1], [0], [0], [1], [0, 0, 1, 1], [], []>, transpose_lhs_hint = false} : vector<10000x64xf32>, vector<64x1xf32>, vector<10000x1xf32> -> vector<10000x1xf32>
    %swap3A_18 = arith.constant 0 : index
    %swap3A_19 = arith.constant 0 : index
    %swap3A_20 = vector.load %arg5[%swap3A_18, %swap3A_19] : memref<10000x1xf32, #tpu.memory_space<vmem>>, vector<10000x1xf32>
    tpu.vector_store %arg5[%swap3A_18, %swap3A_19], %dot_general3A_12 {strides = array<i32>} : memref<10000x1xf32, #tpu.memory_space<vmem>>, vector<10000x1xf32>,
    %swap3A_21 = arith.constant 0 : index
    %swap3A_22 = arith.constant 0 : index
    %swap3A_23 = vector.load %arg6[%swap3A_21, %swap3A_22] : memref<10000x1xf32, #tpu.memory_space<vmem>>, vector<10000x1xf32>
    tpu.vector_store %arg6[%swap3A_21, %swap3A_22], %dot_general3A_17 {strides = array<i32>} : memref<10000x1xf32, #tpu.memory_space<vmem>>, vector<10000x1xf32>,
    %reduce_max3A = vector.shape_cast %dot_general3A_12 : vector<10000x1xf32> to vector<1x10000x1xf32>
    %reduce_max3A_24 = arith.constant dense<0xFF800000> : vector<1xf32>
    %reduce_max3A_25 = vector.multi_reduction <maximumf>, %reduce_max3A, %reduce_max3A_24 [1, 2] : vector<1x10000x1xf32> to vector<1xf32>
    %reduce_max3A_26 = vector.shape_cast %reduce_max3A_25 : vector<1xf32> to vector<1x1x1xf32>
    %reduce_max3A_27 = vector.extract %reduce_max3A_26[0, 0, 0] : f32 from vector<1x1x1xf32>
    %add3A = vector.broadcast %reduce_max3A_27 : f32 to vector<10000x1xf32>
    %add3A_28 = arith.addf %add3A, %dot_general3A_17 : vector<10000x1xf32>
    %gt3A = arith.constant 0.000000e+00 : f32
    %gt3A_29 = vector.broadcast %gt3A : f32 to vector<10000x1xf32>
    %gt3A_30 = arith.cmpf ogt, %add3A_28, %gt3A_29 : vector<10000x1xf32>
    %mul3A = arith.constant 2.000000e-01 : f32
    %mul3A_31 = vector.broadcast %mul3A : f32 to vector<10000x1xf32>
    %mul3A_32 = arith.mulf %add3A_28, %mul3A_31 : vector<10000x1xf32>
    %select_n3A = arith.select %gt3A_30, %add3A_28, %mul3A_32 : vector<10000x1xi1>, vector<10000x1xf32>
    %swap3A_33 = arith.constant 0 : index
    %swap3A_34 = arith.constant 0 : index
    %swap3A_35 = vector.load %arg7[%swap3A_33, %swap3A_34] : memref<10000x1xf32, #tpu.memory_space<vmem>>, vector<10000x1xf32>
    tpu.vector_store %arg7[%swap3A_33, %swap3A_34], %select_n3A {strides = array<i32>} : memref<10000x1xf32, #tpu.memory_space<vmem>>, vector<10000x1xf32>,
    return
  }
}

module attributes {stable_mosaic.version = 14 : i64} {
  func.func @body_a(%arg0: i32, %arg1: memref<2x1000x64xf32, #tpu.memory_space<vmem>>, %arg2: memref<32x1x1x1000xf32, #tpu.memory_space<vmem>>, %arg3: memref<1x64xf32, #tpu.memory_space<vmem>>, %arg4: memref<64x1xf32, #tpu.memory_space<vmem>>, %arg5: memref<1000x64xf32, #tpu.memory_space<vmem>>, %arg6: memref<1000x1xf32, #tpu.memory_space<vmem>>) attributes {dimension_semantics = [#tpu.dimension_semantics<arbitrary>], iteration_bounds = array<i64: 10>, scalar_prefetch = 0 : i64, scratch_operands = 0 : i64, tpu.core_type = #tpu.core_type<tc>, window_params = [{transform_indices = @transform_0, window_bounds = array<i64: 2, 1000, 64>}, {transform_indices = @transform_1, window_bounds = array<i64: 32, 1, 1, 1000>}, {pipeline_mode = #tpu.pipeline_mode<synchronous>, transform_indices = @transform_2, window_bounds = array<i64: 1, 64>}, {pipeline_mode = #tpu.pipeline_mode<synchronous>, transform_indices = @transform_3, window_bounds = array<i64: 64, 1>}, {transform_indices = @transform_4, window_bounds = array<i64: 1000, 64>}, {transform_indices = @transform_5, window_bounds = array<i64: 1000, 1>}]} {
    %get3A = arith.constant 0 : index
    %get3A_0 = arith.constant 0 : index
    %get3A_1 = arith.constant 0 : index
    %get3A_2 = vector.load %arg1[%get3A, %get3A_0, %get3A_1] : memref<2x1000x64xf32, #tpu.memory_space<vmem>>, vector<1x1000x64xf32>
    %get3A_3 = vector.shape_cast %get3A_2 : vector<1x1000x64xf32> to vector<1000x64xf32>
    %get3A_4 = arith.constant 1 : index
    %get3A_5 = arith.constant 0 : index
    %get3A_6 = arith.constant 0 : index
    %get3A_7 = vector.load %arg1[%get3A_4, %get3A_5, %get3A_6] : memref<2x1000x64xf32, #tpu.memory_space<vmem>>, vector<1x1000x64xf32>
    %get3A_8 = vector.shape_cast %get3A_7 : vector<1x1000x64xf32> to vector<1000x64xf32>
    %add3A = arith.addf %get3A_3, %get3A_8 : vector<1000x64xf32>
    %get3A_9 = arith.constant 0 : index
    %get3A_10 = arith.constant 0 : index
    %get3A_11 = arith.constant 0 : index
    %get3A_12 = arith.constant 0 : index
    %get3A_13 = vector.load %arg2[%get3A_9, %get3A_10, %get3A_11, %get3A_12] : memref<32x1x1x1000xf32, #tpu.memory_space<vmem>>, vector<32x1x1x1000xf32>
    %get3A_14 = vector.shape_cast %get3A_13 : vector<32x1x1x1000xf32> to vector<32x1000xf32>
    %reduce_sum3A = arith.constant dense<0.000000e+00> : vector<1000xf32>
    %reduce_sum3A_15 = vector.multi_reduction <add>, %get3A_14, %reduce_sum3A [0] : vector<32x1000xf32> to vector<1000xf32>
    %broadcast_in_dim3A = vector.shape_cast %reduce_sum3A_15 : vector<1000xf32> to vector<1x1000xf32>
    %iota3A = tpu.iota {dimensions = array<i32: 0>} : vector<1000x1000xi32>
    %iota3A_16 = tpu.iota {dimensions = array<i32: 1>} : vector<1000x1000xi32>
    %eq3A = arith.cmpi eq, %iota3A, %iota3A_16 : vector<1000x1000xi32>
    %convert_element_type3A = arith.extui %eq3A : vector<1000x1000xi1> to vector<1000x1000xi32>
    %convert_element_type3A_17 = arith.sitofp %convert_element_type3A : vector<1000x1000xi32> to vector<1000x1000xf32>
    %broadcast_in_dim3A_18 = vector.shape_cast %broadcast_in_dim3A : vector<1x1000xf32> to vector<1x1000xf32>
    %broadcast_in_dim3A_19 = vector.broadcast %broadcast_in_dim3A_18 : vector<1x1000xf32> to vector<1000x1000xf32>
    %mul3A = arith.mulf %convert_element_type3A_17, %broadcast_in_dim3A_19 : vector<1000x1000xf32>
    %reduce_sum3A_20 = arith.constant dense<0.000000e+00> : vector<1000xf32>
    %reduce_sum3A_21 = vector.multi_reduction <add>, %mul3A, %reduce_sum3A_20 [1] : vector<1000x1000xf32> to vector<1000xf32>
    %broadcast_in_dim3A_22 = vector.shape_cast %reduce_sum3A_21 : vector<1000xf32> to vector<1000x1xf32>
    %add3A_23 = arith.constant 1.000000e-16 : f32
    %add3A_24 = vector.broadcast %add3A_23 : f32 to vector<1000x1xf32>
    %add3A_25 = arith.addf %broadcast_in_dim3A_22, %add3A_24 : vector<1000x1xf32>
    %div3A = vector.broadcast %add3A_25 : vector<1000x1xf32> to vector<1000x64xf32>
    %div3A_26 = arith.divf %add3A, %div3A : vector<1000x64xf32>
    %get3A_27 = arith.constant 0 : index
    %get3A_28 = arith.constant 0 : index
    %get3A_29 = vector.load %arg3[%get3A_27, %get3A_28] : memref<1x64xf32, #tpu.memory_space<vmem>>, vector<1x64xf32>
    %add3A_30 = vector.broadcast %get3A_29 : vector<1x64xf32> to vector<1000x64xf32>
    %add3A_31 = arith.addf %div3A_26, %add3A_30 : vector<1000x64xf32>
    %swap3A = arith.constant 0 : index
    %swap3A_32 = arith.constant 0 : index
    %swap3A_33 = vector.load %arg5[%swap3A, %swap3A_32] : memref<1000x64xf32, #tpu.memory_space<vmem>>, vector<1000x64xf32>
    tpu.vector_store %arg5[%swap3A, %swap3A_32], %add3A_31 {strides = array<i32>} : memref<1000x64xf32, #tpu.memory_space<vmem>>, vector<1000x64xf32>,
    %get3A_34 = arith.constant 0 : index
    %get3A_35 = arith.constant 0 : index
    %get3A_36 = vector.load %arg4[%get3A_34, %get3A_35] : memref<64x1xf32, #tpu.memory_space<vmem>>, vector<64x1xf32>
    %dot_general3A = arith.constant dense<0.000000e+00> : vector<1000x1xf32>
    %dot_general3A_37 = tpu.matmul %add3A_31, %get3A_36, %dot_general3A {dimension_numbers = #tpu.dot_dimension_numbers<[1], [0], [0], [1], [0, 0, 1, 1], [], []>, transpose_lhs_hint = false} : vector<1000x64xf32>, vector<64x1xf32>, vector<1000x1xf32> -> vector<1000x1xf32>
    %swap3A_38 = arith.constant 0 : index
    %swap3A_39 = arith.constant 0 : index
    %swap3A_40 = vector.load %arg6[%swap3A_38, %swap3A_39] : memref<1000x1xf32, #tpu.memory_space<vmem>>, vector<1000x1xf32>
    tpu.vector_store %arg6[%swap3A_38, %swap3A_39], %dot_general3A_37 {strides = array<i32>} : memref<1000x1xf32, #tpu.memory_space<vmem>>, vector<1000x1xf32>,
    return
  }
  func.func @transform_0(%arg0: i32) -> (i32, i32, i32) {
    %c0_i32 = arith.constant 0 : i32
    %c0_i32_0 = arith.constant 0 : i32
    %c0_i32_1 = arith.constant 0 : i32
    return %c0_i32, %arg0, %c0_i32_0 : i32, i32, i32
  }
  func.func @transform_1(%arg0: i32) -> (i32, i32, i32, i32) {
    %c0_i32 = arith.constant 0 : i32
    %c0_i32_0 = arith.constant 0 : i32
    %c0_i32_1 = arith.constant 0 : i32
    %c0_i32_2 = arith.constant 0 : i32
    return %c0_i32, %arg0, %c0_i32_0, %c0_i32_1 : i32, i32, i32, i32
  }
  func.func @transform_2(%arg0: i32) -> (i32, i32) {
    %c0_i32 = arith.constant 0 : i32
    %c0_i32_0 = arith.constant 0 : i32
    %c0_i32_1 = arith.constant 0 : i32
    return %c0_i32, %c0_i32_0 : i32, i32
  }
  func.func @transform_3(%arg0: i32) -> (i32, i32) {
    %c0_i32 = arith.constant 0 : i32
    %c0_i32_0 = arith.constant 0 : i32
    %c0_i32_1 = arith.constant 0 : i32
    return %c0_i32, %c0_i32_0 : i32, i32
  }
  func.func @transform_4(%arg0: i32) -> (i32, i32) {
    %c0_i32 = arith.constant 0 : i32
    %c0_i32_0 = arith.constant 0 : i32
    return %arg0, %c0_i32 : i32, i32
  }
  func.func @transform_5(%arg0: i32) -> (i32, i32) {
    %c0_i32 = arith.constant 0 : i32
    %c0_i32_0 = arith.constant 0 : i32
    return %arg0, %c0_i32 : i32, i32
  }
}

module attributes {stable_mosaic.version = 14 : i64} {
  func.func @body_b(%arg0: memref<10000x1xf32, #tpu.memory_space<vmem>>, %arg1: memref<1x1xf32, #tpu.memory_space<vmem>>, %arg2: memref<1x1xf32, #tpu.memory_space<vmem>>, %arg3: memref<10000x1xf32, #tpu.memory_space<vmem>>, %arg4: memref<10000x1xf32, #tpu.memory_space<vmem>>, %arg5: memref<10000x1xf32, #tpu.memory_space<vmem>>) attributes {dimension_semantics = [], scalar_prefetch = 0 : i64, scratch_operands = 0 : i64, tpu.core_type = #tpu.core_type<tc>} {
    %get3A = arith.constant 0 : index
    %get3A_0 = arith.constant 0 : index
    %get3A_1 = vector.load %arg0[%get3A, %get3A_0] : memref<10000x1xf32, #tpu.memory_space<vmem>>, vector<10000x1xf32>
    %get3A_2 = arith.constant 0 : index
    %get3A_3 = arith.constant 0 : index
    %get3A_4 = vector.load %arg1[%get3A_2, %get3A_3] : memref<1x1xf32, #tpu.memory_space<vmem>>, vector<1x1xf32>
    %mul3A = vector.broadcast %get3A_4 : vector<1x1xf32> to vector<10000x1xf32>
    %mul3A_5 = arith.mulf %get3A_1, %mul3A : vector<10000x1xf32>
    %get3A_6 = arith.constant 0 : index
    %get3A_7 = arith.constant 0 : index
    %get3A_8 = vector.load %arg2[%get3A_6, %get3A_7] : memref<1x1xf32, #tpu.memory_space<vmem>>, vector<1x1xf32>
    %mul3A_9 = vector.broadcast %get3A_8 : vector<1x1xf32> to vector<10000x1xf32>
    %mul3A_10 = arith.mulf %get3A_1, %mul3A_9 : vector<10000x1xf32>
    %swap3A = arith.constant 0 : index
    %swap3A_11 = arith.constant 0 : index
    %swap3A_12 = vector.load %arg3[%swap3A, %swap3A_11] : memref<10000x1xf32, #tpu.memory_space<vmem>>, vector<10000x1xf32>
    tpu.vector_store %arg3[%swap3A, %swap3A_11], %mul3A_5 {strides = array<i32>} : memref<10000x1xf32, #tpu.memory_space<vmem>>, vector<10000x1xf32>,
    %swap3A_13 = arith.constant 0 : index
    %swap3A_14 = arith.constant 0 : index
    %swap3A_15 = vector.load %arg4[%swap3A_13, %swap3A_14] : memref<10000x1xf32, #tpu.memory_space<vmem>>, vector<10000x1xf32>
    tpu.vector_store %arg4[%swap3A_13, %swap3A_14], %mul3A_10 {strides = array<i32>} : memref<10000x1xf32, #tpu.memory_space<vmem>>, vector<10000x1xf32>,
    %reduce_max3A = vector.shape_cast %mul3A_5 : vector<10000x1xf32> to vector<1x10000x1xf32>
    %reduce_max3A_16 = arith.constant dense<0xFF800000> : vector<1xf32>
    %reduce_max3A_17 = vector.multi_reduction <maximumf>, %reduce_max3A, %reduce_max3A_16 [1, 2] : vector<1x10000x1xf32> to vector<1xf32>
    %reduce_max3A_18 = vector.shape_cast %reduce_max3A_17 : vector<1xf32> to vector<1x1x1xf32>
    %reduce_max3A_19 = vector.extract %reduce_max3A_18[0, 0, 0] : f32 from vector<1x1x1xf32>
    %add3A = vector.broadcast %reduce_max3A_19 : f32 to vector<10000x1xf32>
    %add3A_20 = arith.addf %add3A, %mul3A_10 : vector<10000x1xf32>
    %gt3A = arith.constant 0.000000e+00 : f32
    %gt3A_21 = vector.broadcast %gt3A : f32 to vector<10000x1xf32>
    %gt3A_22 = arith.cmpf ogt, %add3A_20, %gt3A_21 : vector<10000x1xf32>
    %mul3A_23 = arith.constant 2.000000e-01 : f32
    %mul3A_24 = vector.broadcast %mul3A_23 : f32 to vector<10000x1xf32>
    %mul3A_25 = arith.mulf %add3A_20, %mul3A_24 : vector<10000x1xf32>
    %select_n3A = arith.select %gt3A_22, %add3A_20, %mul3A_25 : vector<10000x1xi1>, vector<10000x1xf32>
    %swap3A_26 = arith.constant 0 : index
    %swap3A_27 = arith.constant 0 : index
    %swap3A_28 = vector.load %arg5[%swap3A_26, %swap3A_27] : memref<10000x1xf32, #tpu.memory_space<vmem>>, vector<10000x1xf32>
    tpu.vector_store %arg5[%swap3A_26, %swap3A_27], %select_n3A {strides = array<i32>} : memref<10000x1xf32, #tpu.memory_space<vmem>>, vector<10000x1xf32>,
    return
  }
}

module attributes {stable_mosaic.version = 14 : i64} {
  func.func @body(%arg0: i32, %arg1: memref<32x1x1x1000xf32, #tpu.memory_space<vmem>>, %arg2: memref<32x1x1x1000xf32, #tpu.memory_space<vmem>>, %arg3: memref<1x1xf32, #tpu.memory_space<vmem>>, %arg4: memref<1000x1xf32, #tpu.memory_space<vmem>>) attributes {dimension_semantics = [#tpu.dimension_semantics<arbitrary>], iteration_bounds = array<i64: 10>, scalar_prefetch = 0 : i64, scratch_operands = 0 : i64, tpu.core_type = #tpu.core_type<tc>, window_params = [{transform_indices = @transform_0, window_bounds = array<i64: 32, 1, 1, 1000>}, {transform_indices = @transform_1, window_bounds = array<i64: 32, 1, 1, 1000>}, {pipeline_mode = #tpu.pipeline_mode<synchronous>, transform_indices = @transform_2, window_bounds = array<i64: 1, 1>}, {transform_indices = @transform_3, window_bounds = array<i64: 1000, 1>}]} {
    %get3A = arith.constant 0 : index
    %get3A_0 = arith.constant 0 : index
    %get3A_1 = arith.constant 0 : index
    %get3A_2 = arith.constant 0 : index
    %get3A_3 = vector.load %arg1[%get3A, %get3A_0, %get3A_1, %get3A_2] : memref<32x1x1x1000xf32, #tpu.memory_space<vmem>>, vector<32x1x1x1000xf32>
    %get3A_4 = vector.shape_cast %get3A_3 : vector<32x1x1x1000xf32> to vector<32x1000xf32>
    %reduce_sum3A = arith.constant dense<0.000000e+00> : vector<1000xf32>
    %reduce_sum3A_5 = vector.multi_reduction <add>, %get3A_4, %reduce_sum3A [0] : vector<32x1000xf32> to vector<1000xf32>
    %broadcast_in_dim3A = vector.shape_cast %reduce_sum3A_5 : vector<1000xf32> to vector<1x1000xf32>
    %get3A_6 = arith.constant 0 : index
    %get3A_7 = arith.constant 0 : index
    %get3A_8 = arith.constant 0 : index
    %get3A_9 = arith.constant 0 : index
    %get3A_10 = vector.load %arg2[%get3A_6, %get3A_7, %get3A_8, %get3A_9] : memref<32x1x1x1000xf32, #tpu.memory_space<vmem>>, vector<32x1x1x1000xf32>
    %get3A_11 = vector.shape_cast %get3A_10 : vector<32x1x1x1000xf32> to vector<32x1000xf32>
    %reduce_sum3A_12 = arith.constant dense<0.000000e+00> : vector<1000xf32>
    %reduce_sum3A_13 = vector.multi_reduction <add>, %get3A_11, %reduce_sum3A_12 [0] : vector<32x1000xf32> to vector<1000xf32>
    %broadcast_in_dim3A_14 = vector.shape_cast %reduce_sum3A_13 : vector<1000xf32> to vector<1x1000xf32>
    %iota3A = tpu.iota {dimensions = array<i32: 0>} : vector<1000x1000xi32>
    %iota3A_15 = tpu.iota {dimensions = array<i32: 1>} : vector<1000x1000xi32>
    %eq3A = arith.cmpi eq, %iota3A, %iota3A_15 : vector<1000x1000xi32>
    %convert_element_type3A = arith.extui %eq3A : vector<1000x1000xi1> to vector<1000x1000xi32>
    %convert_element_type3A_16 = arith.sitofp %convert_element_type3A : vector<1000x1000xi32> to vector<1000x1000xf32>
    %broadcast_in_dim3A_17 = vector.shape_cast %broadcast_in_dim3A : vector<1x1000xf32> to vector<1x1000xf32>
    %broadcast_in_dim3A_18 = vector.broadcast %broadcast_in_dim3A_17 : vector<1x1000xf32> to vector<1000x1000xf32>
    %mul3A = arith.mulf %convert_element_type3A_16, %broadcast_in_dim3A_18 : vector<1000x1000xf32>
    %reduce_sum3A_19 = arith.constant dense<0.000000e+00> : vector<1000xf32>
    %reduce_sum3A_20 = vector.multi_reduction <add>, %mul3A, %reduce_sum3A_19 [1] : vector<1000x1000xf32> to vector<1000xf32>
    %broadcast_in_dim3A_21 = vector.shape_cast %reduce_sum3A_20 : vector<1000xf32> to vector<1000x1xf32>
    %broadcast_in_dim3A_22 = vector.shape_cast %broadcast_in_dim3A_14 : vector<1x1000xf32> to vector<1x1000xf32>
    %broadcast_in_dim3A_23 = vector.broadcast %broadcast_in_dim3A_22 : vector<1x1000xf32> to vector<1000x1000xf32>
    %mul3A_24 = arith.mulf %convert_element_type3A_16, %broadcast_in_dim3A_23 : vector<1000x1000xf32>
    %reduce_sum3A_25 = arith.constant dense<0.000000e+00> : vector<1000xf32>
    %reduce_sum3A_26 = vector.multi_reduction <add>, %mul3A_24, %reduce_sum3A_25 [1] : vector<1000x1000xf32> to vector<1000xf32>
    %broadcast_in_dim3A_27 = vector.shape_cast %reduce_sum3A_26 : vector<1000xf32> to vector<1000x1xf32>
    %add3A = arith.constant 1.000000e-16 : f32
    %add3A_28 = vector.broadcast %add3A : f32 to vector<1000x1xf32>
    %add3A_29 = arith.addf %broadcast_in_dim3A_27, %add3A_28 : vector<1000x1xf32>
    %div3A = arith.divf %broadcast_in_dim3A_21, %add3A_29 : vector<1000x1xf32>
    %get3A_30 = arith.constant 0 : index
    %get3A_31 = arith.constant 0 : index
    %get3A_32 = vector.load %arg3[%get3A_30, %get3A_31] : memref<1x1xf32, #tpu.memory_space<vmem>>, vector<1x1xf32>
    %add3A_33 = vector.broadcast %get3A_32 : vector<1x1xf32> to vector<1000x1xf32>
    %add3A_34 = arith.addf %div3A, %add3A_33 : vector<1000x1xf32>
    %swap3A = arith.constant 0 : index
    %swap3A_35 = arith.constant 0 : index
    %swap3A_36 = vector.load %arg4[%swap3A, %swap3A_35] : memref<1000x1xf32, #tpu.memory_space<vmem>>, vector<1000x1xf32>
    tpu.vector_store %arg4[%swap3A, %swap3A_35], %add3A_34 {strides = array<i32>} : memref<1000x1xf32, #tpu.memory_space<vmem>>, vector<1000x1xf32>,
    return
  }
  func.func @transform_0(%arg0: i32) -> (i32, i32, i32, i32) {
    %c0_i32 = arith.constant 0 : i32
    %c0_i32_0 = arith.constant 0 : i32
    %c0_i32_1 = arith.constant 0 : i32
    %c0_i32_2 = arith.constant 0 : i32
    return %c0_i32, %arg0, %c0_i32_0, %c0_i32_1 : i32, i32, i32, i32
  }
  func.func @transform_1(%arg0: i32) -> (i32, i32, i32, i32) {
    %c0_i32 = arith.constant 0 : i32
    %c0_i32_0 = arith.constant 0 : i32
    %c0_i32_1 = arith.constant 0 : i32
    %c0_i32_2 = arith.constant 0 : i32
    return %c0_i32, %arg0, %c0_i32_0, %c0_i32_1 : i32, i32, i32, i32
  }
  func.func @transform_2(%arg0: i32) -> (i32, i32) {
    %c0_i32 = arith.constant 0 : i32
    %c0_i32_0 = arith.constant 0 : i32
    %c0_i32_1 = arith.constant 0 : i32
    return %c0_i32, %c0_i32_0 : i32, i32
  }
  func.func @transform_3(%arg0: i32) -> (i32, i32) {
    %c0_i32 = arith.constant 0 : i32
    %c0_i32_0 = arith.constant 0 : i32
    return %arg0, %c0_i32 : i32, i32
  }
}

module attributes {stable_mosaic.version = 14 : i64} {
  func.func @body(%arg0: i32, %arg1: memref<1000x1xf32, #tpu.memory_space<vmem>>, %arg2: memref<1000x64xf32, #tpu.memory_space<vmem>>, %arg3: memref<1x100x1xf32, #tpu.memory_space<vmem>>, %arg4: memref<1x100x64xf32, #tpu.memory_space<vmem>>, %arg5: memref<1x1x128xf32, #tpu.memory_space<vmem>>, %arg6: memref<1x1x1000xi32, #tpu.memory_space<vmem>>) attributes {dimension_semantics = [#tpu.dimension_semantics<arbitrary>], iteration_bounds = array<i64: 10>, scalar_prefetch = 0 : i64, scratch_operands = 0 : i64, tpu.core_type = #tpu.core_type<tc>, window_params = [{transform_indices = @transform_0, window_bounds = array<i64: 1000, 1>}, {transform_indices = @transform_1, window_bounds = array<i64: 1000, 64>}, {transform_indices = @transform_2, window_bounds = array<i64: 1, 100, 1>}, {transform_indices = @transform_3, window_bounds = array<i64: 1, 100, 64>}, {transform_indices = @transform_4, window_bounds = array<i64: 1, 1, 128>}, {transform_indices = @transform_5, window_bounds = array<i64: 1, 1, 1000>}]} {
    %get3A = arith.constant 0 : index
    %get3A_0 = arith.constant 0 : index
    %get3A_1 = vector.load %arg1[%get3A, %get3A_0] : memref<1000x1xf32, #tpu.memory_space<vmem>>, vector<1000x1xf32>
    %iota3A = tpu.iota {dimensions = array<i32: 0>} : vector<1000x1000xi32>
    %iota3A_2 = tpu.iota {dimensions = array<i32: 1>} : vector<1000x1000xi32>
    %eq3A = arith.cmpi eq, %iota3A, %iota3A_2 : vector<1000x1000xi32>
    %convert_element_type3A = arith.extui %eq3A : vector<1000x1000xi1> to vector<1000x1000xi32>
    %convert_element_type3A_3 = arith.sitofp %convert_element_type3A : vector<1000x1000xi32> to vector<1000x1000xf32>
    %broadcast_in_dim3A = vector.shape_cast %get3A_1 : vector<1000x1xf32> to vector<1000x1xf32>
    %broadcast_in_dim3A_4 = vector.broadcast %broadcast_in_dim3A : vector<1000x1xf32> to vector<1000x1000xf32>
    %mul3A = arith.mulf %convert_element_type3A_3, %broadcast_in_dim3A_4 : vector<1000x1000xf32>
    %reduce_sum3A = arith.constant dense<0.000000e+00> : vector<1000xf32>
    %reduce_sum3A_5 = vector.multi_reduction <add>, %mul3A, %reduce_sum3A [0] : vector<1000x1000xf32> to vector<1000xf32>
    %broadcast_in_dim3A_6 = vector.shape_cast %reduce_sum3A_5 : vector<1000xf32> to vector<1x1000xf32>
    %broadcast_in_dim3A_7 = vector.shape_cast %get3A_1 : vector<1000x1xf32> to vector<1000x1xf32>
    %broadcast_in_dim3A_8 = vector.broadcast %broadcast_in_dim3A_7 : vector<1000x1xf32> to vector<1000x1000xf32>
    %broadcast_in_dim3A_9 = vector.shape_cast %broadcast_in_dim3A_6 : vector<1x1000xf32> to vector<1x1000xf32>
    %broadcast_in_dim3A_10 = vector.broadcast %broadcast_in_dim3A_9 : vector<1x1000xf32> to vector<1000x1000xf32>
    %iota3A_11 = tpu.iota {dimensions = array<i32: 0>} : vector<1000x1000xi32>
    %iota3A_12 = tpu.iota {dimensions = array<i32: 1>} : vector<1000x1000xi32>
    %gt3A = arith.cmpf ogt, %broadcast_in_dim3A_8, %broadcast_in_dim3A_10 : vector<1000x1000xf32>
    %eq3A_13 = arith.cmpf oeq, %broadcast_in_dim3A_8, %broadcast_in_dim3A_10 : vector<1000x1000xf32>
    %lt3A = arith.cmpi slt, %iota3A_11, %iota3A_12 : vector<1000x1000xi32>
    %and3A = arith.andi %eq3A_13, %lt3A : vector<1000x1000xi1>
    %or3A = arith.ori %gt3A, %and3A : vector<1000x1000xi1>
    %convert_element_type3A_14 = arith.extui %or3A : vector<1000x1000xi1> to vector<1000x1000xi32>
    %convert_element_type3A_15 = arith.sitofp %convert_element_type3A_14 : vector<1000x1000xi32> to vector<1000x1000xf32>
    %reduce_sum3A_16 = arith.constant dense<0.000000e+00> : vector<1000xf32>
    %reduce_sum3A_17 = vector.multi_reduction <add>, %convert_element_type3A_15, %reduce_sum3A_16 [0] : vector<1000x1000xf32> to vector<1000xf32>
    %broadcast_in_dim3A_18 = vector.shape_cast %reduce_sum3A_17 : vector<1000xf32> to vector<1x1000xf32>
    %convert_element_type3A_19 = arith.fptosi %broadcast_in_dim3A_18 : vector<1x1000xf32> to vector<1x1000xi32>
    %broadcast_in_dim3A_20 = vector.shape_cast %convert_element_type3A_19 : vector<1x1000xi32> to vector<1x1000xi32>
    %broadcast_in_dim3A_21 = vector.broadcast %broadcast_in_dim3A_20 : vector<1x1000xi32> to vector<100x1000xi32>
    %iota3A_22 = tpu.iota {dimensions = array<i32: 0>} : vector<100x1000xi32>
    %eq3A_23 = arith.cmpi eq, %broadcast_in_dim3A_21, %iota3A_22 : vector<100x1000xi32>
    %convert_element_type3A_24 = arith.extui %eq3A_23 : vector<100x1000xi1> to vector<100x1000xi32>
    %convert_element_type3A_25 = arith.sitofp %convert_element_type3A_24 : vector<100x1000xi32> to vector<100x1000xf32>
    %dot_general3A = arith.constant dense<0.000000e+00> : vector<100x1xf32>
    %dot_general3A_26 = tpu.matmul %convert_element_type3A_25, %get3A_1, %dot_general3A {dimension_numbers = #tpu.dot_dimension_numbers<[1], [0], [0], [1], [0, 0, 1, 1], [], []>, precision = #tpu.contract_precision<fp32>, transpose_lhs_hint = false} : vector<100x1000xf32>, vector<1000x1xf32>, vector<100x1xf32> -> vector<100x1xf32>
    %neg3A = arith.constant 0.000000e+00 : f32
    %neg3A_27 = vector.broadcast %neg3A : f32 to vector<100x1xf32>
    %neg3A_28 = arith.subf %neg3A_27, %dot_general3A_26 : vector<100x1xf32>
    %exp3A = math.exp %neg3A_28 : vector<100x1xf32>
    %add3A = arith.constant 1.000000e+00 : f32
    %add3A_29 = vector.broadcast %add3A : f32 to vector<100x1xf32>
    %add3A_30 = arith.addf %add3A_29, %exp3A : vector<100x1xf32>
    %div3A = arith.constant 1.000000e+00 : f32
    %div3A_31 = vector.broadcast %div3A : f32 to vector<100x1xf32>
    %div3A_32 = arith.divf %div3A_31, %add3A_30 : vector<100x1xf32>
    %get3A_33 = arith.constant 0 : index
    %get3A_34 = arith.constant 0 : index
    %get3A_35 = vector.load %arg2[%get3A_33, %get3A_34] : memref<1000x64xf32, #tpu.memory_space<vmem>>, vector<1000x64xf32>
    %dot_general3A_36 = arith.constant dense<0.000000e+00> : vector<100x64xf32>
    %dot_general3A_37 = tpu.matmul %convert_element_type3A_25, %get3A_35, %dot_general3A_36 {dimension_numbers = #tpu.dot_dimension_numbers<[1], [0], [0], [1], [0, 0, 1, 1], [], []>, precision = #tpu.contract_precision<fp32>, transpose_lhs_hint = false} : vector<100x1000xf32>, vector<1000x64xf32>, vector<100x64xf32> -> vector<100x64xf32>
    %mul3A_38 = vector.broadcast %div3A_32 : vector<100x1xf32> to vector<100x64xf32>
    %mul3A_39 = arith.mulf %dot_general3A_37, %mul3A_38 : vector<100x64xf32>
    %reshape3A = vector.shape_cast %div3A_32 : vector<100x1xf32> to vector<1x100x1xf32>
    %swap3A = arith.constant 0 : index
    %swap3A_40 = arith.constant 0 : index
    %swap3A_41 = arith.constant 0 : index
    %swap3A_42 = vector.load %arg3[%swap3A, %swap3A_40, %swap3A_41] : memref<1x100x1xf32, #tpu.memory_space<vmem>>, vector<1x100x1xf32>
    tpu.vector_store %arg3[%swap3A, %swap3A_40, %swap3A_41], %reshape3A {strides = array<i32>} : memref<1x100x1xf32, #tpu.memory_space<vmem>>, vector<1x100x1xf32>,
    %reshape3A_43 = vector.shape_cast %mul3A_39 : vector<100x64xf32> to vector<1x100x64xf32>
    %swap3A_44 = arith.constant 0 : index
    %swap3A_45 = arith.constant 0 : index
    %swap3A_46 = arith.constant 0 : index
    %swap3A_47 = vector.load %arg4[%swap3A_44, %swap3A_45, %swap3A_46] : memref<1x100x64xf32, #tpu.memory_space<vmem>>, vector<1x100x64xf32>
    tpu.vector_store %arg4[%swap3A_44, %swap3A_45, %swap3A_46], %reshape3A_43 {strides = array<i32>} : memref<1x100x64xf32, #tpu.memory_space<vmem>>, vector<1x100x64xf32>,
    %reduce_max3A = arith.constant dense<0xFF800000> : vector<64xf32>
    %reduce_max3A_48 = vector.multi_reduction <maximumf>, %mul3A_39, %reduce_max3A [0] : vector<100x64xf32> to vector<64xf32>
    %broadcast_in_dim3A_49 = vector.shape_cast %reduce_max3A_48 : vector<64xf32> to vector<1x64xf32>
    %reduce_sum3A_50 = arith.constant dense<0.000000e+00> : vector<64xf32>
    %reduce_sum3A_51 = vector.multi_reduction <add>, %mul3A_39, %reduce_sum3A_50 [0] : vector<100x64xf32> to vector<64xf32>
    %broadcast_in_dim3A_52 = vector.shape_cast %reduce_sum3A_51 : vector<64xf32> to vector<1x64xf32>
    %div3A_53 = arith.constant 1.000000e+02 : f32
    %div3A_54 = vector.broadcast %div3A_53 : f32 to vector<1x64xf32>
    %div3A_55 = arith.divf %broadcast_in_dim3A_52, %div3A_54 : vector<1x64xf32>
    %concatenate3A = tpu.concatenate %broadcast_in_dim3A_49, %div3A_55 in 1 : vector<1x64xf32>, vector<1x64xf32> -> vector<1x128xf32>
    %reshape3A_56 = vector.shape_cast %concatenate3A : vector<1x128xf32> to vector<1x1x128xf32>
    %swap3A_57 = arith.constant 0 : index
    %swap3A_58 = arith.constant 0 : index
    %swap3A_59 = arith.constant 0 : index
    %swap3A_60 = vector.load %arg5[%swap3A_57, %swap3A_58, %swap3A_59] : memref<1x1x128xf32, #tpu.memory_space<vmem>>, vector<1x1x128xf32>
    tpu.vector_store %arg5[%swap3A_57, %swap3A_58, %swap3A_59], %reshape3A_56 {strides = array<i32>} : memref<1x1x128xf32, #tpu.memory_space<vmem>>, vector<1x1x128xf32>,
    %lt3A_61 = arith.constant 100 : i32
    %lt3A_62 = vector.broadcast %lt3A_61 : i32 to vector<1x1000xi32>
    %lt3A_63 = arith.cmpi slt, %convert_element_type3A_19, %lt3A_62 : vector<1x1000xi32>
    %mul3A_64 = arith.constant 100 : i32
    %mul3A_65 = arith.muli %arg0, %mul3A_64 : i32
    %add3A_66 = vector.broadcast %mul3A_65 : i32 to vector<1x1000xi32>
    %add3A_67 = arith.addi %add3A_66, %convert_element_type3A_19 : vector<1x1000xi32>
    %jit3A = arith.constant -1 : i32
    %broadcast_in_dim3A_68 = vector.broadcast %jit3A : i32 to vector<1x1000xi32>
    %select_n3A = arith.select %lt3A_63, %add3A_67, %broadcast_in_dim3A_68 : vector<1x1000xi1>, vector<1x1000xi32>
    %reshape3A_69 = vector.shape_cast %select_n3A : vector<1x1000xi32> to vector<1x1x1000xi32>
    %swap3A_70 = arith.constant 0 : index
    %swap3A_71 = arith.constant 0 : index
    %swap3A_72 = arith.constant 0 : index
    %swap3A_73 = vector.load %arg6[%swap3A_70, %swap3A_71, %swap3A_72] : memref<1x1x1000xi32, #tpu.memory_space<vmem>>, vector<1x1x1000xi32>
    tpu.vector_store %arg6[%swap3A_70, %swap3A_71, %swap3A_72], %reshape3A_69 {strides = array<i32>} : memref<1x1x1000xi32, #tpu.memory_space<vmem>>, vector<1x1x1000xi32>,
    return
  }
  func.func @transform_0(%arg0: i32) -> (i32, i32) {
    %c0_i32 = arith.constant 0 : i32
    %c0_i32_0 = arith.constant 0 : i32
    return %arg0, %c0_i32 : i32, i32
  }
  func.func @transform_1(%arg0: i32) -> (i32, i32) {
    %c0_i32 = arith.constant 0 : i32
    %c0_i32_0 = arith.constant 0 : i32
    return %arg0, %c0_i32 : i32, i32
  }
  func.func @transform_2(%arg0: i32) -> (i32, i32, i32) {
    %c0_i32 = arith.constant 0 : i32
    %c0_i32_0 = arith.constant 0 : i32
    %c0_i32_1 = arith.constant 0 : i32
    return %arg0, %c0_i32, %c0_i32_0 : i32, i32, i32
  }
  func.func @transform_3(%arg0: i32) -> (i32, i32, i32) {
    %c0_i32 = arith.constant 0 : i32
    %c0_i32_0 = arith.constant 0 : i32
    %c0_i32_1 = arith.constant 0 : i32
    return %arg0, %c0_i32, %c0_i32_0 : i32, i32, i32
  }
  func.func @transform_4(%arg0: i32) -> (i32, i32, i32) {
    %c0_i32 = arith.constant 0 : i32
    %c0_i32_0 = arith.constant 0 : i32
    %c0_i32_1 = arith.constant 0 : i32
    return %arg0, %c0_i32, %c0_i32_0 : i32, i32, i32
  }
  func.func @transform_5(%arg0: i32) -> (i32, i32, i32) {
    %c0_i32 = arith.constant 0 : i32
    %c0_i32_0 = arith.constant 0 : i32
    %c0_i32_1 = arith.constant 0 : i32
    return %arg0, %c0_i32, %c0_i32_0 : i32, i32, i32
  }
}

module attributes {stable_mosaic.version = 14 : i64} {
  func.func @body(%arg0: memref<2x1000x1000xf32, #tpu.memory_space<vmem>>, %arg1: memref<1000x64xf32, #tpu.memory_space<vmem>>, %arg2: memref<64x64xf32, #tpu.memory_space<vmem>>, %arg3: memref<64x1xf32, #tpu.memory_space<vmem>>, %arg4: memref<64x1xf32, #tpu.memory_space<vmem>>, %arg5: memref<1x64xf32, #tpu.memory_space<vmem>>, %arg6: memref<64x1xf32, #tpu.memory_space<vmem>>, %arg7: memref<1x1xf32, #tpu.memory_space<vmem>>, %arg8: memref<1x1xf32, #tpu.memory_space<vmem>>, %arg9: memref<1x1xf32, #tpu.memory_space<vmem>>, %arg10: memref<1000x64xf32, #tpu.memory_space<vmem>>, %arg11: memref<1000x1xf32, #tpu.memory_space<vmem>>) attributes {dimension_semantics = [], scalar_prefetch = 0 : i64, scratch_operands = 0 : i64, tpu.core_type = #tpu.core_type<tc>} {
    %get3A = arith.constant 0 : index
    %get3A_0 = arith.constant 0 : index
    %get3A_1 = arith.constant 0 : index
    %get3A_2 = vector.load %arg0[%get3A, %get3A_0, %get3A_1] : memref<2x1000x1000xf32, #tpu.memory_space<vmem>>, vector<1x1000x1000xf32>
    %get3A_3 = vector.shape_cast %get3A_2 : vector<1x1000x1000xf32> to vector<1000x1000xf32>
    %get3A_4 = arith.constant 1 : index
    %get3A_5 = arith.constant 0 : index
    %get3A_6 = arith.constant 0 : index
    %get3A_7 = vector.load %arg0[%get3A_4, %get3A_5, %get3A_6] : memref<2x1000x1000xf32, #tpu.memory_space<vmem>>, vector<1x1000x1000xf32>
    %get3A_8 = vector.shape_cast %get3A_7 : vector<1x1000x1000xf32> to vector<1000x1000xf32>
    %add3A = arith.addf %get3A_3, %get3A_8 : vector<1000x1000xf32>
    %iota3A = tpu.iota {dimensions = array<i32: 0>} : vector<1000x1000xi32>
    %iota3A_9 = tpu.iota {dimensions = array<i32: 1>} : vector<1000x1000xi32>
    %eq3A = arith.cmpi eq, %iota3A, %iota3A_9 : vector<1000x1000xi32>
    %convert_element_type3A = arith.extui %eq3A : vector<1000x1000xi1> to vector<1000x1000xi32>
    %convert_element_type3A_10 = arith.sitofp %convert_element_type3A : vector<1000x1000xi32> to vector<1000x1000xf32>
    %add3A_11 = arith.addf %add3A, %convert_element_type3A_10 : vector<1000x1000xf32>
    %dot_general3A = arith.constant dense<0.000000e+00> : vector<1000x1000xf32>
    %dot_general3A_12 = tpu.matmul %add3A_11, %add3A_11, %dot_general3A {dimension_numbers = #tpu.dot_dimension_numbers<[1], [0], [0], [1], [0, 0, 1, 1], [], []>, transpose_lhs_hint = false} : vector<1000x1000xf32>, vector<1000x1000xf32>, vector<1000x1000xf32> -> vector<1000x1000xf32>
    %sub3A = arith.constant 1.000000e+00 : f32
    %sub3A_13 = vector.broadcast %sub3A : f32 to vector<1000x1000xf32>
    %sub3A_14 = arith.subf %sub3A_13, %convert_element_type3A_10 : vector<1000x1000xf32>
    %mul3A = arith.mulf %dot_general3A_12, %sub3A_14 : vector<1000x1000xf32>
    %ne3A = arith.constant 0.000000e+00 : f32
    %ne3A_15 = vector.broadcast %ne3A : f32 to vector<1000x1000xf32>
    %ne3A_16 = arith.cmpf one, %mul3A, %ne3A_15 : vector<1000x1000xf32>
    %get3A_17 = arith.constant 0 : index
    %get3A_18 = arith.constant 0 : index
    %get3A_19 = vector.load %arg1[%get3A_17, %get3A_18] : memref<1000x64xf32, #tpu.memory_space<vmem>>, vector<1000x64xf32>
    %get3A_20 = arith.constant 0 : index
    %get3A_21 = arith.constant 0 : index
    %get3A_22 = vector.load %arg2[%get3A_20, %get3A_21] : memref<64x64xf32, #tpu.memory_space<vmem>>, vector<64x64xf32>
    %dot_general3A_23 = arith.constant dense<0.000000e+00> : vector<1000x64xf32>
    %dot_general3A_24 = tpu.matmul %get3A_19, %get3A_22, %dot_general3A_23 {dimension_numbers = #tpu.dot_dimension_numbers<[1], [0], [0], [1], [0, 0, 1, 1], [], []>, transpose_lhs_hint = false} : vector<1000x64xf32>, vector<64x64xf32>, vector<1000x64xf32> -> vector<1000x64xf32>
    %get3A_25 = arith.constant 0 : index
    %get3A_26 = arith.constant 0 : index
    %get3A_27 = vector.load %arg3[%get3A_25, %get3A_26] : memref<64x1xf32, #tpu.memory_space<vmem>>, vector<64x1xf32>
    %get3A_28 = arith.constant 0 : index
    %get3A_29 = arith.constant 0 : index
    %get3A_30 = vector.load %arg4[%get3A_28, %get3A_29] : memref<64x1xf32, #tpu.memory_space<vmem>>, vector<64x1xf32>
    %get3A_31 = arith.constant 0 : index
    %get3A_32 = arith.constant 0 : index
    %get3A_33 = vector.load %arg5[%get3A_31, %get3A_32] : memref<1x64xf32, #tpu.memory_space<vmem>>, vector<1x64xf32>
    %dot_general3A_34 = arith.constant dense<0.000000e+00> : vector<1000x1xf32>
    %dot_general3A_35 = tpu.matmul %dot_general3A_24, %get3A_27, %dot_general3A_34 {dimension_numbers = #tpu.dot_dimension_numbers<[1], [0], [0], [1], [0, 0, 1, 1], [], []>, transpose_lhs_hint = false} : vector<1000x64xf32>, vector<64x1xf32>, vector<1000x1xf32> -> vector<1000x1xf32>
    %dot_general3A_36 = arith.constant dense<0.000000e+00> : vector<1000x1xf32>
    %dot_general3A_37 = tpu.matmul %dot_general3A_24, %get3A_30, %dot_general3A_36 {dimension_numbers = #tpu.dot_dimension_numbers<[1], [0], [0], [1], [0, 0, 1, 1], [], []>, transpose_lhs_hint = false} : vector<1000x64xf32>, vector<64x1xf32>, vector<1000x1xf32> -> vector<1000x1xf32>
    %broadcast_in_dim3A = vector.shape_cast %dot_general3A_37 : vector<1000x1xf32> to vector<1000x1xf32>
    %broadcast_in_dim3A_38 = vector.broadcast %broadcast_in_dim3A : vector<1000x1xf32> to vector<1000x1000xf32>
    %mul3A_39 = arith.mulf %convert_element_type3A_10, %broadcast_in_dim3A_38 : vector<1000x1000xf32>
    %reduce_sum3A = arith.constant dense<0.000000e+00> : vector<1000xf32>
    %reduce_sum3A_40 = vector.multi_reduction <add>, %mul3A_39, %reduce_sum3A [0] : vector<1000x1000xf32> to vector<1000xf32>
    %broadcast_in_dim3A_41 = vector.shape_cast %reduce_sum3A_40 : vector<1000xf32> to vector<1x1000xf32>
    %broadcast_in_dim3A_42 = vector.shape_cast %dot_general3A_35 : vector<1000x1xf32> to vector<1000x1xf32>
    %broadcast_in_dim3A_43 = vector.broadcast %broadcast_in_dim3A_42 : vector<1000x1xf32> to vector<1000x1000xf32>
    %broadcast_in_dim3A_44 = vector.shape_cast %broadcast_in_dim3A_41 : vector<1x1000xf32> to vector<1x1000xf32>
    %broadcast_in_dim3A_45 = vector.broadcast %broadcast_in_dim3A_44 : vector<1x1000xf32> to vector<1000x1000xf32>
    %add3A_46 = arith.addf %broadcast_in_dim3A_43, %broadcast_in_dim3A_45 : vector<1000x1000xf32>
    %gt3A = arith.constant 0.000000e+00 : f32
    %gt3A_47 = vector.broadcast %gt3A : f32 to vector<1000x1000xf32>
    %gt3A_48 = arith.cmpf ogt, %add3A_46, %gt3A_47 : vector<1000x1000xf32>
    %mul3A_49 = arith.constant 2.000000e-01 : f32
    %mul3A_50 = vector.broadcast %mul3A_49 : f32 to vector<1000x1000xf32>
    %mul3A_51 = arith.mulf %add3A_46, %mul3A_50 : vector<1000x1000xf32>
    %select_n3A = arith.select %gt3A_48, %add3A_46, %mul3A_51 : vector<1000x1000xi1>, vector<1000x1000xf32>
    %jit3A = arith.constant -1.000000e+09 : f32
    %broadcast_in_dim3A_52 = vector.broadcast %jit3A : f32 to vector<1000x1000xf32>
    %select_n3A_53 = arith.select %ne3A_16, %select_n3A, %broadcast_in_dim3A_52 : vector<1000x1000xi1>, vector<1000x1000xf32>
    %reduce_max3A = arith.constant dense<0xFF800000> : vector<1000xf32>
    %reduce_max3A_54 = vector.multi_reduction <maximumf>, %select_n3A_53, %reduce_max3A [0] : vector<1000x1000xf32> to vector<1000xf32>
    %broadcast_in_dim3A_55 = vector.shape_cast %reduce_max3A_54 : vector<1000xf32> to vector<1x1000xf32>
    %sub3A_56 = vector.broadcast %broadcast_in_dim3A_55 : vector<1x1000xf32> to vector<1000x1000xf32>
    %sub3A_57 = arith.subf %select_n3A_53, %sub3A_56 : vector<1000x1000xf32>
    %exp3A = math.exp %sub3A_57 : vector<1000x1000xf32>
    %reduce_sum3A_58 = arith.constant dense<0.000000e+00> : vector<1000xf32>
    %reduce_sum3A_59 = vector.multi_reduction <add>, %exp3A, %reduce_sum3A_58 [0] : vector<1000x1000xf32> to vector<1000xf32>
    %broadcast_in_dim3A_60 = vector.shape_cast %reduce_sum3A_59 : vector<1000xf32> to vector<1x1000xf32>
    %div3A = vector.broadcast %broadcast_in_dim3A_60 : vector<1x1000xf32> to vector<1000x1000xf32>
    %div3A_61 = arith.divf %exp3A, %div3A : vector<1000x1000xf32>
    %jit3A_62 = arith.constant 0.000000e+00 : f32
    %broadcast_in_dim3A_63 = vector.broadcast %jit3A_62 : f32 to vector<1000x1000xf32>
    %select_n3A_64 = arith.select %ne3A_16, %div3A_61, %broadcast_in_dim3A_63 : vector<1000x1000xi1>, vector<1000x1000xf32>
    %mul3A_65 = arith.mulf %select_n3A_64, %mul3A : vector<1000x1000xf32>
    %dot_general3A_66 = arith.constant dense<0.000000e+00> : vector<1000x64xf32>
    %dot_general3A_67 = tpu.matmul %mul3A_65, %dot_general3A_24, %dot_general3A_66 {dimension_numbers = #tpu.dot_dimension_numbers<[0], [0], [1], [1], [0, 1, 1, 1], [], []>, transpose_lhs_hint = false} : vector<1000x1000xf32>, vector<1000x64xf32>, vector<1000x64xf32> -> vector<1000x64xf32>
    %add3A_68 = vector.broadcast %get3A_33 : vector<1x64xf32> to vector<1000x64xf32>
    %add3A_69 = arith.addf %dot_general3A_67, %add3A_68 : vector<1000x64xf32>
    %swap3A = arith.constant 0 : index
    %swap3A_70 = arith.constant 0 : index
    %swap3A_71 = vector.load %arg10[%swap3A, %swap3A_70] : memref<1000x64xf32, #tpu.memory_space<vmem>>, vector<1000x64xf32>
    tpu.vector_store %arg10[%swap3A, %swap3A_70], %add3A_69 {strides = array<i32>} : memref<1000x64xf32, #tpu.memory_space<vmem>>, vector<1000x64xf32>,
    %get3A_72 = arith.constant 0 : index
    %get3A_73 = arith.constant 0 : index
    %get3A_74 = vector.load %arg6[%get3A_72, %get3A_73] : memref<64x1xf32, #tpu.memory_space<vmem>>, vector<64x1xf32>
    %dot_general3A_75 = arith.constant dense<0.000000e+00> : vector<1000x1xf32>
    %dot_general3A_76 = tpu.matmul %add3A_69, %get3A_74, %dot_general3A_75 {dimension_numbers = #tpu.dot_dimension_numbers<[1], [0], [0], [1], [0, 0, 1, 1], [], []>, transpose_lhs_hint = false} : vector<1000x64xf32>, vector<64x1xf32>, vector<1000x1xf32> -> vector<1000x1xf32>
    %get3A_77 = arith.constant 0 : index
    %get3A_78 = arith.constant 0 : index
    %get3A_79 = vector.load %arg7[%get3A_77, %get3A_78] : memref<1x1xf32, #tpu.memory_space<vmem>>, vector<1x1xf32>
    %get3A_80 = arith.constant 0 : index
    %get3A_81 = arith.constant 0 : index
    %get3A_82 = vector.load %arg8[%get3A_80, %get3A_81] : memref<1x1xf32, #tpu.memory_space<vmem>>, vector<1x1xf32>
    %get3A_83 = arith.constant 0 : index
    %get3A_84 = arith.constant 0 : index
    %get3A_85 = vector.load %arg9[%get3A_83, %get3A_84] : memref<1x1xf32, #tpu.memory_space<vmem>>, vector<1x1xf32>
    %dot_general3A_86 = arith.constant dense<0.000000e+00> : vector<1000x1xf32>
    %dot_general3A_87 = tpu.matmul %dot_general3A_76, %get3A_79, %dot_general3A_86 {dimension_numbers = #tpu.dot_dimension_numbers<[1], [0], [0], [1], [0, 0, 1, 1], [], []>, transpose_lhs_hint = false} : vector<1000x1xf32>, vector<1x1xf32>, vector<1000x1xf32> -> vector<1000x1xf32>
    %dot_general3A_88 = arith.constant dense<0.000000e+00> : vector<1000x1xf32>
    %dot_general3A_89 = tpu.matmul %dot_general3A_76, %get3A_82, %dot_general3A_88 {dimension_numbers = #tpu.dot_dimension_numbers<[1], [0], [0], [1], [0, 0, 1, 1], [], []>, transpose_lhs_hint = false} : vector<1000x1xf32>, vector<1x1xf32>, vector<1000x1xf32> -> vector<1000x1xf32>
    %broadcast_in_dim3A_90 = vector.shape_cast %dot_general3A_89 : vector<1000x1xf32> to vector<1000x1xf32>
    %broadcast_in_dim3A_91 = vector.broadcast %broadcast_in_dim3A_90 : vector<1000x1xf32> to vector<1000x1000xf32>
    %mul3A_92 = arith.mulf %convert_element_type3A_10, %broadcast_in_dim3A_91 : vector<1000x1000xf32>
    %reduce_sum3A_93 = arith.constant dense<0.000000e+00> : vector<1000xf32>
    %reduce_sum3A_94 = vector.multi_reduction <add>, %mul3A_92, %reduce_sum3A_93 [0] : vector<1000x1000xf32> to vector<1000xf32>
    %broadcast_in_dim3A_95 = vector.shape_cast %reduce_sum3A_94 : vector<1000xf32> to vector<1x1000xf32>
    %broadcast_in_dim3A_96 = vector.shape_cast %dot_general3A_87 : vector<1000x1xf32> to vector<1000x1xf32>
    %broadcast_in_dim3A_97 = vector.broadcast %broadcast_in_dim3A_96 : vector<1000x1xf32> to vector<1000x1000xf32>
    %broadcast_in_dim3A_98 = vector.shape_cast %broadcast_in_dim3A_95 : vector<1x1000xf32> to vector<1x1000xf32>
    %broadcast_in_dim3A_99 = vector.broadcast %broadcast_in_dim3A_98 : vector<1x1000xf32> to vector<1000x1000xf32>
    %add3A_100 = arith.addf %broadcast_in_dim3A_97, %broadcast_in_dim3A_99 : vector<1000x1000xf32>
    %gt3A_101 = arith.constant 0.000000e+00 : f32
    %gt3A_102 = vector.broadcast %gt3A_101 : f32 to vector<1000x1000xf32>
    %gt3A_103 = arith.cmpf ogt, %add3A_100, %gt3A_102 : vector<1000x1000xf32>
    %mul3A_104 = arith.constant 2.000000e-01 : f32
    %mul3A_105 = vector.broadcast %mul3A_104 : f32 to vector<1000x1000xf32>
    %mul3A_106 = arith.mulf %add3A_100, %mul3A_105 : vector<1000x1000xf32>
    %select_n3A_107 = arith.select %gt3A_103, %add3A_100, %mul3A_106 : vector<1000x1000xi1>, vector<1000x1000xf32>
    %jit3A_108 = arith.constant -1.000000e+09 : f32
    %broadcast_in_dim3A_109 = vector.broadcast %jit3A_108 : f32 to vector<1000x1000xf32>
    %select_n3A_110 = arith.select %ne3A_16, %select_n3A_107, %broadcast_in_dim3A_109 : vector<1000x1000xi1>, vector<1000x1000xf32>
    %reduce_max3A_111 = arith.constant dense<0xFF800000> : vector<1000xf32>
    %reduce_max3A_112 = vector.multi_reduction <maximumf>, %select_n3A_110, %reduce_max3A_111 [0] : vector<1000x1000xf32> to vector<1000xf32>
    %broadcast_in_dim3A_113 = vector.shape_cast %reduce_max3A_112 : vector<1000xf32> to vector<1x1000xf32>
    %sub3A_114 = vector.broadcast %broadcast_in_dim3A_113 : vector<1x1000xf32> to vector<1000x1000xf32>
    %sub3A_115 = arith.subf %select_n3A_110, %sub3A_114 : vector<1000x1000xf32>
    %exp3A_116 = math.exp %sub3A_115 : vector<1000x1000xf32>
    %reduce_sum3A_117 = arith.constant dense<0.000000e+00> : vector<1000xf32>
    %reduce_sum3A_118 = vector.multi_reduction <add>, %exp3A_116, %reduce_sum3A_117 [0] : vector<1000x1000xf32> to vector<1000xf32>
    %broadcast_in_dim3A_119 = vector.shape_cast %reduce_sum3A_118 : vector<1000xf32> to vector<1x1000xf32>
    %div3A_120 = vector.broadcast %broadcast_in_dim3A_119 : vector<1x1000xf32> to vector<1000x1000xf32>
    %div3A_121 = arith.divf %exp3A_116, %div3A_120 : vector<1000x1000xf32>
    %jit3A_122 = arith.constant 0.000000e+00 : f32
    %broadcast_in_dim3A_123 = vector.broadcast %jit3A_122 : f32 to vector<1000x1000xf32>
    %select_n3A_124 = arith.select %ne3A_16, %div3A_121, %broadcast_in_dim3A_123 : vector<1000x1000xi1>, vector<1000x1000xf32>
    %mul3A_125 = arith.mulf %select_n3A_124, %mul3A : vector<1000x1000xf32>
    %dot_general3A_126 = arith.constant dense<0.000000e+00> : vector<1000x1xf32>
    %dot_general3A_127 = tpu.matmul %mul3A_125, %dot_general3A_76, %dot_general3A_126 {dimension_numbers = #tpu.dot_dimension_numbers<[0], [0], [1], [1], [0, 1, 1, 1], [], []>, transpose_lhs_hint = false} : vector<1000x1000xf32>, vector<1000x1xf32>, vector<1000x1xf32> -> vector<1000x1xf32>
    %add3A_128 = vector.broadcast %get3A_85 : vector<1x1xf32> to vector<1000x1xf32>
    %add3A_129 = arith.addf %dot_general3A_127, %add3A_128 : vector<1000x1xf32>
    %swap3A_130 = arith.constant 0 : index
    %swap3A_131 = arith.constant 0 : index
    %swap3A_132 = vector.load %arg11[%swap3A_130, %swap3A_131] : memref<1000x1xf32, #tpu.memory_space<vmem>>, vector<1000x1xf32>
    tpu.vector_store %arg11[%swap3A_130, %swap3A_131], %add3A_129 {strides = array<i32>} : memref<1000x1xf32, #tpu.memory_space<vmem>>, vector<1000x1xf32>,
    return
  }
}

module attributes {stable_mosaic.version = 14 : i64} {
  func.func @body(%arg0: i32, %arg1: memref<1x100x1xf32, #tpu.memory_space<vmem>>, %arg2: memref<1x100x64xf32, #tpu.memory_space<vmem>>, %arg3: memref<1x10x1xf32, #tpu.memory_space<vmem>>, %arg4: memref<1x1x128xf32, #tpu.memory_space<vmem>>) attributes {dimension_semantics = [#tpu.dimension_semantics<arbitrary>], iteration_bounds = array<i64: 10>, scalar_prefetch = 0 : i64, scratch_operands = 0 : i64, tpu.core_type = #tpu.core_type<tc>, window_params = [{transform_indices = @transform_0, window_bounds = array<i64: 1, 100, 1>}, {transform_indices = @transform_1, window_bounds = array<i64: 1, 100, 64>}, {transform_indices = @transform_2, window_bounds = array<i64: 1, 10, 1>}, {transform_indices = @transform_3, window_bounds = array<i64: 1, 1, 128>}]} {
    %get3A = arith.constant 0 : index
    %get3A_0 = arith.constant 0 : index
    %get3A_1 = arith.constant 0 : index
    %get3A_2 = vector.load %arg1[%get3A, %get3A_0, %get3A_1] : memref<1x100x1xf32, #tpu.memory_space<vmem>>, vector<1x100x1xf32>
    %get3A_3 = vector.shape_cast %get3A_2 : vector<1x100x1xf32> to vector<100x1xf32>
    %iota3A = tpu.iota {dimensions = array<i32: 0>} : vector<100x100xi32>
    %iota3A_4 = tpu.iota {dimensions = array<i32: 1>} : vector<100x100xi32>
    %eq3A = arith.cmpi eq, %iota3A, %iota3A_4 : vector<100x100xi32>
    %convert_element_type3A = arith.extui %eq3A : vector<100x100xi1> to vector<100x100xi32>
    %convert_element_type3A_5 = arith.sitofp %convert_element_type3A : vector<100x100xi32> to vector<100x100xf32>
    %broadcast_in_dim3A = vector.shape_cast %get3A_3 : vector<100x1xf32> to vector<100x1xf32>
    %broadcast_in_dim3A_6 = vector.broadcast %broadcast_in_dim3A : vector<100x1xf32> to vector<100x100xf32>
    %mul3A = arith.mulf %convert_element_type3A_5, %broadcast_in_dim3A_6 : vector<100x100xf32>
    %reduce_sum3A = arith.constant dense<0.000000e+00> : vector<100xf32>
    %reduce_sum3A_7 = vector.multi_reduction <add>, %mul3A, %reduce_sum3A [0] : vector<100x100xf32> to vector<100xf32>
    %broadcast_in_dim3A_8 = vector.shape_cast %reduce_sum3A_7 : vector<100xf32> to vector<1x100xf32>
    %broadcast_in_dim3A_9 = vector.shape_cast %get3A_3 : vector<100x1xf32> to vector<100x1xf32>
    %broadcast_in_dim3A_10 = vector.broadcast %broadcast_in_dim3A_9 : vector<100x1xf32> to vector<100x100xf32>
    %broadcast_in_dim3A_11 = vector.shape_cast %broadcast_in_dim3A_8 : vector<1x100xf32> to vector<1x100xf32>
    %broadcast_in_dim3A_12 = vector.broadcast %broadcast_in_dim3A_11 : vector<1x100xf32> to vector<100x100xf32>
    %iota3A_13 = tpu.iota {dimensions = array<i32: 0>} : vector<100x100xi32>
    %iota3A_14 = tpu.iota {dimensions = array<i32: 1>} : vector<100x100xi32>
    %gt3A = arith.cmpf ogt, %broadcast_in_dim3A_10, %broadcast_in_dim3A_12 : vector<100x100xf32>
    %eq3A_15 = arith.cmpf oeq, %broadcast_in_dim3A_10, %broadcast_in_dim3A_12 : vector<100x100xf32>
    %lt3A = arith.cmpi slt, %iota3A_13, %iota3A_14 : vector<100x100xi32>
    %and3A = arith.andi %eq3A_15, %lt3A : vector<100x100xi1>
    %or3A = arith.ori %gt3A, %and3A : vector<100x100xi1>
    %convert_element_type3A_16 = arith.extui %or3A : vector<100x100xi1> to vector<100x100xi32>
    %convert_element_type3A_17 = arith.sitofp %convert_element_type3A_16 : vector<100x100xi32> to vector<100x100xf32>
    %reduce_sum3A_18 = arith.constant dense<0.000000e+00> : vector<100xf32>
    %reduce_sum3A_19 = vector.multi_reduction <add>, %convert_element_type3A_17, %reduce_sum3A_18 [0] : vector<100x100xf32> to vector<100xf32>
    %broadcast_in_dim3A_20 = vector.shape_cast %reduce_sum3A_19 : vector<100xf32> to vector<1x100xf32>
    %convert_element_type3A_21 = arith.fptosi %broadcast_in_dim3A_20 : vector<1x100xf32> to vector<1x100xi32>
    %broadcast_in_dim3A_22 = vector.shape_cast %convert_element_type3A_21 : vector<1x100xi32> to vector<1x100xi32>
    %broadcast_in_dim3A_23 = vector.broadcast %broadcast_in_dim3A_22 : vector<1x100xi32> to vector<10x100xi32>
    %iota3A_24 = tpu.iota {dimensions = array<i32: 0>} : vector<10x100xi32>
    %eq3A_25 = arith.cmpi eq, %broadcast_in_dim3A_23, %iota3A_24 : vector<10x100xi32>
    %convert_element_type3A_26 = arith.extui %eq3A_25 : vector<10x100xi1> to vector<10x100xi32>
    %convert_element_type3A_27 = arith.sitofp %convert_element_type3A_26 : vector<10x100xi32> to vector<10x100xf32>
    %dot_general3A = arith.constant dense<0.000000e+00> : vector<10x1xf32>
    %dot_general3A_28 = tpu.matmul %convert_element_type3A_27, %get3A_3, %dot_general3A {dimension_numbers = #tpu.dot_dimension_numbers<[1], [0], [0], [1], [0, 0, 1, 1], [], []>, precision = #tpu.contract_precision<fp32>, transpose_lhs_hint = false} : vector<10x100xf32>, vector<100x1xf32>, vector<10x1xf32> -> vector<10x1xf32>
    %neg3A = arith.constant 0.000000e+00 : f32
    %neg3A_29 = vector.broadcast %neg3A : f32 to vector<10x1xf32>
    %neg3A_30 = arith.subf %neg3A_29, %dot_general3A_28 : vector<10x1xf32>
    %exp3A = math.exp %neg3A_30 : vector<10x1xf32>
    %add3A = arith.constant 1.000000e+00 : f32
    %add3A_31 = vector.broadcast %add3A : f32 to vector<10x1xf32>
    %add3A_32 = arith.addf %add3A_31, %exp3A : vector<10x1xf32>
    %div3A = arith.constant 1.000000e+00 : f32
    %div3A_33 = vector.broadcast %div3A : f32 to vector<10x1xf32>
    %div3A_34 = arith.divf %div3A_33, %add3A_32 : vector<10x1xf32>
    %get3A_35 = arith.constant 0 : index
    %get3A_36 = arith.constant 0 : index
    %get3A_37 = arith.constant 0 : index
    %get3A_38 = vector.load %arg2[%get3A_35, %get3A_36, %get3A_37] : memref<1x100x64xf32, #tpu.memory_space<vmem>>, vector<1x100x64xf32>
    %get3A_39 = vector.shape_cast %get3A_38 : vector<1x100x64xf32> to vector<100x64xf32>
    %dot_general3A_40 = arith.constant dense<0.000000e+00> : vector<10x64xf32>
    %dot_general3A_41 = tpu.matmul %convert_element_type3A_27, %get3A_39, %dot_general3A_40 {dimension_numbers = #tpu.dot_dimension_numbers<[1], [0], [0], [1], [0, 0, 1, 1], [], []>, precision = #tpu.contract_precision<fp32>, transpose_lhs_hint = false} : vector<10x100xf32>, vector<100x64xf32>, vector<10x64xf32> -> vector<10x64xf32>
    %mul3A_42 = vector.broadcast %div3A_34 : vector<10x1xf32> to vector<10x64xf32>
    %mul3A_43 = arith.mulf %dot_general3A_41, %mul3A_42 : vector<10x64xf32>
    %reshape3A = vector.shape_cast %div3A_34 : vector<10x1xf32> to vector<1x10x1xf32>
    %swap3A = arith.constant 0 : index
    %swap3A_44 = arith.constant 0 : index
    %swap3A_45 = arith.constant 0 : index
    %swap3A_46 = vector.load %arg3[%swap3A, %swap3A_44, %swap3A_45] : memref<1x10x1xf32, #tpu.memory_space<vmem>>, vector<1x10x1xf32>
    tpu.vector_store %arg3[%swap3A, %swap3A_44, %swap3A_45], %reshape3A {strides = array<i32>} : memref<1x10x1xf32, #tpu.memory_space<vmem>>, vector<1x10x1xf32>,
    %reduce_max3A = arith.constant dense<0xFF800000> : vector<64xf32>
    %reduce_max3A_47 = vector.multi_reduction <maximumf>, %mul3A_43, %reduce_max3A [0] : vector<10x64xf32> to vector<64xf32>
    %broadcast_in_dim3A_48 = vector.shape_cast %reduce_max3A_47 : vector<64xf32> to vector<1x64xf32>
    %reduce_sum3A_49 = arith.constant dense<0.000000e+00> : vector<64xf32>
    %reduce_sum3A_50 = vector.multi_reduction <add>, %mul3A_43, %reduce_sum3A_49 [0] : vector<10x64xf32> to vector<64xf32>
    %broadcast_in_dim3A_51 = vector.shape_cast %reduce_sum3A_50 : vector<64xf32> to vector<1x64xf32>
    %div3A_52 = arith.constant 1.000000e+01 : f32
    %div3A_53 = vector.broadcast %div3A_52 : f32 to vector<1x64xf32>
    %div3A_54 = arith.divf %broadcast_in_dim3A_51, %div3A_53 : vector<1x64xf32>
    %concatenate3A = tpu.concatenate %broadcast_in_dim3A_48, %div3A_54 in 1 : vector<1x64xf32>, vector<1x64xf32> -> vector<1x128xf32>
    %reshape3A_55 = vector.shape_cast %concatenate3A : vector<1x128xf32> to vector<1x1x128xf32>
    %swap3A_56 = arith.constant 0 : index
    %swap3A_57 = arith.constant 0 : index
    %swap3A_58 = arith.constant 0 : index
    %swap3A_59 = vector.load %arg4[%swap3A_56, %swap3A_57, %swap3A_58] : memref<1x1x128xf32, #tpu.memory_space<vmem>>, vector<1x1x128xf32>
    tpu.vector_store %arg4[%swap3A_56, %swap3A_57, %swap3A_58], %reshape3A_55 {strides = array<i32>} : memref<1x1x128xf32, #tpu.memory_space<vmem>>, vector<1x1x128xf32>,
    return
  }
  func.func @transform_0(%arg0: i32) -> (i32, i32, i32) {
    %c0_i32 = arith.constant 0 : i32
    %c0_i32_0 = arith.constant 0 : i32
    %c0_i32_1 = arith.constant 0 : i32
    return %arg0, %c0_i32, %c0_i32_0 : i32, i32, i32
  }
  func.func @transform_1(%arg0: i32) -> (i32, i32, i32) {
    %c0_i32 = arith.constant 0 : i32
    %c0_i32_0 = arith.constant 0 : i32
    %c0_i32_1 = arith.constant 0 : i32
    return %arg0, %c0_i32, %c0_i32_0 : i32, i32, i32
  }
  func.func @transform_2(%arg0: i32) -> (i32, i32, i32) {
    %c0_i32 = arith.constant 0 : i32
    %c0_i32_0 = arith.constant 0 : i32
    %c0_i32_1 = arith.constant 0 : i32
    return %arg0, %c0_i32, %c0_i32_0 : i32, i32, i32
  }
  func.func @transform_3(%arg0: i32) -> (i32, i32, i32) {
    %c0_i32 = arith.constant 0 : i32
    %c0_i32_0 = arith.constant 0 : i32
    %c0_i32_1 = arith.constant 0 : i32
    return %arg0, %c0_i32, %c0_i32_0 : i32, i32, i32
  }
}

module attributes {stable_mosaic.version = 14 : i64} {
  func.func @body(%arg0: memref<10x268xf32, #tpu.memory_space<vmem>>, %arg1: memref<268x64xf32, #tpu.memory_space<vmem>>, %arg2: memref<1x64xf32, #tpu.memory_space<vmem>>, %arg3: memref<1x64xf32, #tpu.memory_space<vmem>>, %arg4: memref<1x64xf32, #tpu.memory_space<vmem>>, %arg5: memref<64x32xf32, #tpu.memory_space<vmem>>, %arg6: memref<1x32xf32, #tpu.memory_space<vmem>>, %arg7: memref<1x32xf32, #tpu.memory_space<vmem>>, %arg8: memref<1x32xf32, #tpu.memory_space<vmem>>, %arg9: memref<32x2xf32, #tpu.memory_space<vmem>>, %arg10: memref<1x2xf32, #tpu.memory_space<vmem>>, %arg11: memref<10x2xf32, #tpu.memory_space<vmem>>) attributes {dimension_semantics = [], scalar_prefetch = 0 : i64, scratch_operands = 0 : i64, tpu.core_type = #tpu.core_type<tc>} {
    %get3A = arith.constant 0 : index
    %get3A_0 = arith.constant 0 : index
    %get3A_1 = vector.load %arg0[%get3A, %get3A_0] : memref<10x268xf32, #tpu.memory_space<vmem>>, vector<10x268xf32>
    %get3A_2 = arith.constant 0 : index
    %get3A_3 = arith.constant 0 : index
    %get3A_4 = vector.load %arg1[%get3A_2, %get3A_3] : memref<268x64xf32, #tpu.memory_space<vmem>>, vector<268x64xf32>
    %dot_general3A = arith.constant dense<0.000000e+00> : vector<10x64xf32>
    %dot_general3A_5 = tpu.matmul %get3A_1, %get3A_4, %dot_general3A {dimension_numbers = #tpu.dot_dimension_numbers<[1], [0], [0], [1], [0, 0, 1, 1], [], []>, transpose_lhs_hint = false} : vector<10x268xf32>, vector<268x64xf32>, vector<10x64xf32> -> vector<10x64xf32>
    %get3A_6 = arith.constant 0 : index
    %get3A_7 = arith.constant 0 : index
    %get3A_8 = vector.load %arg2[%get3A_6, %get3A_7] : memref<1x64xf32, #tpu.memory_space<vmem>>, vector<1x64xf32>
    %add3A = vector.broadcast %get3A_8 : vector<1x64xf32> to vector<10x64xf32>
    %add3A_9 = arith.addf %dot_general3A_5, %add3A : vector<10x64xf32>
    %max3A = arith.constant 0.000000e+00 : f32
    %max3A_10 = vector.broadcast %max3A : f32 to vector<10x64xf32>
    %max3A_11 = arith.maximumf %add3A_9, %max3A_10 : vector<10x64xf32>
    %get3A_12 = arith.constant 0 : index
    %get3A_13 = arith.constant 0 : index
    %get3A_14 = vector.load %arg3[%get3A_12, %get3A_13] : memref<1x64xf32, #tpu.memory_space<vmem>>, vector<1x64xf32>
    %get3A_15 = arith.constant 0 : index
    %get3A_16 = arith.constant 0 : index
    %get3A_17 = vector.load %arg4[%get3A_15, %get3A_16] : memref<1x64xf32, #tpu.memory_space<vmem>>, vector<1x64xf32>
    %reduce_sum3A = arith.constant dense<0.000000e+00> : vector<64xf32>
    %reduce_sum3A_18 = vector.multi_reduction <add>, %max3A_11, %reduce_sum3A [0] : vector<10x64xf32> to vector<64xf32>
    %broadcast_in_dim3A = vector.shape_cast %reduce_sum3A_18 : vector<64xf32> to vector<1x64xf32>
    %div3A = arith.constant 1.000000e+01 : f32
    %div3A_19 = vector.broadcast %div3A : f32 to vector<1x64xf32>
    %div3A_20 = arith.divf %broadcast_in_dim3A, %div3A_19 : vector<1x64xf32>
    %sub3A = vector.broadcast %div3A_20 : vector<1x64xf32> to vector<10x64xf32>
    %sub3A_21 = arith.subf %max3A_11, %sub3A : vector<10x64xf32>
    %integer_pow3A = arith.mulf %sub3A_21, %sub3A_21 : vector<10x64xf32>
    %reduce_sum3A_22 = arith.constant dense<0.000000e+00> : vector<64xf32>
    %reduce_sum3A_23 = vector.multi_reduction <add>, %integer_pow3A, %reduce_sum3A_22 [0] : vector<10x64xf32> to vector<64xf32>
    %broadcast_in_dim3A_24 = vector.shape_cast %reduce_sum3A_23 : vector<64xf32> to vector<1x64xf32>
    %div3A_25 = arith.constant 1.000000e+01 : f32
    %div3A_26 = vector.broadcast %div3A_25 : f32 to vector<1x64xf32>
    %div3A_27 = arith.divf %broadcast_in_dim3A_24, %div3A_26 : vector<1x64xf32>
    %sub3A_28 = vector.broadcast %div3A_20 : vector<1x64xf32> to vector<10x64xf32>
    %sub3A_29 = arith.subf %max3A_11, %sub3A_28 : vector<10x64xf32>
    %add3A_30 = arith.constant 9.99999974E-6 : f32
    %add3A_31 = vector.broadcast %add3A_30 : f32 to vector<1x64xf32>
    %add3A_32 = arith.addf %div3A_27, %add3A_31 : vector<1x64xf32>
    %sqrt3A = math.sqrt %add3A_32 : vector<1x64xf32>
    %div3A_33 = vector.broadcast %sqrt3A : vector<1x64xf32> to vector<10x64xf32>
    %div3A_34 = arith.divf %sub3A_29, %div3A_33 : vector<10x64xf32>
    %mul3A = vector.broadcast %get3A_14 : vector<1x64xf32> to vector<10x64xf32>
    %mul3A_35 = arith.mulf %div3A_34, %mul3A : vector<10x64xf32>
    %add3A_36 = vector.broadcast %get3A_17 : vector<1x64xf32> to vector<10x64xf32>
    %add3A_37 = arith.addf %mul3A_35, %add3A_36 : vector<10x64xf32>
    %get3A_38 = arith.constant 0 : index
    %get3A_39 = arith.constant 0 : index
    %get3A_40 = vector.load %arg5[%get3A_38, %get3A_39] : memref<64x32xf32, #tpu.memory_space<vmem>>, vector<64x32xf32>
    %dot_general3A_41 = arith.constant dense<0.000000e+00> : vector<10x32xf32>
    %dot_general3A_42 = tpu.matmul %add3A_37, %get3A_40, %dot_general3A_41 {dimension_numbers = #tpu.dot_dimension_numbers<[1], [0], [0], [1], [0, 0, 1, 1], [], []>, transpose_lhs_hint = false} : vector<10x64xf32>, vector<64x32xf32>, vector<10x32xf32> -> vector<10x32xf32>
    %get3A_43 = arith.constant 0 : index
    %get3A_44 = arith.constant 0 : index
    %get3A_45 = vector.load %arg6[%get3A_43, %get3A_44] : memref<1x32xf32, #tpu.memory_space<vmem>>, vector<1x32xf32>
    %add3A_46 = vector.broadcast %get3A_45 : vector<1x32xf32> to vector<10x32xf32>
    %add3A_47 = arith.addf %dot_general3A_42, %add3A_46 : vector<10x32xf32>
    %max3A_48 = arith.constant 0.000000e+00 : f32
    %max3A_49 = vector.broadcast %max3A_48 : f32 to vector<10x32xf32>
    %max3A_50 = arith.maximumf %add3A_47, %max3A_49 : vector<10x32xf32>
    %get3A_51 = arith.constant 0 : index
    %get3A_52 = arith.constant 0 : index
    %get3A_53 = vector.load %arg7[%get3A_51, %get3A_52] : memref<1x32xf32, #tpu.memory_space<vmem>>, vector<1x32xf32>
    %get3A_54 = arith.constant 0 : index
    %get3A_55 = arith.constant 0 : index
    %get3A_56 = vector.load %arg8[%get3A_54, %get3A_55] : memref<1x32xf32, #tpu.memory_space<vmem>>, vector<1x32xf32>
    %reduce_sum3A_57 = arith.constant dense<0.000000e+00> : vector<32xf32>
    %reduce_sum3A_58 = vector.multi_reduction <add>, %max3A_50, %reduce_sum3A_57 [0] : vector<10x32xf32> to vector<32xf32>
    %broadcast_in_dim3A_59 = vector.shape_cast %reduce_sum3A_58 : vector<32xf32> to vector<1x32xf32>
    %div3A_60 = arith.constant 1.000000e+01 : f32
    %div3A_61 = vector.broadcast %div3A_60 : f32 to vector<1x32xf32>
    %div3A_62 = arith.divf %broadcast_in_dim3A_59, %div3A_61 : vector<1x32xf32>
    %sub3A_63 = vector.broadcast %div3A_62 : vector<1x32xf32> to vector<10x32xf32>
    %sub3A_64 = arith.subf %max3A_50, %sub3A_63 : vector<10x32xf32>
    %integer_pow3A_65 = arith.mulf %sub3A_64, %sub3A_64 : vector<10x32xf32>
    %reduce_sum3A_66 = arith.constant dense<0.000000e+00> : vector<32xf32>
    %reduce_sum3A_67 = vector.multi_reduction <add>, %integer_pow3A_65, %reduce_sum3A_66 [0] : vector<10x32xf32> to vector<32xf32>
    %broadcast_in_dim3A_68 = vector.shape_cast %reduce_sum3A_67 : vector<32xf32> to vector<1x32xf32>
    %div3A_69 = arith.constant 1.000000e+01 : f32
    %div3A_70 = vector.broadcast %div3A_69 : f32 to vector<1x32xf32>
    %div3A_71 = arith.divf %broadcast_in_dim3A_68, %div3A_70 : vector<1x32xf32>
    %sub3A_72 = vector.broadcast %div3A_62 : vector<1x32xf32> to vector<10x32xf32>
    %sub3A_73 = arith.subf %max3A_50, %sub3A_72 : vector<10x32xf32>
    %add3A_74 = arith.constant 9.99999974E-6 : f32
    %add3A_75 = vector.broadcast %add3A_74 : f32 to vector<1x32xf32>
    %add3A_76 = arith.addf %div3A_71, %add3A_75 : vector<1x32xf32>
    %sqrt3A_77 = math.sqrt %add3A_76 : vector<1x32xf32>
    %div3A_78 = vector.broadcast %sqrt3A_77 : vector<1x32xf32> to vector<10x32xf32>
    %div3A_79 = arith.divf %sub3A_73, %div3A_78 : vector<10x32xf32>
    %mul3A_80 = vector.broadcast %get3A_53 : vector<1x32xf32> to vector<10x32xf32>
    %mul3A_81 = arith.mulf %div3A_79, %mul3A_80 : vector<10x32xf32>
    %add3A_82 = vector.broadcast %get3A_56 : vector<1x32xf32> to vector<10x32xf32>
    %add3A_83 = arith.addf %mul3A_81, %add3A_82 : vector<10x32xf32>
    %get3A_84 = arith.constant 0 : index
    %get3A_85 = arith.constant 0 : index
    %get3A_86 = vector.load %arg9[%get3A_84, %get3A_85] : memref<32x2xf32, #tpu.memory_space<vmem>>, vector<32x2xf32>
    %dot_general3A_87 = arith.constant dense<0.000000e+00> : vector<10x2xf32>
    %dot_general3A_88 = tpu.matmul %add3A_83, %get3A_86, %dot_general3A_87 {dimension_numbers = #tpu.dot_dimension_numbers<[1], [0], [0], [1], [0, 0, 1, 1], [], []>, transpose_lhs_hint = false} : vector<10x32xf32>, vector<32x2xf32>, vector<10x2xf32> -> vector<10x2xf32>
    %get3A_89 = arith.constant 0 : index
    %get3A_90 = arith.constant 0 : index
    %get3A_91 = vector.load %arg10[%get3A_89, %get3A_90] : memref<1x2xf32, #tpu.memory_space<vmem>>, vector<1x2xf32>
    %add3A_92 = vector.broadcast %get3A_91 : vector<1x2xf32> to vector<10x2xf32>
    %add3A_93 = arith.addf %dot_general3A_88, %add3A_92 : vector<10x2xf32>
    %reduce_max3A = arith.constant dense<0xFF800000> : vector<10xf32>
    %reduce_max3A_94 = vector.multi_reduction <maximumf>, %add3A_93, %reduce_max3A [1] : vector<10x2xf32> to vector<10xf32>
    %broadcast_in_dim3A_95 = vector.shape_cast %reduce_max3A_94 : vector<10xf32> to vector<10x1xf32>
    %sub3A_96 = vector.broadcast %broadcast_in_dim3A_95 : vector<10x1xf32> to vector<10x2xf32>
    %sub3A_97 = arith.subf %add3A_93, %sub3A_96 : vector<10x2xf32>
    %exp3A = math.exp %sub3A_97 : vector<10x2xf32>
    %reduce_sum3A_98 = arith.constant dense<0.000000e+00> : vector<10xf32>
    %reduce_sum3A_99 = vector.multi_reduction <add>, %exp3A, %reduce_sum3A_98 [1] : vector<10x2xf32> to vector<10xf32>
    %broadcast_in_dim3A_100 = vector.shape_cast %reduce_sum3A_99 : vector<10xf32> to vector<10x1xf32>
    %log3A = math.log %broadcast_in_dim3A_100 : vector<10x1xf32>
    %sub3A_101 = vector.broadcast %log3A : vector<10x1xf32> to vector<10x2xf32>
    %sub3A_102 = arith.subf %sub3A_97, %sub3A_101 : vector<10x2xf32>
    %swap3A = arith.constant 0 : index
    %swap3A_103 = arith.constant 0 : index
    %swap3A_104 = vector.load %arg11[%swap3A, %swap3A_103] : memref<10x2xf32, #tpu.memory_space<vmem>>, vector<10x2xf32>
    tpu.vector_store %arg11[%swap3A, %swap3A_103], %sub3A_102 {strides = array<i32>} : memref<10x2xf32, #tpu.memory_space<vmem>>, vector<10x2xf32>,
    return
  }
}

</mosaic_0001>

<sc_bundles>
// kernel: kernel.13.cloned.1.call-start
scs
__scs_entry_jumppad:
0x0: {  	(pc) =	sbr.rel $0x88, $3  }
0x1: {  	(tag) =	ssettag $0x0;
	lr =	simm.s32 $0x1  }
0x2: {  	[smem:$0x3F83] =	sst lr;
	_ =	strace $0xD0000000  }
0x3: {  	_ = 	snop  }
0x4: {  	_ = 	snop  }
0x5: {  	_ = 	snop  }
0x6: {  	_ = 	snop  }
0x7: {  	_ = 	snop  }
__scs_overlays_trampoline_lowered:
0x8: {  	[smem:$0x3F92] =	sst s0  }
0x9: {  	[smem:$0x3F93] =	sst s1  }
0xa: {  	[smem:$0x3F94] =	sst s2  }
0xb: {  	[smem:$0x3F95] =	sst s3  }
0xc: {  	[smem:$0x3F96] =	sst s4  }
0xd: {  	[smem:$0x3F97] =	sst s5  }
0xe: {  	[smem:$0x3F98] =	sst s6  }
0xf: {  	[smem:$0x3F99] =	sst s7  }
0x10: {  	[smem:$0x3F9A] =	sst s8  }
0x11: {  	[smem:$0x3F9B] =	sst s9;
	s0 =	simm.s32 @!p0 $0x0  }
0x12: {  	s1 =	sld [smem:$0x3F81];
	s0 =	simm.s32 @p0 $0x1  }
0x13: {  	[smem:$0x3F9C] =	sst s0;
	s0 =	simm.s32 @!p1 $0x0  }
0x14: {  	s2 =	sld [smem:$0x3F80];
	s0 =	simm.s32 @p1 $0x1  }
0x15: {  	[smem:$0x3F9D] =	sst s0;
	s0 =	simm.s32 @!p2 $0x0  }
0x16: {  	s3 =	sld [smem:$0x3FDB];
	s0 =	simm.s32 @p2 $0x1  }
0x17: {  	s4 =	simm.s32 $0x1BF5;
	[smem:$0x3F9F] =	sst s0  }
0x18: {  	s0 =	sld [smem:$0x3F82];
	_ =	swait.ge [sflag:s4], $0x0  }
0x19: {  	s7 =	sld [smem:$0x3F83]  }
0x1a: {  	s8 =	sadd.s32 $0xFFFFE003, lr  }
0x1b: {  	s9 =	sadd.s32 $0xFFFFFEF7, lr;
	s5 =	simm.s32 $0xFFFFFFFF;
	p2 =	slt.u32 s8, $0xFFFFF086  }
0x1c: {  	p1 =	slt.u32 s9, $0xF7A;
	s5 =	simm.s32 @!p2 $0x0  }
0x1d: {  	s5 =	simm.s32 @p1 $0x1;
	p0 =	seq.s32 s7, s2  }
0x1e: {  	s7 =	smul.u32 @!p0 $0xF7A, s2;
	p2 =	seq.s32 @!p0 s5, $0x0  }
0x1f: {  	s9 =	smul.u32 $0xF7A, s1;
	s8 =	simm.s32 @!p0 $0x1BF5;
	p2 =	por !p2, p0  }
0x20: {  	[sflag:s8] =	ssyncset.s32 @!p0 $0xFFFFF086;
	s6 =	sadd.s32 @!p0 s3, s7;
	s7 =	simm.s32 @!p0 $0x108  }
0x21: {  	s3 =	sadd.s32 s3, s9;
	s6 =	sadd.s32 @!p0 $0x88, s6;
	s7 =	simm.s32 @p2 $0x1082  }
0x22: {  	[simem:s7], [sflag:s8] =	dma.local @!p0 [hbm:s6], $0xF7A  }
0x23: {  	s9 =	sor.u32 $0xD0000000, s2;
	s6 =	simm.s32 $0x108;
	_ =	swait.ge @!p0 [sflag:s8], $0x0  }
0x24: {  	s3 =	sadd.s32 $0x88, s3;
	s6 =	simm.s32 @!p1 $0x1082;
	[sflag:s4] =	ssyncset.s32 $0xFFFFF086  }
0x25: {  	[simem:s6], [sflag:s4] =	dma.local [hbm:s3], $0xF7A  }
0x26: {  	[smem:$0x3F83] =	sst s1;
	(tag) =	ssettag s2;
	_ =	strace s9  }
0x27: {  	s1 =	sld [smem:$0x3F93]  }
0x28: {  	s2 =	sld [smem:$0x3F94]  }
0x29: {  	s4 =	sld [smem:$0x3F96]  }
0x2a: {  	p0 =	seq.s32 s5, $0x0;
	s5 =	sld [smem:$0x3F97]  }
0x2b: {  	s6 =	sld [smem:$0x3F98]  }
0x2c: {  	s7 =	sld [smem:$0x3F99]  }
0x2d: {  	s3 =	simm.s32 $0x108;
	s8 =	sld [smem:$0x3F9A]  }
0x2e: {  	s3 =	simm.s32 @!p0 $0x1082;
	s9 =	sld [smem:$0x3F9B]  }
0x2f: {  	lr =	sadd.s32 s0, s3;
	s0 =	sld [smem:$0x3F92]  }
0x30: {  	s3 =	sld [smem:$0x3F95]  }
0x31: {  	[smem:$0x3F9E] =	sst s10  }
0x32: {  	s10 =	sld [smem:$0x3F9C];
	_ =	sdelay $0x3  }
0x33: {  	p0 =	seq.s32 s10, $0x1;
	s10 =	sld [smem:$0x3F9E];
	_ =	sdelay $0x3  }
0x34: {  	[smem:$0x3F9E] =	sst s10  }
0x35: {  	s10 =	sld [smem:$0x3F9D];
	_ =	sdelay $0x3  }
0x36: {  	p1 =	seq.s32 s10, $0x1;
	s10 =	sld [smem:$0x3F9E];
	_ =	sdelay $0x3  }
0x37: {  	[smem:$0x3F9E] =	sst s10  }
0x38: {  	s10 =	sld [smem:$0x3F9F]  }
0x39: {  	_ = 	snop;
	(pc) =	sbr.ind lr, $3  }
0x3a: {  	_ = 	snop  }
0x3b: {  	_ = 	snop  }
0x3c: {  	p2 =	seq.s32 s10, $0x1;
	s10 =	sld [smem:$0x3F9E]  }
0x3d: {  	_ =	shalt  }
0x3e: {  	_ =	shalt  }
0x3f: {  	_ =	shalt  }
0x40: {  	_ =	shalt  }
0x41: {  	_ =	shalt  }
0x42: {  	_ =	shalt  }
0x43: {  	_ =	shalt  }
0x44: {  	_ =	shalt  }
0x45: {  	_ =	shalt  }
0x46: {  	_ =	shalt  }
0x47: {  	_ =	shalt  }
0x48: {  	_ =	shalt  }
0x49: {  	_ =	shalt  }
0x4a: {  	_ =	shalt  }
0x4b: {  	_ =	shalt  }
0x4c: {  	_ =	shalt  }
0x4d: {  	_ =	shalt  }
0x4e: {  	_ =	shalt  }
0x4f: {  	_ =	shalt  }
0x50: {  	_ =	shalt  }
0x51: {  	_ =	shalt  }
0x52: {  	_ =	shalt  }
0x53: {  	_ =	shalt  }
0x54: {  	_ =	shalt  }
0x55: {  	_ =	shalt  }
0x56: {  	_ =	shalt  }
0x57: {  	_ =	shalt  }
0x58: {  	_ =	shalt  }
0x59: {  	_ =	shalt  }
0x5a: {  	_ =	shalt  }
0x5b: {  	_ =	shalt  }
0x5c: {  	_ =	shalt  }
0x5d: {  	_ =	shalt  }
0x5e: {  	_ =	shalt  }
0x5f: {  	_ =	shalt  }
0x60: {  	_ =	shalt  }
0x61: {  	_ =	shalt  }
0x62: {  	_ =	shalt  }
0x63: {  	_ =	shalt  }
0x64: {  	_ =	shalt  }
0x65: {  	_ =	shalt  }
0x66: {  	_ =	shalt  }
0x67: {  	_ =	shalt  }
0x68: {  	_ =	shalt  }
0x69: {  	_ =	shalt  }
0x6a: {  	_ =	shalt  }
0x6b: {  	_ =	shalt  }
0x6c: {  	_ =	shalt  }
0x6d: {  	_ =	shalt  }
0x6e: {  	_ =	shalt  }
0x6f: {  	_ =	shalt  }
0x70: {  	_ =	shalt  }
0x71: {  	_ =	shalt  }
0x72: {  	_ =	shalt  }
0x73: {  	_ =	shalt  }
0x74: {  	_ =	shalt  }
0x75: {  	_ =	shalt  }
0x76: {  	_ =	shalt  }
0x77: {  	_ =	shalt  }
0x78: {  	_ =	shalt  }
0x79: {  	_ =	shalt  }
0x7a: {  	_ =	shalt  }
0x7b: {  	_ =	shalt  }
0x7c: {  	_ =	shalt  }
0x7d: {  	_ =	shalt  }
0x7e: {  	_ =	shalt  }
0x7f: {  	_ =	shalt  }
0x80: {  	_ =	shalt  }
0x81: {  	_ =	shalt  }
0x82: {  	_ =	shalt  }
0x83: {  	_ =	shalt  }
0x84: {  	_ =	shalt  }
0x85: {  	_ =	shalt  }
0x86: {  	_ =	shalt  }
0x87: {  	_ =	shalt  }
.Lfunc_end0:
.L_simem_size_0:
called_computation_lowered:
.L_overlay_start_0:
0x88: {  	s2 =	sld [smem:$0x3FD9]  }
0x89: {  	s3 =	sld [smem:$0x3FFE];
	_ =	sdelay $0x1  }
0x8a: {  	s1 =	srdreg.scid  }
0x8b: {  	s0 =	sand.u32 $0x1, s1  }
0x8c: {  	s16 =	sshll.u32 s0, $0xA;
	s2 =	sadd.s32 s3, s2  }
0x8d: {  	s2 =	sadd.s32 s2, s16  }
0x8e: {  	[smem:$0x3FAA] =	sst s2  }
0x8f: {  	_ = 	snop  }
0x90: {  	(tm) =	ssettm $0x1  }
0x91: {  	s17 =	sld [smem:$0x3FFB];
	_ =	sdelay $0x3  }
0x92: {  	_ =	strace s17  }
0x93: {  	s2 =	sld [smem:$0x3FFC];
	_ =	sdelay $0x3  }
0x94: {  	_ =	strace s2  }
0x95: {  	s2 =	sld [smem:$0x3FFD];
	_ =	sdelay $0x3  }
0x96: {  	_ =	strace s2  }
0x97: {  	_ =	strace $0x8FFFFFFF  }
0x98: {  	s18 =	sld [smem:$0x3FDB];
	_ =	sdelay $0x1  }
0x99: {  	s19 =	simm.s32 $_scs_section_size  }
0x9a: {  	s4 =	simm.s32 $_size__tile_overlayer_lowered;
	s5 =	simm.s32 $_tile_overlayer_lowered  }
0x9b: {  	s22 =	simm.s32 $0x1BFF;
	s21 =	sshll.u32 s5, $0x1;
	s2 =	sadd.s32 s19, s18  }
0x9c: {  	s6 =	simm.s32 $0x0;
	s20 =	sshll.u32 s4, $0x1;
	s4 =	sadd.s32 s21, s2  }
0x9d: {  	[timem:s6], [sflag:s22] =	dma.local [hbm:s4], s20  }
0x9e: {  	_ =	swait.ge [sflag:s22], s20  }
0x9f: {  	s3 =	ssub.s32 $0x0, s20;
	[sflag:s22] =	ssyncset.done $0x0  }
0xa0: {  	[sflag:s22] =	ssyncadd.s32 s3;
	_ =	sdelay $0x1  }
0xa1: {  	s23 =	simm.s32 $0x1B8B  }
0xa2: {  	_ =	swait.ge [sflag:s23], $0x1  }
0xa3: {  	[sflag:s23] =	ssyncset.done $0x0  }
0xa4: {  	s25 =	simm.s32 $0x1B8E;
	s24 =	sld [smem:$0x3FFE];
	[sflag:s23] =	ssyncadd.s32 $0xFFFFFFFF  }
0xa5: {  	s26 =	simm.s32 $execute0_lowered;
	[smem:$0x3FD2] =	sst s25  }
0xa6: {  	s4 =	sshll.u32 s26, $0x1;
	_ =	strace $0x80000046;
	[dreg:$0x1] =	wrdreg $0xFFFFFFFF  }
0xa7: {  	s28 =	simm.s32 $_size_execute0_lowered;
	s2 =	sadd.s32 s2, s4;
	[dreg:$0x0] =	wrdreg $0x0  }
0xa8: {  	s4 =	sshll.u32 s28, $0x1;
	[dreg:$0x2] =	wrdreg s2  }
0xa9: {  	[dreg:$0x3] =	wrdreg s4  }
0xaa: {  	[dreg:$0x4] =	wrdreg $0xC0  }
0xab: {  	_ =	task [dreg:s6], $0x5FFFF  }
0xac: {  	[dreg:$0x1] =	wrdreg $0xFFFFFFFF  }
0xad: {  	[dreg:$0x0] =	wrdreg $0x60  }
0xae: {  	[dreg:$0x2] =	wrdreg s24  }
0xaf: {  	[dreg:$0x3] =	wrdreg $0xDDF00  }
0xb0: {  	[dreg:$0x4] =	wrdreg $0x9  }
0xb1: {  	_ =	task.clear_ibuf [dreg:s6], $0x5FFFF;
	_ =	strace $0x90000046  }
0xb2: {  	s29 =	simm.s32 $0x9;
	_ =	strace $0x80000048  }
0xb3: {  	_ =	swait.ge [sflag:s29], $0x1  }
0xb4: {  	[sflag:s29] =	ssyncadd.s32 $0xFFFFFFFF  }
0xb5: {  	_ =	strace $0x90000048  }
0xb6: {  	_ =	sfence  }
0xb7: {  	s30 =	sld [smem:$0x0];
	_ =	sdelay $0x2  }
0xb8: {  	s31 =	sshll.u32 s1, $0xD;
	s1 =	sshrl.u32 s1, $0x2  }
0xb9: {  	s3 =	sand.u32 $0x4000, s31;
	s1 =	sadd.s32 s1, s30  }
0xba: {  	s0 =	sor.u32 s3, s0;
	s1 =	sshll.u32 s1, $0x11  }
0xbb: {  	s0 =	sor.u32 s1, s0  }
0xbc: {  	s0 =	sadd.s32 $0x8F2B, s0  }
0xbd: {  	[sflag:s0] =	ssyncadd.remote.s32 $0x1  }
0xbe: {  	_ =	sfence.sel $0xFFFF  }
0xbf: {  	[dreg:$0x0] =	wrdreg $0xFFFFFFFF;
	(pc) =	sbr.abs _section_cstart, $3  }
0xc0: {  	[dreg:$0x1] =	wrdreg $0xFFFFFFFF  }
0xc1: {  	_ =	task.clear_ibuf [dreg:s6], $0x2FFFF;
	_ =	strace $0x9FFFFFFF  }
0xc2: {  	(tm) =	ssettm $0x7FFFFFFF  }
0xc3: {  	_ =	shalt  }
tec
execute0_lowered:
.L_overlay_start_1:
0x0: {  	(tag) =	ssettag $0x1  }
0x1: {  	s1 =	rddreg [dreg:$0x0]  }
0x2: {  	s2 =	rddreg [dreg:$0x1];
	s3 =	simm.s32 $0x0;
	s0 =	srdreg.scid  }
0x3: {  	s12 =	stileid.u32;
	s17 =	simm.s32 $0x1;
	s18 =	simm.s32 $0x2710  }
0x4: {  	s19 =	simm.s32 $0x4E20;
	s20 =	simm.s32 $0x7530;
	s28 =	simm.s32 $0xDDE0  }
0x5: {  	s29 =	simm.s32 $0xBDC0;
	s30 =	simm.s32 $0x9CC0;
	s31 =	simm.s32 $0x0  }
0x6: {  	[smem:$0x7FF] =	sst s3;
	s5 =	sadd.s32 $0x1EA00, s1;
	s6 =	sadd.s32 $0x14C00, s1  }
0x7: {  	s7 =	sadd.s32 $0x28800, s1;
	s0 =	sand.u32 $0x1, s0;
	s4 =	sadd.s32 $0x14600, s1  }
0x8: {  	s8 =	sshll.u32 s12, $0x1;
	s9 =	sadd.s32 $0x14000, s1;
	s22 =	smul.u32 $0x9C40, s12  }
0x9: {  	s10 =	sadd.s32 $0x13A00, s1;
	_ =	strace $0x80000047;
	[dreg:$0x3] =	wrdreg s4  }
0xa: {  	s23 =	sadd.s32 $0x32C00, s1;
	s25 =	smul.u32 $0x138800, s12;
	[dreg:$0x4] =	wrdreg s9  }
0xb: {  	v0 =	vimm.s32 $0xFFEDCBA9;
	v1 =	vimm.s32 $0x87654321;
	s11 =	sadd.s32 $0x32600, s1;
	p0 =	sgt.u32 s12, $0x1;
	[dreg:$0x5] =	wrdreg s10  }
0xc: {  	v2 =	vimm.s32 $0xEDCBA987;
	v3 =	vimm.s32 $0x65432100;
	s21 =	smul.u32 $0x13880, s0;
	s8 =	sor.u32 s0, s8;
	[dreg:$0x6] =	wrdreg s23  }
0xd: {  	v0 =	vunpack.c.l.s4.s8 v0;
	v1 =	vunpack.c.l.s4.s8 v1;
	v2 =	vunpack.c.l.s4.s8 v2;
	s0 =	ssub.s32 $0x2, s0;
	[dreg:$0x7] =	wrdreg s11;
	s23 =	simm.s32 $0x9DC0  }
0xe: {  	v3 =	vunpack.c.l.s4.s8 v3;
	s24 =	smul.u32 $0x4E2, s8;
	s26 =	sshrl.u32 s0, $0x1;
	s9 =	sshrl.u32 s25, $0x2  }
0xf: {  	s13 =	sshll.u32 s8, $0x7;
	v0 =	vunpack.c.0.s8.s32 v0;
	v1 =	vunpack.c.0.s8.s32 v1;
	v2 =	vunpack.c.0.s8.s32 v2;
	s25 =	simm.s32 $0x80;
	s4 =	sadd.s32 s22, s21  }
0x10: {  	vm0 =	vcmask $0x3F3C;
	vm1 =	vcmask $0x300;
	v3 =	vunpack.c.0.s8.s32 v3;
	s0 =	ssub.s32 s0, s26;
	s9 =	sadd.s32 s9, s2;
	s26 =	simm.s32 $0xDDD0  }
0x11: {  	s4 =	sadd.s32 s4, s1;
	s10 =	sadd.s32 s24, s1;
	s16 =	smax.u32 s0, $0x1;
	v1 =	vcombine.low v1, v0;
	v2 =	vand.u32 $0xF, v2;
	v0 =	vlaneseq.u32  }
0x12: {  	s0 =	sshll.u32 @!p0 s12, $0x6;
	s22 =	sshrl.u32 @!p0 s9, $0x3;
	s24 =	simm.s32 $0xDDC0;
	v2 =	vcombine.low v3, v2;
	v3 =	vimm.s32 $0x7FFFFFFF;
	v4 =	vor.u32 $0x80000000, v0  }
0x13: {  	s14 =	sadd.s32 $0x3CA00, s4;
	s15 =	sadd.s32 $0x63C00, s10;
	s21 =	sor.u32 @!p0 $0x1C01, s0;
	v5 =	vmul.u32 $0x40, v0;
	v1 =	vand.u32 $0xF, v1;
	v3 =	vsel vm1, $0x80000000, v3  }
.LBB2_1:
0x14: {  	s0 =	rddreg [dreg:$0x3]  }
0x15: {  	[tilespmem:s3], [sflag:$0x1] =	stream.linear.gather [hbm4b:s0+s3], $0x2710, $0x38;
	[tilespmem:$0x17A30] =	vst v63  }
0x16: {  	_ =	swait.ge [sflag:s17], $0x2710  }
0x17: {  	[sflag:s17] =	ssyncset.done $0x0  }
0x18: {  	s10 =	rddreg [dreg:$0x4];
	[sflag:s17] =	ssyncadd.s32 $0xFFFFD8F0  }
0x19: {  	[tilespmem:s18], [sflag:$0x1] =	stream.linear.gather [hbm4b:s10+s3], $0x2710, $0x38;
	[tilespmem:$0x17A30] =	vst v63  }
0x1a: {  	_ =	swait.ge [sflag:s17], $0x2710  }
0x1b: {  	[sflag:s17] =	ssyncset.done $0x0  }
0x1c: {  	s11 =	rddreg [dreg:$0x5];
	[sflag:s17] =	ssyncadd.s32 $0xFFFFD8F0  }
0x1d: {  	[tilespmem:s19], [sflag:$0x1] =	stream.linear.gather [hbm4b:s11+s3], $0x2710, $0x38;
	[tilespmem:$0x17A30] =	vst v63  }
0x1e: {  	_ =	swait.ge [sflag:s17], $0x2710  }
0x1f: {  	[sflag:s17] =	ssyncset.done $0x0  }
0x20: {  	s12 =	rddreg [dreg:$0x7];
	[sflag:s17] =	ssyncadd.s32 $0xFFFFD8F0  }
0x21: {  	[tilespmem:s20], [sflag:$0x1] =	stream.linear.gather [hbm4b:s12+s3], $0x2710, $0x38;
	[tilespmem:$0x17A30] =	vst v63  }
0x22: {  	_ =	swait.ge [sflag:s17], $0x2710  }
0x23: {  	[sflag:s17] =	ssyncset.done $0x0  }
0x24: {  	s0 =	rddreg [dreg:$0x6];
	[sflag:s17] =	ssyncadd.s32 $0xFFFFD8F0  }
0x25: {  	[spmem:s22], [sflag:s21] =	dma.local @!p0 [hbm:s0], $0x9C40  }
0x26: {  	s0 =	simm.s32 @!p0 $0x1  }
0x27: {  	_ =	swait.ge @!p0 [sflag:s0], $0x9C40  }
0x28: {  	[sflag:s0] =	ssyncset.done @!p0 $0x0  }
0x29: {  	[sflag:s0] =	ssyncadd.s32 @!p0 $0xFFFF63C0;
	s0 =	simm.s32 @!p0 $0x4F  }
0x2a: {  	s4 =	simm.s32 $0x0;
	s0 =	simm.s32 @p0 $0x4E;
	[bflag:$0x0] =	sbarrier.arrive $0xFFFF  }
.LBB2_2:
0x2b: {  	s8 =	sshll.u32 s4, $0xC  }
0x2c: {  	s8 =	sor.u32 s13, s8  }
0x2d: {  	s11 =	sshrl.u32 s8, $0x3  }
0x2e: {  	s9 =	simm.s32 $0x9C40;
	s8 =	simm.s32 $0x0;
	s10 =	sadd.s32 s5, s11  }
0x2f: {  	[tilespmem:s9], [sflag:$0x1] =	stream.linear.gather [hbm4b:s10+s8], $0x80, $0x38;
	[tilespmem:$0x17A30] =	vst v63  }
0x30: {  	_ =	swait.ge [sflag:s17], $0x80  }
0x31: {  	[sflag:s17] =	ssyncset.done $0x0  }
0x32: {  	s12 =	sadd.s32 s6, s11;
	s10 =	simm.s32 $0x9CC0;
	[sflag:s17] =	ssyncadd.s32 $0xFFFFFF80  }
0x33: {  	[tilespmem:s10], [sflag:$0x1] =	stream.linear.gather [hbm4b:s12+s8], $0x80, $0x38;
	[tilespmem:$0x17A30] =	vst v63  }
0x34: {  	_ =	swait.ge [sflag:s17], $0x80  }
0x35: {  	[sflag:s17] =	ssyncset.done $0x0  }
0x36: {  	s12 =	sadd.s32 s7, s11;
	s11 =	simm.s32 $0x9D40;
	[sflag:s17] =	ssyncadd.s32 $0xFFFFFF80  }
0x37: {  	[tilespmem:s11], [sflag:$0x1] =	stream.linear.gather [hbm4b:s12+s8], $0x80, $0x38;
	[tilespmem:$0x17A30] =	vst v63  }
0x38: {  	_ =	swait.ge [sflag:s17], $0x80  }
0x39: {  	[sflag:s17] =	ssyncset.done $0x0  }
0x3a: {  	[sflag:s17] =	ssyncadd.s32 $0xFFFFFF80  }
0x3b: {  	[tilespmem:s23], [sflag:$0x1] =	stream.indirect.gather [hbm4b:s1+s25], $0x40, s9, s25, $0xb8;
	[tilespmem:$0x17A30] =	vst v63  }
0x3c: {  	_ =	swait.ge [sflag:s17], $0x2000  }
0x3d: {  	[sflag:s17] =	ssyncset.done $0x0  }
0x3e: {  	[sflag:s17] =	ssyncadd.s32 $0xFFFFE000  }
.LBB2_3:
0x3f: {  	v6 =	vld [tilespmem:s9+$0x0]  }
0x40: {  	v7 =	vld [tilespmem:s10+$0x0];
	_ =	sdelay $0x6  }
0x41: {  	v6 =	vld.idx.msk [tilespmem:v6+s3+$0x0], $0xffff  }
0x42: {  	v8 =	vld.idx.msk [tilespmem:v7+s18+$0x0], $0xffff;
	_ =	sdelay $0x2  }
0x43: {  	v9 =	vxor.u32 $0x80000000, v7  }
0x44: {  	(xrf1) =	vsort.ascd.msk.u32 $0xffff, v9, v0  }
0x45: {  	v7 =	vld.idx.msk [tilespmem:v7+s19+$0x0], $0xffff;
	v6 =	vadd.f32 v8, v6;
	_ =	sdelay $0x1  }
0x46: {  	v8 =	vmul.f32 $2.000000030e-01, v6  }
0x47: {  	vm1 =	vgt.f32 v6, $0.0e+00  }
0x48: {  	v6 =	vsel vm1, v6, v8  }
0x49: {  	v6 =	vsub.f32 v6, v7;
	_ =	sdelay $0x1  }
0x4a: {  	v6 =	vmul.f32 $1.442695020e+00, v6;
	_ =	sdelay $0x1  }
0x4b: {  	(erf) = vpow2.f32 v6;
	_ =	sdelay $0x3  }
0x4c: {  	v6, v7, _ =	vpop (xrf1)  }
0x4d: {  	v52 =	vxor.u32 $0x80000000, v6  }
0x4e: {  	v51 =	vld [tilespmem:s11+$0x0];
	[tilespmem:$0xDDC0] =	vst v52  }
0x4f: {  	v6 =	vld.idx.msk [tilespmem:v2+s24+$0x0], $0xffff;
	_ =	sdelay $0x1  }
0x50: {  	v10 =	vpop (erf)  }
0x51: {  	v11 =	vld.idx.msk [tilespmem:v1+s24+$0x0], $0xffff;
	[tilespmem:$0xDDD0] =	vst v10  }
0x52: {  	v7 =	vld.idx.msk [tilespmem:v7+s26+$0x0], $0xffff  }
0x53: {  	vm1 =	veq.s32 v52, v6  }
0x54: {  	v6 =	vsel vm1, v3, v4  }
0x55: {  	(xrf0) =	vmax.scan.msk.u32 $0xffff, v6;
	_ =	sdelay $0x1  }
0x56: {  	(xrf2) =	vadd.scan.msk.f32 $0xffff, v7;
	_ =	sdelay $0x3  }
0x57: {  	v6, _, _ =	vpop (xrf0)  }
0x58: {  	v7 =	vadd.s32 $0x7FFFFFFF, v6  }
0x59: {  	vm1 =	vgt.s32 v7, $0x0  }
0x5a: {  	v7 =	vnsel vm1, $0x0, v7;
	_ =	sdelay $0x2  }
0x5b: {  	v12, _, _ =	vpop (xrf2)  }
0x5c: {  	[tilespmem:$0xDDE0] =	vst v12  }
0x5d: {  	v7 =	vld.idx.msk [tilespmem:v7+s28+$0x0], $0xffff  }
0x5e: {  	vm1 =	vne.s32 v52, v11  }
0x5f: {  	v53 =	vmov s8;
	vm1 =	vmor vm1, vm0  }
0x60: {  	v11 =	vshll.u32 v53, $0x6  }
0x61: {  	vm2 =	vgt.u32 v6, $0x80000000;
	v6 =	vor.u32 v5, v11  }
0x62: {  	v7 =	vnsel vm2, $0x0, v7  }
0x63: {  	v7 =	vsub.f32 v12, v7;
	_ =	sdelay $0x1  }
0x64: {  	[tilespmem:v52+s20+$0x0] =	vst.idx.add.f32.msk vm1, v7  }
0x65: {  	v9 =	vld.idx.msk [tilespmem:v6+s23+$0x0], $0xffff;
	_ =	sdelay $0x2  }
0x66: {  	v54 =	vor.u32 $0x1, v6;
	v7 =	vmul.f32 v10, v51;
	_ =	sdelay $0x1  }
0x67: {  	v9 =	vmul.f32 v9, v7;
	_ =	sdelay $0x1  }
0x68: {  	[tilespmem:v6+s29+$0x0] =	vst.idx.msk $0xffff, v9  }
0x69: {  	v9 =	vld.idx.msk [tilespmem:v54+s23+$0x0], $0xffff;
	_ =	sdelay $0x2  }
0x6a: {  	v55 =	vor.u32 $0x2, v6;
	_ =	sdelay $0x1  }
0x6b: {  	v9 =	vmul.f32 v9, v7;
	_ =	sdelay $0x1  }
0x6c: {  	[tilespmem:v54+s29+$0x0] =	vst.idx.msk $0xffff, v9  }
0x6d: {  	v8 =	vld.idx.msk [tilespmem:v55+s23+$0x0], $0xffff;
	_ =	sdelay $0x2  }
0x6e: {  	v56 =	vor.u32 $0x3, v6;
	_ =	sdelay $0x1  }
0x6f: {  	v8 =	vmul.f32 v8, v7;
	_ =	sdelay $0x1  }
0x70: {  	[tilespmem:v55+s29+$0x0] =	vst.idx.msk $0xffff, v8  }
0x71: {  	v8 =	vld.idx.msk [tilespmem:v56+s23+$0x0], $0xffff;
	_ =	sdelay $0x2  }
0x72: {  	v57 =	vor.u32 $0x4, v6;
	_ =	sdelay $0x1  }
0x73: {  	v8 =	vmul.f32 v8, v7;
	_ =	sdelay $0x1  }
0x74: {  	[tilespmem:v56+s29+$0x0] =	vst.idx.msk $0xffff, v8  }
0x75: {  	v8 =	vld.idx.msk [tilespmem:v57+s23+$0x0], $0xffff;
	_ =	sdelay $0x2  }
0x76: {  	v58 =	vor.u32 $0x5, v6;
	_ =	sdelay $0x1  }
0x77: {  	v8 =	vmul.f32 v8, v7;
	_ =	sdelay $0x1  }
0x78: {  	[tilespmem:v57+s29+$0x0] =	vst.idx.msk $0xffff, v8  }
0x79: {  	v8 =	vld.idx.msk [tilespmem:v58+s23+$0x0], $0xffff;
	_ =	sdelay $0x2  }
0x7a: {  	v59 =	vor.u32 $0x6, v6;
	_ =	sdelay $0x1  }
0x7b: {  	v8 =	vmul.f32 v8, v7;
	_ =	sdelay $0x1  }
0x7c: {  	[tilespmem:v58+s29+$0x0] =	vst.idx.msk $0xffff, v8  }
0x7d: {  	v8 =	vld.idx.msk [tilespmem:v59+s23+$0x0], $0xffff;
	_ =	sdelay $0x2  }
0x7e: {  	v60 =	vor.u32 $0x7, v6;
	_ =	sdelay $0x1  }
0x7f: {  	v8 =	vmul.f32 v8, v7;
	_ =	sdelay $0x1  }
0x80: {  	[tilespmem:v59+s29+$0x0] =	vst.idx.msk $0xffff, v8  }
0x81: {  	v8 =	vld.idx.msk [tilespmem:v60+s23+$0x0], $0xffff;
	_ =	sdelay $0x2  }
0x82: {  	v61 =	vor.u32 $0x8, v6;
	_ =	sdelay $0x1  }
0x83: {  	v8 =	vmul.f32 v8, v7;
	_ =	sdelay $0x1  }
0x84: {  	[tilespmem:v60+s29+$0x0] =	vst.idx.msk $0xffff, v8  }
0x85: {  	v8 =	vld.idx.msk [tilespmem:v61+s23+$0x0], $0xffff;
	_ =	sdelay $0x2  }
0x86: {  	v62 =	vor.u32 $0x9, v6;
	_ =	sdelay $0x1  }
0x87: {  	v8 =	vmul.f32 v8, v7;
	_ =	sdelay $0x1  }
0x88: {  	[tilespmem:v61+s29+$0x0] =	vst.idx.msk $0xffff, v8  }
0x89: {  	v8 =	vld.idx.msk [tilespmem:v62+s23+$0x0], $0xffff;
	_ =	sdelay $0x2  }
0x8a: {  	v63 =	vor.u32 $0xA, v6;
	_ =	sdelay $0x1  }
0x8b: {  	v8 =	vmul.f32 v8, v7;
	_ =	sdelay $0x1  }
0x8c: {  	[tilespmem:v62+s29+$0x0] =	vst.idx.msk $0xffff, v8  }
0x8d: {  	v8 =	vld.idx.msk [tilespmem:v63+s23+$0x0], $0xffff;
	_ =	sdelay $0x2  }
0x8e: {  	v12 =	vor.u32 $0xB, v6;
	_ =	sdelay $0x1  }
0x8f: {  	v8 =	vmul.f32 v8, v7;
	_ =	sdelay $0x1  }
0x90: {  	[tilespmem:v63+s29+$0x0] =	vst.idx.msk $0xffff, v8  }
0x91: {  	v8 =	vld.idx.msk [tilespmem:v12+s23+$0x0], $0xffff;
	_ =	sdelay $0x2  }
0x92: {  	v13 =	vor.u32 $0xC, v6;
	_ =	sdelay $0x1  }
0x93: {  	v8 =	vmul.f32 v8, v7;
	_ =	sdelay $0x1  }
0x94: {  	[tilespmem:v12+s29+$0x0] =	vst.idx.msk $0xffff, v8  }
0x95: {  	v8 =	vld.idx.msk [tilespmem:v13+s23+$0x0], $0xffff;
	_ =	sdelay $0x2  }
0x96: {  	v14 =	vor.u32 $0xD, v6;
	_ =	sdelay $0x1  }
0x97: {  	v8 =	vmul.f32 v8, v7;
	_ =	sdelay $0x1  }
0x98: {  	[tilespmem:v13+s29+$0x0] =	vst.idx.msk $0xffff, v8  }
0x99: {  	v8 =	vld.idx.msk [tilespmem:v14+s23+$0x0], $0xffff;
	_ =	sdelay $0x2  }
0x9a: {  	v15 =	vor.u32 $0xE, v6;
	_ =	sdelay $0x1  }
0x9b: {  	v8 =	vmul.f32 v8, v7;
	_ =	sdelay $0x1  }
0x9c: {  	[tilespmem:v14+s29+$0x0] =	vst.idx.msk $0xffff, v8  }
0x9d: {  	v8 =	vld.idx.msk [tilespmem:v15+s23+$0x0], $0xffff;
	_ =	sdelay $0x2  }
0x9e: {  	v16 =	vor.u32 $0xF, v6;
	_ =	sdelay $0x1  }
0x9f: {  	v8 =	vmul.f32 v8, v7;
	_ =	sdelay $0x1  }
0xa0: {  	[tilespmem:v15+s29+$0x0] =	vst.idx.msk $0xffff, v8  }
0xa1: {  	v8 =	vld.idx.msk [tilespmem:v16+s23+$0x0], $0xffff;
	_ =	sdelay $0x2  }
0xa2: {  	v17 =	vor.u32 $0x10, v6;
	_ =	sdelay $0x1  }
0xa3: {  	v8 =	vmul.f32 v8, v7;
	_ =	sdelay $0x1  }
0xa4: {  	[tilespmem:v16+s29+$0x0] =	vst.idx.msk $0xffff, v8  }
0xa5: {  	v8 =	vld.idx.msk [tilespmem:v17+s23+$0x0], $0xffff;
	_ =	sdelay $0x2  }
0xa6: {  	v18 =	vor.u32 $0x11, v6;
	_ =	sdelay $0x1  }
0xa7: {  	v8 =	vmul.f32 v8, v7;
	_ =	sdelay $0x1  }
0xa8: {  	[tilespmem:v17+s29+$0x0] =	vst.idx.msk $0xffff, v8  }
0xa9: {  	v8 =	vld.idx.msk [tilespmem:v18+s23+$0x0], $0xffff;
	_ =	sdelay $0x2  }
0xaa: {  	v19 =	vor.u32 $0x12, v6;
	_ =	sdelay $0x1  }
0xab: {  	v8 =	vmul.f32 v8, v7;
	_ =	sdelay $0x1  }
0xac: {  	[tilespmem:v18+s29+$0x0] =	vst.idx.msk $0xffff, v8  }
0xad: {  	v8 =	vld.idx.msk [tilespmem:v19+s23+$0x0], $0xffff;
	_ =	sdelay $0x2  }
0xae: {  	v20 =	vor.u32 $0x13, v6;
	_ =	sdelay $0x1  }
0xaf: {  	v8 =	vmul.f32 v8, v7;
	_ =	sdelay $0x1  }
0xb0: {  	[tilespmem:v19+s29+$0x0] =	vst.idx.msk $0xffff, v8  }
0xb1: {  	v8 =	vld.idx.msk [tilespmem:v20+s23+$0x0], $0xffff;
	_ =	sdelay $0x2  }
0xb2: {  	v21 =	vor.u32 $0x14, v6;
	_ =	sdelay $0x1  }
0xb3: {  	v8 =	vmul.f32 v8, v7;
	_ =	sdelay $0x1  }
0xb4: {  	[tilespmem:v20+s29+$0x0] =	vst.idx.msk $0xffff, v8  }
0xb5: {  	v8 =	vld.idx.msk [tilespmem:v21+s23+$0x0], $0xffff;
	_ =	sdelay $0x2  }
0xb6: {  	v22 =	vor.u32 $0x15, v6;
	_ =	sdelay $0x1  }
0xb7: {  	v8 =	vmul.f32 v8, v7;
	_ =	sdelay $0x1  }
0xb8: {  	[tilespmem:v21+s29+$0x0] =	vst.idx.msk $0xffff, v8  }
0xb9: {  	v8 =	vld.idx.msk [tilespmem:v22+s23+$0x0], $0xffff;
	_ =	sdelay $0x2  }
0xba: {  	v23 =	vor.u32 $0x16, v6;
	_ =	sdelay $0x1  }
0xbb: {  	v8 =	vmul.f32 v8, v7;
	_ =	sdelay $0x1  }
0xbc: {  	[tilespmem:v22+s29+$0x0] =	vst.idx.msk $0xffff, v8  }
0xbd: {  	v8 =	vld.idx.msk [tilespmem:v23+s23+$0x0], $0xffff;
	_ =	sdelay $0x2  }
0xbe: {  	v24 =	vor.u32 $0x17, v6;
	_ =	sdelay $0x1  }
0xbf: {  	v8 =	vmul.f32 v8, v7;
	_ =	sdelay $0x1  }
0xc0: {  	[tilespmem:v23+s29+$0x0] =	vst.idx.msk $0xffff, v8  }
0xc1: {  	v8 =	vld.idx.msk [tilespmem:v24+s23+$0x0], $0xffff;
	_ =	sdelay $0x2  }
0xc2: {  	v25 =	vor.u32 $0x18, v6;
	_ =	sdelay $0x1  }
0xc3: {  	v8 =	vmul.f32 v8, v7;
	_ =	sdelay $0x1  }
0xc4: {  	[tilespmem:v24+s29+$0x0] =	vst.idx.msk $0xffff, v8  }
0xc5: {  	v8 =	vld.idx.msk [tilespmem:v25+s23+$0x0], $0xffff;
	_ =	sdelay $0x2  }
0xc6: {  	v26 =	vor.u32 $0x19, v6;
	_ =	sdelay $0x1  }
0xc7: {  	v8 =	vmul.f32 v8, v7;
	_ =	sdelay $0x1  }
0xc8: {  	[tilespmem:v25+s29+$0x0] =	vst.idx.msk $0xffff, v8  }
0xc9: {  	v8 =	vld.idx.msk [tilespmem:v26+s23+$0x0], $0xffff;
	_ =	sdelay $0x2  }
0xca: {  	v27 =	vor.u32 $0x1A, v6;
	_ =	sdelay $0x1  }
0xcb: {  	v8 =	vmul.f32 v8, v7;
	_ =	sdelay $0x1  }
0xcc: {  	[tilespmem:v26+s29+$0x0] =	vst.idx.msk $0xffff, v8  }
0xcd: {  	v8 =	vld.idx.msk [tilespmem:v27+s23+$0x0], $0xffff;
	_ =	sdelay $0x2  }
0xce: {  	v28 =	vor.u32 $0x1B, v6;
	_ =	sdelay $0x1  }
0xcf: {  	v8 =	vmul.f32 v8, v7;
	_ =	sdelay $0x1  }
0xd0: {  	[tilespmem:v27+s29+$0x0] =	vst.idx.msk $0xffff, v8  }
0xd1: {  	v8 =	vld.idx.msk [tilespmem:v28+s23+$0x0], $0xffff;
	_ =	sdelay $0x2  }
0xd2: {  	v29 =	vor.u32 $0x1C, v6;
	_ =	sdelay $0x1  }
0xd3: {  	v8 =	vmul.f32 v8, v7;
	_ =	sdelay $0x1  }
0xd4: {  	[tilespmem:v28+s29+$0x0] =	vst.idx.msk $0xffff, v8  }
0xd5: {  	v8 =	vld.idx.msk [tilespmem:v29+s23+$0x0], $0xffff;
	_ =	sdelay $0x2  }
0xd6: {  	v30 =	vor.u32 $0x1D, v6;
	_ =	sdelay $0x1  }
0xd7: {  	v8 =	vmul.f32 v8, v7;
	_ =	sdelay $0x1  }
0xd8: {  	[tilespmem:v29+s29+$0x0] =	vst.idx.msk $0xffff, v8  }
0xd9: {  	v8 =	vld.idx.msk [tilespmem:v30+s23+$0x0], $0xffff;
	_ =	sdelay $0x2  }
0xda: {  	v31 =	vor.u32 $0x1E, v6;
	_ =	sdelay $0x1  }
0xdb: {  	v8 =	vmul.f32 v8, v7;
	_ =	sdelay $0x1  }
0xdc: {  	[tilespmem:v30+s29+$0x0] =	vst.idx.msk $0xffff, v8  }
0xdd: {  	v8 =	vld.idx.msk [tilespmem:v31+s23+$0x0], $0xffff;
	_ =	sdelay $0x2  }
0xde: {  	v32 =	vor.u32 $0x1F, v6;
	_ =	sdelay $0x1  }
0xdf: {  	v8 =	vmul.f32 v8, v7;
	_ =	sdelay $0x1  }
0xe0: {  	[tilespmem:v31+s29+$0x0] =	vst.idx.msk $0xffff, v8  }
0xe1: {  	v8 =	vld.idx.msk [tilespmem:v32+s23+$0x0], $0xffff;
	_ =	sdelay $0x2  }
0xe2: {  	v33 =	vor.u32 $0x20, v6;
	_ =	sdelay $0x1  }
0xe3: {  	v8 =	vmul.f32 v8, v7;
	_ =	sdelay $0x1  }
0xe4: {  	[tilespmem:v32+s29+$0x0] =	vst.idx.msk $0xffff, v8  }
0xe5: {  	v8 =	vld.idx.msk [tilespmem:v33+s23+$0x0], $0xffff;
	_ =	sdelay $0x2  }
0xe6: {  	v34 =	vor.u32 $0x21, v6;
	_ =	sdelay $0x1  }
0xe7: {  	v8 =	vmul.f32 v8, v7;
	_ =	sdelay $0x1  }
0xe8: {  	[tilespmem:v33+s29+$0x0] =	vst.idx.msk $0xffff, v8  }
0xe9: {  	v8 =	vld.idx.msk [tilespmem:v34+s23+$0x0], $0xffff;
	_ =	sdelay $0x2  }
0xea: {  	v35 =	vor.u32 $0x22, v6;
	_ =	sdelay $0x1  }
0xeb: {  	v8 =	vmul.f32 v8, v7;
	_ =	sdelay $0x1  }
0xec: {  	[tilespmem:v34+s29+$0x0] =	vst.idx.msk $0xffff, v8  }
0xed: {  	v8 =	vld.idx.msk [tilespmem:v35+s23+$0x0], $0xffff;
	_ =	sdelay $0x2  }
0xee: {  	v36 =	vor.u32 $0x23, v6;
	_ =	sdelay $0x1  }
0xef: {  	v8 =	vmul.f32 v8, v7;
	_ =	sdelay $0x1  }
0xf0: {  	[tilespmem:v35+s29+$0x0] =	vst.idx.msk $0xffff, v8  }
0xf1: {  	v8 =	vld.idx.msk [tilespmem:v36+s23+$0x0], $0xffff;
	_ =	sdelay $0x2  }
0xf2: {  	v37 =	vor.u32 $0x24, v6;
	_ =	sdelay $0x1  }
0xf3: {  	v8 =	vmul.f32 v8, v7;
	_ =	sdelay $0x1  }
0xf4: {  	[tilespmem:v36+s29+$0x0] =	vst.idx.msk $0xffff, v8  }
0xf5: {  	v8 =	vld.idx.msk [tilespmem:v37+s23+$0x0], $0xffff;
	_ =	sdelay $0x2  }
0xf6: {  	v38 =	vor.u32 $0x25, v6;
	_ =	sdelay $0x1  }
0xf7: {  	v8 =	vmul.f32 v8, v7;
	_ =	sdelay $0x1  }
0xf8: {  	[tilespmem:v37+s29+$0x0] =	vst.idx.msk $0xffff, v8  }
0xf9: {  	v8 =	vld.idx.msk [tilespmem:v38+s23+$0x0], $0xffff;
	_ =	sdelay $0x2  }
0xfa: {  	v39 =	vor.u32 $0x26, v6;
	_ =	sdelay $0x1  }
0xfb: {  	v8 =	vmul.f32 v8, v7;
	_ =	sdelay $0x1  }
0xfc: {  	[tilespmem:v38+s29+$0x0] =	vst.idx.msk $0xffff, v8  }
0xfd: {  	v8 =	vld.idx.msk [tilespmem:v39+s23+$0x0], $0xffff;
	_ =	sdelay $0x2  }
0xfe: {  	v40 =	vor.u32 $0x27, v6;
	_ =	sdelay $0x1  }
0xff: {  	v8 =	vmul.f32 v8, v7;
	_ =	sdelay $0x1  }
0x100: {  	[tilespmem:v39+s29+$0x0] =	vst.idx.msk $0xffff, v8  }
0x101: {  	v8 =	vld.idx.msk [tilespmem:v40+s23+$0x0], $0xffff;
	_ =	sdelay $0x2  }
0x102: {  	v41 =	vor.u32 $0x28, v6;
	_ =	sdelay $0x1  }
0x103: {  	v8 =	vmul.f32 v8, v7;
	_ =	sdelay $0x1  }
0x104: {  	[tilespmem:v40+s29+$0x0] =	vst.idx.msk $0xffff, v8  }
0x105: {  	v8 =	vld.idx.msk [tilespmem:v41+s23+$0x0], $0xffff;
	_ =	sdelay $0x2  }
0x106: {  	v42 =	vor.u32 $0x29, v6;
	_ =	sdelay $0x1  }
0x107: {  	v8 =	vmul.f32 v8, v7;
	_ =	sdelay $0x1  }
0x108: {  	[tilespmem:v41+s29+$0x0] =	vst.idx.msk $0xffff, v8  }
0x109: {  	v8 =	vld.idx.msk [tilespmem:v42+s23+$0x0], $0xffff;
	_ =	sdelay $0x2  }
0x10a: {  	v43 =	vor.u32 $0x2A, v6;
	_ =	sdelay $0x1  }
0x10b: {  	v8 =	vmul.f32 v8, v7;
	_ =	sdelay $0x1  }
0x10c: {  	[tilespmem:v42+s29+$0x0] =	vst.idx.msk $0xffff, v8  }
0x10d: {  	v8 =	vld.idx.msk [tilespmem:v43+s23+$0x0], $0xffff;
	_ =	sdelay $0x2  }
0x10e: {  	v44 =	vor.u32 $0x2B, v6;
	_ =	sdelay $0x1  }
0x10f: {  	v8 =	vmul.f32 v8, v7;
	_ =	sdelay $0x1  }
0x110: {  	[tilespmem:v43+s29+$0x0] =	vst.idx.msk $0xffff, v8  }
0x111: {  	v8 =	vld.idx.msk [tilespmem:v44+s23+$0x0], $0xffff;
	_ =	sdelay $0x2  }
0x112: {  	v45 =	vor.u32 $0x2C, v6;
	_ =	sdelay $0x1  }
0x113: {  	v8 =	vmul.f32 v8, v7;
	_ =	sdelay $0x1  }
0x114: {  	[tilespmem:v44+s29+$0x0] =	vst.idx.msk $0xffff, v8  }
0x115: {  	v8 =	vld.idx.msk [tilespmem:v45+s23+$0x0], $0xffff;
	_ =	sdelay $0x2  }
0x116: {  	v46 =	vor.u32 $0x2D, v6;
	_ =	sdelay $0x1  }
0x117: {  	v8 =	vmul.f32 v8, v7;
	_ =	sdelay $0x1  }
0x118: {  	[tilespmem:v45+s29+$0x0] =	vst.idx.msk $0xffff, v8  }
0x119: {  	v8 =	vld.idx.msk [tilespmem:v46+s23+$0x0], $0xffff;
	_ =	sdelay $0x2  }
0x11a: {  	v47 =	vor.u32 $0x2E, v6;
	_ =	sdelay $0x1  }
0x11b: {  	v8 =	vmul.f32 v8, v7;
	_ =	sdelay $0x1  }
0x11c: {  	[tilespmem:v46+s29+$0x0] =	vst.idx.msk $0xffff, v8  }
0x11d: {  	v8 =	vld.idx.msk [tilespmem:v47+s23+$0x0], $0xffff;
	_ =	sdelay $0x2  }
0x11e: {  	v48 =	vor.u32 $0x2F, v6;
	_ =	sdelay $0x1  }
0x11f: {  	v8 =	vmul.f32 v8, v7;
	_ =	sdelay $0x1  }
0x120: {  	[tilespmem:v47+s29+$0x0] =	vst.idx.msk $0xffff, v8  }
0x121: {  	v8 =	vld.idx.msk [tilespmem:v48+s23+$0x0], $0xffff;
	_ =	sdelay $0x2  }
0x122: {  	v49 =	vor.u32 $0x30, v6;
	_ =	sdelay $0x1  }
0x123: {  	v8 =	vmul.f32 v8, v7;
	_ =	sdelay $0x1  }
0x124: {  	[tilespmem:v48+s29+$0x0] =	vst.idx.msk $0xffff, v8  }
0x125: {  	v8 =	vld.idx.msk [tilespmem:v49+s23+$0x0], $0xffff;
	_ =	sdelay $0x2  }
0x126: {  	v50 =	vor.u32 $0x31, v6;
	_ =	sdelay $0x1  }
0x127: {  	v8 =	vmul.f32 v8, v7;
	_ =	sdelay $0x1  }
0x128: {  	[tilespmem:v49+s29+$0x0] =	vst.idx.msk $0xffff, v8  }
0x129: {  	v8 =	vld.idx.msk [tilespmem:v50+s23+$0x0], $0xffff;
	_ =	sdelay $0x2  }
0x12a: {  	v51 =	vor.u32 $0x32, v6;
	_ =	sdelay $0x1  }
0x12b: {  	v8 =	vmul.f32 v8, v7;
	_ =	sdelay $0x1  }
0x12c: {  	[tilespmem:v50+s29+$0x0] =	vst.idx.msk $0xffff, v8  }
0x12d: {  	v8 =	vld.idx.msk [tilespmem:v51+s23+$0x0], $0xffff;
	_ =	sdelay $0x2  }
0x12e: {  	v52 =	vor.u32 $0x33, v6;
	_ =	sdelay $0x1  }
0x12f: {  	v8 =	vmul.f32 v8, v7;
	_ =	sdelay $0x1  }
0x130: {  	[tilespmem:v51+s29+$0x0] =	vst.idx.msk $0xffff, v8  }
0x131: {  	v8 =	vld.idx.msk [tilespmem:v52+s23+$0x0], $0xffff;
	_ =	sdelay $0x2  }
0x132: {  	v53 =	vor.u32 $0x34, v6;
	_ =	sdelay $0x1  }
0x133: {  	v8 =	vmul.f32 v8, v7;
	_ =	sdelay $0x1  }
0x134: {  	[tilespmem:v52+s29+$0x0] =	vst.idx.msk $0xffff, v8  }
0x135: {  	v8 =	vld.idx.msk [tilespmem:v53+s23+$0x0], $0xffff;
	_ =	sdelay $0x2  }
0x136: {  	v54 =	vor.u32 $0x35, v6;
	_ =	sdelay $0x1  }
0x137: {  	v8 =	vmul.f32 v8, v7;
	_ =	sdelay $0x1  }
0x138: {  	[tilespmem:v53+s29+$0x0] =	vst.idx.msk $0xffff, v8  }
0x139: {  	v8 =	vld.idx.msk [tilespmem:v54+s23+$0x0], $0xffff;
	_ =	sdelay $0x2  }
0x13a: {  	v55 =	vor.u32 $0x36, v6;
	_ =	sdelay $0x1  }
0x13b: {  	v8 =	vmul.f32 v8, v7;
	_ =	sdelay $0x1  }
0x13c: {  	[tilespmem:v54+s29+$0x0] =	vst.idx.msk $0xffff, v8  }
0x13d: {  	v8 =	vld.idx.msk [tilespmem:v55+s23+$0x0], $0xffff;
	_ =	sdelay $0x2  }
0x13e: {  	v56 =	vor.u32 $0x37, v6;
	_ =	sdelay $0x1  }
0x13f: {  	v8 =	vmul.f32 v8, v7;
	_ =	sdelay $0x1  }
0x140: {  	[tilespmem:v55+s29+$0x0] =	vst.idx.msk $0xffff, v8  }
0x141: {  	v8 =	vld.idx.msk [tilespmem:v56+s23+$0x0], $0xffff;
	_ =	sdelay $0x2  }
0x142: {  	v57 =	vor.u32 $0x38, v6;
	_ =	sdelay $0x1  }
0x143: {  	v8 =	vmul.f32 v8, v7;
	_ =	sdelay $0x1  }
0x144: {  	[tilespmem:v56+s29+$0x0] =	vst.idx.msk $0xffff, v8  }
0x145: {  	v8 =	vld.idx.msk [tilespmem:v57+s23+$0x0], $0xffff;
	_ =	sdelay $0x2  }
0x146: {  	v58 =	vor.u32 $0x39, v6;
	_ =	sdelay $0x1  }
0x147: {  	v8 =	vmul.f32 v8, v7;
	_ =	sdelay $0x1  }
0x148: {  	[tilespmem:v57+s29+$0x0] =	vst.idx.msk $0xffff, v8  }
0x149: {  	v8 =	vld.idx.msk [tilespmem:v58+s23+$0x0], $0xffff;
	_ =	sdelay $0x2  }
0x14a: {  	v59 =	vor.u32 $0x3A, v6;
	_ =	sdelay $0x1  }
0x14b: {  	v8 =	vmul.f32 v8, v7;
	_ =	sdelay $0x1  }
0x14c: {  	[tilespmem:v58+s29+$0x0] =	vst.idx.msk $0xffff, v8  }
0x14d: {  	v8 =	vld.idx.msk [tilespmem:v59+s23+$0x0], $0xffff;
	_ =	sdelay $0x2  }
0x14e: {  	v60 =	vor.u32 $0x3B, v6;
	_ =	sdelay $0x1  }
0x14f: {  	v8 =	vmul.f32 v8, v7;
	_ =	sdelay $0x1  }
0x150: {  	[tilespmem:v59+s29+$0x0] =	vst.idx.msk $0xffff, v8  }
0x151: {  	v8 =	vld.idx.msk [tilespmem:v60+s23+$0x0], $0xffff;
	_ =	sdelay $0x2  }
0x152: {  	v61 =	vor.u32 $0x3C, v6;
	_ =	sdelay $0x1  }
0x153: {  	v8 =	vmul.f32 v8, v7;
	_ =	sdelay $0x1  }
0x154: {  	[tilespmem:v60+s29+$0x0] =	vst.idx.msk $0xffff, v8  }
0x155: {  	v8 =	vld.idx.msk [tilespmem:v61+s23+$0x0], $0xffff;
	_ =	sdelay $0x2  }
0x156: {  	v62 =	vor.u32 $0x3D, v6;
	_ =	sdelay $0x1  }
0x157: {  	v8 =	vmul.f32 v8, v7;
	_ =	sdelay $0x1  }
0x158: {  	[tilespmem:v61+s29+$0x0] =	vst.idx.msk $0xffff, v8  }
0x159: {  	v8 =	vld.idx.msk [tilespmem:v62+s23+$0x0], $0xffff;
	_ =	sdelay $0x2  }
0x15a: {  	v63 =	vor.u32 $0x3E, v6;
	_ =	sdelay $0x1  }
0x15b: {  	v8 =	vmul.f32 v8, v7;
	_ =	sdelay $0x1  }
0x15c: {  	[tilespmem:v62+s29+$0x0] =	vst.idx.msk $0xffff, v8  }
0x15d: {  	v8 =	vld.idx.msk [tilespmem:v63+s23+$0x0], $0xffff;
	_ =	sdelay $0x2  }
0x15e: {  	v6 =	vor.u32 $0x3F, v6;
	_ =	sdelay $0x1  }
0x15f: {  	v8 =	vmul.f32 v8, v7;
	_ =	sdelay $0x1  }
0x160: {  	[tilespmem:v63+s29+$0x0] =	vst.idx.msk $0xffff, v8  }
0x161: {  	v8 =	vld.idx.msk [tilespmem:v6+s23+$0x0], $0xffff;
	_ =	sdelay $0x1  }
0x162: {  	p1 =	sne.s32 s8, $0x70  }
.Ltmp0:
0x163: {  	_ = 	snop;
	(pc) =	sbr.rel @p1 .LBB2_3-.Ltmp0, $4  }
0x164: {  	_ = 	snop  }
0x165: {  	v7 =	vmul.f32 v8, v7  }
0x166: {  	s9 =	sadd.s32 $0x10, s9  }
0x167: {  	s10 =	sadd.s32 $0x10, s10;
	s11 =	sadd.s32 $0x10, s11;
	s8 =	sadd.s32 $0x10, s8;
	[tilespmem:v6+s29+$0x0] =	vst.idx.msk $0xffff, v7  }
0x168: {  	s4 =	sadd.s32 $0x1, s4  }
0x169: {  	p1 =	sne.s32 s4, s0  }
.Ltmp1:
0x16a: {  	_ = 	snop;
	(pc) =	sbr.rel @p1 .LBB2_2-.Ltmp1, $4  }
0x16b: {  	[spmem:s2] =	stream.indirect.scatter.add.f32 [tilespmem:s29], [sflag:$0x1], $0x40, s30, s25, $0xb8;
	[tilespmem:$0x17A30] =	vst v63  }
0x16c: {  	_ =	swait.ge [sflag:s17], $0x2000  }
0x16d: {  	[sflag:s17] =	ssyncset.done $0x0  }
0x16e: {  	[sflag:s17] =	ssyncadd.s32 $0xFFFFE000  }
0x16f: {  	[bflag:$0x0] =	sbarrier.arrive $0xFFFF;
	s0 =	simm.s32 @!p0 $0x1  }
0x170: {  	[hbm:s14], [sflag:s21] =	dma.local @!p0 [spmem:s22], $0x9C40  }
0x171: {  	s31 =	sadd.s32 $0x1, s31;
	_ =	swait.ge @!p0 [sflag:s0], $0x9C40  }
0x172: {  	p1 =	sne.s32 s31, s16;
	[sflag:s0] =	ssyncset.done @!p0 $0x0  }
.Ltmp2:
0x173: {  	[sflag:s0] =	ssyncadd.s32 @!p0 $0xFFFF63C0;
	(pc) =	sbr.rel @p1 .LBB2_1-.Ltmp2, $4  }
0x174: {  	[hbm4b:s15+s3] =	stream.linear.scatter [tilespmem:s20], [sflag:$0x1], $0x2710, $0x38;
	[tilespmem:$0x17A30] =	vst v63  }
0x175: {  	_ =	swait.ge [sflag:s17], $0x2710  }
0x176: {  	[sflag:s17] =	ssyncset.done $0x0  }
0x177: {  	[sflag:s17] =	ssyncadd.s32 $0xFFFFD8F0  }
0x178: {  	_ =	sfence.sel $0x180000  }
0x179: {  	[bflag:$0x0] =	sbarrier.arrive $0xFFFF  }
0x17a: {  	_ =	strace $0x90000047  }
0x17b: {  	s0 =	stileid.u32;
	[bflag:$0x2] =	sbarrier.arrive $0xFFFF  }
0x17c: {  	p0 =	sne.s32 s0, $0x0;
	s0 =	rddreg [dreg:$0x2]  }
0x17d: {  	s0 =	sadd.s32 @!p0 $0x100000, s0  }
0x17e: {  	[sflag:s0] =	ssyncadd.tile.s32 @!p0 $0x1;
	_ =	shalt  }
.Lfunc_end2:
_tile_overlayer_lowered:
.L_overlay_start_2:
0x17f: {  	(tag) =	ssettag $0x2  }
0x180: {  	s0 =	rddreg [dreg:$0x0];
	s2 =	stileid.u32  }
0x181: {  	s1 =	rddreg [dreg:$0x1];
	p0 =	sne.s32 s2, $0x0  }
0x182: {  	s3 =	rddreg [dreg:$0x2];
	[bflag:$0x3] =	sbarrier.arrive $0xFFFF;
	s2 =	simm.s32 @!p0 $0x1C01  }
0x183: {  	[timem:s3], [sflag:s2] =	dma.local @!p0 [hbm:s0], s1  }
0x184: {  	s0 =	simm.s32 @!p0 $0x1  }
0x185: {  	_ =	swait.ge @!p0 [sflag:s0], s1  }
0x186: {  	s1 =	ssub.s32 @!p0 $0x0, s1;
	[sflag:s0] =	ssyncset.done @!p0 $0x0  }
0x187: {  	[sflag:s0] =	ssyncadd.s32 @!p0 s1  }
0x188: {  	[bflag:$0x3] =	sbarrier.arrive $0xFFFF  }
0x189: {  	_ =	shalt  }

// kernel: kernel.16.cloned.1.call-start
scs
__scs_entry_jumppad:
0x0: {  	(pc) =	sbr.rel $0x88, $3  }
0x1: {  	(tag) =	ssettag $0x0;
	lr =	simm.s32 $0x1  }
0x2: {  	[smem:$0x3F83] =	sst lr;
	_ =	strace $0xD0000000  }
0x3: {  	_ = 	snop  }
0x4: {  	_ = 	snop  }
0x5: {  	_ = 	snop  }
0x6: {  	_ = 	snop  }
0x7: {  	_ = 	snop  }
__scs_overlays_trampoline_lowered:
0x8: {  	[smem:$0x3F92] =	sst s0  }
0x9: {  	[smem:$0x3F93] =	sst s1  }
0xa: {  	[smem:$0x3F94] =	sst s2  }
0xb: {  	[smem:$0x3F95] =	sst s3  }
0xc: {  	[smem:$0x3F96] =	sst s4  }
0xd: {  	[smem:$0x3F97] =	sst s5  }
0xe: {  	[smem:$0x3F98] =	sst s6  }
0xf: {  	[smem:$0x3F99] =	sst s7  }
0x10: {  	[smem:$0x3F9A] =	sst s8  }
0x11: {  	[smem:$0x3F9B] =	sst s9;
	s0 =	simm.s32 @!p0 $0x0  }
0x12: {  	s1 =	sld [smem:$0x3F81];
	s0 =	simm.s32 @p0 $0x1  }
0x13: {  	[smem:$0x3F9C] =	sst s0;
	s0 =	simm.s32 @!p1 $0x0  }
0x14: {  	s2 =	sld [smem:$0x3F80];
	s0 =	simm.s32 @p1 $0x1  }
0x15: {  	[smem:$0x3F9D] =	sst s0;
	s0 =	simm.s32 @!p2 $0x0  }
0x16: {  	s3 =	sld [smem:$0x3FDB];
	s0 =	simm.s32 @p2 $0x1  }
0x17: {  	s4 =	simm.s32 $0x1BF5;
	[smem:$0x3F9F] =	sst s0  }
0x18: {  	s0 =	sld [smem:$0x3F82];
	_ =	swait.ge [sflag:s4], $0x0  }
0x19: {  	s7 =	sld [smem:$0x3F83]  }
0x1a: {  	s8 =	sadd.s32 $0xFFFFE003, lr  }
0x1b: {  	s9 =	sadd.s32 $0xFFFFFEF7, lr;
	s5 =	simm.s32 $0xFFFFFFFF;
	p2 =	slt.u32 s8, $0xFFFFF086  }
0x1c: {  	p1 =	slt.u32 s9, $0xF7A;
	s5 =	simm.s32 @!p2 $0x0  }
0x1d: {  	s5 =	simm.s32 @p1 $0x1;
	p0 =	seq.s32 s7, s2  }
0x1e: {  	s7 =	smul.u32 @!p0 $0xF7A, s2;
	p2 =	seq.s32 @!p0 s5, $0x0  }
0x1f: {  	s9 =	smul.u32 $0xF7A, s1;
	s8 =	simm.s32 @!p0 $0x1BF5;
	p2 =	por !p2, p0  }
0x20: {  	[sflag:s8] =	ssyncset.s32 @!p0 $0xFFFFF086;
	s6 =	sadd.s32 @!p0 s3, s7;
	s7 =	simm.s32 @!p0 $0x108  }
0x21: {  	s3 =	sadd.s32 s3, s9;
	s6 =	sadd.s32 @!p0 $0x88, s6;
	s7 =	simm.s32 @p2 $0x1082  }
0x22: {  	[simem:s7], [sflag:s8] =	dma.local @!p0 [hbm:s6], $0xF7A  }
0x23: {  	s9 =	sor.u32 $0xD0000000, s2;
	s6 =	simm.s32 $0x108;
	_ =	swait.ge @!p0 [sflag:s8], $0x0  }
0x24: {  	s3 =	sadd.s32 $0x88, s3;
	s6 =	simm.s32 @!p1 $0x1082;
	[sflag:s4] =	ssyncset.s32 $0xFFFFF086  }
0x25: {  	[simem:s6], [sflag:s4] =	dma.local [hbm:s3], $0xF7A  }
0x26: {  	[smem:$0x3F83] =	sst s1;
	(tag) =	ssettag s2;
	_ =	strace s9  }
0x27: {  	s1 =	sld [smem:$0x3F93]  }
0x28: {  	s2 =	sld [smem:$0x3F94]  }
0x29: {  	s4 =	sld [smem:$0x3F96]  }
0x2a: {  	p0 =	seq.s32 s5, $0x0;
	s5 =	sld [smem:$0x3F97]  }
0x2b: {  	s6 =	sld [smem:$0x3F98]  }
0x2c: {  	s7 =	sld [smem:$0x3F99]  }
0x2d: {  	s3 =	simm.s32 $0x108;
	s8 =	sld [smem:$0x3F9A]  }
0x2e: {  	s3 =	simm.s32 @!p0 $0x1082;
	s9 =	sld [smem:$0x3F9B]  }
0x2f: {  	lr =	sadd.s32 s0, s3;
	s0 =	sld [smem:$0x3F92]  }
0x30: {  	s3 =	sld [smem:$0x3F95]  }
0x31: {  	[smem:$0x3F9E] =	sst s10  }
0x32: {  	s10 =	sld [smem:$0x3F9C];
	_ =	sdelay $0x3  }
0x33: {  	p0 =	seq.s32 s10, $0x1;
	s10 =	sld [smem:$0x3F9E];
	_ =	sdelay $0x3  }
0x34: {  	[smem:$0x3F9E] =	sst s10  }
0x35: {  	s10 =	sld [smem:$0x3F9D];
	_ =	sdelay $0x3  }
0x36: {  	p1 =	seq.s32 s10, $0x1;
	s10 =	sld [smem:$0x3F9E];
	_ =	sdelay $0x3  }
0x37: {  	[smem:$0x3F9E] =	sst s10  }
0x38: {  	s10 =	sld [smem:$0x3F9F]  }
0x39: {  	_ = 	snop;
	(pc) =	sbr.ind lr, $3  }
0x3a: {  	_ = 	snop  }
0x3b: {  	_ = 	snop  }
0x3c: {  	p2 =	seq.s32 s10, $0x1;
	s10 =	sld [smem:$0x3F9E]  }
0x3d: {  	_ =	shalt  }
0x3e: {  	_ =	shalt  }
0x3f: {  	_ =	shalt  }
0x40: {  	_ =	shalt  }
0x41: {  	_ =	shalt  }
0x42: {  	_ =	shalt  }
0x43: {  	_ =	shalt  }
0x44: {  	_ =	shalt  }
0x45: {  	_ =	shalt  }
0x46: {  	_ =	shalt  }
0x47: {  	_ =	shalt  }
0x48: {  	_ =	shalt  }
0x49: {  	_ =	shalt  }
0x4a: {  	_ =	shalt  }
0x4b: {  	_ =	shalt  }
0x4c: {  	_ =	shalt  }
0x4d: {  	_ =	shalt  }
0x4e: {  	_ =	shalt  }
0x4f: {  	_ =	shalt  }
0x50: {  	_ =	shalt  }
0x51: {  	_ =	shalt  }
0x52: {  	_ =	shalt  }
0x53: {  	_ =	shalt  }
0x54: {  	_ =	shalt  }
0x55: {  	_ =	shalt  }
0x56: {  	_ =	shalt  }
0x57: {  	_ =	shalt  }
0x58: {  	_ =	shalt  }
0x59: {  	_ =	shalt  }
0x5a: {  	_ =	shalt  }
0x5b: {  	_ =	shalt  }
0x5c: {  	_ =	shalt  }
0x5d: {  	_ =	shalt  }
0x5e: {  	_ =	shalt  }
0x5f: {  	_ =	shalt  }
0x60: {  	_ =	shalt  }
0x61: {  	_ =	shalt  }
0x62: {  	_ =	shalt  }
0x63: {  	_ =	shalt  }
0x64: {  	_ =	shalt  }
0x65: {  	_ =	shalt  }
0x66: {  	_ =	shalt  }
0x67: {  	_ =	shalt  }
0x68: {  	_ =	shalt  }
0x69: {  	_ =	shalt  }
0x6a: {  	_ =	shalt  }
0x6b: {  	_ =	shalt  }
0x6c: {  	_ =	shalt  }
0x6d: {  	_ =	shalt  }
0x6e: {  	_ =	shalt  }
0x6f: {  	_ =	shalt  }
0x70: {  	_ =	shalt  }
0x71: {  	_ =	shalt  }
0x72: {  	_ =	shalt  }
0x73: {  	_ =	shalt  }
0x74: {  	_ =	shalt  }
0x75: {  	_ =	shalt  }
0x76: {  	_ =	shalt  }
0x77: {  	_ =	shalt  }
0x78: {  	_ =	shalt  }
0x79: {  	_ =	shalt  }
0x7a: {  	_ =	shalt  }
0x7b: {  	_ =	shalt  }
0x7c: {  	_ =	shalt  }
0x7d: {  	_ =	shalt  }
0x7e: {  	_ =	shalt  }
0x7f: {  	_ =	shalt  }
0x80: {  	_ =	shalt  }
0x81: {  	_ =	shalt  }
0x82: {  	_ =	shalt  }
0x83: {  	_ =	shalt  }
0x84: {  	_ =	shalt  }
0x85: {  	_ =	shalt  }
0x86: {  	_ =	shalt  }
0x87: {  	_ =	shalt  }
.Lfunc_end0:
.L_simem_size_0:
called_computation.1_lowered:
.L_overlay_start_0:
0x88: {  	s2 =	sld [smem:$0x3FD9]  }
0x89: {  	s3 =	sld [smem:$0x3FFE];
	_ =	sdelay $0x1  }
0x8a: {  	s1 =	srdreg.scid  }
0x8b: {  	s0 =	sand.u32 $0x1, s1  }
0x8c: {  	s16 =	sshll.u32 s0, $0xA;
	s2 =	sadd.s32 s3, s2  }
0x8d: {  	s2 =	sadd.s32 s2, s16  }
0x8e: {  	[smem:$0x3FAA] =	sst s2  }
0x8f: {  	_ = 	snop  }
0x90: {  	(tm) =	ssettm $0x1  }
0x91: {  	s17 =	sld [smem:$0x3FFB];
	_ =	sdelay $0x3  }
0x92: {  	_ =	strace s17  }
0x93: {  	s2 =	sld [smem:$0x3FFC];
	_ =	sdelay $0x3  }
0x94: {  	_ =	strace s2  }
0x95: {  	s2 =	sld [smem:$0x3FFD];
	_ =	sdelay $0x3  }
0x96: {  	_ =	strace s2  }
0x97: {  	_ =	strace $0x8FFFFFFF  }
0x98: {  	s18 =	sld [smem:$0x3FDB];
	_ =	sdelay $0x1  }
0x99: {  	s19 =	simm.s32 $_scs_section_size  }
0x9a: {  	s4 =	simm.s32 $_size__tile_overlayer_lowered;
	s5 =	simm.s32 $_tile_overlayer_lowered  }
0x9b: {  	s22 =	simm.s32 $0x1BFF;
	s21 =	sshll.u32 s5, $0x1;
	s2 =	sadd.s32 s19, s18  }
0x9c: {  	s6 =	simm.s32 $0x0;
	s20 =	sshll.u32 s4, $0x1;
	s4 =	sadd.s32 s21, s2  }
0x9d: {  	[timem:s6], [sflag:s22] =	dma.local [hbm:s4], s20  }
0x9e: {  	_ =	swait.ge [sflag:s22], s20  }
0x9f: {  	s3 =	ssub.s32 $0x0, s20;
	[sflag:s22] =	ssyncset.done $0x0  }
0xa0: {  	[sflag:s22] =	ssyncadd.s32 s3;
	_ =	sdelay $0x1  }
0xa1: {  	s23 =	simm.s32 $0x1B8B  }
0xa2: {  	_ =	swait.ge [sflag:s23], $0x1  }
0xa3: {  	[sflag:s23] =	ssyncset.done $0x0  }
0xa4: {  	s25 =	simm.s32 $0x1B8E;
	s24 =	sld [smem:$0x3FFE];
	[sflag:s23] =	ssyncadd.s32 $0xFFFFFFFF  }
0xa5: {  	s26 =	simm.s32 $execute0_lowered;
	[smem:$0x3FD2] =	sst s25  }
0xa6: {  	s4 =	sshll.u32 s26, $0x1;
	_ =	strace $0x80000049;
	[dreg:$0x1] =	wrdreg $0xFFFFFFFF  }
0xa7: {  	s28 =	simm.s32 $_size_execute0_lowered;
	s2 =	sadd.s32 s2, s4;
	[dreg:$0x0] =	wrdreg $0x0  }
0xa8: {  	s4 =	sshll.u32 s28, $0x1;
	[dreg:$0x2] =	wrdreg s2  }
0xa9: {  	[dreg:$0x3] =	wrdreg s4  }
0xaa: {  	[dreg:$0x4] =	wrdreg $0xC0  }
0xab: {  	_ =	task [dreg:s6], $0x5FFFF  }
0xac: {  	[dreg:$0x1] =	wrdreg $0xFFFFFFFF  }
0xad: {  	[dreg:$0x0] =	wrdreg $0x60  }
0xae: {  	[dreg:$0x2] =	wrdreg s24  }
0xaf: {  	[dreg:$0x3] =	wrdreg $0x9  }
0xb0: {  	_ =	task.clear_ibuf [dreg:s6], $0x4FFFF;
	_ =	strace $0x90000049  }
0xb1: {  	s29 =	simm.s32 $0x9;
	_ =	strace $0x8000004B  }
0xb2: {  	_ =	swait.ge [sflag:s29], $0x1  }
0xb3: {  	[sflag:s29] =	ssyncadd.s32 $0xFFFFFFFF  }
0xb4: {  	_ =	strace $0x9000004B  }
0xb5: {  	_ =	sfence  }
0xb6: {  	s30 =	sld [smem:$0x0];
	_ =	sdelay $0x2  }
0xb7: {  	s31 =	sshll.u32 s1, $0xD;
	s1 =	sshrl.u32 s1, $0x2  }
0xb8: {  	s3 =	sand.u32 $0x4000, s31;
	s1 =	sadd.s32 s1, s30  }
0xb9: {  	s0 =	sor.u32 s3, s0;
	s1 =	sshll.u32 s1, $0x11  }
0xba: {  	s0 =	sor.u32 s1, s0  }
0xbb: {  	s0 =	sadd.s32 $0x8F2B, s0  }
0xbc: {  	[sflag:s0] =	ssyncadd.remote.s32 $0x1  }
0xbd: {  	_ =	sfence.sel $0xFFFF  }
0xbe: {  	[dreg:$0x0] =	wrdreg $0xFFFFFFFF;
	(pc) =	sbr.abs _section_cstart, $3  }
0xbf: {  	[dreg:$0x1] =	wrdreg $0xFFFFFFFF  }
0xc0: {  	_ =	task.clear_ibuf [dreg:s6], $0x2FFFF;
	_ =	strace $0x9FFFFFFF  }
0xc1: {  	(tm) =	ssettm $0x7FFFFFFF  }
tec
execute0_lowered:
.L_overlay_start_1:
0x0: {  	(tag) =	ssettag $0x1  }
0x1: {  	s1 =	rddreg [dreg:$0x0];
	s3 =	simm.s32 $0x0;
	s4 =	srdreg.scid  }
0x2: {  	s0 =	stileid.u32;
	s16 =	simm.s32 $0x1;
	s17 =	simm.s32 $0x2710  }
0x3: {  	s18 =	simm.s32 $0x4E20;
	s19 =	simm.s32 $0x7530;
	s20 =	simm.s32 $0x9C40  }
0x4: {  	s21 =	simm.s32 $0xC350;
	s22 =	simm.s32 $0xEA60;
	s23 =	simm.s32 $0xEAE0  }
0x5: {  	s24 =	simm.s32 $0xEB60;
	s25 =	simm.s32 $0xEBE0;
	s26 =	simm.s32 $0xEBF0  }
0x6: {  	v0 =	vimm.s32 $0xFFEDCBA9;
	v1 =	vimm.s32 $0x87654321;
	s28 =	simm.s32 $0xEC00;
	s29 =	simm.s32 $0x0;
	s2 =	simm.s32 $0x0  }
0x7: {  	v2 =	vimm.s32 $0xEDCBA987;
	v3 =	vimm.s32 $0x65432100;
	[smem:$0x7FF] =	sst s3;
	s10 =	sand.u32 $0x1, s4;
	s6 =	sshll.u32 s0, $0x1  }
0x8: {  	s4 =	sadd.s32 $0x1EA00, s1;
	s5 =	sadd.s32 $0x14C00, s1;
	s7 =	sadd.s32 $0x1200, s1;
	v0 =	vunpack.c.l.s4.s8 v0;
	v1 =	vunpack.c.l.s4.s8 v1;
	v2 =	vunpack.c.l.s4.s8 v2  }
0x9: {  	s8 =	sadd.s32 $0xC00, s1;
	s9 =	sadd.s32 $0x600, s1;
	p0 =	slt.u32 s0, $0x2;
	v3 =	vunpack.c.l.s4.s8 v3  }
0xa: {  	_ =	strace $0x8000004A;
	s12 =	sor.u32 s10, s6;
	s13 =	ssub.s32 $0x2, s10;
	v0 =	vunpack.c.0.s8.s32 v0;
	v1 =	vunpack.c.0.s8.s32 v1;
	v2 =	vunpack.c.0.s8.s32 v2  }
0xb: {  	vm1 =	vcmask $0x300;
	s6 =	sadd.s32 $0x28800, s1;
	s11 =	smul.u32 $0x4E2, s12;
	s31 =	sshrl.u32 s13, $0x1;
	v3 =	vunpack.c.0.s8.s32 v3  }
0xc: {  	vm0 =	vcmask $0x3F3C;
	s10 =	sadd.s32 $0x32600, s1;
	s12 =	sshll.u32 s12, $0x7;
	s15 =	ssub.s32 s13, s31;
	v1 =	vcombine.low v1, v0;
	v2 =	vand.u32 $0xF, v2  }
0xd: {  	s14 =	sadd.s32 s11, s1;
	s11 =	simm.s32 $0x4F;
	s15 =	smax.u32 s15, $0x1;
	v0 =	vlaneseq.u32;
	v2 =	vcombine.low v3, v2;
	v3 =	vimm.s32 $0x7FFFFFFF  }
0xe: {  	s11 =	simm.s32 @!p0 $0x4E;
	s13 =	sadd.s32 $0x32C00, s14;
	s14 =	sadd.s32 $0x1800, s14;
	v4 =	vor.u32 $0x80000000, v0;
	v1 =	vand.u32 $0xF, v1;
	v3 =	vsel vm1, $0x80000000, v3  }
.LBB2_1:
0xf: {  	[tilespmem:s3], [sflag:$0x1] =	stream.linear.gather [hbm4b:s7+s3], $0x2710, $0x38;
	[tilespmem:$0xEC10] =	vst v63  }
0x10: {  	_ =	swait.ge [sflag:s16], $0x2710  }
0x11: {  	[sflag:s16] =	ssyncset.done $0x0  }
0x12: {  	[sflag:s16] =	ssyncadd.s32 $0xFFFFD8F0  }
0x13: {  	[tilespmem:s17], [sflag:$0x1] =	stream.linear.gather [hbm4b:s8+s3], $0x2710, $0x38;
	[tilespmem:$0xEC10] =	vst v63  }
0x14: {  	_ =	swait.ge [sflag:s16], $0x2710  }
0x15: {  	[sflag:s16] =	ssyncset.done $0x0  }
0x16: {  	[sflag:s16] =	ssyncadd.s32 $0xFFFFD8F0  }
0x17: {  	[tilespmem:s18], [sflag:$0x1] =	stream.linear.gather [hbm4b:s9+s3], $0x2710, $0x38;
	[tilespmem:$0xEC10] =	vst v63  }
0x18: {  	_ =	swait.ge [sflag:s16], $0x2710  }
0x19: {  	[sflag:s16] =	ssyncset.done $0x0  }
0x1a: {  	[sflag:s16] =	ssyncadd.s32 $0xFFFFD8F0  }
0x1b: {  	[tilespmem:s19], [sflag:$0x1] =	stream.linear.gather [hbm4b:s1+s3], $0x2710, $0x38;
	[tilespmem:$0xEC10] =	vst v63  }
0x1c: {  	_ =	swait.ge [sflag:s16], $0x2710  }
0x1d: {  	[sflag:s16] =	ssyncset.done $0x0  }
0x1e: {  	[sflag:s16] =	ssyncadd.s32 $0xFFFFD8F0  }
0x1f: {  	[tilespmem:s20], [sflag:$0x1] =	stream.linear.gather [hbm4b:s10+s3], $0x2710, $0x38;
	[tilespmem:$0xEC10] =	vst v63  }
0x20: {  	_ =	swait.ge [sflag:s16], $0x2710  }
0x21: {  	[sflag:s16] =	ssyncset.done $0x0  }
0x22: {  	[sflag:s16] =	ssyncadd.s32 $0xFFFFD8F0  }
0x23: {  	[tilespmem:s21], [sflag:$0x1] =	stream.linear.gather [hbm4b:s10+s3], $0x2710, $0x38;
	[tilespmem:$0xEC10] =	vst v63  }
0x24: {  	_ =	swait.ge [sflag:s16], $0x2710  }
0x25: {  	[sflag:s16] =	ssyncset.done $0x0  }
0x26: {  	s30 =	simm.s32 $0x0;
	[sflag:s16] =	ssyncadd.s32 $0xFFFFD8F0  }
.LBB2_2:
0x27: {  	s31 =	sshll.u32 s30, $0xC  }
0x28: {  	s31 =	sor.u32 s12, s31  }
0x29: {  	s31 =	sshrl.u32 s31, $0x3  }
0x2a: {  	s0 =	sadd.s32 s4, s31  }
0x2b: {  	[tilespmem:s22], [sflag:$0x1] =	stream.linear.gather [hbm4b:s0+s2], $0x80, $0x38;
	[tilespmem:$0xEC10] =	vst v63  }
0x2c: {  	_ =	swait.ge [sflag:s16], $0x80  }
0x2d: {  	[sflag:s16] =	ssyncset.done $0x0  }
0x2e: {  	s0 =	sadd.s32 s5, s31;
	[sflag:s16] =	ssyncadd.s32 $0xFFFFFF80  }
0x2f: {  	[tilespmem:s23], [sflag:$0x1] =	stream.linear.gather [hbm4b:s0+s2], $0x80, $0x38;
	[tilespmem:$0xEC10] =	vst v63  }
0x30: {  	_ =	swait.ge [sflag:s16], $0x80  }
0x31: {  	[sflag:s16] =	ssyncset.done $0x0  }
0x32: {  	s0 =	sadd.s32 s6, s31;
	[sflag:s16] =	ssyncadd.s32 $0xFFFFFF80  }
0x33: {  	[tilespmem:s24], [sflag:$0x1] =	stream.linear.gather [hbm4b:s0+s2], $0x80, $0x38;
	[tilespmem:$0xEC10] =	vst v63  }
0x34: {  	_ =	swait.ge [sflag:s16], $0x80  }
0x35: {  	[sflag:s16] =	ssyncset.done $0x0  }
0x36: {  	s0 =	simm.s32 $0x0;
	[sflag:s16] =	ssyncadd.s32 $0xFFFFFF80  }
0x37: {  	v5 =	vld [tilespmem:s0+$0xEA60]  }
0x38: {  	v6 =	vld [tilespmem:s0+$0xEAE0];
	_ =	sdelay $0x6  }
0x39: {  	v7 =	vld.idx.msk [tilespmem:v5+s3+$0x0], $0xffff  }
0x3a: {  	v8 =	vld.idx.msk [tilespmem:v6+s17+$0x0], $0xffff;
	_ =	sdelay $0x2  }
0x3b: {  	v9 =	vxor.u32 $0x80000000, v6  }
0x3c: {  	(xrf1) =	vsort.ascd.msk.u32 $0xffff, v9, v0  }
0x3d: {  	v6 =	vld.idx.msk [tilespmem:v6+s18+$0x0], $0xffff;
	v7 =	vadd.f32 v8, v7;
	_ =	sdelay $0x1  }
0x3e: {  	v8 =	vmul.f32 $2.000000030e-01, v7  }
0x3f: {  	vm1 =	vgt.f32 v7, $0.0e+00  }
0x40: {  	v7 =	vsel vm1, v7, v8  }
0x41: {  	v6 =	vsub.f32 v7, v6;
	_ =	sdelay $0x1  }
0x42: {  	v6 =	vmul.f32 $1.442695020e+00, v6;
	_ =	sdelay $0x1  }
0x43: {  	(erf) = vpow2.f32 v6;
	_ =	sdelay $0x3  }
0x44: {  	v7, v8, _ =	vpop (xrf1)  }
0x45: {  	v61 =	vld.idx.msk [tilespmem:v5+s19+$0x0], $0xffff;
	v5 =	vxor.u32 $0x80000000, v7  }
0x46: {  	v6 =	vld [tilespmem:s0+$0xEB60];
	[tilespmem:$0xEBE0] =	vst v5  }
0x47: {  	v7 =	vld.idx.msk [tilespmem:v2+s25+$0x0], $0xffff;
	_ =	sdelay $0x1  }
0x48: {  	v11 =	vpop (erf)  }
0x49: {  	v10 =	vld.idx.msk [tilespmem:v1+s25+$0x0], $0xffff;
	[tilespmem:$0xEBF0] =	vst v11  }
0x4a: {  	v12 =	vld.idx.msk [tilespmem:v8+s26+$0x0], $0xffff  }
0x4b: {  	vm1 =	veq.s32 v5, v7  }
0x4c: {  	v7 =	vsel vm1, v3, v4  }
0x4d: {  	(xrf0) =	vmax.scan.msk.u32 $0xffff, v7;
	_ =	sdelay $0x1  }
0x4e: {  	(xrf2) =	vadd.scan.msk.f32 $0xffff, v12;
	_ =	sdelay $0x3  }
0x4f: {  	v7, _, _ =	vpop (xrf0)  }
0x50: {  	v62 =	vadd.s32 $0x7FFFFFFF, v7  }
0x51: {  	vm1 =	vgt.s32 v62, $0x0  }
0x52: {  	v12 =	vnsel vm1, $0x0, v62;
	_ =	sdelay $0x2  }
0x53: {  	v13, _, _ =	vpop (xrf2)  }
0x54: {  	[tilespmem:$0xEC00] =	vst v13  }
0x55: {  	v14 =	vld.idx.msk [tilespmem:v12+s28+$0x0], $0xffff  }
0x56: {  	vm1 =	vne.s32 v5, v10  }
0x57: {  	vm1 =	vmor vm1, vm0;
	_ =	sdelay $0x1  }
0x58: {  	vm2 =	vgt.u32 v7, $0x80000000  }
0x59: {  	v7 =	vmul.f32 v11, v61;
	v63 =	vnsel vm2, $0x0, v14  }
0x5a: {  	v9 =	vsub.f32 v13, v63  }
0x5b: {  	v6 =	vmul.f32 v7, v6  }
0x5c: {  	[tilespmem:v5+s20+$0x0] =	vst.idx.add.f32.msk vm1, v9  }
0x5d: {  	[tilespmem:$0xEBF0] =	vst v6  }
0x5e: {  	v6 =	vld.idx.msk [tilespmem:v8+s26+$0x0], $0xffff;
	_ =	sdelay $0x4  }
0x5f: {  	(xrf2) =	vadd.scan.msk.f32 $0xffff, v6;
	_ =	sdelay $0x9  }
0x60: {  	v6, _, _ =	vpop (xrf2)  }
0x61: {  	[tilespmem:$0xEC00] =	vst v6  }
0x62: {  	v7 =	vld.idx.msk [tilespmem:v12+s28+$0x0], $0xffff;
	_ =	sdelay $0x4  }
0x63: {  	v7 =	vnsel vm2, $0x0, v7  }
0x64: {  	s31 =	simm.s32 $0x40;
	v6 =	vsub.f32 v6, v7  }
.LBB2_3:
0x65: {  	p0 =	sne.s32 s31, $0x1C0;
	s0 =	smov.u32 s31;
	s31 =	sadd.s32 $0x40, s31  }
0x66: {  	s0 =	sshra.s32 s0, $0x2;
	[tilespmem:v5+s21+$0x0] =	vst.idx.add.f32.msk vm1, v6  }
0x67: {  	v5 =	vld [tilespmem:s0+$0xEA60]  }
0x68: {  	v6 =	vld [tilespmem:s0+$0xEAE0];
	_ =	sdelay $0x4  }
0x69: {  	v7 =	vxor.u32 $0x80000000, v6;
	_ =	sdelay $0x1  }
0x6a: {  	v8 =	vld.idx.msk [tilespmem:v5+s3+$0x0], $0xffff  }
0x6b: {  	v9 =	vld.idx.msk [tilespmem:v6+s17+$0x0], $0xffff;
	_ =	sdelay $0x3  }
0x6c: {  	v6 =	vld.idx.msk [tilespmem:v6+s18+$0x0], $0xffff;
	(xrf1) =	vsort.ascd.msk.u32 $0xffff, v7, v0;
	_ =	sdelay $0x1  }
0x6d: {  	v7 =	vadd.f32 v9, v8;
	_ =	sdelay $0x1  }
0x6e: {  	vm1 =	vgt.f32 v7, $0.0e+00;
	v8 =	vmul.f32 $2.000000030e-01, v7;
	_ =	sdelay $0x1  }
0x6f: {  	v7 =	vsel vm1, v7, v8  }
0x70: {  	v6 =	vsub.f32 v7, v6;
	_ =	sdelay $0x1  }
0x71: {  	v6 =	vmul.f32 $1.442695020e+00, v6;
	_ =	sdelay $0x1  }
0x72: {  	(erf) = vpow2.f32 v6;
	_ =	sdelay $0x2  }
0x73: {  	v6 =	vld [tilespmem:s0+$0xEB60];
	v7, v8, _ =	vpop (xrf1)  }
0x74: {  	v9 =	vld.idx.msk [tilespmem:v5+s19+$0x0], $0xffff;
	v5 =	vxor.u32 $0x80000000, v7  }
0x75: {  	[tilespmem:$0xEBE0] =	vst v5  }
0x76: {  	v7 =	vld.idx.msk [tilespmem:v2+s25+$0x0], $0xffff;
	_ =	sdelay $0x1  }
0x77: {  	v10 =	vld.idx.msk [tilespmem:v1+s25+$0x0], $0xffff  }
0x78: {  	v11 =	vpop (erf)  }
0x79: {  	v9 =	vmul.f32 v11, v9;
	[tilespmem:$0xEBF0] =	vst v11  }
0x7a: {  	v11 =	vld.idx.msk [tilespmem:v8+s26+$0x0], $0xffff  }
0x7b: {  	vm1 =	veq.s32 v5, v7  }
0x7c: {  	v7 =	vsel vm1, v3, v4  }
0x7d: {  	vm1 =	vne.s32 v5, v10;
	(xrf0) =	vmax.scan.msk.u32 $0xffff, v7;
	_ =	sdelay $0x2  }
0x7e: {  	(xrf2) =	vadd.scan.msk.f32 $0xffff, v11;
	_ =	sdelay $0x2  }
0x7f: {  	v7, _, _ =	vpop (xrf0)  }
0x80: {  	v10 =	vadd.s32 $0x7FFFFFFF, v7  }
0x81: {  	vm2 =	vgt.s32 v10, $0x0  }
0x82: {  	v10 =	vnsel vm2, $0x0, v10;
	_ =	sdelay $0x3  }
0x83: {  	v11, _, _ =	vpop (xrf2)  }
0x84: {  	[tilespmem:$0xEC00] =	vst v11  }
0x85: {  	v12 =	vld.idx.msk [tilespmem:v10+s28+$0x0], $0xffff;
	_ =	sdelay $0x1  }
0x86: {  	vm1 =	vmor vm1, vm0;
	_ =	sdelay $0x1  }
0x87: {  	vm2 =	vgt.u32 v7, $0x80000000;
	_ =	sdelay $0x1  }
0x88: {  	v7 =	vnsel vm2, $0x0, v12  }
0x89: {  	v6 =	vmul.f32 v9, v6;
	v7 =	vsub.f32 v11, v7;
	_ =	sdelay $0x1  }
0x8a: {  	[tilespmem:v5+s20+$0x0] =	vst.idx.add.f32.msk vm1, v7  }
0x8b: {  	[tilespmem:$0xEBF0] =	vst v6  }
0x8c: {  	v6 =	vld.idx.msk [tilespmem:v8+s26+$0x0], $0xffff;
	_ =	sdelay $0x5  }
0x8d: {  	(xrf2) =	vadd.scan.msk.f32 $0xffff, v6;
	_ =	sdelay $0x9  }
0x8e: {  	v6, _, _ =	vpop (xrf2)  }
0x8f: {  	[tilespmem:$0xEC00] =	vst v6  }
0x90: {  	v7 =	vld.idx.msk [tilespmem:v10+s28+$0x0], $0xffff;
	_ =	sdelay $0x2  }
.Ltmp0:
0x91: {  	(pc) =	sbr.rel @p0 .LBB2_3-.Ltmp0, $3  }
0x92: {  	_ =	sdelay $0x1  }
0x93: {  	v7 =	vnsel vm2, $0x0, v7  }
0x94: {  	v6 =	vsub.f32 v6, v7  }
0x95: {  	s30 =	sadd.s32 $0x1, s30  }
0x96: {  	p0 =	sne.s32 s30, s11  }
.Ltmp1:
0x97: {  	_ = 	snop;
	(pc) =	sbr.rel @p0 .LBB2_2-.Ltmp1, $2  }
0x98: {  	_ =	sdelay $0x2  }
0x99: {  	[tilespmem:v5+s21+$0x0] =	vst.idx.add.f32.msk vm1, v6  }
0x9a: {  	[hbm4b:s13+s3] =	stream.linear.scatter [tilespmem:s20], [sflag:$0x1], $0x2710, $0x38;
	[tilespmem:$0xEC10] =	vst v63  }
0x9b: {  	s29 =	sadd.s32 $0x1, s29;
	_ =	swait.ge [sflag:s16], $0x2710  }
0x9c: {  	p0 =	sne.s32 s29, s15;
	[sflag:s16] =	ssyncset.done $0x0  }
.Ltmp2:
0x9d: {  	[sflag:s16] =	ssyncadd.s32 $0xFFFFD8F0;
	(pc) =	sbr.rel @p0 .LBB2_1-.Ltmp2, $4  }
0x9e: {  	[hbm4b:s14+s3] =	stream.linear.scatter [tilespmem:s21], [sflag:$0x1], $0x2710, $0x38;
	[tilespmem:$0xEC10] =	vst v63  }
0x9f: {  	_ =	swait.ge [sflag:s16], $0x2710  }
0xa0: {  	[sflag:s16] =	ssyncset.done $0x0  }
0xa1: {  	[sflag:s16] =	ssyncadd.s32 $0xFFFFD8F0  }
0xa2: {  	_ =	sfence.sel $0x180000  }
0xa3: {  	[bflag:$0x0] =	sbarrier.arrive $0xFFFF  }
0xa4: {  	_ =	strace $0x9000004A  }
0xa5: {  	s0 =	stileid.u32;
	[bflag:$0x2] =	sbarrier.arrive $0xFFFF  }
0xa6: {  	p0 =	sne.s32 s0, $0x0;
	s0 =	rddreg [dreg:$0x1]  }
0xa7: {  	s0 =	sadd.s32 @!p0 $0x100000, s0  }
0xa8: {  	[sflag:s0] =	ssyncadd.tile.s32 @!p0 $0x1;
	_ =	shalt  }
.Lfunc_end2:
_tile_overlayer_lowered:
.L_overlay_start_2:
0xa9: {  	(tag) =	ssettag $0x2  }
0xaa: {  	s0 =	rddreg [dreg:$0x0];
	s2 =	stileid.u32  }
0xab: {  	s1 =	rddreg [dreg:$0x1];
	p0 =	sne.s32 s2, $0x0  }
0xac: {  	s3 =	rddreg [dreg:$0x2];
	[bflag:$0x3] =	sbarrier.arrive $0xFFFF;
	s2 =	simm.s32 @!p0 $0x1C01  }
0xad: {  	[timem:s3], [sflag:s2] =	dma.local @!p0 [hbm:s0], s1  }
0xae: {  	s0 =	simm.s32 @!p0 $0x1  }
0xaf: {  	_ =	swait.ge @!p0 [sflag:s0], s1  }
0xb0: {  	s1 =	ssub.s32 @!p0 $0x0, s1;
	[sflag:s0] =	ssyncset.done @!p0 $0x0  }
0xb1: {  	[sflag:s0] =	ssyncadd.s32 @!p0 s1  }
0xb2: {  	[bflag:$0x3] =	sbarrier.arrive $0xFFFF  }
0xb3: {  	_ =	shalt  }

// kernel: kernel.19.cloned.1.call-start
scs
__scs_entry_jumppad:
0x0: {  	(pc) =	sbr.rel $0x88, $3  }
0x1: {  	(tag) =	ssettag $0x0;
	lr =	simm.s32 $0x1  }
0x2: {  	[smem:$0x3F83] =	sst lr;
	_ =	strace $0xD0000000  }
0x3: {  	_ = 	snop  }
0x4: {  	_ = 	snop  }
0x5: {  	_ = 	snop  }
0x6: {  	_ = 	snop  }
0x7: {  	_ = 	snop  }
__scs_overlays_trampoline_lowered:
0x8: {  	[smem:$0x3F92] =	sst s0  }
0x9: {  	[smem:$0x3F93] =	sst s1  }
0xa: {  	[smem:$0x3F94] =	sst s2  }
0xb: {  	[smem:$0x3F95] =	sst s3  }
0xc: {  	[smem:$0x3F96] =	sst s4  }
0xd: {  	[smem:$0x3F97] =	sst s5  }
0xe: {  	[smem:$0x3F98] =	sst s6  }
0xf: {  	[smem:$0x3F99] =	sst s7  }
0x10: {  	[smem:$0x3F9A] =	sst s8  }
0x11: {  	[smem:$0x3F9B] =	sst s9;
	s0 =	simm.s32 @!p0 $0x0  }
0x12: {  	s1 =	sld [smem:$0x3F81];
	s0 =	simm.s32 @p0 $0x1  }
0x13: {  	[smem:$0x3F9C] =	sst s0;
	s0 =	simm.s32 @!p1 $0x0  }
0x14: {  	s2 =	sld [smem:$0x3F80];
	s0 =	simm.s32 @p1 $0x1  }
0x15: {  	[smem:$0x3F9D] =	sst s0;
	s0 =	simm.s32 @!p2 $0x0  }
0x16: {  	s3 =	sld [smem:$0x3FDB];
	s0 =	simm.s32 @p2 $0x1  }
0x17: {  	s4 =	simm.s32 $0x1BF5;
	[smem:$0x3F9F] =	sst s0  }
0x18: {  	s0 =	sld [smem:$0x3F82];
	_ =	swait.ge [sflag:s4], $0x0  }
0x19: {  	s7 =	sld [smem:$0x3F83]  }
0x1a: {  	s8 =	sadd.s32 $0xFFFFE003, lr  }
0x1b: {  	s9 =	sadd.s32 $0xFFFFFEF7, lr;
	s5 =	simm.s32 $0xFFFFFFFF;
	p2 =	slt.u32 s8, $0xFFFFF086  }
0x1c: {  	p1 =	slt.u32 s9, $0xF7A;
	s5 =	simm.s32 @!p2 $0x0  }
0x1d: {  	s5 =	simm.s32 @p1 $0x1;
	p0 =	seq.s32 s7, s2  }
0x1e: {  	s7 =	smul.u32 @!p0 $0xF7A, s2;
	p2 =	seq.s32 @!p0 s5, $0x0  }
0x1f: {  	s9 =	smul.u32 $0xF7A, s1;
	s8 =	simm.s32 @!p0 $0x1BF5;
	p2 =	por !p2, p0  }
0x20: {  	[sflag:s8] =	ssyncset.s32 @!p0 $0xFFFFF086;
	s6 =	sadd.s32 @!p0 s3, s7;
	s7 =	simm.s32 @!p0 $0x108  }
0x21: {  	s3 =	sadd.s32 s3, s9;
	s6 =	sadd.s32 @!p0 $0x88, s6;
	s7 =	simm.s32 @p2 $0x1082  }
0x22: {  	[simem:s7], [sflag:s8] =	dma.local @!p0 [hbm:s6], $0xF7A  }
0x23: {  	s9 =	sor.u32 $0xD0000000, s2;
	s6 =	simm.s32 $0x108;
	_ =	swait.ge @!p0 [sflag:s8], $0x0  }
0x24: {  	s3 =	sadd.s32 $0x88, s3;
	s6 =	simm.s32 @!p1 $0x1082;
	[sflag:s4] =	ssyncset.s32 $0xFFFFF086  }
0x25: {  	[simem:s6], [sflag:s4] =	dma.local [hbm:s3], $0xF7A  }
0x26: {  	[smem:$0x3F83] =	sst s1;
	(tag) =	ssettag s2;
	_ =	strace s9  }
0x27: {  	s1 =	sld [smem:$0x3F93]  }
0x28: {  	s2 =	sld [smem:$0x3F94]  }
0x29: {  	s4 =	sld [smem:$0x3F96]  }
0x2a: {  	p0 =	seq.s32 s5, $0x0;
	s5 =	sld [smem:$0x3F97]  }
0x2b: {  	s6 =	sld [smem:$0x3F98]  }
0x2c: {  	s7 =	sld [smem:$0x3F99]  }
0x2d: {  	s3 =	simm.s32 $0x108;
	s8 =	sld [smem:$0x3F9A]  }
0x2e: {  	s3 =	simm.s32 @!p0 $0x1082;
	s9 =	sld [smem:$0x3F9B]  }
0x2f: {  	lr =	sadd.s32 s0, s3;
	s0 =	sld [smem:$0x3F92]  }
0x30: {  	s3 =	sld [smem:$0x3F95]  }
0x31: {  	[smem:$0x3F9E] =	sst s10  }
0x32: {  	s10 =	sld [smem:$0x3F9C];
	_ =	sdelay $0x3  }
0x33: {  	p0 =	seq.s32 s10, $0x1;
	s10 =	sld [smem:$0x3F9E];
	_ =	sdelay $0x3  }
0x34: {  	[smem:$0x3F9E] =	sst s10  }
0x35: {  	s10 =	sld [smem:$0x3F9D];
	_ =	sdelay $0x3  }
0x36: {  	p1 =	seq.s32 s10, $0x1;
	s10 =	sld [smem:$0x3F9E];
	_ =	sdelay $0x3  }
0x37: {  	[smem:$0x3F9E] =	sst s10  }
0x38: {  	s10 =	sld [smem:$0x3F9F]  }
0x39: {  	_ = 	snop;
	(pc) =	sbr.ind lr, $3  }
0x3a: {  	_ = 	snop  }
0x3b: {  	_ = 	snop  }
0x3c: {  	p2 =	seq.s32 s10, $0x1;
	s10 =	sld [smem:$0x3F9E]  }
0x3d: {  	_ =	shalt  }
0x3e: {  	_ =	shalt  }
0x3f: {  	_ =	shalt  }
0x40: {  	_ =	shalt  }
0x41: {  	_ =	shalt  }
0x42: {  	_ =	shalt  }
0x43: {  	_ =	shalt  }
0x44: {  	_ =	shalt  }
0x45: {  	_ =	shalt  }
0x46: {  	_ =	shalt  }
0x47: {  	_ =	shalt  }
0x48: {  	_ =	shalt  }
0x49: {  	_ =	shalt  }
0x4a: {  	_ =	shalt  }
0x4b: {  	_ =	shalt  }
0x4c: {  	_ =	shalt  }
0x4d: {  	_ =	shalt  }
0x4e: {  	_ =	shalt  }
0x4f: {  	_ =	shalt  }
0x50: {  	_ =	shalt  }
0x51: {  	_ =	shalt  }
0x52: {  	_ =	shalt  }
0x53: {  	_ =	shalt  }
0x54: {  	_ =	shalt  }
0x55: {  	_ =	shalt  }
0x56: {  	_ =	shalt  }
0x57: {  	_ =	shalt  }
0x58: {  	_ =	shalt  }
0x59: {  	_ =	shalt  }
0x5a: {  	_ =	shalt  }
0x5b: {  	_ =	shalt  }
0x5c: {  	_ =	shalt  }
0x5d: {  	_ =	shalt  }
0x5e: {  	_ =	shalt  }
0x5f: {  	_ =	shalt  }
0x60: {  	_ =	shalt  }
0x61: {  	_ =	shalt  }
0x62: {  	_ =	shalt  }
0x63: {  	_ =	shalt  }
0x64: {  	_ =	shalt  }
0x65: {  	_ =	shalt  }
0x66: {  	_ =	shalt  }
0x67: {  	_ =	shalt  }
0x68: {  	_ =	shalt  }
0x69: {  	_ =	shalt  }
0x6a: {  	_ =	shalt  }
0x6b: {  	_ =	shalt  }
0x6c: {  	_ =	shalt  }
0x6d: {  	_ =	shalt  }
0x6e: {  	_ =	shalt  }
0x6f: {  	_ =	shalt  }
0x70: {  	_ =	shalt  }
0x71: {  	_ =	shalt  }
0x72: {  	_ =	shalt  }
0x73: {  	_ =	shalt  }
0x74: {  	_ =	shalt  }
0x75: {  	_ =	shalt  }
0x76: {  	_ =	shalt  }
0x77: {  	_ =	shalt  }
0x78: {  	_ =	shalt  }
0x79: {  	_ =	shalt  }
0x7a: {  	_ =	shalt  }
0x7b: {  	_ =	shalt  }
0x7c: {  	_ =	shalt  }
0x7d: {  	_ =	shalt  }
0x7e: {  	_ =	shalt  }
0x7f: {  	_ =	shalt  }
0x80: {  	_ =	shalt  }
0x81: {  	_ =	shalt  }
0x82: {  	_ =	shalt  }
0x83: {  	_ =	shalt  }
0x84: {  	_ =	shalt  }
0x85: {  	_ =	shalt  }
0x86: {  	_ =	shalt  }
0x87: {  	_ =	shalt  }
.Lfunc_end0:
.L_simem_size_0:
called_computation.2_lowered:
.L_overlay_start_0:
0x88: {  	s2 =	sld [smem:$0x3FD9]  }
0x89: {  	s3 =	sld [smem:$0x3FFE];
	_ =	sdelay $0x1  }
0x8a: {  	s1 =	srdreg.scid  }
0x8b: {  	s0 =	sand.u32 $0x1, s1  }
0x8c: {  	s16 =	sshll.u32 s0, $0xA;
	s2 =	sadd.s32 s3, s2  }
0x8d: {  	s2 =	sadd.s32 s2, s16  }
0x8e: {  	[smem:$0x3FAA] =	sst s2  }
0x8f: {  	_ = 	snop  }
0x90: {  	(tm) =	ssettm $0x1  }
0x91: {  	s17 =	sld [smem:$0x3FFB];
	_ =	sdelay $0x3  }
0x92: {  	_ =	strace s17  }
0x93: {  	s2 =	sld [smem:$0x3FFC];
	_ =	sdelay $0x3  }
0x94: {  	_ =	strace s2  }
0x95: {  	s2 =	sld [smem:$0x3FFD];
	_ =	sdelay $0x3  }
0x96: {  	_ =	strace s2  }
0x97: {  	_ =	strace $0x8FFFFFFF  }
0x98: {  	s18 =	sld [smem:$0x3FDB];
	_ =	sdelay $0x1  }
0x99: {  	s19 =	simm.s32 $_scs_section_size  }
0x9a: {  	s4 =	simm.s32 $_size__tile_overlayer_lowered;
	s5 =	simm.s32 $_tile_overlayer_lowered  }
0x9b: {  	s22 =	simm.s32 $0x1BFF;
	s21 =	sshll.u32 s5, $0x1;
	s2 =	sadd.s32 s19, s18  }
0x9c: {  	s6 =	simm.s32 $0x0;
	s20 =	sshll.u32 s4, $0x1;
	s4 =	sadd.s32 s21, s2  }
0x9d: {  	[timem:s6], [sflag:s22] =	dma.local [hbm:s4], s20  }
0x9e: {  	_ =	swait.ge [sflag:s22], s20  }
0x9f: {  	s3 =	ssub.s32 $0x0, s20;
	[sflag:s22] =	ssyncset.done $0x0  }
0xa0: {  	[sflag:s22] =	ssyncadd.s32 s3;
	_ =	sdelay $0x1  }
0xa1: {  	s23 =	simm.s32 $0x1B8B  }
0xa2: {  	_ =	swait.ge [sflag:s23], $0x1  }
0xa3: {  	[sflag:s23] =	ssyncset.done $0x0  }
0xa4: {  	s25 =	simm.s32 $0x1B8E;
	s24 =	sld [smem:$0x3FFE];
	[sflag:s23] =	ssyncadd.s32 $0xFFFFFFFF  }
0xa5: {  	s26 =	simm.s32 $execute0_lowered;
	[smem:$0x3FD2] =	sst s25  }
0xa6: {  	s4 =	sshll.u32 s26, $0x1;
	_ =	strace $0x8000004C;
	[dreg:$0x1] =	wrdreg $0xFFFFFFFF  }
0xa7: {  	s28 =	simm.s32 $_size_execute0_lowered;
	s2 =	sadd.s32 s2, s4;
	[dreg:$0x0] =	wrdreg $0x0  }
0xa8: {  	s4 =	sshll.u32 s28, $0x1;
	[dreg:$0x2] =	wrdreg s2  }
0xa9: {  	[dreg:$0x3] =	wrdreg s4  }
0xaa: {  	[dreg:$0x4] =	wrdreg $0xC0  }
0xab: {  	_ =	task [dreg:s6], $0x5FFFF  }
0xac: {  	[dreg:$0x1] =	wrdreg $0xFFFFFFFF  }
0xad: {  	[dreg:$0x0] =	wrdreg $0x60  }
0xae: {  	[dreg:$0x2] =	wrdreg s24  }
0xaf: {  	[dreg:$0x3] =	wrdreg $0x29900  }
0xb0: {  	[dreg:$0x4] =	wrdreg $0x9  }
0xb1: {  	_ =	task.clear_ibuf [dreg:s6], $0x5FFFF;
	_ =	strace $0x9000004C  }
0xb2: {  	s29 =	simm.s32 $0x9;
	_ =	strace $0x8000004E  }
0xb3: {  	_ =	swait.ge [sflag:s29], $0x1  }
0xb4: {  	[sflag:s29] =	ssyncadd.s32 $0xFFFFFFFF  }
0xb5: {  	_ =	strace $0x9000004E  }
0xb6: {  	_ =	sfence  }
0xb7: {  	s30 =	sld [smem:$0x0];
	_ =	sdelay $0x2  }
0xb8: {  	s31 =	sshll.u32 s1, $0xD;
	s1 =	sshrl.u32 s1, $0x2  }
0xb9: {  	s3 =	sand.u32 $0x4000, s31;
	s1 =	sadd.s32 s1, s30  }
0xba: {  	s0 =	sor.u32 s3, s0;
	s1 =	sshll.u32 s1, $0x11  }
0xbb: {  	s0 =	sor.u32 s1, s0  }
0xbc: {  	s0 =	sadd.s32 $0x8F2B, s0  }
0xbd: {  	[sflag:s0] =	ssyncadd.remote.s32 $0x1  }
0xbe: {  	_ =	sfence.sel $0xFFFF  }
0xbf: {  	[dreg:$0x0] =	wrdreg $0xFFFFFFFF;
	(pc) =	sbr.abs _section_cstart, $3  }
0xc0: {  	[dreg:$0x1] =	wrdreg $0xFFFFFFFF  }
0xc1: {  	_ =	task.clear_ibuf [dreg:s6], $0x2FFFF;
	_ =	strace $0x9FFFFFFF  }
0xc2: {  	(tm) =	ssettm $0x7FFFFFFF  }
0xc3: {  	_ =	shalt  }
tec
execute0_lowered:
.L_overlay_start_1:
0x0: {  	(tag) =	ssettag $0x1  }
0x1: {  	s1 =	rddreg [dreg:$0x0]  }
0x2: {  	s3 =	rddreg [dreg:$0x1]  }
0x3: {  	s0 =	rddreg [dreg:$0x2]  }
0x4: {  	s5 =	srdreg.scid;
	s4 =	simm.s32 $0x0;
	s2 =	stileid.u32  }
0x5: {  	s15 =	simm.s32 $0x2710;
	s16 =	simm.s32 $0x2790;
	s17 =	simm.s32 $0x2810  }
0x6: {  	s18 =	simm.s32 $0x80;
	s19 =	simm.s32 $0x2890;
	s22 =	simm.s32 $0x0  }
0x7: {  	s7 =	sand.u32 $0x1, s5;
	s26 =	sshll.u32 s2, $0x8;
	s9 =	smul.u32 $0x1E848, s2  }
0x8: {  	[smem:$0x7FF] =	sst s4;
	s29 =	smul.u32 $0x7A120, s2;
	p0 =	slt.u32 s2, $0x2  }
0x9: {  	s31 =	sshll.u32 s2, $0xF;
	s6 =	sshll.u32 s7, $0x7;
	s8 =	smul.u32 $0xF4240, s7  }
0xa: {  	v0 =	vlaneseq.u32;
	_ =	strace $0x8000004D;
	s10 =	ssub.s32 $0x2, s7;
	s7 =	sshll.u32 s7, $0xE  }
0xb: {  	v0 =	vmul.u32 $0x40, v0;
	s5 =	sor.u32 s6, s26;
	s30 =	sshrl.u32 s10, $0x1;
	s20 =	sor.u32 s7, s31  }
0xc: {  	s21 =	sadd.s32 s9, s3;
	s5 =	sshrl.u32 s5, $0x3;
	s28 =	sadd.s32 s9, s8  }
0xd: {  	s8 =	sshrl.u32 s29, $0x2;
	s10 =	ssub.s32 s10, s30;
	v0 =	vor.u32 s20, v0;
	s20 =	simm.s32 $0x2910  }
0xe: {  	s11 =	sadd.s32 s5, s1;
	s5 =	sadd.s32 $0x600, s1;
	s6 =	sshrl.u32 s28, $0x3  }
0xf: {  	s14 =	sadd.s32 s8, s3;
	s8 =	smax.u32 s10, $0x1;
	s12 =	sadd.s32 s6, s1  }
0x10: {  	s6 =	simm.s32 $0x4F;
	s9 =	sadd.s32 $0x28800, s11;
	s10 =	sadd.s32 $0x14C00, s11  }
0x11: {  	s11 =	sadd.s32 $0x1EA00, s11;
	s6 =	simm.s32 @!p0 $0x4E;
	p0 =	sgt.u32 s2, $0x7  }
0x12: {  	s7 =	sadd.s32 $0x32600, s12;
	s12 =	simm.s32 $0x1;
	s13 =	sshll.u32 @!p0 s2, $0x6  }
0x13: {  	s14 =	sshrl.u32 @!p0 s14, $0x3;
	s21 =	sshrl.u32 @!p0 s21, $0x3;
	s13 =	sor.u32 @!p0 $0x1C01, s13  }
.LBB2_1:
0x14: {  	[tilespmem:s4], [sflag:$0x1] =	stream.linear.gather [hbm4b:s1+s4], $0x2710, $0x38;
	[tilespmem:$0x11DB8] =	vst v63  }
0x15: {  	_ =	swait.ge [sflag:s12], $0x2710  }
0x16: {  	[sflag:s12] =	ssyncset.done $0x0  }
0x17: {  	s23 =	simm.s32 @!p0 $0x1;
	[sflag:s12] =	ssyncadd.s32 $0xFFFFD8F0  }
0x18: {  	[spmem:s14], [sflag:s13] =	dma.local @!p0 [hbm:s5], $0x3D09  }
0x19: {  	_ =	swait.ge @!p0 [sflag:s23], $0x3D09  }
0x1a: {  	[sflag:s23] =	ssyncset.done @!p0 $0x0  }
0x1b: {  	[sflag:s23] =	ssyncadd.s32 @!p0 $0xFFFFC2F7  }
0x1c: {  	[bflag:$0x0] =	sbarrier.arrive $0xFFFF  }
0x1d: {  	[tilespmem:s15], [sflag:$0x1] =	stream.linear.gather [hbm4b:s11+s4], $0x80, $0x38;
	[tilespmem:$0x11DB8] =	vst v63  }
0x1e: {  	_ =	swait.ge [sflag:s12], $0x80  }
0x1f: {  	[sflag:s12] =	ssyncset.done $0x0  }
0x20: {  	[sflag:s12] =	ssyncadd.s32 $0xFFFFFF80  }
0x21: {  	[tilespmem:s16], [sflag:$0x1] =	stream.linear.gather [hbm4b:s10+s4], $0x80, $0x38;
	[tilespmem:$0x11DB8] =	vst v63  }
0x22: {  	_ =	swait.ge [sflag:s12], $0x80  }
0x23: {  	[sflag:s12] =	ssyncset.done $0x0  }
0x24: {  	[sflag:s12] =	ssyncadd.s32 $0xFFFFFF80  }
0x25: {  	[tilespmem:s17], [sflag:$0x1] =	stream.linear.gather [hbm4b:s9+s4], $0x80, $0x38;
	[tilespmem:$0x11DB8] =	vst v63  }
0x26: {  	_ =	swait.ge [sflag:s12], $0x80  }
0x27: {  	[sflag:s12] =	ssyncset.done $0x0  }
0x28: {  	[sflag:s12] =	ssyncadd.s32 $0xFFFFFF80  }
0x29: {  	v1 =	vld [tilespmem:$0x2710]  }
0x2a: {  	v2 =	vld [tilespmem:$0x2790];
	_ =	sdelay $0x6  }
0x2b: {  	v1 =	vld.idx.msk [tilespmem:v1+s4+$0x0], $0xffff  }
0x2c: {  	v2 =	vld.idx.msk [tilespmem:v2+s4+$0x0], $0xffff  }
0x2d: {  	v3 =	vld [tilespmem:$0x2720]  }
0x2e: {  	v4 =	vld [tilespmem:$0x2810]  }
0x2f: {  	v5 =	vld [tilespmem:$0x27A0];
	_ =	sdelay $0x1  }
0x30: {  	v6 =	vmul.u32 $0x3E8, v1;
	v1 =	vor.u32 v1, v2  }
0x31: {  	vm0 =	vgt.s32 v1, $0xFFFFFFFF  }
0x32: {  	v1 =	vadd.s32 v2, v6;
	v2 =	vnsel vm0, $0x0, v4  }
0x33: {  	v1 =	vsel vm0, v1, v0;
	[tilespmem:$0x2910] =	vst v2  }
0x34: {  	[tilespmem:$0x2890] =	vst v1  }
0x35: {  	v1 =	vld.idx.msk [tilespmem:v3+s4+$0x0], $0xffff  }
0x36: {  	v2 =	vld.idx.msk [tilespmem:v5+s4+$0x0], $0xffff  }
0x37: {  	v4 =	vld [tilespmem:$0x2820]  }
0x38: {  	v3 =	vld [tilespmem:$0x2730]  }
0x39: {  	v5 =	vld [tilespmem:$0x27B0];
	_ =	sdelay $0x1  }
0x3a: {  	v6 =	vmul.u32 $0x3E8, v1;
	v1 =	vor.u32 v1, v2  }
0x3b: {  	vm10 =	vgt.s32 v1, $0xFFFFFFFF  }
0x3c: {  	v1 =	vadd.s32 v2, v6;
	v2 =	vnsel vm10, $0x0, v4  }
0x3d: {  	v1 =	vsel vm10, v1, v0;
	[tilespmem:$0x2920] =	vst v2  }
0x3e: {  	[tilespmem:$0x28A0] =	vst v1  }
0x3f: {  	v1 =	vld.idx.msk [tilespmem:v3+s4+$0x0], $0xffff  }
0x40: {  	v2 =	vld.idx.msk [tilespmem:v5+s4+$0x0], $0xffff  }
0x41: {  	v4 =	vld [tilespmem:$0x2830]  }
0x42: {  	v3 =	vld [tilespmem:$0x2740]  }
0x43: {  	v5 =	vld [tilespmem:$0x27C0];
	_ =	sdelay $0x1  }
0x44: {  	v6 =	vmul.u32 $0x3E8, v1;
	v1 =	vor.u32 v1, v2  }
0x45: {  	vm11 =	vgt.s32 v1, $0xFFFFFFFF  }
0x46: {  	v1 =	vadd.s32 v2, v6;
	v2 =	vnsel vm11, $0x0, v4  }
0x47: {  	v1 =	vsel vm11, v1, v0;
	[tilespmem:$0x2930] =	vst v2  }
0x48: {  	[tilespmem:$0x28B0] =	vst v1  }
0x49: {  	v1 =	vld.idx.msk [tilespmem:v3+s4+$0x0], $0xffff  }
0x4a: {  	v2 =	vld.idx.msk [tilespmem:v5+s4+$0x0], $0xffff  }
0x4b: {  	v4 =	vld [tilespmem:$0x2840]  }
0x4c: {  	v3 =	vld [tilespmem:$0x2750]  }
0x4d: {  	v5 =	vld [tilespmem:$0x27D0];
	_ =	sdelay $0x1  }
0x4e: {  	v6 =	vmul.u32 $0x3E8, v1;
	v1 =	vor.u32 v1, v2  }
0x4f: {  	vm12 =	vgt.s32 v1, $0xFFFFFFFF  }
0x50: {  	v1 =	vadd.s32 v2, v6;
	v2 =	vnsel vm12, $0x0, v4  }
0x51: {  	v1 =	vsel vm12, v1, v0;
	[tilespmem:$0x2940] =	vst v2  }
0x52: {  	[tilespmem:$0x28C0] =	vst v1  }
0x53: {  	v1 =	vld.idx.msk [tilespmem:v3+s4+$0x0], $0xffff  }
0x54: {  	v2 =	vld.idx.msk [tilespmem:v5+s4+$0x0], $0xffff  }
0x55: {  	v4 =	vld [tilespmem:$0x2850]  }
0x56: {  	v3 =	vld [tilespmem:$0x2760]  }
0x57: {  	v5 =	vld [tilespmem:$0x27E0];
	_ =	sdelay $0x1  }
0x58: {  	v6 =	vmul.u32 $0x3E8, v1;
	v1 =	vor.u32 v1, v2  }
0x59: {  	vm13 =	vgt.s32 v1, $0xFFFFFFFF  }
0x5a: {  	v1 =	vadd.s32 v2, v6;
	v2 =	vnsel vm13, $0x0, v4  }
0x5b: {  	v1 =	vsel vm13, v1, v0;
	[tilespmem:$0x2950] =	vst v2  }
0x5c: {  	[tilespmem:$0x28D0] =	vst v1  }
0x5d: {  	v1 =	vld.idx.msk [tilespmem:v3+s4+$0x0], $0xffff  }
0x5e: {  	v2 =	vld.idx.msk [tilespmem:v5+s4+$0x0], $0xffff  }
0x5f: {  	v4 =	vld [tilespmem:$0x2860]  }
0x60: {  	v3 =	vld [tilespmem:$0x2770]  }
0x61: {  	v5 =	vld [tilespmem:$0x27F0];
	_ =	sdelay $0x1  }
0x62: {  	v6 =	vmul.u32 $0x3E8, v1;
	v1 =	vor.u32 v1, v2  }
0x63: {  	vm14 =	vgt.s32 v1, $0xFFFFFFFF  }
0x64: {  	v1 =	vadd.s32 v2, v6;
	v2 =	vnsel vm14, $0x0, v4  }
0x65: {  	v1 =	vsel vm14, v1, v0;
	[tilespmem:$0x2960] =	vst v2  }
0x66: {  	[tilespmem:$0x28E0] =	vst v1  }
0x67: {  	v1 =	vld.idx.msk [tilespmem:v3+s4+$0x0], $0xffff  }
0x68: {  	v2 =	vld.idx.msk [tilespmem:v5+s4+$0x0], $0xffff;
	_ =	sdelay $0x3  }
0x69: {  	v4 =	vld [tilespmem:$0x2870];
	v5 =	vmul.u32 $0x3E8, v1  }
0x6a: {  	v3 =	vld [tilespmem:$0x2780];
	v1 =	vor.u32 v1, v2  }
0x6b: {  	vm15 =	vgt.s32 v1, $0xFFFFFFFF;
	v1 =	vadd.s32 v2, v5;
	v2 =	vld [tilespmem:$0x2800];
	_ =	sdelay $0x3  }
0x6c: {  	v4 =	vnsel vm15, $0x0, v4  }
0x6d: {  	v1 =	vsel vm15, v1, v0;
	[tilespmem:$0x2970] =	vst v4  }
0x6e: {  	[tilespmem:$0x28F0] =	vst v1  }
0x6f: {  	p1 =	sne.s32 s6, $0x1;
	v3 =	vld.idx.msk [tilespmem:v3+s4+$0x0], $0xffff  }
.Ltmp0:
0x70: {  	v2 =	vld.idx.msk [tilespmem:v2+s4+$0x0], $0xffff;
	(pc) =	sbr.rel @!p1 .LBB2_3-.Ltmp0, $4  }
0x71: {  	_ = 	snop  }
0x72: {  	v1 =	vld [tilespmem:$0x2880]  }
0x73: {  	s24 =	sadd.s32 $0xFFFFFFFF, s6  }
0x74: {  	s25 =	smov.u32 s9;
	s26 =	smov.u32 s10;
	s28 =	smov.u32 s11;
	v4 =	vmul.u32 $0x3E8, v3  }
.LBB2_2:
0x75: {  	v3 =	vor.u32 v3, v2;
	s25 =	sadd.s32 $0x200, s25;
	s26 =	sadd.s32 $0x200, s26;
	s28 =	sadd.s32 $0x200, s28  }
0x76: {  	p1 =	sne.s32 s24, $0x1;
	s24 =	sadd.s32 $0xFFFFFFFF, s24;
	vm0 =	vgt.s32 v3, $0xFFFFFFFF;
	v2 =	vadd.s32 v2, v4  }
0x77: {  	v2 =	vsel vm0, v2, v0;
	v1 =	vnsel vm0, $0x0, v1  }
0x78: {  	[tilespmem:$0x2900] =	vst v2  }
0x79: {  	[tilespmem:$0x2980] =	vst v1  }
0x7a: {  	[spmem:s3] =	stream.indirect.scatter.add.f32 [tilespmem:s20], [sflag:$0x1], $0x1, s19, s18, $0xb8;
	[tilespmem:$0x11DB8] =	vst v63  }
0x7b: {  	_ =	swait.ge [sflag:s12], $0x80  }
0x7c: {  	[sflag:s12] =	ssyncset.done $0x0  }
0x7d: {  	[sflag:s12] =	ssyncadd.s32 $0xFFFFFF80  }
0x7e: {  	[tilespmem:s15], [sflag:$0x1] =	stream.linear.gather [hbm4b:s28+s4], $0x80, $0x38;
	[tilespmem:$0x11DB8] =	vst v63  }
0x7f: {  	_ =	swait.ge [sflag:s12], $0x80  }
0x80: {  	[sflag:s12] =	ssyncset.done $0x0  }
0x81: {  	[sflag:s12] =	ssyncadd.s32 $0xFFFFFF80  }
0x82: {  	[tilespmem:s16], [sflag:$0x1] =	stream.linear.gather [hbm4b:s26+s4], $0x80, $0x38;
	[tilespmem:$0x11DB8] =	vst v63  }
0x83: {  	_ =	swait.ge [sflag:s12], $0x80  }
0x84: {  	[sflag:s12] =	ssyncset.done $0x0  }
0x85: {  	[sflag:s12] =	ssyncadd.s32 $0xFFFFFF80  }
0x86: {  	[tilespmem:s17], [sflag:$0x1] =	stream.linear.gather [hbm4b:s25+s4], $0x80, $0x38;
	[tilespmem:$0x11DB8] =	vst v63  }
0x87: {  	_ =	swait.ge [sflag:s12], $0x80  }
0x88: {  	[sflag:s12] =	ssyncset.done $0x0  }
0x89: {  	[sflag:s12] =	ssyncadd.s32 $0xFFFFFF80  }
0x8a: {  	v1 =	vld [tilespmem:$0x2710]  }
0x8b: {  	v2 =	vld [tilespmem:$0x2790];
	_ =	sdelay $0x6  }
0x8c: {  	v1 =	vld.idx.msk [tilespmem:v1+s4+$0x0], $0xffff  }
0x8d: {  	v2 =	vld.idx.msk [tilespmem:v2+s4+$0x0], $0xffff;
	_ =	sdelay $0x1  }
0x8e: {  	v3 =	vld [tilespmem:$0x2720]  }
0x8f: {  	v4 =	vld [tilespmem:$0x2810]  }
0x90: {  	v5 =	vld [tilespmem:$0x27A0]  }
0x91: {  	v6 =	vmul.u32 $0x3E8, v1  }
0x92: {  	v1 =	vor.u32 v1, v2  }
0x93: {  	vm0 =	vgt.s32 v1, $0xFFFFFFFF;
	v1 =	vadd.s32 v2, v6  }
0x94: {  	v1 =	vsel vm0, v1, v0;
	v2 =	vnsel vm0, $0x0, v4  }
0x95: {  	[tilespmem:$0x2890] =	vst v1  }
0x96: {  	[tilespmem:$0x2910] =	vst v2  }
0x97: {  	v1 =	vld.idx.msk [tilespmem:v3+s4+$0x0], $0xffff  }
0x98: {  	v2 =	vld.idx.msk [tilespmem:v5+s4+$0x0], $0xffff;
	_ =	sdelay $0x1  }
0x99: {  	v3 =	vld [tilespmem:$0x2730]  }
0x9a: {  	v4 =	vld [tilespmem:$0x2820]  }
0x9b: {  	v5 =	vld [tilespmem:$0x27B0]  }
0x9c: {  	v6 =	vmul.u32 $0x3E8, v1  }
0x9d: {  	v1 =	vor.u32 v1, v2  }
0x9e: {  	vm0 =	vgt.s32 v1, $0xFFFFFFFF;
	v1 =	vadd.s32 v2, v6  }
0x9f: {  	v1 =	vsel vm0, v1, v0;
	v2 =	vnsel vm0, $0x0, v4  }
0xa0: {  	[tilespmem:$0x28A0] =	vst v1  }
0xa1: {  	[tilespmem:$0x2920] =	vst v2  }
0xa2: {  	v1 =	vld.idx.msk [tilespmem:v3+s4+$0x0], $0xffff  }
0xa3: {  	v2 =	vld.idx.msk [tilespmem:v5+s4+$0x0], $0xffff;
	_ =	sdelay $0x1  }
0xa4: {  	v3 =	vld [tilespmem:$0x2740]  }
0xa5: {  	v4 =	vld [tilespmem:$0x2830]  }
0xa6: {  	v5 =	vld [tilespmem:$0x27C0]  }
0xa7: {  	v6 =	vmul.u32 $0x3E8, v1  }
0xa8: {  	v1 =	vor.u32 v1, v2  }
0xa9: {  	vm0 =	vgt.s32 v1, $0xFFFFFFFF;
	v1 =	vadd.s32 v2, v6  }
0xaa: {  	v1 =	vsel vm0, v1, v0;
	v2 =	vnsel vm0, $0x0, v4  }
0xab: {  	[tilespmem:$0x28B0] =	vst v1  }
0xac: {  	[tilespmem:$0x2930] =	vst v2  }
0xad: {  	v1 =	vld.idx.msk [tilespmem:v3+s4+$0x0], $0xffff  }
0xae: {  	v2 =	vld.idx.msk [tilespmem:v5+s4+$0x0], $0xffff;
	_ =	sdelay $0x1  }
0xaf: {  	v3 =	vld [tilespmem:$0x2750]  }
0xb0: {  	v4 =	vld [tilespmem:$0x2840]  }
0xb1: {  	v5 =	vld [tilespmem:$0x27D0]  }
0xb2: {  	v6 =	vmul.u32 $0x3E8, v1  }
0xb3: {  	v1 =	vor.u32 v1, v2  }
0xb4: {  	vm0 =	vgt.s32 v1, $0xFFFFFFFF;
	v1 =	vadd.s32 v2, v6  }
0xb5: {  	v1 =	vsel vm0, v1, v0;
	v2 =	vnsel vm0, $0x0, v4  }
0xb6: {  	[tilespmem:$0x28C0] =	vst v1  }
0xb7: {  	[tilespmem:$0x2940] =	vst v2  }
0xb8: {  	v1 =	vld.idx.msk [tilespmem:v3+s4+$0x0], $0xffff  }
0xb9: {  	v2 =	vld.idx.msk [tilespmem:v5+s4+$0x0], $0xffff;
	_ =	sdelay $0x1  }
0xba: {  	v3 =	vld [tilespmem:$0x2760]  }
0xbb: {  	v4 =	vld [tilespmem:$0x2850]  }
0xbc: {  	v5 =	vld [tilespmem:$0x27E0]  }
0xbd: {  	v6 =	vmul.u32 $0x3E8, v1  }
0xbe: {  	v1 =	vor.u32 v1, v2  }
0xbf: {  	vm0 =	vgt.s32 v1, $0xFFFFFFFF;
	v1 =	vadd.s32 v2, v6  }
0xc0: {  	v1 =	vsel vm0, v1, v0;
	v2 =	vnsel vm0, $0x0, v4  }
0xc1: {  	[tilespmem:$0x28D0] =	vst v1  }
0xc2: {  	[tilespmem:$0x2950] =	vst v2  }
0xc3: {  	v1 =	vld.idx.msk [tilespmem:v3+s4+$0x0], $0xffff  }
0xc4: {  	v2 =	vld.idx.msk [tilespmem:v5+s4+$0x0], $0xffff;
	_ =	sdelay $0x1  }
0xc5: {  	v3 =	vld [tilespmem:$0x2770]  }
0xc6: {  	v4 =	vld [tilespmem:$0x2860]  }
0xc7: {  	v5 =	vld [tilespmem:$0x27F0]  }
0xc8: {  	v6 =	vmul.u32 $0x3E8, v1  }
0xc9: {  	v1 =	vor.u32 v1, v2  }
0xca: {  	vm0 =	vgt.s32 v1, $0xFFFFFFFF;
	v1 =	vadd.s32 v2, v6  }
0xcb: {  	v1 =	vsel vm0, v1, v0;
	v2 =	vnsel vm0, $0x0, v4  }
0xcc: {  	[tilespmem:$0x28E0] =	vst v1  }
0xcd: {  	[tilespmem:$0x2960] =	vst v2  }
0xce: {  	v1 =	vld.idx.msk [tilespmem:v3+s4+$0x0], $0xffff  }
0xcf: {  	v2 =	vld.idx.msk [tilespmem:v5+s4+$0x0], $0xffff;
	_ =	sdelay $0x1  }
0xd0: {  	v3 =	vld [tilespmem:$0x2780]  }
0xd1: {  	v4 =	vld [tilespmem:$0x2870]  }
0xd2: {  	v5 =	vld [tilespmem:$0x2800]  }
0xd3: {  	v6 =	vmul.u32 $0x3E8, v1  }
0xd4: {  	v1 =	vor.u32 v1, v2  }
0xd5: {  	vm0 =	vgt.s32 v1, $0xFFFFFFFF;
	v1 =	vadd.s32 v2, v6  }
0xd6: {  	v2 =	vsel vm0, v1, v0;
	v4 =	vnsel vm0, $0x0, v4;
	v1 =	vld [tilespmem:$0x2880]  }
0xd7: {  	[tilespmem:$0x28F0] =	vst v2  }
0xd8: {  	[tilespmem:$0x2970] =	vst v4  }
0xd9: {  	v3 =	vld.idx.msk [tilespmem:v3+s4+$0x0], $0xffff  }
0xda: {  	v2 =	vld.idx.msk [tilespmem:v5+s4+$0x0], $0xffff  }
.Ltmp1:
0xdb: {  	(pc) =	sbr.rel @p1 .LBB2_2-.Ltmp1, $2  }
0xdc: {  	_ =	sdelay $0x2  }
0xdd: {  	v4 =	vmul.u32 $0x3E8, v3  }
.LBB2_3:
0xde: {  	v3 =	vor.u32 v3, v2  }
0xdf: {  	vm0 =	vgt.s32 v3, $0xFFFFFFFF;
	v2 =	vadd.s32 v2, v4  }
0xe0: {  	v2 =	vsel vm0, v2, v0  }
0xe1: {  	v1 =	vnsel vm0, $0x0, v1;
	[tilespmem:$0x2900] =	vst v2  }
0xe2: {  	[tilespmem:$0x2980] =	vst v1  }
0xe3: {  	[spmem:s3] =	stream.indirect.scatter.add.f32 [tilespmem:s20], [sflag:$0x1], $0x1, s19, s18, $0xb8;
	[tilespmem:$0x11DB8] =	vst v63  }
0xe4: {  	_ =	swait.ge [sflag:s12], $0x80  }
0xe5: {  	s22 =	sadd.s32 $0x1, s22;
	[sflag:s12] =	ssyncset.done $0x0  }
0xe6: {  	p1 =	sne.s32 s22, s8;
	[sflag:s12] =	ssyncadd.s32 $0xFFFFFF80  }
.Ltmp2:
0xe7: {  	[bflag:$0x0] =	sbarrier.arrive $0xFFFF;
	(pc) =	sbr.rel @p1 .LBB2_1-.Ltmp2, $4  }
0xe8: {  	[hbm:s7], [sflag:s13] =	dma.local @!p0 [spmem:s21], $0x3D09  }
0xe9: {  	_ =	swait.ge @!p0 [sflag:s23], $0x3D09  }
0xea: {  	[sflag:s23] =	ssyncset.done @!p0 $0x0  }
0xeb: {  	[sflag:s23] =	ssyncadd.s32 @!p0 $0xFFFFC2F7  }
0xec: {  	_ =	sfence.sel $0x180000  }
0xed: {  	[bflag:$0x0] =	sbarrier.arrive $0xFFFF  }
0xee: {  	p0 =	sne.s32 s2, $0x0;
	_ =	strace $0x9000004D  }
0xef: {  	s0 =	sadd.s32 @!p0 $0x100000, s0;
	[bflag:$0x2] =	sbarrier.arrive $0xFFFF  }
0xf0: {  	[sflag:s0] =	ssyncadd.tile.s32 @!p0 $0x1;
	_ =	shalt  }
.Lfunc_end2:
_tile_overlayer_lowered:
.L_overlay_start_2:
0xf1: {  	(tag) =	ssettag $0x2  }
0xf2: {  	s0 =	rddreg [dreg:$0x0];
	s2 =	stileid.u32  }
0xf3: {  	s1 =	rddreg [dreg:$0x1];
	p0 =	sne.s32 s2, $0x0  }
0xf4: {  	s3 =	rddreg [dreg:$0x2];
	[bflag:$0x3] =	sbarrier.arrive $0xFFFF;
	s2 =	simm.s32 @!p0 $0x1C01  }
0xf5: {  	[timem:s3], [sflag:s2] =	dma.local @!p0 [hbm:s0], s1  }
0xf6: {  	s0 =	simm.s32 @!p0 $0x1  }
0xf7: {  	_ =	swait.ge @!p0 [sflag:s0], s1  }
0xf8: {  	s1 =	ssub.s32 @!p0 $0x0, s1;
	[sflag:s0] =	ssyncset.done @!p0 $0x0  }
0xf9: {  	[sflag:s0] =	ssyncadd.s32 @!p0 s1  }
0xfa: {  	[bflag:$0x3] =	sbarrier.arrive $0xFFFF  }
0xfb: {  	_ =	shalt  }

</sc_bundles>
